<compile_context>
chip_gen: v7x
topology: tpu7x:2x2x1
jax: 0.10.2.dev20260603
libtpu: 0.0.44.dev20260713+nightly
codegen_flags: <defaults>
</compile_context>

<pallas_src>
import functools

import jax
import jax.numpy as jnp
from jax import lax
from jax.experimental import pallas as pl
from jax.experimental.pallas import tpu as pltpu
from jax.experimental.pallas import tpu_sc as plsc

N_NODES = 10000
N_HE = 2000
EMBED = 128
ENC = 256
HALF_OUT = 128
N_EDGES = 320000
HE_NNZ = 200000
SEQ = 512

NC = 2
NS = 16
NW = NC * NS
K = 128

NPAD_GC = 10112
NPAD_HE = 2048

def _epad(e):
  return ((e // NW + K - 1) // K) * K * NW


EPAD_GC = _epad(N_EDGES)
EPAD_HE = _epad(HE_NNZ)


def _seg_sum_sc(n_table, n_acc, e_pad):
  per_w = e_pad // NW
  n_chunks = per_w // K
  rows_per_tile = n_acc // NS
  nfull, rem = divmod(rows_per_tile, K)
  mesh = plsc.VectorSubcoreMesh(core_axis_name="c", subcore_axis_name="s")

  @functools.partial(
      pl.kernel,
      out_type=jax.ShapeDtypeStruct((NC, n_acc, EMBED), jnp.float32),
      mesh=mesh,
      scratch_types=[
          pltpu.VMEM((K,), jnp.int32),
          pltpu.VMEM((K,), jnp.int32),
          pltpu.VMEM((K, EMBED), jnp.float32),
          pltpu.VMEM_SHARED((n_acc, EMBED), jnp.float32),
          pltpu.SemaphoreType.DMA,
      ],
  )
  def k(table, gidx, sidx, out, gbuf, sbuf, rows, acc, sem):
    cid = lax.axis_index("c")
    sid = lax.axis_index("s")
    wid = sid * NC + cid

    zero16 = jnp.zeros((16,), jnp.float32)

    def zrow(i, carry):
      for j in range(EMBED // 16):
        rows[i, pl.ds(j * 16, 16)] = zero16
      return carry

    lax.fori_loop(0, K, zrow, 0)
    base_r = pl.multiple_of(sid * rows_per_tile, 8)
    for j in range(nfull):
      pltpu.sync_copy(rows, acc.at[pl.ds(base_r + j * K, K)])
    if rem:
      pltpu.sync_copy(rows.at[pl.ds(0, rem)],
                      acc.at[pl.ds(base_r + nfull * K, rem)])
    plsc.subcore_barrier()

    ebase = wid * per_w

    def body(c, carry):
      off = pl.multiple_of(ebase + c * K, 8)
      pltpu.sync_copy(gidx.at[pl.ds(off, K)], gbuf)
      pltpu.sync_copy(sidx.at[pl.ds(off, K)], sbuf)
      pltpu.async_copy(table.at[gbuf], rows, sem).wait()
      pltpu.sync_copy(rows, acc.at[sbuf], add=True)
      return carry

    lax.fori_loop(0, n_chunks, body, 0)
    plsc.subcore_barrier()

    for j in range(nfull):
      pltpu.sync_copy(acc.at[pl.ds(base_r + j * K, K)], rows)
      pltpu.sync_copy(rows, out.at[cid, pl.ds(base_r + j * K, K)])
    if rem:
      pltpu.sync_copy(acc.at[pl.ds(base_r + nfull * K, rem)],
                      rows.at[pl.ds(0, rem)])
      pltpu.sync_copy(rows.at[pl.ds(0, rem)],
                      out.at[cid, pl.ds(base_r + nfull * K, rem)])

  return k


def _counts_sc(n_acc, e_pad):
  per_w = e_pad // NS
  n_chunks = per_w // K
  rows_per_tile = n_acc // NS
  nfull, rem = divmod(rows_per_tile, K)
  mesh = plsc.VectorSubcoreMesh(core_axis_name="c", subcore_axis_name="s")

  @functools.partial(
      pl.kernel,
      out_type=jax.ShapeDtypeStruct((NC, n_acc, EMBED), jnp.float32),
      mesh=mesh,
      scratch_types=[
          pltpu.VMEM((K,), jnp.int32),
          pltpu.VMEM((K, EMBED), jnp.float32),
          pltpu.VMEM_SHARED((n_acc, EMBED), jnp.float32),
      ],
  )
  def k(idxs, out, sbuf, ones, acc):
    cid = lax.axis_index("c")
    sid = lax.axis_index("s")

    zero16 = jnp.zeros((16,), jnp.float32)
    one16 = jnp.ones((16,), jnp.float32)

    def fill(val):
      def frow(i, carry):
        for j in range(EMBED // 16):
          ones[i, pl.ds(j * 16, 16)] = val
        return carry
      lax.fori_loop(0, K, frow, 0)

    fill(zero16)
    base_r = pl.multiple_of(sid * rows_per_tile, 8)
    for j in range(nfull):
      pltpu.sync_copy(ones, acc.at[pl.ds(base_r + j * K, K)])
    if rem:
      pltpu.sync_copy(ones.at[pl.ds(0, rem)],
                      acc.at[pl.ds(base_r + nfull * K, rem)])
    fill(one16)
    plsc.subcore_barrier()

    ebase = sid * per_w

    def body(c, carry):
      off = pl.multiple_of(ebase + c * K, 8)
      pltpu.sync_copy(idxs.at[cid, pl.ds(off, K)], sbuf)
      pltpu.sync_copy(ones, acc.at[sbuf], add=True)
      return carry

    lax.fori_loop(0, n_chunks, body, 0)
    plsc.subcore_barrier()

    for j in range(nfull):
      pltpu.sync_copy(acc.at[pl.ds(base_r + j * K, K)], ones)
      pltpu.sync_copy(ones, out.at[cid, pl.ds(base_r + j * K, K)])
    if rem:
      pltpu.sync_copy(acc.at[pl.ds(base_r + nfull * K, rem)],
                      ones.at[pl.ds(0, rem)])
      pltpu.sync_copy(ones.at[pl.ds(0, rem)],
                      out.at[cid, pl.ds(base_r + nfull * K, rem)])

  return k




def _t0_body(cgc_ref, che_ref, nf_ref, hs1_ref, rso_ref, rsi_ref,
             dinv_ref, binv_ref):
  deg_out = jnp.maximum(cgc_ref[0, 0:N_NODES, 0:1], 1.0)
  rs_out = lax.rsqrt(deg_out)
  deg_in = jnp.maximum(cgc_ref[1, 0:N_NODES, 0:1], 1.0)
  rs_in = lax.rsqrt(deg_in)
  D = che_ref[0, 0:N_HE, 0:1]
  dinv = jnp.where(D > 0, 1.0 / jnp.maximum(D, 1e-12), 0.0)
  B = che_ref[1, 0:N_HE, 0:1]
  binv = jnp.where(B > 0, 1.0 / jnp.maximum(B, 1e-12), 0.0)
  hs1_ref[...] = nf_ref[...] * rs_out
  rso_ref[...] = rs_out
  rsi_ref[...] = rs_in
  dinv_ref[...] = dinv
  binv_ref[...] = binv


def _t2_body(p_ref, rsi_ref, W1_ref, b1_ref, W2_ref, hw_ref):
  s = (p_ref[0, 0:N_NODES] + p_ref[1, 0:N_NODES]) * rsi_ref[...]
  h1 = jnp.dot(s, W1_ref[...], preferred_element_type=jnp.float32) + b1_ref[...]
  hw_ref[...] = jnp.dot(h1, W2_ref[...], preferred_element_type=jnp.float32)


def _t3_body(pe_ref, binv_ref, e_ref):
  e_ref[...] = (pe_ref[0, 0:N_HE] + pe_ref[1, 0:N_HE]) * binv_ref[...]


def _hyper_combine(pn_ref, dinv_ref, b_ref, nf_ref):
  contrib = (pn_ref[0, 0:N_HE] + pn_ref[1, 0:N_HE]) * dinv_ref[...]
  full = jnp.concatenate(
      [contrib, jnp.zeros((N_NODES - N_HE, EMBED), jnp.float32)], axis=0)
  return jax.nn.relu(full + b_ref[...]) + nf_ref[...]


def _t4_body(pn_ref, dinv_ref, b_ref, nf_ref, rso_ref, hs2_ref):
  h = _hyper_combine(pn_ref, dinv_ref, b_ref, nf_ref)
  hs2_ref[...] = h * rso_ref[...]


def _t7_body(pn_ref, dinv_ref, b_ref, nf_ref, x_ref, WmW_ref, Wmb_ref,
             Wm2W_ref, Wm2b_ref, WsW_ref, Wsb_ref, WtW_ref, Wtb_ref, g_ref):
  h = _hyper_combine(pn_ref, dinv_ref, b_ref, nf_ref)
  x = x_ref[...]
  q = jax.nn.relu(
      jnp.dot(x, WmW_ref[...], preferred_element_type=jnp.float32)
      + Wmb_ref[...])
  kmat = jax.nn.relu(
      jnp.dot(h, Wm2W_ref[...], preferred_element_type=jnp.float32)
      + Wm2b_ref[...])
  C = lax.dot_general(q, kmat, (((1,), (1,)), ((), ())),
                      preferred_element_type=jnp.float32)
  m = jnp.max(C, axis=1, keepdims=True)
  E = jnp.exp(C - m)
  A = E / jnp.sum(E, axis=1, keepdims=True)
  H = jnp.dot(A, h, preferred_element_type=jnp.float32)
  cat = jnp.concatenate([x, H], axis=1)
  G1 = jax.nn.sigmoid(
      jnp.dot(cat, WsW_ref[...], preferred_element_type=jnp.float32)
      + Wsb_ref[...])
  G2 = jnp.tanh(
      jnp.dot(cat, WtW_ref[...], preferred_element_type=jnp.float32)
      + Wtb_ref[...])
  g_ref[...] = jnp.concatenate([G1, G2], axis=1)


def _tc(body, out_shape):
  return pl.pallas_call(body, out_shape=out_shape)


def _f32(*shape):
  return jax.ShapeDtypeStruct(shape, jnp.float32)


def kernel(x, node_features, edge_index, hyperedge_index, gc1_W, gc1_b,
           hc1_W, hc1_b, gc2_W, gc2_b, hc2_W, hc2_b, Wm_W, Wm_b, Wm2_W,
           Wm2_b, Ws_W, Ws_b, Wt_W, Wt_b):
  src = edge_index[0]
  dst = edge_index[1]
  node_idx = hyperedge_index[:, 0]
  edge_idx = hyperedge_index[:, 1]

  padg = jnp.zeros((EPAD_GC - N_EDGES,), jnp.int32)
  pads = jnp.full((EPAD_GC - N_EDGES,), N_NODES, jnp.int32)
  gc_g = jnp.concatenate([src, padg])
  gc_s = jnp.concatenate([dst, pads])
  padh0 = jnp.zeros((EPAD_HE - HE_NNZ,), jnp.int32)
  padht = jnp.full((EPAD_HE - HE_NNZ,), N_HE, jnp.int32)
  heA_g = jnp.concatenate([node_idx, padh0])
  heA_s = jnp.concatenate([edge_idx, padht])
  heB_g = jnp.concatenate([edge_idx, padh0])
  heB_s = jnp.concatenate([node_idx, padht])
  src_cnt = jnp.concatenate([src, pads])
  cnt_gc_idx = jnp.stack([src_cnt, gc_s])
  cnt_he_idx = jnp.stack([heB_s, heA_s])

  x2 = x[0]
  b1 = gc1_b.reshape(1, EMBED)
  b2 = gc2_b.reshape(1, EMBED)
  hb1 = hc1_b.reshape(1, EMBED)
  hb2 = hc2_b.reshape(1, EMBED)
  Wmb = Wm_b.reshape(1, EMBED)
  Wm2b = Wm2_b.reshape(1, EMBED)
  Wsb = Ws_b.reshape(1, HALF_OUT)
  Wtb = Wt_b.reshape(1, HALF_OUT)

  seg_gc = _seg_sum_sc(N_NODES, NPAD_GC, EPAD_GC)
  seg_heA = _seg_sum_sc(N_NODES, NPAD_HE, EPAD_HE)
  seg_heB = _seg_sum_sc(N_HE, NPAD_HE, EPAD_HE)

  cnt_gc = _counts_sc(NPAD_GC, EPAD_GC)(cnt_gc_idx)
  cnt_he = _counts_sc(NPAD_HE, EPAD_HE)(cnt_he_idx)
  hs1, rs_out, rs_in, dinv, binv = _tc(
      _t0_body,
      [_f32(N_NODES, EMBED), _f32(N_NODES, 1), _f32(N_NODES, 1),
       _f32(N_HE, 1), _f32(N_HE, 1)])(cnt_gc, cnt_he, node_features)

  p1 = seg_gc(hs1, gc_g, gc_s)
  hw1 = _tc(_t2_body, _f32(N_NODES, EMBED))(p1, rs_in, gc1_W, b1, hc1_W)
  pe1 = seg_heA(hw1, heA_g, heA_s)
  e1 = _tc(_t3_body, _f32(N_HE, EMBED))(pe1, binv)
  pn1 = seg_heB(e1, heB_g, heB_s)
  hs2 = _tc(_t4_body, _f32(N_NODES, EMBED))(
      pn1, dinv, hb1, node_features, rs_out)

  p2 = seg_gc(hs2, gc_g, gc_s)
  hw2 = _tc(_t2_body, _f32(N_NODES, EMBED))(p2, rs_in, gc2_W, b2, hc2_W)
  pe2 = seg_heA(hw2, heA_g, heA_s)
  e2 = _tc(_t3_body, _f32(N_HE, EMBED))(pe2, binv)
  pn2 = seg_heB(e2, heB_g, heB_s)

  g = _tc(_t7_body, _f32(SEQ, 2 * HALF_OUT))(
      pn2, dinv, hb2, node_features, x2, Wm_W, Wmb, Wm2_W, Wm2b,
      Ws_W, Wsb, Wt_W, Wtb)
  return g.reshape(1, SEQ, 2 * HALF_OUT)

# --- scband reference (transcript-rebuilt; emitter-appended) ---
"""Pipeline reference for scband-clause-hypergraph-25254407701308 (READ-ONLY COPY).

The authoritative reference and input builder live on the scoring server;
editing this copy changes nothing except your own understanding.
"""

import jax, jax.numpy as jnp
import numpy as np

N_NODES = 10000
N_HE = 2000
EMBED = 128
ENC = 256
HALF_OUT = 128
N_EDGES = 320000
HE_NNZ = 200000
SEQ = 512


def _xavier(k, shape):
    lim = (6.0 / (shape[0] + shape[1])) ** 0.5
    return jax.random.uniform(k, shape, jnp.float32, -lim, lim)


def setup_inputs(seed: int = 0) -> dict:
    key = jax.random.key(seed)
    ks = jax.random.split(key, 12)
    inp = {
        "x": jax.random.normal(ks[0], (1, SEQ, ENC), jnp.float32),
        "node_features": jax.random.normal(ks[1], (N_NODES, EMBED), jnp.float32),
        "edge_index": jax.random.randint(ks[2], (2, N_EDGES), 0, N_NODES, jnp.int32),
        "hyperedge_index": jax.random.randint(ks[3], (HE_NNZ, 2), 0, N_HE, jnp.int32),
        "gc1_W": _xavier(ks[4], (EMBED, EMBED)),
        "gc1_b": jnp.zeros((EMBED,), jnp.float32),
        "hc1_W": _xavier(ks[5], (EMBED, EMBED)),
        "hc1_b": jnp.zeros((EMBED,), jnp.float32),
        "gc2_W": _xavier(ks[6], (EMBED, EMBED)),
        "gc2_b": jnp.zeros((EMBED,), jnp.float32),
        "hc2_W": _xavier(ks[7], (EMBED, EMBED)),
        "hc2_b": jnp.zeros((EMBED,), jnp.float32),
        "Wm_W": _xavier(ks[8], (ENC, EMBED)),
        "Wm_b": jnp.zeros((EMBED,), jnp.float32),
        "Wm2_W": _xavier(ks[9], (EMBED, EMBED)),
        "Wm2_b": jnp.zeros((EMBED,), jnp.float32),
        "Ws_W": _xavier(ks[10], (ENC + EMBED, HALF_OUT)),
        "Ws_b": jnp.zeros((HALF_OUT,), jnp.float32),
        "Wt_W": _xavier(ks[11], (ENC + EMBED, HALF_OUT)),
        "Wt_b": jnp.zeros((HALF_OUT,), jnp.float32),
    }
    return inp


def _graph_conv(h, src, dst, W, b):
    # DGL GraphConv, norm='both', allow_zero_in_degree=True (degrees clamped to >=1)
    ones_e = jnp.ones(src.shape[0], dtype=h.dtype)
    deg_out = jnp.clip(jax.ops.segment_sum(ones_e, src, num_segments=N_NODES), 1.0)
    h = h * (deg_out ** -0.5)[:, None]
    agg = jax.ops.segment_sum(h[src], dst, num_segments=N_NODES)
    deg_in = jnp.clip(jax.ops.segment_sum(ones_e, dst, num_segments=N_NODES), 1.0)
    agg = agg * (deg_in ** -0.5)[:, None]
    return agg @ W + b


def _hyper_conv(h, node_idx, edge_idx, W, b):
    # PyG HypergraphConv with hyperedge_weight=None: D^-1 H B H^T (X W) + b
    h = h @ W
    ones_nnz = jnp.ones(node_idx.shape[0], dtype=h.dtype)
    D = jax.ops.segment_sum(ones_nnz, node_idx, num_segments=N_NODES)
    Dinv = jnp.where(D > 0, 1.0 / jnp.maximum(D, 1e-12), 0.0)
    B = jax.ops.segment_sum(ones_nnz, edge_idx, num_segments=N_HE)
    Binv = jnp.where(B > 0, 1.0 / jnp.maximum(B, 1e-12), 0.0)
    edge_feat = Binv[:, None] * jax.ops.segment_sum(h[node_idx], edge_idx, num_segments=N_HE)
    out = Dinv[:, None] * jax.ops.segment_sum(edge_feat[edge_idx], node_idx, num_segments=N_NODES)
    return out + b


def reference(x, node_features, edge_index, hyperedge_index, gc1_W, gc1_b, hc1_W, hc1_b, gc2_W, gc2_b, hc2_W, hc2_b, Wm_W, Wm_b, Wm2_W, Wm2_b, Ws_W, Ws_b, Wt_W, Wt_b):
    src, dst = edge_index[0], edge_index[1]
    he = hyperedge_index.T  # mirrors hyperedge_index.transpose(0, 1)
    node_idx, edge_idx = he[0], he[1]

    h = _graph_conv(node_features, src, dst, gc1_W, gc1_b)
    h = _hyper_conv(h, node_idx, edge_idx, hc1_W, hc1_b)
    h = jax.nn.relu(h) + node_features
    h = _graph_conv(h, src, dst, gc2_W, gc2_b)
    h = _hyper_conv(h, node_idx, edge_idx, hc2_W, hc2_b)
    h = jax.nn.relu(h) + node_features

    graph_feature = h[None, :, :]  # bs=1, no padding needed
    q = jax.nn.relu(x @ Wm_W + Wm_b)
    kmat = jax.nn.relu(graph_feature @ Wm2_W + Wm2_b)
    C = jnp.einsum('bld,bnd->bln', q, kmat)
    A = jax.nn.softmax(C, axis=2)
    H = jnp.einsum('bln,bnd->bld', A, graph_feature)
    cat = jnp.concatenate([x, H], axis=2)
    G1 = jax.nn.sigmoid(cat @ Ws_W + Ws_b)
    G2 = jnp.tanh(cat @ Wt_W + Wt_b)
    G = jnp.concatenate([G1, G2], axis=2)
    # dropout is identity in eval mode
    return G

if __name__ == "__main__":
    import jax
    _d = setup_inputs()
    print(jax.jit(kernel)(*tuple(_d.values())))

</pallas_src>

<mosaic_0001>
#map = affine_map<(d0, d1) -> (0, 0)>
#map1 = affine_map<(d0, d1) -> (0, 0, 0)>
module attributes {stable_mosaic.version = 14 : i64} {
  func.func @k(%arg0: i32, %arg1: i32, %arg2: memref<2x200704xi32, #tpu.memory_space<hbm>>, %arg3: memref<2x2048x128xf32, #tpu.memory_space<hbm>>, %arg4: memref<128xi32, #tpu.memory_space<vmem>>, %arg5: memref<128x128xf32, #tpu.memory_space<vmem>>, %arg6: memref<2048x128xf32, #tpu.memory_space<vmem_shared>>) attributes {dimension_semantics = [#tpu.dimension_semantics<core_parallel>, #tpu.dimension_semantics<subcore_parallel>], iteration_bounds = array<i64: 2, 16>, scalar_prefetch = 0 : i64, scratch_operands = 3 : i64, tpu.core_type = #tpu.core_type<sc_vector_subcore>, window_params = [{transform_indices = #map}, {transform_indices = #map1}]} {
    %broadcast_in_dim3A = arith.constant 0.000000e+00 : f32
    %broadcast_in_dim3A_0 = vector.broadcast %broadcast_in_dim3A : f32 to vector<16xf32>
    %broadcast_in_dim3A_1 = arith.constant 1.000000e+00 : f32
    %broadcast_in_dim3A_2 = vector.broadcast %broadcast_in_dim3A_1 : f32 to vector<16xf32>
    %scan3A = arith.constant 0 : i32
    %scan3A_3 = arith.constant 0 : i32
    %scan3A_4 = arith.constant 128 : i32
    %scan3A_5 = arith.addi %scan3A_3, %scan3A_4 : i32
    %scan3A_6 = arith.constant 1 : i32
    scf.for %scan3A_29 = %scan3A_3 to %scan3A_5 step %scan3A_6  : i32 {
      %swap3A = arith.index_cast %scan3A_29 : i32 to index
      %swap3A_30 = arith.constant 0 : index
      %swap3A_31 = tpu.vector_load %arg5[%swap3A, %swap3A_30] {strides = array<i32>} : memref<128x128xf32, #tpu.memory_space<vmem>>, vector<1x16xf32>,
      %swap3A_32 = vector.shape_cast %swap3A_31 : vector<1x16xf32> to vector<16xf32>
      %swap3A_33 = vector.shape_cast %broadcast_in_dim3A_0 : vector<16xf32> to vector<1x16xf32>
      tpu.vector_store %arg5[%swap3A, %swap3A_30], %swap3A_33 {strides = array<i32>} : memref<128x128xf32, #tpu.memory_space<vmem>>, vector<1x16xf32>,
      %swap3A_34 = arith.index_cast %scan3A_29 : i32 to index
      %swap3A_35 = arith.constant 16 : index
      %swap3A_36 = tpu.vector_load %arg5[%swap3A_34, %swap3A_35] {strides = array<i32>} : memref<128x128xf32, #tpu.memory_space<vmem>>, vector<1x16xf32>,
      %swap3A_37 = vector.shape_cast %swap3A_36 : vector<1x16xf32> to vector<16xf32>
      %swap3A_38 = vector.shape_cast %broadcast_in_dim3A_0 : vector<16xf32> to vector<1x16xf32>
      tpu.vector_store %arg5[%swap3A_34, %swap3A_35], %swap3A_38 {strides = array<i32>} : memref<128x128xf32, #tpu.memory_space<vmem>>, vector<1x16xf32>,
      %swap3A_39 = arith.index_cast %scan3A_29 : i32 to index
      %swap3A_40 = arith.constant 32 : index
      %swap3A_41 = tpu.vector_load %arg5[%swap3A_39, %swap3A_40] {strides = array<i32>} : memref<128x128xf32, #tpu.memory_space<vmem>>, vector<1x16xf32>,
      %swap3A_42 = vector.shape_cast %swap3A_41 : vector<1x16xf32> to vector<16xf32>
      %swap3A_43 = vector.shape_cast %broadcast_in_dim3A_0 : vector<16xf32> to vector<1x16xf32>
      tpu.vector_store %arg5[%swap3A_39, %swap3A_40], %swap3A_43 {strides = array<i32>} : memref<128x128xf32, #tpu.memory_space<vmem>>, vector<1x16xf32>,
      %swap3A_44 = arith.index_cast %scan3A_29 : i32 to index
      %swap3A_45 = arith.constant 48 : index
      %swap3A_46 = tpu.vector_load %arg5[%swap3A_44, %swap3A_45] {strides = array<i32>} : memref<128x128xf32, #tpu.memory_space<vmem>>, vector<1x16xf32>,
      %swap3A_47 = vector.shape_cast %swap3A_46 : vector<1x16xf32> to vector<16xf32>
      %swap3A_48 = vector.shape_cast %broadcast_in_dim3A_0 : vector<16xf32> to vector<1x16xf32>
      tpu.vector_store %arg5[%swap3A_44, %swap3A_45], %swap3A_48 {strides = array<i32>} : memref<128x128xf32, #tpu.memory_space<vmem>>, vector<1x16xf32>,
      %swap3A_49 = arith.index_cast %scan3A_29 : i32 to index
      %swap3A_50 = arith.constant 64 : index
      %swap3A_51 = tpu.vector_load %arg5[%swap3A_49, %swap3A_50] {strides = array<i32>} : memref<128x128xf32, #tpu.memory_space<vmem>>, vector<1x16xf32>,
      %swap3A_52 = vector.shape_cast %swap3A_51 : vector<1x16xf32> to vector<16xf32>
      %swap3A_53 = vector.shape_cast %broadcast_in_dim3A_0 : vector<16xf32> to vector<1x16xf32>
      tpu.vector_store %arg5[%swap3A_49, %swap3A_50], %swap3A_53 {strides = array<i32>} : memref<128x128xf32, #tpu.memory_space<vmem>>, vector<1x16xf32>,
      %swap3A_54 = arith.index_cast %scan3A_29 : i32 to index
      %swap3A_55 = arith.constant 80 : index
      %swap3A_56 = tpu.vector_load %arg5[%swap3A_54, %swap3A_55] {strides = array<i32>} : memref<128x128xf32, #tpu.memory_space<vmem>>, vector<1x16xf32>,
      %swap3A_57 = vector.shape_cast %swap3A_56 : vector<1x16xf32> to vector<16xf32>
      %swap3A_58 = vector.shape_cast %broadcast_in_dim3A_0 : vector<16xf32> to vector<1x16xf32>
      tpu.vector_store %arg5[%swap3A_54, %swap3A_55], %swap3A_58 {strides = array<i32>} : memref<128x128xf32, #tpu.memory_space<vmem>>, vector<1x16xf32>,
      %swap3A_59 = arith.index_cast %scan3A_29 : i32 to index
      %swap3A_60 = arith.constant 96 : index
      %swap3A_61 = tpu.vector_load %arg5[%swap3A_59, %swap3A_60] {strides = array<i32>} : memref<128x128xf32, #tpu.memory_space<vmem>>, vector<1x16xf32>,
      %swap3A_62 = vector.shape_cast %swap3A_61 : vector<1x16xf32> to vector<16xf32>
      %swap3A_63 = vector.shape_cast %broadcast_in_dim3A_0 : vector<16xf32> to vector<1x16xf32>
      tpu.vector_store %arg5[%swap3A_59, %swap3A_60], %swap3A_63 {strides = array<i32>} : memref<128x128xf32, #tpu.memory_space<vmem>>, vector<1x16xf32>,
      %swap3A_64 = arith.index_cast %scan3A_29 : i32 to index
      %swap3A_65 = arith.constant 112 : index
      %swap3A_66 = tpu.vector_load %arg5[%swap3A_64, %swap3A_65] {strides = array<i32>} : memref<128x128xf32, #tpu.memory_space<vmem>>, vector<1x16xf32>,
      %swap3A_67 = vector.shape_cast %swap3A_66 : vector<1x16xf32> to vector<16xf32>
      %swap3A_68 = vector.shape_cast %broadcast_in_dim3A_0 : vector<16xf32> to vector<1x16xf32>
      tpu.vector_store %arg5[%swap3A_64, %swap3A_65], %swap3A_68 {strides = array<i32>} : memref<128x128xf32, #tpu.memory_space<vmem>>, vector<1x16xf32>,
    }
    %scan3A_7 = arith.constant 128 : i32
    %mul3A = arith.constant 128 : i32
    %mul3A_8 = arith.muli %arg1, %mul3A : i32
    %multiple_of3A = tpu.assume_multiple %mul3A_8, 8 : i32
    %add3A = arith.constant 0 : i32
    %add3A_9 = arith.addi %multiple_of3A, %add3A : i32
    "tpu.region"() ({
      %run_scoped3A = tpu.sem_alloc : memref<!tpu.dma_semaphore, #tpu.memory_space<semaphore_mem>>
      %dma_start3A = arith.constant 0 : i32
      %dma_start3A_29 = tpu.memref_slice %arg6[%add3A_9, %dma_start3A] : memref<2048x128xf32, #tpu.memory_space<vmem_shared>> -> memref<128x128xf32, #tpu.memory_space<vmem_shared>>
      %dma_start3A_30 = arith.constant 0 : i32
      %dma_start3A_31 = tpu.memref_slice %arg6[%add3A_9, %dma_start3A_30] : memref<2048x128xf32, #tpu.memory_space<vmem_shared>> -> memref<128x128xf32, #tpu.memory_space<vmem_shared>>
      tpu.enqueue_dma source(%arg5 : memref<128x128xf32, #tpu.memory_space<vmem>>) target(%dma_start3A_31 : memref<128x128xf32, #tpu.memory_space<vmem_shared>>) target_semaphore(%run_scoped3A : memref<!tpu.dma_semaphore, #tpu.memory_space<semaphore_mem>>)
      %dma_wait3A = arith.constant 0 : i32
      %dma_wait3A_32 = tpu.memref_slice %arg6[%add3A_9, %dma_wait3A] : memref<2048x128xf32, #tpu.memory_space<vmem_shared>> -> memref<128x128xf32, #tpu.memory_space<vmem_shared>>
      %dma_wait3A_33 = arith.constant 0 : i32
      %dma_wait3A_34 = tpu.memref_slice %arg6[%add3A_9, %dma_wait3A_33] : memref<2048x128xf32, #tpu.memory_space<vmem_shared>> -> memref<128x128xf32, #tpu.memory_space<vmem_shared>>
      tpu.wait_dma2 semaphore(%run_scoped3A : memref<!tpu.dma_semaphore, #tpu.memory_space<semaphore_mem>>) src(%arg5 : memref<128x128xf32, #tpu.memory_space<vmem>>) dst(%dma_wait3A_34 : memref<128x128xf32, #tpu.memory_space<vmem_shared>>)
      tpu.yield
    }) : () -> ()
    %scan3A_10 = arith.constant 0 : i32
    %scan3A_11 = arith.constant 0 : i32
    %scan3A_12 = arith.constant 128 : i32
    %scan3A_13 = arith.addi %scan3A_11, %scan3A_12 : i32
    %scan3A_14 = arith.constant 1 : i32
    scf.for %scan3A_29 = %scan3A_11 to %scan3A_13 step %scan3A_14  : i32 {
      %swap3A = arith.index_cast %scan3A_29 : i32 to index
      %swap3A_30 = arith.constant 0 : index
      %swap3A_31 = tpu.vector_load %arg5[%swap3A, %swap3A_30] {strides = array<i32>} : memref<128x128xf32, #tpu.memory_space<vmem>>, vector<1x16xf32>,
      %swap3A_32 = vector.shape_cast %swap3A_31 : vector<1x16xf32> to vector<16xf32>
      %swap3A_33 = vector.shape_cast %broadcast_in_dim3A_2 : vector<16xf32> to vector<1x16xf32>
      tpu.vector_store %arg5[%swap3A, %swap3A_30], %swap3A_33 {strides = array<i32>} : memref<128x128xf32, #tpu.memory_space<vmem>>, vector<1x16xf32>,
      %swap3A_34 = arith.index_cast %scan3A_29 : i32 to index
      %swap3A_35 = arith.constant 16 : index
      %swap3A_36 = tpu.vector_load %arg5[%swap3A_34, %swap3A_35] {strides = array<i32>} : memref<128x128xf32, #tpu.memory_space<vmem>>, vector<1x16xf32>,
      %swap3A_37 = vector.shape_cast %swap3A_36 : vector<1x16xf32> to vector<16xf32>
      %swap3A_38 = vector.shape_cast %broadcast_in_dim3A_2 : vector<16xf32> to vector<1x16xf32>
      tpu.vector_store %arg5[%swap3A_34, %swap3A_35], %swap3A_38 {strides = array<i32>} : memref<128x128xf32, #tpu.memory_space<vmem>>, vector<1x16xf32>,
      %swap3A_39 = arith.index_cast %scan3A_29 : i32 to index
      %swap3A_40 = arith.constant 32 : index
      %swap3A_41 = tpu.vector_load %arg5[%swap3A_39, %swap3A_40] {strides = array<i32>} : memref<128x128xf32, #tpu.memory_space<vmem>>, vector<1x16xf32>,
      %swap3A_42 = vector.shape_cast %swap3A_41 : vector<1x16xf32> to vector<16xf32>
      %swap3A_43 = vector.shape_cast %broadcast_in_dim3A_2 : vector<16xf32> to vector<1x16xf32>
      tpu.vector_store %arg5[%swap3A_39, %swap3A_40], %swap3A_43 {strides = array<i32>} : memref<128x128xf32, #tpu.memory_space<vmem>>, vector<1x16xf32>,
      %swap3A_44 = arith.index_cast %scan3A_29 : i32 to index
      %swap3A_45 = arith.constant 48 : index
      %swap3A_46 = tpu.vector_load %arg5[%swap3A_44, %swap3A_45] {strides = array<i32>} : memref<128x128xf32, #tpu.memory_space<vmem>>, vector<1x16xf32>,
      %swap3A_47 = vector.shape_cast %swap3A_46 : vector<1x16xf32> to vector<16xf32>
      %swap3A_48 = vector.shape_cast %broadcast_in_dim3A_2 : vector<16xf32> to vector<1x16xf32>
      tpu.vector_store %arg5[%swap3A_44, %swap3A_45], %swap3A_48 {strides = array<i32>} : memref<128x128xf32, #tpu.memory_space<vmem>>, vector<1x16xf32>,
      %swap3A_49 = arith.index_cast %scan3A_29 : i32 to index
      %swap3A_50 = arith.constant 64 : index
      %swap3A_51 = tpu.vector_load %arg5[%swap3A_49, %swap3A_50] {strides = array<i32>} : memref<128x128xf32, #tpu.memory_space<vmem>>, vector<1x16xf32>,
      %swap3A_52 = vector.shape_cast %swap3A_51 : vector<1x16xf32> to vector<16xf32>
      %swap3A_53 = vector.shape_cast %broadcast_in_dim3A_2 : vector<16xf32> to vector<1x16xf32>
      tpu.vector_store %arg5[%swap3A_49, %swap3A_50], %swap3A_53 {strides = array<i32>} : memref<128x128xf32, #tpu.memory_space<vmem>>, vector<1x16xf32>,
      %swap3A_54 = arith.index_cast %scan3A_29 : i32 to index
      %swap3A_55 = arith.constant 80 : index
      %swap3A_56 = tpu.vector_load %arg5[%swap3A_54, %swap3A_55] {strides = array<i32>} : memref<128x128xf32, #tpu.memory_space<vmem>>, vector<1x16xf32>,
      %swap3A_57 = vector.shape_cast %swap3A_56 : vector<1x16xf32> to vector<16xf32>
      %swap3A_58 = vector.shape_cast %broadcast_in_dim3A_2 : vector<16xf32> to vector<1x16xf32>
      tpu.vector_store %arg5[%swap3A_54, %swap3A_55], %swap3A_58 {strides = array<i32>} : memref<128x128xf32, #tpu.memory_space<vmem>>, vector<1x16xf32>,
      %swap3A_59 = arith.index_cast %scan3A_29 : i32 to index
      %swap3A_60 = arith.constant 96 : index
      %swap3A_61 = tpu.vector_load %arg5[%swap3A_59, %swap3A_60] {strides = array<i32>} : memref<128x128xf32, #tpu.memory_space<vmem>>, vector<1x16xf32>,
      %swap3A_62 = vector.shape_cast %swap3A_61 : vector<1x16xf32> to vector<16xf32>
      %swap3A_63 = vector.shape_cast %broadcast_in_dim3A_2 : vector<16xf32> to vector<1x16xf32>
      tpu.vector_store %arg5[%swap3A_59, %swap3A_60], %swap3A_63 {strides = array<i32>} : memref<128x128xf32, #tpu.memory_space<vmem>>, vector<1x16xf32>,
      %swap3A_64 = arith.index_cast %scan3A_29 : i32 to index
      %swap3A_65 = arith.constant 112 : index
      %swap3A_66 = tpu.vector_load %arg5[%swap3A_64, %swap3A_65] {strides = array<i32>} : memref<128x128xf32, #tpu.memory_space<vmem>>, vector<1x16xf32>,
      %swap3A_67 = vector.shape_cast %swap3A_66 : vector<1x16xf32> to vector<16xf32>
      %swap3A_68 = vector.shape_cast %broadcast_in_dim3A_2 : vector<16xf32> to vector<1x16xf32>
      tpu.vector_store %arg5[%swap3A_64, %swap3A_65], %swap3A_68 {strides = array<i32>} : memref<128x128xf32, #tpu.memory_space<vmem>>, vector<1x16xf32>,
    }
    %scan3A_15 = arith.constant 128 : i32
    %barrier3A = arith.constant 0 : index
    tpu.barrier barrier_id(%barrier3A)
    %mul3A_16 = arith.constant 12544 : i32
    %mul3A_17 = arith.muli %arg1, %mul3A_16 : i32
    %scan3A_18 = arith.constant 0 : i32
    %scan3A_19 = arith.constant 0 : i32
    %scan3A_20 = arith.constant 98 : i32
    %scan3A_21 = arith.addi %scan3A_19, %scan3A_20 : i32
    %scan3A_22 = arith.constant 1 : i32
    scf.for %scan3A_29 = %scan3A_19 to %scan3A_21 step %scan3A_22  : i32 {
      %mul3A_30 = arith.constant 128 : i32
      %mul3A_31 = arith.muli %scan3A_29, %mul3A_30 : i32
      %add3A_32 = arith.addi %mul3A_17, %mul3A_31 : i32
      %multiple_of3A_33 = tpu.assume_multiple %add3A_32, 8 : i32
      "tpu.region"() ({
        %run_scoped3A = tpu.sem_alloc : memref<!tpu.dma_semaphore, #tpu.memory_space<semaphore_mem>>
        %dma_start3A = tpu.memref_slice %arg2[%arg0, %multiple_of3A_33] : memref<2x200704xi32, #tpu.memory_space<hbm>> -> memref<1x128xi32, #tpu.memory_space<hbm>>
        %dma_start3A_34 = tpu.memref_squeeze %dma_start3A : memref<1x128xi32, #tpu.memory_space<hbm>> -> memref<128xi32, #tpu.memory_space<hbm>>
        %dma_start3A_35 = tpu.memref_slice %arg2[%arg0, %multiple_of3A_33] : memref<2x200704xi32, #tpu.memory_space<hbm>> -> memref<1x128xi32, #tpu.memory_space<hbm>>
        %dma_start3A_36 = tpu.memref_squeeze %dma_start3A_35 : memref<1x128xi32, #tpu.memory_space<hbm>> -> memref<128xi32, #tpu.memory_space<hbm>>
        tpu.enqueue_dma source(%dma_start3A_36 : memref<128xi32, #tpu.memory_space<hbm>>) target(%arg4 : memref<128xi32, #tpu.memory_space<vmem>>) target_semaphore(%run_scoped3A : memref<!tpu.dma_semaphore, #tpu.memory_space<semaphore_mem>>)
        %dma_wait3A = tpu.memref_slice %arg2[%arg0, %multiple_of3A_33] : memref<2x200704xi32, #tpu.memory_space<hbm>> -> memref<1x128xi32, #tpu.memory_space<hbm>>
        %dma_wait3A_37 = tpu.memref_squeeze %dma_wait3A : memref<1x128xi32, #tpu.memory_space<hbm>> -> memref<128xi32, #tpu.memory_space<hbm>>
        %dma_wait3A_38 = tpu.memref_slice %arg2[%arg0, %multiple_of3A_33] : memref<2x200704xi32, #tpu.memory_space<hbm>> -> memref<1x128xi32, #tpu.memory_space<hbm>>
        %dma_wait3A_39 = tpu.memref_squeeze %dma_wait3A_38 : memref<1x128xi32, #tpu.memory_space<hbm>> -> memref<128xi32, #tpu.memory_space<hbm>>
        tpu.wait_dma2 semaphore(%run_scoped3A : memref<!tpu.dma_semaphore, #tpu.memory_space<semaphore_mem>>) src(%dma_wait3A_39 : memref<128xi32, #tpu.memory_space<hbm>>) dst(%arg4 : memref<128xi32, #tpu.memory_space<vmem>>)
        tpu.yield
      }) : () -> ()
      "tpu.region"() ({
        %run_scoped3A = tpu.sem_alloc : memref<!tpu.dma_semaphore, #tpu.memory_space<semaphore_mem>>
        %dma_start3A = arith.constant 0 : i32
        %dma_start3A_34 = arith.constant 0 : i32
        %dma_start3A_35 = tpu.memref_slice %arg6[%dma_start3A, %dma_start3A_34] : memref<2048x128xf32, #tpu.memory_space<vmem_shared>> -> memref<2048x128xf32, #tpu.memory_space<vmem_shared>>
        tpu.enqueue_indirect_dma source(%arg5 : memref<128x128xf32, #tpu.memory_space<vmem>>) target(%dma_start3A_35 : memref<2048x128xf32, #tpu.memory_space<vmem_shared>>) offsets(%arg4 : memref<128xi32, #tpu.memory_space<vmem>>) semaphore(%run_scoped3A : memref<!tpu.dma_semaphore, #tpu.memory_space<semaphore_mem>>) {add = true}
        %dma_wait3A = arith.constant 0 : i32
        %dma_wait3A_36 = arith.constant 0 : i32
        %dma_wait3A_37 = tpu.memref_slice %arg6[%dma_wait3A, %dma_wait3A_36] : memref<2048x128xf32, #tpu.memory_space<vmem_shared>> -> memref<2048x128xf32, #tpu.memory_space<vmem_shared>>
        tpu.wait_indirect_dma semaphore(%run_scoped3A : memref<!tpu.dma_semaphore, #tpu.memory_space<semaphore_mem>>) src(%arg5 : memref<128x128xf32, #tpu.memory_space<vmem>>) dst(%dma_wait3A_37 : memref<2048x128xf32, #tpu.memory_space<vmem_shared>>)
        tpu.yield
      }) : () -> ()
    }
    %scan3A_23 = arith.constant 98 : i32
    %barrier3A_24 = arith.constant 0 : index
    tpu.barrier barrier_id(%barrier3A_24)
    %add3A_25 = arith.constant 0 : i32
    %add3A_26 = arith.addi %multiple_of3A, %add3A_25 : i32
    "tpu.region"() ({
      %run_scoped3A = tpu.sem_alloc : memref<!tpu.dma_semaphore, #tpu.memory_space<semaphore_mem>>
      %dma_start3A = arith.constant 0 : i32
      %dma_start3A_29 = tpu.memref_slice %arg6[%add3A_26, %dma_start3A] : memref<2048x128xf32, #tpu.memory_space<vmem_shared>> -> memref<128x128xf32, #tpu.memory_space<vmem_shared>>
      %dma_start3A_30 = arith.constant 0 : i32
      %dma_start3A_31 = tpu.memref_slice %arg6[%add3A_26, %dma_start3A_30] : memref<2048x128xf32, #tpu.memory_space<vmem_shared>> -> memref<128x128xf32, #tpu.memory_space<vmem_shared>>
      tpu.enqueue_dma source(%dma_start3A_31 : memref<128x128xf32, #tpu.memory_space<vmem_shared>>) target(%arg5 : memref<128x128xf32, #tpu.memory_space<vmem>>) target_semaphore(%run_scoped3A : memref<!tpu.dma_semaphore, #tpu.memory_space<semaphore_mem>>)
      %dma_wait3A = arith.constant 0 : i32
      %dma_wait3A_32 = tpu.memref_slice %arg6[%add3A_26, %dma_wait3A] : memref<2048x128xf32, #tpu.memory_space<vmem_shared>> -> memref<128x128xf32, #tpu.memory_space<vmem_shared>>
      %dma_wait3A_33 = arith.constant 0 : i32
      %dma_wait3A_34 = tpu.memref_slice %arg6[%add3A_26, %dma_wait3A_33] : memref<2048x128xf32, #tpu.memory_space<vmem_shared>> -> memref<128x128xf32, #tpu.memory_space<vmem_shared>>
      tpu.wait_dma2 semaphore(%run_scoped3A : memref<!tpu.dma_semaphore, #tpu.memory_space<semaphore_mem>>) src(%dma_wait3A_34 : memref<128x128xf32, #tpu.memory_space<vmem_shared>>) dst(%arg5 : memref<128x128xf32, #tpu.memory_space<vmem>>)
      tpu.yield
    }) : () -> ()
    %add3A_27 = arith.constant 0 : i32
    %add3A_28 = arith.addi %multiple_of3A, %add3A_27 : i32
    "tpu.region"() ({
      %run_scoped3A = tpu.sem_alloc : memref<!tpu.dma_semaphore, #tpu.memory_space<semaphore_mem>>
      %dma_start3A = arith.constant 0 : i32
      %dma_start3A_29 = tpu.memref_slice %arg3[%arg0, %add3A_28, %dma_start3A] : memref<2x2048x128xf32, #tpu.memory_space<hbm>> -> memref<1x128x128xf32, #tpu.memory_space<hbm>>
      %dma_start3A_30 = tpu.memref_squeeze %dma_start3A_29 : memref<1x128x128xf32, #tpu.memory_space<hbm>> -> memref<128x128xf32, #tpu.memory_space<hbm>>
      %dma_start3A_31 = arith.constant 0 : i32
      %dma_start3A_32 = tpu.memref_slice %arg3[%arg0, %add3A_28, %dma_start3A_31] : memref<2x2048x128xf32, #tpu.memory_space<hbm>> -> memref<1x128x128xf32, #tpu.memory_space<hbm>>
      %dma_start3A_33 = tpu.memref_squeeze %dma_start3A_32 : memref<1x128x128xf32, #tpu.memory_space<hbm>> -> memref<128x128xf32, #tpu.memory_space<hbm>>
      tpu.enqueue_dma source(%arg5 : memref<128x128xf32, #tpu.memory_space<vmem>>) target(%dma_start3A_33 : memref<128x128xf32, #tpu.memory_space<hbm>>) target_semaphore(%run_scoped3A : memref<!tpu.dma_semaphore, #tpu.memory_space<semaphore_mem>>)
      %dma_wait3A = arith.constant 0 : i32
      %dma_wait3A_34 = tpu.memref_slice %arg3[%arg0, %add3A_28, %dma_wait3A] : memref<2x2048x128xf32, #tpu.memory_space<hbm>> -> memref<1x128x128xf32, #tpu.memory_space<hbm>>
      %dma_wait3A_35 = tpu.memref_squeeze %dma_wait3A_34 : memref<1x128x128xf32, #tpu.memory_space<hbm>> -> memref<128x128xf32, #tpu.memory_space<hbm>>
      %dma_wait3A_36 = arith.constant 0 : i32
      %dma_wait3A_37 = tpu.memref_slice %arg3[%arg0, %add3A_28, %dma_wait3A_36] : memref<2x2048x128xf32, #tpu.memory_space<hbm>> -> memref<1x128x128xf32, #tpu.memory_space<hbm>>
      %dma_wait3A_38 = tpu.memref_squeeze %dma_wait3A_37 : memref<1x128x128xf32, #tpu.memory_space<hbm>> -> memref<128x128xf32, #tpu.memory_space<hbm>>
      tpu.wait_dma2 semaphore(%run_scoped3A : memref<!tpu.dma_semaphore, #tpu.memory_space<semaphore_mem>>) src(%arg5 : memref<128x128xf32, #tpu.memory_space<vmem>>) dst(%dma_wait3A_38 : memref<128x128xf32, #tpu.memory_space<hbm>>)
      tpu.yield
    }) : () -> ()
    return
  }
}

#map = affine_map<(d0, d1) -> (0, 0)>
#map1 = affine_map<(d0, d1) -> (0)>
#map2 = affine_map<(d0, d1) -> (0, 0, 0)>
module attributes {stable_mosaic.version = 14 : i64} {
  func.func @k(%arg0: i32, %arg1: i32, %arg2: memref<10000x128xf32, #tpu.memory_space<hbm>>, %arg3: memref<200704xi32, #tpu.memory_space<hbm>>, %arg4: memref<200704xi32, #tpu.memory_space<hbm>>, %arg5: memref<2x2048x128xf32, #tpu.memory_space<hbm>>, %arg6: memref<128xi32, #tpu.memory_space<vmem>>, %arg7: memref<128xi32, #tpu.memory_space<vmem>>, %arg8: memref<128x128xf32, #tpu.memory_space<vmem>>, %arg9: memref<2048x128xf32, #tpu.memory_space<vmem_shared>>, %arg10: memref<!tpu.dma_semaphore, #tpu.memory_space<semaphore_mem>>) attributes {dimension_semantics = [#tpu.dimension_semantics<core_parallel>, #tpu.dimension_semantics<subcore_parallel>], iteration_bounds = array<i64: 2, 16>, scalar_prefetch = 0 : i64, scratch_operands = 5 : i64, tpu.core_type = #tpu.core_type<sc_vector_subcore>, window_params = [{transform_indices = #map}, {transform_indices = #map1}, {transform_indices = #map1}, {transform_indices = #map2}]} {
    %mul3A = arith.constant 2 : i32
    %mul3A_0 = arith.muli %arg1, %mul3A : i32
    %add3A = arith.addi %mul3A_0, %arg0 : i32
    %broadcast_in_dim3A = arith.constant 0.000000e+00 : f32
    %broadcast_in_dim3A_1 = vector.broadcast %broadcast_in_dim3A : f32 to vector<16xf32>
    %scan3A = arith.constant 0 : i32
    %scan3A_2 = arith.constant 0 : i32
    %scan3A_3 = arith.constant 128 : i32
    %scan3A_4 = arith.addi %scan3A_2, %scan3A_3 : i32
    %scan3A_5 = arith.constant 1 : i32
    scf.for %scan3A_24 = %scan3A_2 to %scan3A_4 step %scan3A_5  : i32 {
      %swap3A = arith.index_cast %scan3A_24 : i32 to index
      %swap3A_25 = arith.constant 0 : index
      %swap3A_26 = tpu.vector_load %arg8[%swap3A, %swap3A_25] {strides = array<i32>} : memref<128x128xf32, #tpu.memory_space<vmem>>, vector<1x16xf32>,
      %swap3A_27 = vector.shape_cast %swap3A_26 : vector<1x16xf32> to vector<16xf32>
      %swap3A_28 = vector.shape_cast %broadcast_in_dim3A_1 : vector<16xf32> to vector<1x16xf32>
      tpu.vector_store %arg8[%swap3A, %swap3A_25], %swap3A_28 {strides = array<i32>} : memref<128x128xf32, #tpu.memory_space<vmem>>, vector<1x16xf32>,
      %swap3A_29 = arith.index_cast %scan3A_24 : i32 to index
      %swap3A_30 = arith.constant 16 : index
      %swap3A_31 = tpu.vector_load %arg8[%swap3A_29, %swap3A_30] {strides = array<i32>} : memref<128x128xf32, #tpu.memory_space<vmem>>, vector<1x16xf32>,
      %swap3A_32 = vector.shape_cast %swap3A_31 : vector<1x16xf32> to vector<16xf32>
      %swap3A_33 = vector.shape_cast %broadcast_in_dim3A_1 : vector<16xf32> to vector<1x16xf32>
      tpu.vector_store %arg8[%swap3A_29, %swap3A_30], %swap3A_33 {strides = array<i32>} : memref<128x128xf32, #tpu.memory_space<vmem>>, vector<1x16xf32>,
      %swap3A_34 = arith.index_cast %scan3A_24 : i32 to index
      %swap3A_35 = arith.constant 32 : index
      %swap3A_36 = tpu.vector_load %arg8[%swap3A_34, %swap3A_35] {strides = array<i32>} : memref<128x128xf32, #tpu.memory_space<vmem>>, vector<1x16xf32>,
      %swap3A_37 = vector.shape_cast %swap3A_36 : vector<1x16xf32> to vector<16xf32>
      %swap3A_38 = vector.shape_cast %broadcast_in_dim3A_1 : vector<16xf32> to vector<1x16xf32>
      tpu.vector_store %arg8[%swap3A_34, %swap3A_35], %swap3A_38 {strides = array<i32>} : memref<128x128xf32, #tpu.memory_space<vmem>>, vector<1x16xf32>,
      %swap3A_39 = arith.index_cast %scan3A_24 : i32 to index
      %swap3A_40 = arith.constant 48 : index
      %swap3A_41 = tpu.vector_load %arg8[%swap3A_39, %swap3A_40] {strides = array<i32>} : memref<128x128xf32, #tpu.memory_space<vmem>>, vector<1x16xf32>,
      %swap3A_42 = vector.shape_cast %swap3A_41 : vector<1x16xf32> to vector<16xf32>
      %swap3A_43 = vector.shape_cast %broadcast_in_dim3A_1 : vector<16xf32> to vector<1x16xf32>
      tpu.vector_store %arg8[%swap3A_39, %swap3A_40], %swap3A_43 {strides = array<i32>} : memref<128x128xf32, #tpu.memory_space<vmem>>, vector<1x16xf32>,
      %swap3A_44 = arith.index_cast %scan3A_24 : i32 to index
      %swap3A_45 = arith.constant 64 : index
      %swap3A_46 = tpu.vector_load %arg8[%swap3A_44, %swap3A_45] {strides = array<i32>} : memref<128x128xf32, #tpu.memory_space<vmem>>, vector<1x16xf32>,
      %swap3A_47 = vector.shape_cast %swap3A_46 : vector<1x16xf32> to vector<16xf32>
      %swap3A_48 = vector.shape_cast %broadcast_in_dim3A_1 : vector<16xf32> to vector<1x16xf32>
      tpu.vector_store %arg8[%swap3A_44, %swap3A_45], %swap3A_48 {strides = array<i32>} : memref<128x128xf32, #tpu.memory_space<vmem>>, vector<1x16xf32>,
      %swap3A_49 = arith.index_cast %scan3A_24 : i32 to index
      %swap3A_50 = arith.constant 80 : index
      %swap3A_51 = tpu.vector_load %arg8[%swap3A_49, %swap3A_50] {strides = array<i32>} : memref<128x128xf32, #tpu.memory_space<vmem>>, vector<1x16xf32>,
      %swap3A_52 = vector.shape_cast %swap3A_51 : vector<1x16xf32> to vector<16xf32>
      %swap3A_53 = vector.shape_cast %broadcast_in_dim3A_1 : vector<16xf32> to vector<1x16xf32>
      tpu.vector_store %arg8[%swap3A_49, %swap3A_50], %swap3A_53 {strides = array<i32>} : memref<128x128xf32, #tpu.memory_space<vmem>>, vector<1x16xf32>,
      %swap3A_54 = arith.index_cast %scan3A_24 : i32 to index
      %swap3A_55 = arith.constant 96 : index
      %swap3A_56 = tpu.vector_load %arg8[%swap3A_54, %swap3A_55] {strides = array<i32>} : memref<128x128xf32, #tpu.memory_space<vmem>>, vector<1x16xf32>,
      %swap3A_57 = vector.shape_cast %swap3A_56 : vector<1x16xf32> to vector<16xf32>
      %swap3A_58 = vector.shape_cast %broadcast_in_dim3A_1 : vector<16xf32> to vector<1x16xf32>
      tpu.vector_store %arg8[%swap3A_54, %swap3A_55], %swap3A_58 {strides = array<i32>} : memref<128x128xf32, #tpu.memory_space<vmem>>, vector<1x16xf32>,
      %swap3A_59 = arith.index_cast %scan3A_24 : i32 to index
      %swap3A_60 = arith.constant 112 : index
      %swap3A_61 = tpu.vector_load %arg8[%swap3A_59, %swap3A_60] {strides = array<i32>} : memref<128x128xf32, #tpu.memory_space<vmem>>, vector<1x16xf32>,
      %swap3A_62 = vector.shape_cast %swap3A_61 : vector<1x16xf32> to vector<16xf32>
      %swap3A_63 = vector.shape_cast %broadcast_in_dim3A_1 : vector<16xf32> to vector<1x16xf32>
      tpu.vector_store %arg8[%swap3A_59, %swap3A_60], %swap3A_63 {strides = array<i32>} : memref<128x128xf32, #tpu.memory_space<vmem>>, vector<1x16xf32>,
    }
    %scan3A_6 = arith.constant 128 : i32
    %mul3A_7 = arith.constant 128 : i32
    %mul3A_8 = arith.muli %arg1, %mul3A_7 : i32
    %multiple_of3A = tpu.assume_multiple %mul3A_8, 8 : i32
    %add3A_9 = arith.constant 0 : i32
    %add3A_10 = arith.addi %multiple_of3A, %add3A_9 : i32
    "tpu.region"() ({
      %run_scoped3A = tpu.sem_alloc : memref<!tpu.dma_semaphore, #tpu.memory_space<semaphore_mem>>
      %dma_start3A = arith.constant 0 : i32
      %dma_start3A_24 = tpu.memref_slice %arg9[%add3A_10, %dma_start3A] : memref<2048x128xf32, #tpu.memory_space<vmem_shared>> -> memref<128x128xf32, #tpu.memory_space<vmem_shared>>
      %dma_start3A_25 = arith.constant 0 : i32
      %dma_start3A_26 = tpu.memref_slice %arg9[%add3A_10, %dma_start3A_25] : memref<2048x128xf32, #tpu.memory_space<vmem_shared>> -> memref<128x128xf32, #tpu.memory_space<vmem_shared>>
      tpu.enqueue_dma source(%arg8 : memref<128x128xf32, #tpu.memory_space<vmem>>) target(%dma_start3A_26 : memref<128x128xf32, #tpu.memory_space<vmem_shared>>) target_semaphore(%run_scoped3A : memref<!tpu.dma_semaphore, #tpu.memory_space<semaphore_mem>>)
      %dma_wait3A = arith.constant 0 : i32
      %dma_wait3A_27 = tpu.memref_slice %arg9[%add3A_10, %dma_wait3A] : memref<2048x128xf32, #tpu.memory_space<vmem_shared>> -> memref<128x128xf32, #tpu.memory_space<vmem_shared>>
      %dma_wait3A_28 = arith.constant 0 : i32
      %dma_wait3A_29 = tpu.memref_slice %arg9[%add3A_10, %dma_wait3A_28] : memref<2048x128xf32, #tpu.memory_space<vmem_shared>> -> memref<128x128xf32, #tpu.memory_space<vmem_shared>>
      tpu.wait_dma2 semaphore(%run_scoped3A : memref<!tpu.dma_semaphore, #tpu.memory_space<semaphore_mem>>) src(%arg8 : memref<128x128xf32, #tpu.memory_space<vmem>>) dst(%dma_wait3A_29 : memref<128x128xf32, #tpu.memory_space<vmem_shared>>)
      tpu.yield
    }) : () -> ()
    %barrier3A = arith.constant 0 : index
    tpu.barrier barrier_id(%barrier3A)
    %mul3A_11 = arith.constant 6272 : i32
    %mul3A_12 = arith.muli %add3A, %mul3A_11 : i32
    %scan3A_13 = arith.constant 0 : i32
    %scan3A_14 = arith.constant 0 : i32
    %scan3A_15 = arith.constant 49 : i32
    %scan3A_16 = arith.addi %scan3A_14, %scan3A_15 : i32
    %scan3A_17 = arith.constant 1 : i32
    scf.for %scan3A_24 = %scan3A_14 to %scan3A_16 step %scan3A_17  : i32 {
      %mul3A_25 = arith.constant 128 : i32
      %mul3A_26 = arith.muli %scan3A_24, %mul3A_25 : i32
      %add3A_27 = arith.addi %mul3A_12, %mul3A_26 : i32
      %multiple_of3A_28 = tpu.assume_multiple %add3A_27, 8 : i32
      "tpu.region"() ({
        %run_scoped3A = tpu.sem_alloc : memref<!tpu.dma_semaphore, #tpu.memory_space<semaphore_mem>>
        %dma_start3A_33 = tpu.memref_slice %arg3[%multiple_of3A_28] : memref<200704xi32, #tpu.memory_space<hbm>> -> memref<128xi32, #tpu.memory_space<hbm>>
        %dma_start3A_34 = tpu.memref_slice %arg3[%multiple_of3A_28] : memref<200704xi32, #tpu.memory_space<hbm>> -> memref<128xi32, #tpu.memory_space<hbm>>
        tpu.enqueue_dma source(%dma_start3A_34 : memref<128xi32, #tpu.memory_space<hbm>>) target(%arg6 : memref<128xi32, #tpu.memory_space<vmem>>) target_semaphore(%run_scoped3A : memref<!tpu.dma_semaphore, #tpu.memory_space<semaphore_mem>>)
        %dma_wait3A_35 = tpu.memref_slice %arg3[%multiple_of3A_28] : memref<200704xi32, #tpu.memory_space<hbm>> -> memref<128xi32, #tpu.memory_space<hbm>>
        %dma_wait3A_36 = tpu.memref_slice %arg3[%multiple_of3A_28] : memref<200704xi32, #tpu.memory_space<hbm>> -> memref<128xi32, #tpu.memory_space<hbm>>
        tpu.wait_dma2 semaphore(%run_scoped3A : memref<!tpu.dma_semaphore, #tpu.memory_space<semaphore_mem>>) src(%dma_wait3A_36 : memref<128xi32, #tpu.memory_space<hbm>>) dst(%arg6 : memref<128xi32, #tpu.memory_space<vmem>>)
        tpu.yield
      }) : () -> ()
      "tpu.region"() ({
        %run_scoped3A = tpu.sem_alloc : memref<!tpu.dma_semaphore, #tpu.memory_space<semaphore_mem>>
        %dma_start3A_33 = tpu.memref_slice %arg4[%multiple_of3A_28] : memref<200704xi32, #tpu.memory_space<hbm>> -> memref<128xi32, #tpu.memory_space<hbm>>
        %dma_start3A_34 = tpu.memref_slice %arg4[%multiple_of3A_28] : memref<200704xi32, #tpu.memory_space<hbm>> -> memref<128xi32, #tpu.memory_space<hbm>>
        tpu.enqueue_dma source(%dma_start3A_34 : memref<128xi32, #tpu.memory_space<hbm>>) target(%arg7 : memref<128xi32, #tpu.memory_space<vmem>>) target_semaphore(%run_scoped3A : memref<!tpu.dma_semaphore, #tpu.memory_space<semaphore_mem>>)
        %dma_wait3A_35 = tpu.memref_slice %arg4[%multiple_of3A_28] : memref<200704xi32, #tpu.memory_space<hbm>> -> memref<128xi32, #tpu.memory_space<hbm>>
        %dma_wait3A_36 = tpu.memref_slice %arg4[%multiple_of3A_28] : memref<200704xi32, #tpu.memory_space<hbm>> -> memref<128xi32, #tpu.memory_space<hbm>>
        tpu.wait_dma2 semaphore(%run_scoped3A : memref<!tpu.dma_semaphore, #tpu.memory_space<semaphore_mem>>) src(%dma_wait3A_36 : memref<128xi32, #tpu.memory_space<hbm>>) dst(%arg7 : memref<128xi32, #tpu.memory_space<vmem>>)
        tpu.yield
      }) : () -> ()
      %dma_start3A = arith.constant 0 : i32
      %dma_start3A_29 = arith.constant 0 : i32
      %dma_start3A_30 = tpu.memref_slice %arg2[%dma_start3A, %dma_start3A_29] : memref<10000x128xf32, #tpu.memory_space<hbm>> -> memref<10000x128xf32, #tpu.memory_space<hbm>>
      tpu.enqueue_indirect_dma source(%dma_start3A_30 : memref<10000x128xf32, #tpu.memory_space<hbm>>) target(%arg8 : memref<128x128xf32, #tpu.memory_space<vmem>>) offsets(%arg6 : memref<128xi32, #tpu.memory_space<vmem>>) semaphore(%arg10 : memref<!tpu.dma_semaphore, #tpu.memory_space<semaphore_mem>>)
      %dma_wait3A = arith.constant 0 : i32
      %dma_wait3A_31 = arith.constant 0 : i32
      %dma_wait3A_32 = tpu.memref_slice %arg2[%dma_wait3A, %dma_wait3A_31] : memref<10000x128xf32, #tpu.memory_space<hbm>> -> memref<10000x128xf32, #tpu.memory_space<hbm>>
      tpu.wait_indirect_dma semaphore(%arg10 : memref<!tpu.dma_semaphore, #tpu.memory_space<semaphore_mem>>) src(%dma_wait3A_32 : memref<10000x128xf32, #tpu.memory_space<hbm>>) dst(%arg8 : memref<128x128xf32, #tpu.memory_space<vmem>>)
      "tpu.region"() ({
        %run_scoped3A = tpu.sem_alloc : memref<!tpu.dma_semaphore, #tpu.memory_space<semaphore_mem>>
        %dma_start3A_33 = arith.constant 0 : i32
        %dma_start3A_34 = arith.constant 0 : i32
        %dma_start3A_35 = tpu.memref_slice %arg9[%dma_start3A_33, %dma_start3A_34] : memref<2048x128xf32, #tpu.memory_space<vmem_shared>> -> memref<2048x128xf32, #tpu.memory_space<vmem_shared>>
        tpu.enqueue_indirect_dma source(%arg8 : memref<128x128xf32, #tpu.memory_space<vmem>>) target(%dma_start3A_35 : memref<2048x128xf32, #tpu.memory_space<vmem_shared>>) offsets(%arg7 : memref<128xi32, #tpu.memory_space<vmem>>) semaphore(%run_scoped3A : memref<!tpu.dma_semaphore, #tpu.memory_space<semaphore_mem>>) {add = true}
        %dma_wait3A_36 = arith.constant 0 : i32
        %dma_wait3A_37 = arith.constant 0 : i32
        %dma_wait3A_38 = tpu.memref_slice %arg9[%dma_wait3A_36, %dma_wait3A_37] : memref<2048x128xf32, #tpu.memory_space<vmem_shared>> -> memref<2048x128xf32, #tpu.memory_space<vmem_shared>>
        tpu.wait_indirect_dma semaphore(%run_scoped3A : memref<!tpu.dma_semaphore, #tpu.memory_space<semaphore_mem>>) src(%arg8 : memref<128x128xf32, #tpu.memory_space<vmem>>) dst(%dma_wait3A_38 : memref<2048x128xf32, #tpu.memory_space<vmem_shared>>)
        tpu.yield
      }) : () -> ()
    }
    %scan3A_18 = arith.constant 49 : i32
    %barrier3A_19 = arith.constant 0 : index
    tpu.barrier barrier_id(%barrier3A_19)
    %add3A_20 = arith.constant 0 : i32
    %add3A_21 = arith.addi %multiple_of3A, %add3A_20 : i32
    "tpu.region"() ({
      %run_scoped3A = tpu.sem_alloc : memref<!tpu.dma_semaphore, #tpu.memory_space<semaphore_mem>>
      %dma_start3A = arith.constant 0 : i32
      %dma_start3A_24 = tpu.memref_slice %arg9[%add3A_21, %dma_start3A] : memref<2048x128xf32, #tpu.memory_space<vmem_shared>> -> memref<128x128xf32, #tpu.memory_space<vmem_shared>>
      %dma_start3A_25 = arith.constant 0 : i32
      %dma_start3A_26 = tpu.memref_slice %arg9[%add3A_21, %dma_start3A_25] : memref<2048x128xf32, #tpu.memory_space<vmem_shared>> -> memref<128x128xf32, #tpu.memory_space<vmem_shared>>
      tpu.enqueue_dma source(%dma_start3A_26 : memref<128x128xf32, #tpu.memory_space<vmem_shared>>) target(%arg8 : memref<128x128xf32, #tpu.memory_space<vmem>>) target_semaphore(%run_scoped3A : memref<!tpu.dma_semaphore, #tpu.memory_space<semaphore_mem>>)
      %dma_wait3A = arith.constant 0 : i32
      %dma_wait3A_27 = tpu.memref_slice %arg9[%add3A_21, %dma_wait3A] : memref<2048x128xf32, #tpu.memory_space<vmem_shared>> -> memref<128x128xf32, #tpu.memory_space<vmem_shared>>
      %dma_wait3A_28 = arith.constant 0 : i32
      %dma_wait3A_29 = tpu.memref_slice %arg9[%add3A_21, %dma_wait3A_28] : memref<2048x128xf32, #tpu.memory_space<vmem_shared>> -> memref<128x128xf32, #tpu.memory_space<vmem_shared>>
      tpu.wait_dma2 semaphore(%run_scoped3A : memref<!tpu.dma_semaphore, #tpu.memory_space<semaphore_mem>>) src(%dma_wait3A_29 : memref<128x128xf32, #tpu.memory_space<vmem_shared>>) dst(%arg8 : memref<128x128xf32, #tpu.memory_space<vmem>>)
      tpu.yield
    }) : () -> ()
    %add3A_22 = arith.constant 0 : i32
    %add3A_23 = arith.addi %multiple_of3A, %add3A_22 : i32
    "tpu.region"() ({
      %run_scoped3A = tpu.sem_alloc : memref<!tpu.dma_semaphore, #tpu.memory_space<semaphore_mem>>
      %dma_start3A = arith.constant 0 : i32
      %dma_start3A_24 = tpu.memref_slice %arg5[%arg0, %add3A_23, %dma_start3A] : memref<2x2048x128xf32, #tpu.memory_space<hbm>> -> memref<1x128x128xf32, #tpu.memory_space<hbm>>
      %dma_start3A_25 = tpu.memref_squeeze %dma_start3A_24 : memref<1x128x128xf32, #tpu.memory_space<hbm>> -> memref<128x128xf32, #tpu.memory_space<hbm>>
      %dma_start3A_26 = arith.constant 0 : i32
      %dma_start3A_27 = tpu.memref_slice %arg5[%arg0, %add3A_23, %dma_start3A_26] : memref<2x2048x128xf32, #tpu.memory_space<hbm>> -> memref<1x128x128xf32, #tpu.memory_space<hbm>>
      %dma_start3A_28 = tpu.memref_squeeze %dma_start3A_27 : memref<1x128x128xf32, #tpu.memory_space<hbm>> -> memref<128x128xf32, #tpu.memory_space<hbm>>
      tpu.enqueue_dma source(%arg8 : memref<128x128xf32, #tpu.memory_space<vmem>>) target(%dma_start3A_28 : memref<128x128xf32, #tpu.memory_space<hbm>>) target_semaphore(%run_scoped3A : memref<!tpu.dma_semaphore, #tpu.memory_space<semaphore_mem>>)
      %dma_wait3A = arith.constant 0 : i32
      %dma_wait3A_29 = tpu.memref_slice %arg5[%arg0, %add3A_23, %dma_wait3A] : memref<2x2048x128xf32, #tpu.memory_space<hbm>> -> memref<1x128x128xf32, #tpu.memory_space<hbm>>
      %dma_wait3A_30 = tpu.memref_squeeze %dma_wait3A_29 : memref<1x128x128xf32, #tpu.memory_space<hbm>> -> memref<128x128xf32, #tpu.memory_space<hbm>>
      %dma_wait3A_31 = arith.constant 0 : i32
      %dma_wait3A_32 = tpu.memref_slice %arg5[%arg0, %add3A_23, %dma_wait3A_31] : memref<2x2048x128xf32, #tpu.memory_space<hbm>> -> memref<1x128x128xf32, #tpu.memory_space<hbm>>
      %dma_wait3A_33 = tpu.memref_squeeze %dma_wait3A_32 : memref<1x128x128xf32, #tpu.memory_space<hbm>> -> memref<128x128xf32, #tpu.memory_space<hbm>>
      tpu.wait_dma2 semaphore(%run_scoped3A : memref<!tpu.dma_semaphore, #tpu.memory_space<semaphore_mem>>) src(%arg8 : memref<128x128xf32, #tpu.memory_space<vmem>>) dst(%dma_wait3A_33 : memref<128x128xf32, #tpu.memory_space<hbm>>)
      tpu.yield
    }) : () -> ()
    return
  }
}

#map = affine_map<(d0, d1) -> (0, 0)>
#map1 = affine_map<(d0, d1) -> (0)>
#map2 = affine_map<(d0, d1) -> (0, 0, 0)>
module attributes {stable_mosaic.version = 14 : i64} {
  func.func @k(%arg0: i32, %arg1: i32, %arg2: memref<10000x128xf32, #tpu.memory_space<hbm>>, %arg3: memref<323584xi32, #tpu.memory_space<hbm>>, %arg4: memref<323584xi32, #tpu.memory_space<hbm>>, %arg5: memref<2x10112x128xf32, #tpu.memory_space<hbm>>, %arg6: memref<128xi32, #tpu.memory_space<vmem>>, %arg7: memref<128xi32, #tpu.memory_space<vmem>>, %arg8: memref<128x128xf32, #tpu.memory_space<vmem>>, %arg9: memref<10112x128xf32, #tpu.memory_space<vmem_shared>>, %arg10: memref<!tpu.dma_semaphore, #tpu.memory_space<semaphore_mem>>) attributes {dimension_semantics = [#tpu.dimension_semantics<core_parallel>, #tpu.dimension_semantics<subcore_parallel>], iteration_bounds = array<i64: 2, 16>, scalar_prefetch = 0 : i64, scratch_operands = 5 : i64, tpu.core_type = #tpu.core_type<sc_vector_subcore>, window_params = [{transform_indices = #map}, {transform_indices = #map1}, {transform_indices = #map1}, {transform_indices = #map2}]} {
    %mul3A = arith.constant 2 : i32
    %mul3A_0 = arith.muli %arg1, %mul3A : i32
    %add3A = arith.addi %mul3A_0, %arg0 : i32
    %broadcast_in_dim3A = arith.constant 0.000000e+00 : f32
    %broadcast_in_dim3A_1 = vector.broadcast %broadcast_in_dim3A : f32 to vector<16xf32>
    %scan3A = arith.constant 0 : i32
    %scan3A_2 = arith.constant 0 : i32
    %scan3A_3 = arith.constant 128 : i32
    %scan3A_4 = arith.addi %scan3A_2, %scan3A_3 : i32
    %scan3A_5 = arith.constant 1 : i32
    scf.for %scan3A_48 = %scan3A_2 to %scan3A_4 step %scan3A_5  : i32 {
      %swap3A = arith.index_cast %scan3A_48 : i32 to index
      %swap3A_49 = arith.constant 0 : index
      %swap3A_50 = tpu.vector_load %arg8[%swap3A, %swap3A_49] {strides = array<i32>} : memref<128x128xf32, #tpu.memory_space<vmem>>, vector<1x16xf32>,
      %swap3A_51 = vector.shape_cast %swap3A_50 : vector<1x16xf32> to vector<16xf32>
      %swap3A_52 = vector.shape_cast %broadcast_in_dim3A_1 : vector<16xf32> to vector<1x16xf32>
      tpu.vector_store %arg8[%swap3A, %swap3A_49], %swap3A_52 {strides = array<i32>} : memref<128x128xf32, #tpu.memory_space<vmem>>, vector<1x16xf32>,
      %swap3A_53 = arith.index_cast %scan3A_48 : i32 to index
      %swap3A_54 = arith.constant 16 : index
      %swap3A_55 = tpu.vector_load %arg8[%swap3A_53, %swap3A_54] {strides = array<i32>} : memref<128x128xf32, #tpu.memory_space<vmem>>, vector<1x16xf32>,
      %swap3A_56 = vector.shape_cast %swap3A_55 : vector<1x16xf32> to vector<16xf32>
      %swap3A_57 = vector.shape_cast %broadcast_in_dim3A_1 : vector<16xf32> to vector<1x16xf32>
      tpu.vector_store %arg8[%swap3A_53, %swap3A_54], %swap3A_57 {strides = array<i32>} : memref<128x128xf32, #tpu.memory_space<vmem>>, vector<1x16xf32>,
      %swap3A_58 = arith.index_cast %scan3A_48 : i32 to index
      %swap3A_59 = arith.constant 32 : index
      %swap3A_60 = tpu.vector_load %arg8[%swap3A_58, %swap3A_59] {strides = array<i32>} : memref<128x128xf32, #tpu.memory_space<vmem>>, vector<1x16xf32>,
      %swap3A_61 = vector.shape_cast %swap3A_60 : vector<1x16xf32> to vector<16xf32>
      %swap3A_62 = vector.shape_cast %broadcast_in_dim3A_1 : vector<16xf32> to vector<1x16xf32>
      tpu.vector_store %arg8[%swap3A_58, %swap3A_59], %swap3A_62 {strides = array<i32>} : memref<128x128xf32, #tpu.memory_space<vmem>>, vector<1x16xf32>,
      %swap3A_63 = arith.index_cast %scan3A_48 : i32 to index
      %swap3A_64 = arith.constant 48 : index
      %swap3A_65 = tpu.vector_load %arg8[%swap3A_63, %swap3A_64] {strides = array<i32>} : memref<128x128xf32, #tpu.memory_space<vmem>>, vector<1x16xf32>,
      %swap3A_66 = vector.shape_cast %swap3A_65 : vector<1x16xf32> to vector<16xf32>
      %swap3A_67 = vector.shape_cast %broadcast_in_dim3A_1 : vector<16xf32> to vector<1x16xf32>
      tpu.vector_store %arg8[%swap3A_63, %swap3A_64], %swap3A_67 {strides = array<i32>} : memref<128x128xf32, #tpu.memory_space<vmem>>, vector<1x16xf32>,
      %swap3A_68 = arith.index_cast %scan3A_48 : i32 to index
      %swap3A_69 = arith.constant 64 : index
      %swap3A_70 = tpu.vector_load %arg8[%swap3A_68, %swap3A_69] {strides = array<i32>} : memref<128x128xf32, #tpu.memory_space<vmem>>, vector<1x16xf32>,
      %swap3A_71 = vector.shape_cast %swap3A_70 : vector<1x16xf32> to vector<16xf32>
      %swap3A_72 = vector.shape_cast %broadcast_in_dim3A_1 : vector<16xf32> to vector<1x16xf32>
      tpu.vector_store %arg8[%swap3A_68, %swap3A_69], %swap3A_72 {strides = array<i32>} : memref<128x128xf32, #tpu.memory_space<vmem>>, vector<1x16xf32>,
      %swap3A_73 = arith.index_cast %scan3A_48 : i32 to index
      %swap3A_74 = arith.constant 80 : index
      %swap3A_75 = tpu.vector_load %arg8[%swap3A_73, %swap3A_74] {strides = array<i32>} : memref<128x128xf32, #tpu.memory_space<vmem>>, vector<1x16xf32>,
      %swap3A_76 = vector.shape_cast %swap3A_75 : vector<1x16xf32> to vector<16xf32>
      %swap3A_77 = vector.shape_cast %broadcast_in_dim3A_1 : vector<16xf32> to vector<1x16xf32>
      tpu.vector_store %arg8[%swap3A_73, %swap3A_74], %swap3A_77 {strides = array<i32>} : memref<128x128xf32, #tpu.memory_space<vmem>>, vector<1x16xf32>,
      %swap3A_78 = arith.index_cast %scan3A_48 : i32 to index
      %swap3A_79 = arith.constant 96 : index
      %swap3A_80 = tpu.vector_load %arg8[%swap3A_78, %swap3A_79] {strides = array<i32>} : memref<128x128xf32, #tpu.memory_space<vmem>>, vector<1x16xf32>,
      %swap3A_81 = vector.shape_cast %swap3A_80 : vector<1x16xf32> to vector<16xf32>
      %swap3A_82 = vector.shape_cast %broadcast_in_dim3A_1 : vector<16xf32> to vector<1x16xf32>
      tpu.vector_store %arg8[%swap3A_78, %swap3A_79], %swap3A_82 {strides = array<i32>} : memref<128x128xf32, #tpu.memory_space<vmem>>, vector<1x16xf32>,
      %swap3A_83 = arith.index_cast %scan3A_48 : i32 to index
      %swap3A_84 = arith.constant 112 : index
      %swap3A_85 = tpu.vector_load %arg8[%swap3A_83, %swap3A_84] {strides = array<i32>} : memref<128x128xf32, #tpu.memory_space<vmem>>, vector<1x16xf32>,
      %swap3A_86 = vector.shape_cast %swap3A_85 : vector<1x16xf32> to vector<16xf32>
      %swap3A_87 = vector.shape_cast %broadcast_in_dim3A_1 : vector<16xf32> to vector<1x16xf32>
      tpu.vector_store %arg8[%swap3A_83, %swap3A_84], %swap3A_87 {strides = array<i32>} : memref<128x128xf32, #tpu.memory_space<vmem>>, vector<1x16xf32>,
    }
    %scan3A_6 = arith.constant 128 : i32
    %mul3A_7 = arith.constant 632 : i32
    %mul3A_8 = arith.muli %arg1, %mul3A_7 : i32
    %multiple_of3A = tpu.assume_multiple %mul3A_8, 8 : i32
    %add3A_9 = arith.constant 0 : i32
    %add3A_10 = arith.addi %multiple_of3A, %add3A_9 : i32
    "tpu.region"() ({
      %run_scoped3A = tpu.sem_alloc : memref<!tpu.dma_semaphore, #tpu.memory_space<semaphore_mem>>
      %dma_start3A = arith.constant 0 : i32
      %dma_start3A_48 = tpu.memref_slice %arg9[%add3A_10, %dma_start3A] : memref<10112x128xf32, #tpu.memory_space<vmem_shared>> -> memref<128x128xf32, #tpu.memory_space<vmem_shared>>
      %dma_start3A_49 = arith.constant 0 : i32
      %dma_start3A_50 = tpu.memref_slice %arg9[%add3A_10, %dma_start3A_49] : memref<10112x128xf32, #tpu.memory_space<vmem_shared>> -> memref<128x128xf32, #tpu.memory_space<vmem_shared>>
      tpu.enqueue_dma source(%arg8 : memref<128x128xf32, #tpu.memory_space<vmem>>) target(%dma_start3A_50 : memref<128x128xf32, #tpu.memory_space<vmem_shared>>) target_semaphore(%run_scoped3A : memref<!tpu.dma_semaphore, #tpu.memory_space<semaphore_mem>>)
      %dma_wait3A = arith.constant 0 : i32
      %dma_wait3A_51 = tpu.memref_slice %arg9[%add3A_10, %dma_wait3A] : memref<10112x128xf32, #tpu.memory_space<vmem_shared>> -> memref<128x128xf32, #tpu.memory_space<vmem_shared>>
      %dma_wait3A_52 = arith.constant 0 : i32
      %dma_wait3A_53 = tpu.memref_slice %arg9[%add3A_10, %dma_wait3A_52] : memref<10112x128xf32, #tpu.memory_space<vmem_shared>> -> memref<128x128xf32, #tpu.memory_space<vmem_shared>>
      tpu.wait_dma2 semaphore(%run_scoped3A : memref<!tpu.dma_semaphore, #tpu.memory_space<semaphore_mem>>) src(%arg8 : memref<128x128xf32, #tpu.memory_space<vmem>>) dst(%dma_wait3A_53 : memref<128x128xf32, #tpu.memory_space<vmem_shared>>)
      tpu.yield
    }) : () -> ()
    %add3A_11 = arith.constant 128 : i32
    %add3A_12 = arith.addi %multiple_of3A, %add3A_11 : i32
    "tpu.region"() ({
      %run_scoped3A = tpu.sem_alloc : memref<!tpu.dma_semaphore, #tpu.memory_space<semaphore_mem>>
      %dma_start3A = arith.constant 0 : i32
      %dma_start3A_48 = tpu.memref_slice %arg9[%add3A_12, %dma_start3A] : memref<10112x128xf32, #tpu.memory_space<vmem_shared>> -> memref<128x128xf32, #tpu.memory_space<vmem_shared>>
      %dma_start3A_49 = arith.constant 0 : i32
      %dma_start3A_50 = tpu.memref_slice %arg9[%add3A_12, %dma_start3A_49] : memref<10112x128xf32, #tpu.memory_space<vmem_shared>> -> memref<128x128xf32, #tpu.memory_space<vmem_shared>>
      tpu.enqueue_dma source(%arg8 : memref<128x128xf32, #tpu.memory_space<vmem>>) target(%dma_start3A_50 : memref<128x128xf32, #tpu.memory_space<vmem_shared>>) target_semaphore(%run_scoped3A : memref<!tpu.dma_semaphore, #tpu.memory_space<semaphore_mem>>)
      %dma_wait3A = arith.constant 0 : i32
      %dma_wait3A_51 = tpu.memref_slice %arg9[%add3A_12, %dma_wait3A] : memref<10112x128xf32, #tpu.memory_space<vmem_shared>> -> memref<128x128xf32, #tpu.memory_space<vmem_shared>>
      %dma_wait3A_52 = arith.constant 0 : i32
      %dma_wait3A_53 = tpu.memref_slice %arg9[%add3A_12, %dma_wait3A_52] : memref<10112x128xf32, #tpu.memory_space<vmem_shared>> -> memref<128x128xf32, #tpu.memory_space<vmem_shared>>
      tpu.wait_dma2 semaphore(%run_scoped3A : memref<!tpu.dma_semaphore, #tpu.memory_space<semaphore_mem>>) src(%arg8 : memref<128x128xf32, #tpu.memory_space<vmem>>) dst(%dma_wait3A_53 : memref<128x128xf32, #tpu.memory_space<vmem_shared>>)
      tpu.yield
    }) : () -> ()
    %add3A_13 = arith.constant 256 : i32
    %add3A_14 = arith.addi %multiple_of3A, %add3A_13 : i32
    "tpu.region"() ({
      %run_scoped3A = tpu.sem_alloc : memref<!tpu.dma_semaphore, #tpu.memory_space<semaphore_mem>>
      %dma_start3A = arith.constant 0 : i32
      %dma_start3A_48 = tpu.memref_slice %arg9[%add3A_14, %dma_start3A] : memref<10112x128xf32, #tpu.memory_space<vmem_shared>> -> memref<128x128xf32, #tpu.memory_space<vmem_shared>>
      %dma_start3A_49 = arith.constant 0 : i32
      %dma_start3A_50 = tpu.memref_slice %arg9[%add3A_14, %dma_start3A_49] : memref<10112x128xf32, #tpu.memory_space<vmem_shared>> -> memref<128x128xf32, #tpu.memory_space<vmem_shared>>
      tpu.enqueue_dma source(%arg8 : memref<128x128xf32, #tpu.memory_space<vmem>>) target(%dma_start3A_50 : memref<128x128xf32, #tpu.memory_space<vmem_shared>>) target_semaphore(%run_scoped3A : memref<!tpu.dma_semaphore, #tpu.memory_space<semaphore_mem>>)
      %dma_wait3A = arith.constant 0 : i32
      %dma_wait3A_51 = tpu.memref_slice %arg9[%add3A_14, %dma_wait3A] : memref<10112x128xf32, #tpu.memory_space<vmem_shared>> -> memref<128x128xf32, #tpu.memory_space<vmem_shared>>
      %dma_wait3A_52 = arith.constant 0 : i32
      %dma_wait3A_53 = tpu.memref_slice %arg9[%add3A_14, %dma_wait3A_52] : memref<10112x128xf32, #tpu.memory_space<vmem_shared>> -> memref<128x128xf32, #tpu.memory_space<vmem_shared>>
      tpu.wait_dma2 semaphore(%run_scoped3A : memref<!tpu.dma_semaphore, #tpu.memory_space<semaphore_mem>>) src(%arg8 : memref<128x128xf32, #tpu.memory_space<vmem>>) dst(%dma_wait3A_53 : memref<128x128xf32, #tpu.memory_space<vmem_shared>>)
      tpu.yield
    }) : () -> ()
    %add3A_15 = arith.constant 384 : i32
    %add3A_16 = arith.addi %multiple_of3A, %add3A_15 : i32
    "tpu.region"() ({
      %run_scoped3A = tpu.sem_alloc : memref<!tpu.dma_semaphore, #tpu.memory_space<semaphore_mem>>
      %dma_start3A = arith.constant 0 : i32
      %dma_start3A_48 = tpu.memref_slice %arg9[%add3A_16, %dma_start3A] : memref<10112x128xf32, #tpu.memory_space<vmem_shared>> -> memref<128x128xf32, #tpu.memory_space<vmem_shared>>
      %dma_start3A_49 = arith.constant 0 : i32
      %dma_start3A_50 = tpu.memref_slice %arg9[%add3A_16, %dma_start3A_49] : memref<10112x128xf32, #tpu.memory_space<vmem_shared>> -> memref<128x128xf32, #tpu.memory_space<vmem_shared>>
      tpu.enqueue_dma source(%arg8 : memref<128x128xf32, #tpu.memory_space<vmem>>) target(%dma_start3A_50 : memref<128x128xf32, #tpu.memory_space<vmem_shared>>) target_semaphore(%run_scoped3A : memref<!tpu.dma_semaphore, #tpu.memory_space<semaphore_mem>>)
      %dma_wait3A = arith.constant 0 : i32
      %dma_wait3A_51 = tpu.memref_slice %arg9[%add3A_16, %dma_wait3A] : memref<10112x128xf32, #tpu.memory_space<vmem_shared>> -> memref<128x128xf32, #tpu.memory_space<vmem_shared>>
      %dma_wait3A_52 = arith.constant 0 : i32
      %dma_wait3A_53 = tpu.memref_slice %arg9[%add3A_16, %dma_wait3A_52] : memref<10112x128xf32, #tpu.memory_space<vmem_shared>> -> memref<128x128xf32, #tpu.memory_space<vmem_shared>>
      tpu.wait_dma2 semaphore(%run_scoped3A : memref<!tpu.dma_semaphore, #tpu.memory_space<semaphore_mem>>) src(%arg8 : memref<128x128xf32, #tpu.memory_space<vmem>>) dst(%dma_wait3A_53 : memref<128x128xf32, #tpu.memory_space<vmem_shared>>)
      tpu.yield
    }) : () -> ()
    %add3A_17 = arith.constant 512 : i32
    %add3A_18 = arith.addi %multiple_of3A, %add3A_17 : i32
    "tpu.region"() ({
      %run_scoped3A = tpu.sem_alloc : memref<!tpu.dma_semaphore, #tpu.memory_space<semaphore_mem>>
      %dma_start3A = arith.constant 0 : i32
      %dma_start3A_48 = arith.constant 0 : i32
      %dma_start3A_49 = tpu.memref_slice %arg8[%dma_start3A, %dma_start3A_48] : memref<128x128xf32, #tpu.memory_space<vmem>> -> memref<120x128xf32, #tpu.memory_space<vmem>>
      %dma_start3A_50 = arith.constant 0 : i32
      %dma_start3A_51 = tpu.memref_slice %arg9[%add3A_18, %dma_start3A_50] : memref<10112x128xf32, #tpu.memory_space<vmem_shared>> -> memref<120x128xf32, #tpu.memory_space<vmem_shared>>
      %dma_start3A_52 = arith.constant 0 : i32
      %dma_start3A_53 = tpu.memref_slice %arg9[%add3A_18, %dma_start3A_52] : memref<10112x128xf32, #tpu.memory_space<vmem_shared>> -> memref<120x128xf32, #tpu.memory_space<vmem_shared>>
      %dma_start3A_54 = arith.constant 0 : i32
      %dma_start3A_55 = arith.constant 0 : i32
      %dma_start3A_56 = tpu.memref_slice %arg8[%dma_start3A_54, %dma_start3A_55] : memref<128x128xf32, #tpu.memory_space<vmem>> -> memref<120x128xf32, #tpu.memory_space<vmem>>
      tpu.enqueue_dma source(%dma_start3A_56 : memref<120x128xf32, #tpu.memory_space<vmem>>) target(%dma_start3A_53 : memref<120x128xf32, #tpu.memory_space<vmem_shared>>) target_semaphore(%run_scoped3A : memref<!tpu.dma_semaphore, #tpu.memory_space<semaphore_mem>>)
      %dma_wait3A = arith.constant 0 : i32
      %dma_wait3A_57 = arith.constant 0 : i32
      %dma_wait3A_58 = tpu.memref_slice %arg8[%dma_wait3A, %dma_wait3A_57] : memref<128x128xf32, #tpu.memory_space<vmem>> -> memref<120x128xf32, #tpu.memory_space<vmem>>
      %dma_wait3A_59 = arith.constant 0 : i32
      %dma_wait3A_60 = tpu.memref_slice %arg9[%add3A_18, %dma_wait3A_59] : memref<10112x128xf32, #tpu.memory_space<vmem_shared>> -> memref<120x128xf32, #tpu.memory_space<vmem_shared>>
      %dma_wait3A_61 = arith.constant 0 : i32
      %dma_wait3A_62 = tpu.memref_slice %arg9[%add3A_18, %dma_wait3A_61] : memref<10112x128xf32, #tpu.memory_space<vmem_shared>> -> memref<120x128xf32, #tpu.memory_space<vmem_shared>>
      %dma_wait3A_63 = arith.constant 0 : i32
      %dma_wait3A_64 = arith.constant 0 : i32
      %dma_wait3A_65 = tpu.memref_slice %arg8[%dma_wait3A_63, %dma_wait3A_64] : memref<128x128xf32, #tpu.memory_space<vmem>> -> memref<120x128xf32, #tpu.memory_space<vmem>>
      tpu.wait_dma2 semaphore(%run_scoped3A : memref<!tpu.dma_semaphore, #tpu.memory_space<semaphore_mem>>) src(%dma_wait3A_65 : memref<120x128xf32, #tpu.memory_space<vmem>>) dst(%dma_wait3A_62 : memref<120x128xf32, #tpu.memory_space<vmem_shared>>)
      tpu.yield
    }) : () -> ()
    %barrier3A = arith.constant 0 : index
    tpu.barrier barrier_id(%barrier3A)
    %mul3A_19 = arith.constant 10112 : i32
    %mul3A_20 = arith.muli %add3A, %mul3A_19 : i32
    %scan3A_21 = arith.constant 0 : i32
    %scan3A_22 = arith.constant 0 : i32
    %scan3A_23 = arith.constant 79 : i32
    %scan3A_24 = arith.addi %scan3A_22, %scan3A_23 : i32
    %scan3A_25 = arith.constant 1 : i32
    scf.for %scan3A_48 = %scan3A_22 to %scan3A_24 step %scan3A_25  : i32 {
      %mul3A_49 = arith.constant 128 : i32
      %mul3A_50 = arith.muli %scan3A_48, %mul3A_49 : i32
      %add3A_51 = arith.addi %mul3A_20, %mul3A_50 : i32
      %multiple_of3A_52 = tpu.assume_multiple %add3A_51, 8 : i32
      "tpu.region"() ({
        %run_scoped3A = tpu.sem_alloc : memref<!tpu.dma_semaphore, #tpu.memory_space<semaphore_mem>>
        %dma_start3A_57 = tpu.memref_slice %arg3[%multiple_of3A_52] : memref<323584xi32, #tpu.memory_space<hbm>> -> memref<128xi32, #tpu.memory_space<hbm>>
        %dma_start3A_58 = tpu.memref_slice %arg3[%multiple_of3A_52] : memref<323584xi32, #tpu.memory_space<hbm>> -> memref<128xi32, #tpu.memory_space<hbm>>
        tpu.enqueue_dma source(%dma_start3A_58 : memref<128xi32, #tpu.memory_space<hbm>>) target(%arg6 : memref<128xi32, #tpu.memory_space<vmem>>) target_semaphore(%run_scoped3A : memref<!tpu.dma_semaphore, #tpu.memory_space<semaphore_mem>>)
        %dma_wait3A_59 = tpu.memref_slice %arg3[%multiple_of3A_52] : memref<323584xi32, #tpu.memory_space<hbm>> -> memref<128xi32, #tpu.memory_space<hbm>>
        %dma_wait3A_60 = tpu.memref_slice %arg3[%multiple_of3A_52] : memref<323584xi32, #tpu.memory_space<hbm>> -> memref<128xi32, #tpu.memory_space<hbm>>
        tpu.wait_dma2 semaphore(%run_scoped3A : memref<!tpu.dma_semaphore, #tpu.memory_space<semaphore_mem>>) src(%dma_wait3A_60 : memref<128xi32, #tpu.memory_space<hbm>>) dst(%arg6 : memref<128xi32, #tpu.memory_space<vmem>>)
        tpu.yield
      }) : () -> ()
      "tpu.region"() ({
        %run_scoped3A = tpu.sem_alloc : memref<!tpu.dma_semaphore, #tpu.memory_space<semaphore_mem>>
        %dma_start3A_57 = tpu.memref_slice %arg4[%multiple_of3A_52] : memref<323584xi32, #tpu.memory_space<hbm>> -> memref<128xi32, #tpu.memory_space<hbm>>
        %dma_start3A_58 = tpu.memref_slice %arg4[%multiple_of3A_52] : memref<323584xi32, #tpu.memory_space<hbm>> -> memref<128xi32, #tpu.memory_space<hbm>>
        tpu.enqueue_dma source(%dma_start3A_58 : memref<128xi32, #tpu.memory_space<hbm>>) target(%arg7 : memref<128xi32, #tpu.memory_space<vmem>>) target_semaphore(%run_scoped3A : memref<!tpu.dma_semaphore, #tpu.memory_space<semaphore_mem>>)
        %dma_wait3A_59 = tpu.memref_slice %arg4[%multiple_of3A_52] : memref<323584xi32, #tpu.memory_space<hbm>> -> memref<128xi32, #tpu.memory_space<hbm>>
        %dma_wait3A_60 = tpu.memref_slice %arg4[%multiple_of3A_52] : memref<323584xi32, #tpu.memory_space<hbm>> -> memref<128xi32, #tpu.memory_space<hbm>>
        tpu.wait_dma2 semaphore(%run_scoped3A : memref<!tpu.dma_semaphore, #tpu.memory_space<semaphore_mem>>) src(%dma_wait3A_60 : memref<128xi32, #tpu.memory_space<hbm>>) dst(%arg7 : memref<128xi32, #tpu.memory_space<vmem>>)
        tpu.yield
      }) : () -> ()
      %dma_start3A = arith.constant 0 : i32
      %dma_start3A_53 = arith.constant 0 : i32
      %dma_start3A_54 = tpu.memref_slice %arg2[%dma_start3A, %dma_start3A_53] : memref<10000x128xf32, #tpu.memory_space<hbm>> -> memref<10000x128xf32, #tpu.memory_space<hbm>>
      tpu.enqueue_indirect_dma source(%dma_start3A_54 : memref<10000x128xf32, #tpu.memory_space<hbm>>) target(%arg8 : memref<128x128xf32, #tpu.memory_space<vmem>>) offsets(%arg6 : memref<128xi32, #tpu.memory_space<vmem>>) semaphore(%arg10 : memref<!tpu.dma_semaphore, #tpu.memory_space<semaphore_mem>>)
      %dma_wait3A = arith.constant 0 : i32
      %dma_wait3A_55 = arith.constant 0 : i32
      %dma_wait3A_56 = tpu.memref_slice %arg2[%dma_wait3A, %dma_wait3A_55] : memref<10000x128xf32, #tpu.memory_space<hbm>> -> memref<10000x128xf32, #tpu.memory_space<hbm>>
      tpu.wait_indirect_dma semaphore(%arg10 : memref<!tpu.dma_semaphore, #tpu.memory_space<semaphore_mem>>) src(%dma_wait3A_56 : memref<10000x128xf32, #tpu.memory_space<hbm>>) dst(%arg8 : memref<128x128xf32, #tpu.memory_space<vmem>>)
      "tpu.region"() ({
        %run_scoped3A = tpu.sem_alloc : memref<!tpu.dma_semaphore, #tpu.memory_space<semaphore_mem>>
        %dma_start3A_57 = arith.constant 0 : i32
        %dma_start3A_58 = arith.constant 0 : i32
        %dma_start3A_59 = tpu.memref_slice %arg9[%dma_start3A_57, %dma_start3A_58] : memref<10112x128xf32, #tpu.memory_space<vmem_shared>> -> memref<10112x128xf32, #tpu.memory_space<vmem_shared>>
        tpu.enqueue_indirect_dma source(%arg8 : memref<128x128xf32, #tpu.memory_space<vmem>>) target(%dma_start3A_59 : memref<10112x128xf32, #tpu.memory_space<vmem_shared>>) offsets(%arg7 : memref<128xi32, #tpu.memory_space<vmem>>) semaphore(%run_scoped3A : memref<!tpu.dma_semaphore, #tpu.memory_space<semaphore_mem>>) {add = true}
        %dma_wait3A_60 = arith.constant 0 : i32
        %dma_wait3A_61 = arith.constant 0 : i32
        %dma_wait3A_62 = tpu.memref_slice %arg9[%dma_wait3A_60, %dma_wait3A_61] : memref<10112x128xf32, #tpu.memory_space<vmem_shared>> -> memref<10112x128xf32, #tpu.memory_space<vmem_shared>>
        tpu.wait_indirect_dma semaphore(%run_scoped3A : memref<!tpu.dma_semaphore, #tpu.memory_space<semaphore_mem>>) src(%arg8 : memref<128x128xf32, #tpu.memory_space<vmem>>) dst(%dma_wait3A_62 : memref<10112x128xf32, #tpu.memory_space<vmem_shared>>)
        tpu.yield
      }) : () -> ()
    }
    %scan3A_26 = arith.constant 79 : i32
    %barrier3A_27 = arith.constant 0 : index
    tpu.barrier barrier_id(%barrier3A_27)
    %add3A_28 = arith.constant 0 : i32
    %add3A_29 = arith.addi %multiple_of3A, %add3A_28 : i32
    "tpu.region"() ({
      %run_scoped3A = tpu.sem_alloc : memref<!tpu.dma_semaphore, #tpu.memory_space<semaphore_mem>>
      %dma_start3A = arith.constant 0 : i32
      %dma_start3A_48 = tpu.memref_slice %arg9[%add3A_29, %dma_start3A] : memref<10112x128xf32, #tpu.memory_space<vmem_shared>> -> memref<128x128xf32, #tpu.memory_space<vmem_shared>>
      %dma_start3A_49 = arith.constant 0 : i32
      %dma_start3A_50 = tpu.memref_slice %arg9[%add3A_29, %dma_start3A_49] : memref<10112x128xf32, #tpu.memory_space<vmem_shared>> -> memref<128x128xf32, #tpu.memory_space<vmem_shared>>
      tpu.enqueue_dma source(%dma_start3A_50 : memref<128x128xf32, #tpu.memory_space<vmem_shared>>) target(%arg8 : memref<128x128xf32, #tpu.memory_space<vmem>>) target_semaphore(%run_scoped3A : memref<!tpu.dma_semaphore, #tpu.memory_space<semaphore_mem>>)
      %dma_wait3A = arith.constant 0 : i32
      %dma_wait3A_51 = tpu.memref_slice %arg9[%add3A_29, %dma_wait3A] : memref<10112x128xf32, #tpu.memory_space<vmem_shared>> -> memref<128x128xf32, #tpu.memory_space<vmem_shared>>
      %dma_wait3A_52 = arith.constant 0 : i32
      %dma_wait3A_53 = tpu.memref_slice %arg9[%add3A_29, %dma_wait3A_52] : memref<10112x128xf32, #tpu.memory_space<vmem_shared>> -> memref<128x128xf32, #tpu.memory_space<vmem_shared>>
      tpu.wait_dma2 semaphore(%run_scoped3A : memref<!tpu.dma_semaphore, #tpu.memory_space<semaphore_mem>>) src(%dma_wait3A_53 : memref<128x128xf32, #tpu.memory_space<vmem_shared>>) dst(%arg8 : memref<128x128xf32, #tpu.memory_space<vmem>>)
      tpu.yield
    }) : () -> ()
    %add3A_30 = arith.constant 0 : i32
    %add3A_31 = arith.addi %multiple_of3A, %add3A_30 : i32
    "tpu.region"() ({
      %run_scoped3A = tpu.sem_alloc : memref<!tpu.dma_semaphore, #tpu.memory_space<semaphore_mem>>
      %dma_start3A = arith.constant 0 : i32
      %dma_start3A_48 = tpu.memref_slice %arg5[%arg0, %add3A_31, %dma_start3A] : memref<2x10112x128xf32, #tpu.memory_space<hbm>> -> memref<1x128x128xf32, #tpu.memory_space<hbm>>
      %dma_start3A_49 = tpu.memref_squeeze %dma_start3A_48 : memref<1x128x128xf32, #tpu.memory_space<hbm>> -> memref<128x128xf32, #tpu.memory_space<hbm>>
      %dma_start3A_50 = arith.constant 0 : i32
      %dma_start3A_51 = tpu.memref_slice %arg5[%arg0, %add3A_31, %dma_start3A_50] : memref<2x10112x128xf32, #tpu.memory_space<hbm>> -> memref<1x128x128xf32, #tpu.memory_space<hbm>>
      %dma_start3A_52 = tpu.memref_squeeze %dma_start3A_51 : memref<1x128x128xf32, #tpu.memory_space<hbm>> -> memref<128x128xf32, #tpu.memory_space<hbm>>
      tpu.enqueue_dma source(%arg8 : memref<128x128xf32, #tpu.memory_space<vmem>>) target(%dma_start3A_52 : memref<128x128xf32, #tpu.memory_space<hbm>>) target_semaphore(%run_scoped3A : memref<!tpu.dma_semaphore, #tpu.memory_space<semaphore_mem>>)
      %dma_wait3A = arith.constant 0 : i32
      %dma_wait3A_53 = tpu.memref_slice %arg5[%arg0, %add3A_31, %dma_wait3A] : memref<2x10112x128xf32, #tpu.memory_space<hbm>> -> memref<1x128x128xf32, #tpu.memory_space<hbm>>
      %dma_wait3A_54 = tpu.memref_squeeze %dma_wait3A_53 : memref<1x128x128xf32, #tpu.memory_space<hbm>> -> memref<128x128xf32, #tpu.memory_space<hbm>>
      %dma_wait3A_55 = arith.constant 0 : i32
      %dma_wait3A_56 = tpu.memref_slice %arg5[%arg0, %add3A_31, %dma_wait3A_55] : memref<2x10112x128xf32, #tpu.memory_space<hbm>> -> memref<1x128x128xf32, #tpu.memory_space<hbm>>
      %dma_wait3A_57 = tpu.memref_squeeze %dma_wait3A_56 : memref<1x128x128xf32, #tpu.memory_space<hbm>> -> memref<128x128xf32, #tpu.memory_space<hbm>>
      tpu.wait_dma2 semaphore(%run_scoped3A : memref<!tpu.dma_semaphore, #tpu.memory_space<semaphore_mem>>) src(%arg8 : memref<128x128xf32, #tpu.memory_space<vmem>>) dst(%dma_wait3A_57 : memref<128x128xf32, #tpu.memory_space<hbm>>)
      tpu.yield
    }) : () -> ()
    %add3A_32 = arith.constant 128 : i32
    %add3A_33 = arith.addi %multiple_of3A, %add3A_32 : i32
    "tpu.region"() ({
      %run_scoped3A = tpu.sem_alloc : memref<!tpu.dma_semaphore, #tpu.memory_space<semaphore_mem>>
      %dma_start3A = arith.constant 0 : i32
      %dma_start3A_48 = tpu.memref_slice %arg9[%add3A_33, %dma_start3A] : memref<10112x128xf32, #tpu.memory_space<vmem_shared>> -> memref<128x128xf32, #tpu.memory_space<vmem_shared>>
      %dma_start3A_49 = arith.constant 0 : i32
      %dma_start3A_50 = tpu.memref_slice %arg9[%add3A_33, %dma_start3A_49] : memref<10112x128xf32, #tpu.memory_space<vmem_shared>> -> memref<128x128xf32, #tpu.memory_space<vmem_shared>>
      tpu.enqueue_dma source(%dma_start3A_50 : memref<128x128xf32, #tpu.memory_space<vmem_shared>>) target(%arg8 : memref<128x128xf32, #tpu.memory_space<vmem>>) target_semaphore(%run_scoped3A : memref<!tpu.dma_semaphore, #tpu.memory_space<semaphore_mem>>)
      %dma_wait3A = arith.constant 0 : i32
      %dma_wait3A_51 = tpu.memref_slice %arg9[%add3A_33, %dma_wait3A] : memref<10112x128xf32, #tpu.memory_space<vmem_shared>> -> memref<128x128xf32, #tpu.memory_space<vmem_shared>>
      %dma_wait3A_52 = arith.constant 0 : i32
      %dma_wait3A_53 = tpu.memref_slice %arg9[%add3A_33, %dma_wait3A_52] : memref<10112x128xf32, #tpu.memory_space<vmem_shared>> -> memref<128x128xf32, #tpu.memory_space<vmem_shared>>
      tpu.wait_dma2 semaphore(%run_scoped3A : memref<!tpu.dma_semaphore, #tpu.memory_space<semaphore_mem>>) src(%dma_wait3A_53 : memref<128x128xf32, #tpu.memory_space<vmem_shared>>) dst(%arg8 : memref<128x128xf32, #tpu.memory_space<vmem>>)
      tpu.yield
    }) : () -> ()
    %add3A_34 = arith.constant 128 : i32
    %add3A_35 = arith.addi %multiple_of3A, %add3A_34 : i32
    "tpu.region"() ({
      %run_scoped3A = tpu.sem_alloc : memref<!tpu.dma_semaphore, #tpu.memory_space<semaphore_mem>>
      %dma_start3A = arith.constant 0 : i32
      %dma_start3A_48 = tpu.memref_slice %arg5[%arg0, %add3A_35, %dma_start3A] : memref<2x10112x128xf32, #tpu.memory_space<hbm>> -> memref<1x128x128xf32, #tpu.memory_space<hbm>>
      %dma_start3A_49 = tpu.memref_squeeze %dma_start3A_48 : memref<1x128x128xf32, #tpu.memory_space<hbm>> -> memref<128x128xf32, #tpu.memory_space<hbm>>
      %dma_start3A_50 = arith.constant 0 : i32
      %dma_start3A_51 = tpu.memref_slice %arg5[%arg0, %add3A_35, %dma_start3A_50] : memref<2x10112x128xf32, #tpu.memory_space<hbm>> -> memref<1x128x128xf32, #tpu.memory_space<hbm>>
      %dma_start3A_52 = tpu.memref_squeeze %dma_start3A_51 : memref<1x128x128xf32, #tpu.memory_space<hbm>> -> memref<128x128xf32, #tpu.memory_space<hbm>>
      tpu.enqueue_dma source(%arg8 : memref<128x128xf32, #tpu.memory_space<vmem>>) target(%dma_start3A_52 : memref<128x128xf32, #tpu.memory_space<hbm>>) target_semaphore(%run_scoped3A : memref<!tpu.dma_semaphore, #tpu.memory_space<semaphore_mem>>)
      %dma_wait3A = arith.constant 0 : i32
      %dma_wait3A_53 = tpu.memref_slice %arg5[%arg0, %add3A_35, %dma_wait3A] : memref<2x10112x128xf32, #tpu.memory_space<hbm>> -> memref<1x128x128xf32, #tpu.memory_space<hbm>>
      %dma_wait3A_54 = tpu.memref_squeeze %dma_wait3A_53 : memref<1x128x128xf32, #tpu.memory_space<hbm>> -> memref<128x128xf32, #tpu.memory_space<hbm>>
      %dma_wait3A_55 = arith.constant 0 : i32
      %dma_wait3A_56 = tpu.memref_slice %arg5[%arg0, %add3A_35, %dma_wait3A_55] : memref<2x10112x128xf32, #tpu.memory_space<hbm>> -> memref<1x128x128xf32, #tpu.memory_space<hbm>>
      %dma_wait3A_57 = tpu.memref_squeeze %dma_wait3A_56 : memref<1x128x128xf32, #tpu.memory_space<hbm>> -> memref<128x128xf32, #tpu.memory_space<hbm>>
      tpu.wait_dma2 semaphore(%run_scoped3A : memref<!tpu.dma_semaphore, #tpu.memory_space<semaphore_mem>>) src(%arg8 : memref<128x128xf32, #tpu.memory_space<vmem>>) dst(%dma_wait3A_57 : memref<128x128xf32, #tpu.memory_space<hbm>>)
      tpu.yield
    }) : () -> ()
    %add3A_36 = arith.constant 256 : i32
    %add3A_37 = arith.addi %multiple_of3A, %add3A_36 : i32
    "tpu.region"() ({
      %run_scoped3A = tpu.sem_alloc : memref<!tpu.dma_semaphore, #tpu.memory_space<semaphore_mem>>
      %dma_start3A = arith.constant 0 : i32
      %dma_start3A_48 = tpu.memref_slice %arg9[%add3A_37, %dma_start3A] : memref<10112x128xf32, #tpu.memory_space<vmem_shared>> -> memref<128x128xf32, #tpu.memory_space<vmem_shared>>
      %dma_start3A_49 = arith.constant 0 : i32
      %dma_start3A_50 = tpu.memref_slice %arg9[%add3A_37, %dma_start3A_49] : memref<10112x128xf32, #tpu.memory_space<vmem_shared>> -> memref<128x128xf32, #tpu.memory_space<vmem_shared>>
      tpu.enqueue_dma source(%dma_start3A_50 : memref<128x128xf32, #tpu.memory_space<vmem_shared>>) target(%arg8 : memref<128x128xf32, #tpu.memory_space<vmem>>) target_semaphore(%run_scoped3A : memref<!tpu.dma_semaphore, #tpu.memory_space<semaphore_mem>>)
      %dma_wait3A = arith.constant 0 : i32
      %dma_wait3A_51 = tpu.memref_slice %arg9[%add3A_37, %dma_wait3A] : memref<10112x128xf32, #tpu.memory_space<vmem_shared>> -> memref<128x128xf32, #tpu.memory_space<vmem_shared>>
      %dma_wait3A_52 = arith.constant 0 : i32
      %dma_wait3A_53 = tpu.memref_slice %arg9[%add3A_37, %dma_wait3A_52] : memref<10112x128xf32, #tpu.memory_space<vmem_shared>> -> memref<128x128xf32, #tpu.memory_space<vmem_shared>>
      tpu.wait_dma2 semaphore(%run_scoped3A : memref<!tpu.dma_semaphore, #tpu.memory_space<semaphore_mem>>) src(%dma_wait3A_53 : memref<128x128xf32, #tpu.memory_space<vmem_shared>>) dst(%arg8 : memref<128x128xf32, #tpu.memory_space<vmem>>)
      tpu.yield
    }) : () -> ()
    %add3A_38 = arith.constant 256 : i32
    %add3A_39 = arith.addi %multiple_of3A, %add3A_38 : i32
    "tpu.region"() ({
      %run_scoped3A = tpu.sem_alloc : memref<!tpu.dma_semaphore, #tpu.memory_space<semaphore_mem>>
      %dma_start3A = arith.constant 0 : i32
      %dma_start3A_48 = tpu.memref_slice %arg5[%arg0, %add3A_39, %dma_start3A] : memref<2x10112x128xf32, #tpu.memory_space<hbm>> -> memref<1x128x128xf32, #tpu.memory_space<hbm>>
      %dma_start3A_49 = tpu.memref_squeeze %dma_start3A_48 : memref<1x128x128xf32, #tpu.memory_space<hbm>> -> memref<128x128xf32, #tpu.memory_space<hbm>>
      %dma_start3A_50 = arith.constant 0 : i32
      %dma_start3A_51 = tpu.memref_slice %arg5[%arg0, %add3A_39, %dma_start3A_50] : memref<2x10112x128xf32, #tpu.memory_space<hbm>> -> memref<1x128x128xf32, #tpu.memory_space<hbm>>
      %dma_start3A_52 = tpu.memref_squeeze %dma_start3A_51 : memref<1x128x128xf32, #tpu.memory_space<hbm>> -> memref<128x128xf32, #tpu.memory_space<hbm>>
      tpu.enqueue_dma source(%arg8 : memref<128x128xf32, #tpu.memory_space<vmem>>) target(%dma_start3A_52 : memref<128x128xf32, #tpu.memory_space<hbm>>) target_semaphore(%run_scoped3A : memref<!tpu.dma_semaphore, #tpu.memory_space<semaphore_mem>>)
      %dma_wait3A = arith.constant 0 : i32
      %dma_wait3A_53 = tpu.memref_slice %arg5[%arg0, %add3A_39, %dma_wait3A] : memref<2x10112x128xf32, #tpu.memory_space<hbm>> -> memref<1x128x128xf32, #tpu.memory_space<hbm>>
      %dma_wait3A_54 = tpu.memref_squeeze %dma_wait3A_53 : memref<1x128x128xf32, #tpu.memory_space<hbm>> -> memref<128x128xf32, #tpu.memory_space<hbm>>
      %dma_wait3A_55 = arith.constant 0 : i32
      %dma_wait3A_56 = tpu.memref_slice %arg5[%arg0, %add3A_39, %dma_wait3A_55] : memref<2x10112x128xf32, #tpu.memory_space<hbm>> -> memref<1x128x128xf32, #tpu.memory_space<hbm>>
      %dma_wait3A_57 = tpu.memref_squeeze %dma_wait3A_56 : memref<1x128x128xf32, #tpu.memory_space<hbm>> -> memref<128x128xf32, #tpu.memory_space<hbm>>
      tpu.wait_dma2 semaphore(%run_scoped3A : memref<!tpu.dma_semaphore, #tpu.memory_space<semaphore_mem>>) src(%arg8 : memref<128x128xf32, #tpu.memory_space<vmem>>) dst(%dma_wait3A_57 : memref<128x128xf32, #tpu.memory_space<hbm>>)
      tpu.yield
    }) : () -> ()
    %add3A_40 = arith.constant 384 : i32
    %add3A_41 = arith.addi %multiple_of3A, %add3A_40 : i32
    "tpu.region"() ({
      %run_scoped3A = tpu.sem_alloc : memref<!tpu.dma_semaphore, #tpu.memory_space<semaphore_mem>>
      %dma_start3A = arith.constant 0 : i32
      %dma_start3A_48 = tpu.memref_slice %arg9[%add3A_41, %dma_start3A] : memref<10112x128xf32, #tpu.memory_space<vmem_shared>> -> memref<128x128xf32, #tpu.memory_space<vmem_shared>>
      %dma_start3A_49 = arith.constant 0 : i32
      %dma_start3A_50 = tpu.memref_slice %arg9[%add3A_41, %dma_start3A_49] : memref<10112x128xf32, #tpu.memory_space<vmem_shared>> -> memref<128x128xf32, #tpu.memory_space<vmem_shared>>
      tpu.enqueue_dma source(%dma_start3A_50 : memref<128x128xf32, #tpu.memory_space<vmem_shared>>) target(%arg8 : memref<128x128xf32, #tpu.memory_space<vmem>>) target_semaphore(%run_scoped3A : memref<!tpu.dma_semaphore, #tpu.memory_space<semaphore_mem>>)
      %dma_wait3A = arith.constant 0 : i32
      %dma_wait3A_51 = tpu.memref_slice %arg9[%add3A_41, %dma_wait3A] : memref<10112x128xf32, #tpu.memory_space<vmem_shared>> -> memref<128x128xf32, #tpu.memory_space<vmem_shared>>
      %dma_wait3A_52 = arith.constant 0 : i32
      %dma_wait3A_53 = tpu.memref_slice %arg9[%add3A_41, %dma_wait3A_52] : memref<10112x128xf32, #tpu.memory_space<vmem_shared>> -> memref<128x128xf32, #tpu.memory_space<vmem_shared>>
      tpu.wait_dma2 semaphore(%run_scoped3A : memref<!tpu.dma_semaphore, #tpu.memory_space<semaphore_mem>>) src(%dma_wait3A_53 : memref<128x128xf32, #tpu.memory_space<vmem_shared>>) dst(%arg8 : memref<128x128xf32, #tpu.memory_space<vmem>>)
      tpu.yield
    }) : () -> ()
    %add3A_42 = arith.constant 384 : i32
    %add3A_43 = arith.addi %multiple_of3A, %add3A_42 : i32
    "tpu.region"() ({
      %run_scoped3A = tpu.sem_alloc : memref<!tpu.dma_semaphore, #tpu.memory_space<semaphore_mem>>
      %dma_start3A = arith.constant 0 : i32
      %dma_start3A_48 = tpu.memref_slice %arg5[%arg0, %add3A_43, %dma_start3A] : memref<2x10112x128xf32, #tpu.memory_space<hbm>> -> memref<1x128x128xf32, #tpu.memory_space<hbm>>
      %dma_start3A_49 = tpu.memref_squeeze %dma_start3A_48 : memref<1x128x128xf32, #tpu.memory_space<hbm>> -> memref<128x128xf32, #tpu.memory_space<hbm>>
      %dma_start3A_50 = arith.constant 0 : i32
      %dma_start3A_51 = tpu.memref_slice %arg5[%arg0, %add3A_43, %dma_start3A_50] : memref<2x10112x128xf32, #tpu.memory_space<hbm>> -> memref<1x128x128xf32, #tpu.memory_space<hbm>>
      %dma_start3A_52 = tpu.memref_squeeze %dma_start3A_51 : memref<1x128x128xf32, #tpu.memory_space<hbm>> -> memref<128x128xf32, #tpu.memory_space<hbm>>
      tpu.enqueue_dma source(%arg8 : memref<128x128xf32, #tpu.memory_space<vmem>>) target(%dma_start3A_52 : memref<128x128xf32, #tpu.memory_space<hbm>>) target_semaphore(%run_scoped3A : memref<!tpu.dma_semaphore, #tpu.memory_space<semaphore_mem>>)
      %dma_wait3A = arith.constant 0 : i32
      %dma_wait3A_53 = tpu.memref_slice %arg5[%arg0, %add3A_43, %dma_wait3A] : memref<2x10112x128xf32, #tpu.memory_space<hbm>> -> memref<1x128x128xf32, #tpu.memory_space<hbm>>
      %dma_wait3A_54 = tpu.memref_squeeze %dma_wait3A_53 : memref<1x128x128xf32, #tpu.memory_space<hbm>> -> memref<128x128xf32, #tpu.memory_space<hbm>>
      %dma_wait3A_55 = arith.constant 0 : i32
      %dma_wait3A_56 = tpu.memref_slice %arg5[%arg0, %add3A_43, %dma_wait3A_55] : memref<2x10112x128xf32, #tpu.memory_space<hbm>> -> memref<1x128x128xf32, #tpu.memory_space<hbm>>
      %dma_wait3A_57 = tpu.memref_squeeze %dma_wait3A_56 : memref<1x128x128xf32, #tpu.memory_space<hbm>> -> memref<128x128xf32, #tpu.memory_space<hbm>>
      tpu.wait_dma2 semaphore(%run_scoped3A : memref<!tpu.dma_semaphore, #tpu.memory_space<semaphore_mem>>) src(%arg8 : memref<128x128xf32, #tpu.memory_space<vmem>>) dst(%dma_wait3A_57 : memref<128x128xf32, #tpu.memory_space<hbm>>)
      tpu.yield
    }) : () -> ()
    %add3A_44 = arith.constant 512 : i32
    %add3A_45 = arith.addi %multiple_of3A, %add3A_44 : i32
    "tpu.region"() ({
      %run_scoped3A = tpu.sem_alloc : memref<!tpu.dma_semaphore, #tpu.memory_space<semaphore_mem>>
      %dma_start3A = arith.constant 0 : i32
      %dma_start3A_48 = arith.constant 0 : i32
      %dma_start3A_49 = tpu.memref_slice %arg8[%dma_start3A, %dma_start3A_48] : memref<128x128xf32, #tpu.memory_space<vmem>> -> memref<120x128xf32, #tpu.memory_space<vmem>>
      %dma_start3A_50 = arith.constant 0 : i32
      %dma_start3A_51 = tpu.memref_slice %arg9[%add3A_45, %dma_start3A_50] : memref<10112x128xf32, #tpu.memory_space<vmem_shared>> -> memref<120x128xf32, #tpu.memory_space<vmem_shared>>
      %dma_start3A_52 = arith.constant 0 : i32
      %dma_start3A_53 = arith.constant 0 : i32
      %dma_start3A_54 = tpu.memref_slice %arg8[%dma_start3A_52, %dma_start3A_53] : memref<128x128xf32, #tpu.memory_space<vmem>> -> memref<120x128xf32, #tpu.memory_space<vmem>>
      %dma_start3A_55 = arith.constant 0 : i32
      %dma_start3A_56 = tpu.memref_slice %arg9[%add3A_45, %dma_start3A_55] : memref<10112x128xf32, #tpu.memory_space<vmem_shared>> -> memref<120x128xf32, #tpu.memory_space<vmem_shared>>
      tpu.enqueue_dma source(%dma_start3A_56 : memref<120x128xf32, #tpu.memory_space<vmem_shared>>) target(%dma_start3A_54 : memref<120x128xf32, #tpu.memory_space<vmem>>) target_semaphore(%run_scoped3A : memref<!tpu.dma_semaphore, #tpu.memory_space<semaphore_mem>>)
      %dma_wait3A = arith.constant 0 : i32
      %dma_wait3A_57 = arith.constant 0 : i32
      %dma_wait3A_58 = tpu.memref_slice %arg8[%dma_wait3A, %dma_wait3A_57] : memref<128x128xf32, #tpu.memory_space<vmem>> -> memref<120x128xf32, #tpu.memory_space<vmem>>
      %dma_wait3A_59 = arith.constant 0 : i32
      %dma_wait3A_60 = tpu.memref_slice %arg9[%add3A_45, %dma_wait3A_59] : memref<10112x128xf32, #tpu.memory_space<vmem_shared>> -> memref<120x128xf32, #tpu.memory_space<vmem_shared>>
      %dma_wait3A_61 = arith.constant 0 : i32
      %dma_wait3A_62 = arith.constant 0 : i32
      %dma_wait3A_63 = tpu.memref_slice %arg8[%dma_wait3A_61, %dma_wait3A_62] : memref<128x128xf32, #tpu.memory_space<vmem>> -> memref<120x128xf32, #tpu.memory_space<vmem>>
      %dma_wait3A_64 = arith.constant 0 : i32
      %dma_wait3A_65 = tpu.memref_slice %arg9[%add3A_45, %dma_wait3A_64] : memref<10112x128xf32, #tpu.memory_space<vmem_shared>> -> memref<120x128xf32, #tpu.memory_space<vmem_shared>>
      tpu.wait_dma2 semaphore(%run_scoped3A : memref<!tpu.dma_semaphore, #tpu.memory_space<semaphore_mem>>) src(%dma_wait3A_65 : memref<120x128xf32, #tpu.memory_space<vmem_shared>>) dst(%dma_wait3A_63 : memref<120x128xf32, #tpu.memory_space<vmem>>)
      tpu.yield
    }) : () -> ()
    %add3A_46 = arith.constant 512 : i32
    %add3A_47 = arith.addi %multiple_of3A, %add3A_46 : i32
    "tpu.region"() ({
      %run_scoped3A = tpu.sem_alloc : memref<!tpu.dma_semaphore, #tpu.memory_space<semaphore_mem>>
      %dma_start3A = arith.constant 0 : i32
      %dma_start3A_48 = arith.constant 0 : i32
      %dma_start3A_49 = tpu.memref_slice %arg8[%dma_start3A, %dma_start3A_48] : memref<128x128xf32, #tpu.memory_space<vmem>> -> memref<120x128xf32, #tpu.memory_space<vmem>>
      %dma_start3A_50 = arith.constant 0 : i32
      %dma_start3A_51 = tpu.memref_slice %arg5[%arg0, %add3A_47, %dma_start3A_50] : memref<2x10112x128xf32, #tpu.memory_space<hbm>> -> memref<1x120x128xf32, #tpu.memory_space<hbm>>
      %dma_start3A_52 = tpu.memref_squeeze %dma_start3A_51 : memref<1x120x128xf32, #tpu.memory_space<hbm>> -> memref<120x128xf32, #tpu.memory_space<hbm>>
      %dma_start3A_53 = arith.constant 0 : i32
      %dma_start3A_54 = tpu.memref_slice %arg5[%arg0, %add3A_47, %dma_start3A_53] : memref<2x10112x128xf32, #tpu.memory_space<hbm>> -> memref<1x120x128xf32, #tpu.memory_space<hbm>>
      %dma_start3A_55 = tpu.memref_squeeze %dma_start3A_54 : memref<1x120x128xf32, #tpu.memory_space<hbm>> -> memref<120x128xf32, #tpu.memory_space<hbm>>
      %dma_start3A_56 = arith.constant 0 : i32
      %dma_start3A_57 = arith.constant 0 : i32
      %dma_start3A_58 = tpu.memref_slice %arg8[%dma_start3A_56, %dma_start3A_57] : memref<128x128xf32, #tpu.memory_space<vmem>> -> memref<120x128xf32, #tpu.memory_space<vmem>>
      tpu.enqueue_dma source(%dma_start3A_58 : memref<120x128xf32, #tpu.memory_space<vmem>>) target(%dma_start3A_55 : memref<120x128xf32, #tpu.memory_space<hbm>>) target_semaphore(%run_scoped3A : memref<!tpu.dma_semaphore, #tpu.memory_space<semaphore_mem>>)
      %dma_wait3A = arith.constant 0 : i32
      %dma_wait3A_59 = arith.constant 0 : i32
      %dma_wait3A_60 = tpu.memref_slice %arg8[%dma_wait3A, %dma_wait3A_59] : memref<128x128xf32, #tpu.memory_space<vmem>> -> memref<120x128xf32, #tpu.memory_space<vmem>>
      %dma_wait3A_61 = arith.constant 0 : i32
      %dma_wait3A_62 = tpu.memref_slice %arg5[%arg0, %add3A_47, %dma_wait3A_61] : memref<2x10112x128xf32, #tpu.memory_space<hbm>> -> memref<1x120x128xf32, #tpu.memory_space<hbm>>
      %dma_wait3A_63 = tpu.memref_squeeze %dma_wait3A_62 : memref<1x120x128xf32, #tpu.memory_space<hbm>> -> memref<120x128xf32, #tpu.memory_space<hbm>>
      %dma_wait3A_64 = arith.constant 0 : i32
      %dma_wait3A_65 = tpu.memref_slice %arg5[%arg0, %add3A_47, %dma_wait3A_64] : memref<2x10112x128xf32, #tpu.memory_space<hbm>> -> memref<1x120x128xf32, #tpu.memory_space<hbm>>
      %dma_wait3A_66 = tpu.memref_squeeze %dma_wait3A_65 : memref<1x120x128xf32, #tpu.memory_space<hbm>> -> memref<120x128xf32, #tpu.memory_space<hbm>>
      %dma_wait3A_67 = arith.constant 0 : i32
      %dma_wait3A_68 = arith.constant 0 : i32
      %dma_wait3A_69 = tpu.memref_slice %arg8[%dma_wait3A_67, %dma_wait3A_68] : memref<128x128xf32, #tpu.memory_space<vmem>> -> memref<120x128xf32, #tpu.memory_space<vmem>>
      tpu.wait_dma2 semaphore(%run_scoped3A : memref<!tpu.dma_semaphore, #tpu.memory_space<semaphore_mem>>) src(%dma_wait3A_69 : memref<120x128xf32, #tpu.memory_space<vmem>>) dst(%dma_wait3A_66 : memref<120x128xf32, #tpu.memory_space<hbm>>)
      tpu.yield
    }) : () -> ()
    return
  }
}

#map = affine_map<(d0, d1) -> (0, 0)>
#map1 = affine_map<(d0, d1) -> (0, 0, 0)>
module attributes {stable_mosaic.version = 14 : i64} {
  func.func @k(%arg0: i32, %arg1: i32, %arg2: memref<2x323584xi32, #tpu.memory_space<hbm>>, %arg3: memref<2x10112x128xf32, #tpu.memory_space<hbm>>, %arg4: memref<128xi32, #tpu.memory_space<vmem>>, %arg5: memref<128x128xf32, #tpu.memory_space<vmem>>, %arg6: memref<10112x128xf32, #tpu.memory_space<vmem_shared>>) attributes {dimension_semantics = [#tpu.dimension_semantics<core_parallel>, #tpu.dimension_semantics<subcore_parallel>], iteration_bounds = array<i64: 2, 16>, scalar_prefetch = 0 : i64, scratch_operands = 3 : i64, tpu.core_type = #tpu.core_type<sc_vector_subcore>, window_params = [{transform_indices = #map}, {transform_indices = #map1}]} {
    %broadcast_in_dim3A = arith.constant 0.000000e+00 : f32
    %broadcast_in_dim3A_0 = vector.broadcast %broadcast_in_dim3A : f32 to vector<16xf32>
    %broadcast_in_dim3A_1 = arith.constant 1.000000e+00 : f32
    %broadcast_in_dim3A_2 = vector.broadcast %broadcast_in_dim3A_1 : f32 to vector<16xf32>
    %scan3A = arith.constant 0 : i32
    %scan3A_3 = arith.constant 0 : i32
    %scan3A_4 = arith.constant 128 : i32
    %scan3A_5 = arith.addi %scan3A_3, %scan3A_4 : i32
    %scan3A_6 = arith.constant 1 : i32
    scf.for %scan3A_53 = %scan3A_3 to %scan3A_5 step %scan3A_6  : i32 {
      %swap3A = arith.index_cast %scan3A_53 : i32 to index
      %swap3A_54 = arith.constant 0 : index
      %swap3A_55 = tpu.vector_load %arg5[%swap3A, %swap3A_54] {strides = array<i32>} : memref<128x128xf32, #tpu.memory_space<vmem>>, vector<1x16xf32>,
      %swap3A_56 = vector.shape_cast %swap3A_55 : vector<1x16xf32> to vector<16xf32>
      %swap3A_57 = vector.shape_cast %broadcast_in_dim3A_0 : vector<16xf32> to vector<1x16xf32>
      tpu.vector_store %arg5[%swap3A, %swap3A_54], %swap3A_57 {strides = array<i32>} : memref<128x128xf32, #tpu.memory_space<vmem>>, vector<1x16xf32>,
      %swap3A_58 = arith.index_cast %scan3A_53 : i32 to index
      %swap3A_59 = arith.constant 16 : index
      %swap3A_60 = tpu.vector_load %arg5[%swap3A_58, %swap3A_59] {strides = array<i32>} : memref<128x128xf32, #tpu.memory_space<vmem>>, vector<1x16xf32>,
      %swap3A_61 = vector.shape_cast %swap3A_60 : vector<1x16xf32> to vector<16xf32>
      %swap3A_62 = vector.shape_cast %broadcast_in_dim3A_0 : vector<16xf32> to vector<1x16xf32>
      tpu.vector_store %arg5[%swap3A_58, %swap3A_59], %swap3A_62 {strides = array<i32>} : memref<128x128xf32, #tpu.memory_space<vmem>>, vector<1x16xf32>,
      %swap3A_63 = arith.index_cast %scan3A_53 : i32 to index
      %swap3A_64 = arith.constant 32 : index
      %swap3A_65 = tpu.vector_load %arg5[%swap3A_63, %swap3A_64] {strides = array<i32>} : memref<128x128xf32, #tpu.memory_space<vmem>>, vector<1x16xf32>,
      %swap3A_66 = vector.shape_cast %swap3A_65 : vector<1x16xf32> to vector<16xf32>
      %swap3A_67 = vector.shape_cast %broadcast_in_dim3A_0 : vector<16xf32> to vector<1x16xf32>
      tpu.vector_store %arg5[%swap3A_63, %swap3A_64], %swap3A_67 {strides = array<i32>} : memref<128x128xf32, #tpu.memory_space<vmem>>, vector<1x16xf32>,
      %swap3A_68 = arith.index_cast %scan3A_53 : i32 to index
      %swap3A_69 = arith.constant 48 : index
      %swap3A_70 = tpu.vector_load %arg5[%swap3A_68, %swap3A_69] {strides = array<i32>} : memref<128x128xf32, #tpu.memory_space<vmem>>, vector<1x16xf32>,
      %swap3A_71 = vector.shape_cast %swap3A_70 : vector<1x16xf32> to vector<16xf32>
      %swap3A_72 = vector.shape_cast %broadcast_in_dim3A_0 : vector<16xf32> to vector<1x16xf32>
      tpu.vector_store %arg5[%swap3A_68, %swap3A_69], %swap3A_72 {strides = array<i32>} : memref<128x128xf32, #tpu.memory_space<vmem>>, vector<1x16xf32>,
      %swap3A_73 = arith.index_cast %scan3A_53 : i32 to index
      %swap3A_74 = arith.constant 64 : index
      %swap3A_75 = tpu.vector_load %arg5[%swap3A_73, %swap3A_74] {strides = array<i32>} : memref<128x128xf32, #tpu.memory_space<vmem>>, vector<1x16xf32>,
      %swap3A_76 = vector.shape_cast %swap3A_75 : vector<1x16xf32> to vector<16xf32>
      %swap3A_77 = vector.shape_cast %broadcast_in_dim3A_0 : vector<16xf32> to vector<1x16xf32>
      tpu.vector_store %arg5[%swap3A_73, %swap3A_74], %swap3A_77 {strides = array<i32>} : memref<128x128xf32, #tpu.memory_space<vmem>>, vector<1x16xf32>,
      %swap3A_78 = arith.index_cast %scan3A_53 : i32 to index
      %swap3A_79 = arith.constant 80 : index
      %swap3A_80 = tpu.vector_load %arg5[%swap3A_78, %swap3A_79] {strides = array<i32>} : memref<128x128xf32, #tpu.memory_space<vmem>>, vector<1x16xf32>,
      %swap3A_81 = vector.shape_cast %swap3A_80 : vector<1x16xf32> to vector<16xf32>
      %swap3A_82 = vector.shape_cast %broadcast_in_dim3A_0 : vector<16xf32> to vector<1x16xf32>
      tpu.vector_store %arg5[%swap3A_78, %swap3A_79], %swap3A_82 {strides = array<i32>} : memref<128x128xf32, #tpu.memory_space<vmem>>, vector<1x16xf32>,
      %swap3A_83 = arith.index_cast %scan3A_53 : i32 to index
      %swap3A_84 = arith.constant 96 : index
      %swap3A_85 = tpu.vector_load %arg5[%swap3A_83, %swap3A_84] {strides = array<i32>} : memref<128x128xf32, #tpu.memory_space<vmem>>, vector<1x16xf32>,
      %swap3A_86 = vector.shape_cast %swap3A_85 : vector<1x16xf32> to vector<16xf32>
      %swap3A_87 = vector.shape_cast %broadcast_in_dim3A_0 : vector<16xf32> to vector<1x16xf32>
      tpu.vector_store %arg5[%swap3A_83, %swap3A_84], %swap3A_87 {strides = array<i32>} : memref<128x128xf32, #tpu.memory_space<vmem>>, vector<1x16xf32>,
      %swap3A_88 = arith.index_cast %scan3A_53 : i32 to index
      %swap3A_89 = arith.constant 112 : index
      %swap3A_90 = tpu.vector_load %arg5[%swap3A_88, %swap3A_89] {strides = array<i32>} : memref<128x128xf32, #tpu.memory_space<vmem>>, vector<1x16xf32>,
      %swap3A_91 = vector.shape_cast %swap3A_90 : vector<1x16xf32> to vector<16xf32>
      %swap3A_92 = vector.shape_cast %broadcast_in_dim3A_0 : vector<16xf32> to vector<1x16xf32>
      tpu.vector_store %arg5[%swap3A_88, %swap3A_89], %swap3A_92 {strides = array<i32>} : memref<128x128xf32, #tpu.memory_space<vmem>>, vector<1x16xf32>,
    }
    %scan3A_7 = arith.constant 128 : i32
    %mul3A = arith.constant 632 : i32
    %mul3A_8 = arith.muli %arg1, %mul3A : i32
    %multiple_of3A = tpu.assume_multiple %mul3A_8, 8 : i32
    %add3A = arith.constant 0 : i32
    %add3A_9 = arith.addi %multiple_of3A, %add3A : i32
    "tpu.region"() ({
      %run_scoped3A = tpu.sem_alloc : memref<!tpu.dma_semaphore, #tpu.memory_space<semaphore_mem>>
      %dma_start3A = arith.constant 0 : i32
      %dma_start3A_53 = tpu.memref_slice %arg6[%add3A_9, %dma_start3A] : memref<10112x128xf32, #tpu.memory_space<vmem_shared>> -> memref<128x128xf32, #tpu.memory_space<vmem_shared>>
      %dma_start3A_54 = arith.constant 0 : i32
      %dma_start3A_55 = tpu.memref_slice %arg6[%add3A_9, %dma_start3A_54] : memref<10112x128xf32, #tpu.memory_space<vmem_shared>> -> memref<128x128xf32, #tpu.memory_space<vmem_shared>>
      tpu.enqueue_dma source(%arg5 : memref<128x128xf32, #tpu.memory_space<vmem>>) target(%dma_start3A_55 : memref<128x128xf32, #tpu.memory_space<vmem_shared>>) target_semaphore(%run_scoped3A : memref<!tpu.dma_semaphore, #tpu.memory_space<semaphore_mem>>)
      %dma_wait3A = arith.constant 0 : i32
      %dma_wait3A_56 = tpu.memref_slice %arg6[%add3A_9, %dma_wait3A] : memref<10112x128xf32, #tpu.memory_space<vmem_shared>> -> memref<128x128xf32, #tpu.memory_space<vmem_shared>>
      %dma_wait3A_57 = arith.constant 0 : i32
      %dma_wait3A_58 = tpu.memref_slice %arg6[%add3A_9, %dma_wait3A_57] : memref<10112x128xf32, #tpu.memory_space<vmem_shared>> -> memref<128x128xf32, #tpu.memory_space<vmem_shared>>
      tpu.wait_dma2 semaphore(%run_scoped3A : memref<!tpu.dma_semaphore, #tpu.memory_space<semaphore_mem>>) src(%arg5 : memref<128x128xf32, #tpu.memory_space<vmem>>) dst(%dma_wait3A_58 : memref<128x128xf32, #tpu.memory_space<vmem_shared>>)
      tpu.yield
    }) : () -> ()
    %add3A_10 = arith.constant 128 : i32
    %add3A_11 = arith.addi %multiple_of3A, %add3A_10 : i32
    "tpu.region"() ({
      %run_scoped3A = tpu.sem_alloc : memref<!tpu.dma_semaphore, #tpu.memory_space<semaphore_mem>>
      %dma_start3A = arith.constant 0 : i32
      %dma_start3A_53 = tpu.memref_slice %arg6[%add3A_11, %dma_start3A] : memref<10112x128xf32, #tpu.memory_space<vmem_shared>> -> memref<128x128xf32, #tpu.memory_space<vmem_shared>>
      %dma_start3A_54 = arith.constant 0 : i32
      %dma_start3A_55 = tpu.memref_slice %arg6[%add3A_11, %dma_start3A_54] : memref<10112x128xf32, #tpu.memory_space<vmem_shared>> -> memref<128x128xf32, #tpu.memory_space<vmem_shared>>
      tpu.enqueue_dma source(%arg5 : memref<128x128xf32, #tpu.memory_space<vmem>>) target(%dma_start3A_55 : memref<128x128xf32, #tpu.memory_space<vmem_shared>>) target_semaphore(%run_scoped3A : memref<!tpu.dma_semaphore, #tpu.memory_space<semaphore_mem>>)
      %dma_wait3A = arith.constant 0 : i32
      %dma_wait3A_56 = tpu.memref_slice %arg6[%add3A_11, %dma_wait3A] : memref<10112x128xf32, #tpu.memory_space<vmem_shared>> -> memref<128x128xf32, #tpu.memory_space<vmem_shared>>
      %dma_wait3A_57 = arith.constant 0 : i32
      %dma_wait3A_58 = tpu.memref_slice %arg6[%add3A_11, %dma_wait3A_57] : memref<10112x128xf32, #tpu.memory_space<vmem_shared>> -> memref<128x128xf32, #tpu.memory_space<vmem_shared>>
      tpu.wait_dma2 semaphore(%run_scoped3A : memref<!tpu.dma_semaphore, #tpu.memory_space<semaphore_mem>>) src(%arg5 : memref<128x128xf32, #tpu.memory_space<vmem>>) dst(%dma_wait3A_58 : memref<128x128xf32, #tpu.memory_space<vmem_shared>>)
      tpu.yield
    }) : () -> ()
    %add3A_12 = arith.constant 256 : i32
    %add3A_13 = arith.addi %multiple_of3A, %add3A_12 : i32
    "tpu.region"() ({
      %run_scoped3A = tpu.sem_alloc : memref<!tpu.dma_semaphore, #tpu.memory_space<semaphore_mem>>
      %dma_start3A = arith.constant 0 : i32
      %dma_start3A_53 = tpu.memref_slice %arg6[%add3A_13, %dma_start3A] : memref<10112x128xf32, #tpu.memory_space<vmem_shared>> -> memref<128x128xf32, #tpu.memory_space<vmem_shared>>
      %dma_start3A_54 = arith.constant 0 : i32
      %dma_start3A_55 = tpu.memref_slice %arg6[%add3A_13, %dma_start3A_54] : memref<10112x128xf32, #tpu.memory_space<vmem_shared>> -> memref<128x128xf32, #tpu.memory_space<vmem_shared>>
      tpu.enqueue_dma source(%arg5 : memref<128x128xf32, #tpu.memory_space<vmem>>) target(%dma_start3A_55 : memref<128x128xf32, #tpu.memory_space<vmem_shared>>) target_semaphore(%run_scoped3A : memref<!tpu.dma_semaphore, #tpu.memory_space<semaphore_mem>>)
      %dma_wait3A = arith.constant 0 : i32
      %dma_wait3A_56 = tpu.memref_slice %arg6[%add3A_13, %dma_wait3A] : memref<10112x128xf32, #tpu.memory_space<vmem_shared>> -> memref<128x128xf32, #tpu.memory_space<vmem_shared>>
      %dma_wait3A_57 = arith.constant 0 : i32
      %dma_wait3A_58 = tpu.memref_slice %arg6[%add3A_13, %dma_wait3A_57] : memref<10112x128xf32, #tpu.memory_space<vmem_shared>> -> memref<128x128xf32, #tpu.memory_space<vmem_shared>>
      tpu.wait_dma2 semaphore(%run_scoped3A : memref<!tpu.dma_semaphore, #tpu.memory_space<semaphore_mem>>) src(%arg5 : memref<128x128xf32, #tpu.memory_space<vmem>>) dst(%dma_wait3A_58 : memref<128x128xf32, #tpu.memory_space<vmem_shared>>)
      tpu.yield
    }) : () -> ()
    %add3A_14 = arith.constant 384 : i32
    %add3A_15 = arith.addi %multiple_of3A, %add3A_14 : i32
    "tpu.region"() ({
      %run_scoped3A = tpu.sem_alloc : memref<!tpu.dma_semaphore, #tpu.memory_space<semaphore_mem>>
      %dma_start3A = arith.constant 0 : i32
      %dma_start3A_53 = tpu.memref_slice %arg6[%add3A_15, %dma_start3A] : memref<10112x128xf32, #tpu.memory_space<vmem_shared>> -> memref<128x128xf32, #tpu.memory_space<vmem_shared>>
      %dma_start3A_54 = arith.constant 0 : i32
      %dma_start3A_55 = tpu.memref_slice %arg6[%add3A_15, %dma_start3A_54] : memref<10112x128xf32, #tpu.memory_space<vmem_shared>> -> memref<128x128xf32, #tpu.memory_space<vmem_shared>>
      tpu.enqueue_dma source(%arg5 : memref<128x128xf32, #tpu.memory_space<vmem>>) target(%dma_start3A_55 : memref<128x128xf32, #tpu.memory_space<vmem_shared>>) target_semaphore(%run_scoped3A : memref<!tpu.dma_semaphore, #tpu.memory_space<semaphore_mem>>)
      %dma_wait3A = arith.constant 0 : i32
      %dma_wait3A_56 = tpu.memref_slice %arg6[%add3A_15, %dma_wait3A] : memref<10112x128xf32, #tpu.memory_space<vmem_shared>> -> memref<128x128xf32, #tpu.memory_space<vmem_shared>>
      %dma_wait3A_57 = arith.constant 0 : i32
      %dma_wait3A_58 = tpu.memref_slice %arg6[%add3A_15, %dma_wait3A_57] : memref<10112x128xf32, #tpu.memory_space<vmem_shared>> -> memref<128x128xf32, #tpu.memory_space<vmem_shared>>
      tpu.wait_dma2 semaphore(%run_scoped3A : memref<!tpu.dma_semaphore, #tpu.memory_space<semaphore_mem>>) src(%arg5 : memref<128x128xf32, #tpu.memory_space<vmem>>) dst(%dma_wait3A_58 : memref<128x128xf32, #tpu.memory_space<vmem_shared>>)
      tpu.yield
    }) : () -> ()
    %add3A_16 = arith.constant 512 : i32
    %add3A_17 = arith.addi %multiple_of3A, %add3A_16 : i32
    "tpu.region"() ({
      %run_scoped3A = tpu.sem_alloc : memref<!tpu.dma_semaphore, #tpu.memory_space<semaphore_mem>>
      %dma_start3A = arith.constant 0 : i32
      %dma_start3A_53 = arith.constant 0 : i32
      %dma_start3A_54 = tpu.memref_slice %arg5[%dma_start3A, %dma_start3A_53] : memref<128x128xf32, #tpu.memory_space<vmem>> -> memref<120x128xf32, #tpu.memory_space<vmem>>
      %dma_start3A_55 = arith.constant 0 : i32
      %dma_start3A_56 = tpu.memref_slice %arg6[%add3A_17, %dma_start3A_55] : memref<10112x128xf32, #tpu.memory_space<vmem_shared>> -> memref<120x128xf32, #tpu.memory_space<vmem_shared>>
      %dma_start3A_57 = arith.constant 0 : i32
      %dma_start3A_58 = tpu.memref_slice %arg6[%add3A_17, %dma_start3A_57] : memref<10112x128xf32, #tpu.memory_space<vmem_shared>> -> memref<120x128xf32, #tpu.memory_space<vmem_shared>>
      %dma_start3A_59 = arith.constant 0 : i32
      %dma_start3A_60 = arith.constant 0 : i32
      %dma_start3A_61 = tpu.memref_slice %arg5[%dma_start3A_59, %dma_start3A_60] : memref<128x128xf32, #tpu.memory_space<vmem>> -> memref<120x128xf32, #tpu.memory_space<vmem>>
      tpu.enqueue_dma source(%dma_start3A_61 : memref<120x128xf32, #tpu.memory_space<vmem>>) target(%dma_start3A_58 : memref<120x128xf32, #tpu.memory_space<vmem_shared>>) target_semaphore(%run_scoped3A : memref<!tpu.dma_semaphore, #tpu.memory_space<semaphore_mem>>)
      %dma_wait3A = arith.constant 0 : i32
      %dma_wait3A_62 = arith.constant 0 : i32
      %dma_wait3A_63 = tpu.memref_slice %arg5[%dma_wait3A, %dma_wait3A_62] : memref<128x128xf32, #tpu.memory_space<vmem>> -> memref<120x128xf32, #tpu.memory_space<vmem>>
      %dma_wait3A_64 = arith.constant 0 : i32
      %dma_wait3A_65 = tpu.memref_slice %arg6[%add3A_17, %dma_wait3A_64] : memref<10112x128xf32, #tpu.memory_space<vmem_shared>> -> memref<120x128xf32, #tpu.memory_space<vmem_shared>>
      %dma_wait3A_66 = arith.constant 0 : i32
      %dma_wait3A_67 = tpu.memref_slice %arg6[%add3A_17, %dma_wait3A_66] : memref<10112x128xf32, #tpu.memory_space<vmem_shared>> -> memref<120x128xf32, #tpu.memory_space<vmem_shared>>
      %dma_wait3A_68 = arith.constant 0 : i32
      %dma_wait3A_69 = arith.constant 0 : i32
      %dma_wait3A_70 = tpu.memref_slice %arg5[%dma_wait3A_68, %dma_wait3A_69] : memref<128x128xf32, #tpu.memory_space<vmem>> -> memref<120x128xf32, #tpu.memory_space<vmem>>
      tpu.wait_dma2 semaphore(%run_scoped3A : memref<!tpu.dma_semaphore, #tpu.memory_space<semaphore_mem>>) src(%dma_wait3A_70 : memref<120x128xf32, #tpu.memory_space<vmem>>) dst(%dma_wait3A_67 : memref<120x128xf32, #tpu.memory_space<vmem_shared>>)
      tpu.yield
    }) : () -> ()
    %scan3A_18 = arith.constant 0 : i32
    %scan3A_19 = arith.constant 0 : i32
    %scan3A_20 = arith.constant 128 : i32
    %scan3A_21 = arith.addi %scan3A_19, %scan3A_20 : i32
    %scan3A_22 = arith.constant 1 : i32
    scf.for %scan3A_53 = %scan3A_19 to %scan3A_21 step %scan3A_22  : i32 {
      %swap3A = arith.index_cast %scan3A_53 : i32 to index
      %swap3A_54 = arith.constant 0 : index
      %swap3A_55 = tpu.vector_load %arg5[%swap3A, %swap3A_54] {strides = array<i32>} : memref<128x128xf32, #tpu.memory_space<vmem>>, vector<1x16xf32>,
      %swap3A_56 = vector.shape_cast %swap3A_55 : vector<1x16xf32> to vector<16xf32>
      %swap3A_57 = vector.shape_cast %broadcast_in_dim3A_2 : vector<16xf32> to vector<1x16xf32>
      tpu.vector_store %arg5[%swap3A, %swap3A_54], %swap3A_57 {strides = array<i32>} : memref<128x128xf32, #tpu.memory_space<vmem>>, vector<1x16xf32>,
      %swap3A_58 = arith.index_cast %scan3A_53 : i32 to index
      %swap3A_59 = arith.constant 16 : index
      %swap3A_60 = tpu.vector_load %arg5[%swap3A_58, %swap3A_59] {strides = array<i32>} : memref<128x128xf32, #tpu.memory_space<vmem>>, vector<1x16xf32>,
      %swap3A_61 = vector.shape_cast %swap3A_60 : vector<1x16xf32> to vector<16xf32>
      %swap3A_62 = vector.shape_cast %broadcast_in_dim3A_2 : vector<16xf32> to vector<1x16xf32>
      tpu.vector_store %arg5[%swap3A_58, %swap3A_59], %swap3A_62 {strides = array<i32>} : memref<128x128xf32, #tpu.memory_space<vmem>>, vector<1x16xf32>,
      %swap3A_63 = arith.index_cast %scan3A_53 : i32 to index
      %swap3A_64 = arith.constant 32 : index
      %swap3A_65 = tpu.vector_load %arg5[%swap3A_63, %swap3A_64] {strides = array<i32>} : memref<128x128xf32, #tpu.memory_space<vmem>>, vector<1x16xf32>,
      %swap3A_66 = vector.shape_cast %swap3A_65 : vector<1x16xf32> to vector<16xf32>
      %swap3A_67 = vector.shape_cast %broadcast_in_dim3A_2 : vector<16xf32> to vector<1x16xf32>
      tpu.vector_store %arg5[%swap3A_63, %swap3A_64], %swap3A_67 {strides = array<i32>} : memref<128x128xf32, #tpu.memory_space<vmem>>, vector<1x16xf32>,
      %swap3A_68 = arith.index_cast %scan3A_53 : i32 to index
      %swap3A_69 = arith.constant 48 : index
      %swap3A_70 = tpu.vector_load %arg5[%swap3A_68, %swap3A_69] {strides = array<i32>} : memref<128x128xf32, #tpu.memory_space<vmem>>, vector<1x16xf32>,
      %swap3A_71 = vector.shape_cast %swap3A_70 : vector<1x16xf32> to vector<16xf32>
      %swap3A_72 = vector.shape_cast %broadcast_in_dim3A_2 : vector<16xf32> to vector<1x16xf32>
      tpu.vector_store %arg5[%swap3A_68, %swap3A_69], %swap3A_72 {strides = array<i32>} : memref<128x128xf32, #tpu.memory_space<vmem>>, vector<1x16xf32>,
      %swap3A_73 = arith.index_cast %scan3A_53 : i32 to index
      %swap3A_74 = arith.constant 64 : index
      %swap3A_75 = tpu.vector_load %arg5[%swap3A_73, %swap3A_74] {strides = array<i32>} : memref<128x128xf32, #tpu.memory_space<vmem>>, vector<1x16xf32>,
      %swap3A_76 = vector.shape_cast %swap3A_75 : vector<1x16xf32> to vector<16xf32>
      %swap3A_77 = vector.shape_cast %broadcast_in_dim3A_2 : vector<16xf32> to vector<1x16xf32>
      tpu.vector_store %arg5[%swap3A_73, %swap3A_74], %swap3A_77 {strides = array<i32>} : memref<128x128xf32, #tpu.memory_space<vmem>>, vector<1x16xf32>,
      %swap3A_78 = arith.index_cast %scan3A_53 : i32 to index
      %swap3A_79 = arith.constant 80 : index
      %swap3A_80 = tpu.vector_load %arg5[%swap3A_78, %swap3A_79] {strides = array<i32>} : memref<128x128xf32, #tpu.memory_space<vmem>>, vector<1x16xf32>,
      %swap3A_81 = vector.shape_cast %swap3A_80 : vector<1x16xf32> to vector<16xf32>
      %swap3A_82 = vector.shape_cast %broadcast_in_dim3A_2 : vector<16xf32> to vector<1x16xf32>
      tpu.vector_store %arg5[%swap3A_78, %swap3A_79], %swap3A_82 {strides = array<i32>} : memref<128x128xf32, #tpu.memory_space<vmem>>, vector<1x16xf32>,
      %swap3A_83 = arith.index_cast %scan3A_53 : i32 to index
      %swap3A_84 = arith.constant 96 : index
      %swap3A_85 = tpu.vector_load %arg5[%swap3A_83, %swap3A_84] {strides = array<i32>} : memref<128x128xf32, #tpu.memory_space<vmem>>, vector<1x16xf32>,
      %swap3A_86 = vector.shape_cast %swap3A_85 : vector<1x16xf32> to vector<16xf32>
      %swap3A_87 = vector.shape_cast %broadcast_in_dim3A_2 : vector<16xf32> to vector<1x16xf32>
      tpu.vector_store %arg5[%swap3A_83, %swap3A_84], %swap3A_87 {strides = array<i32>} : memref<128x128xf32, #tpu.memory_space<vmem>>, vector<1x16xf32>,
      %swap3A_88 = arith.index_cast %scan3A_53 : i32 to index
      %swap3A_89 = arith.constant 112 : index
      %swap3A_90 = tpu.vector_load %arg5[%swap3A_88, %swap3A_89] {strides = array<i32>} : memref<128x128xf32, #tpu.memory_space<vmem>>, vector<1x16xf32>,
      %swap3A_91 = vector.shape_cast %swap3A_90 : vector<1x16xf32> to vector<16xf32>
      %swap3A_92 = vector.shape_cast %broadcast_in_dim3A_2 : vector<16xf32> to vector<1x16xf32>
      tpu.vector_store %arg5[%swap3A_88, %swap3A_89], %swap3A_92 {strides = array<i32>} : memref<128x128xf32, #tpu.memory_space<vmem>>, vector<1x16xf32>,
    }
    %scan3A_23 = arith.constant 128 : i32
    %barrier3A = arith.constant 0 : index
    tpu.barrier barrier_id(%barrier3A)
    %mul3A_24 = arith.constant 20224 : i32
    %mul3A_25 = arith.muli %arg1, %mul3A_24 : i32
    %scan3A_26 = arith.constant 0 : i32
    %scan3A_27 = arith.constant 0 : i32
    %scan3A_28 = arith.constant 158 : i32
    %scan3A_29 = arith.addi %scan3A_27, %scan3A_28 : i32
    %scan3A_30 = arith.constant 1 : i32
    scf.for %scan3A_53 = %scan3A_27 to %scan3A_29 step %scan3A_30  : i32 {
      %mul3A_54 = arith.constant 128 : i32
      %mul3A_55 = arith.muli %scan3A_53, %mul3A_54 : i32
      %add3A_56 = arith.addi %mul3A_25, %mul3A_55 : i32
      %multiple_of3A_57 = tpu.assume_multiple %add3A_56, 8 : i32
      "tpu.region"() ({
        %run_scoped3A = tpu.sem_alloc : memref<!tpu.dma_semaphore, #tpu.memory_space<semaphore_mem>>
        %dma_start3A = tpu.memref_slice %arg2[%arg0, %multiple_of3A_57] : memref<2x323584xi32, #tpu.memory_space<hbm>> -> memref<1x128xi32, #tpu.memory_space<hbm>>
        %dma_start3A_58 = tpu.memref_squeeze %dma_start3A : memref<1x128xi32, #tpu.memory_space<hbm>> -> memref<128xi32, #tpu.memory_space<hbm>>
        %dma_start3A_59 = tpu.memref_slice %arg2[%arg0, %multiple_of3A_57] : memref<2x323584xi32, #tpu.memory_space<hbm>> -> memref<1x128xi32, #tpu.memory_space<hbm>>
        %dma_start3A_60 = tpu.memref_squeeze %dma_start3A_59 : memref<1x128xi32, #tpu.memory_space<hbm>> -> memref<128xi32, #tpu.memory_space<hbm>>
        tpu.enqueue_dma source(%dma_start3A_60 : memref<128xi32, #tpu.memory_space<hbm>>) target(%arg4 : memref<128xi32, #tpu.memory_space<vmem>>) target_semaphore(%run_scoped3A : memref<!tpu.dma_semaphore, #tpu.memory_space<semaphore_mem>>)
        %dma_wait3A = tpu.memref_slice %arg2[%arg0, %multiple_of3A_57] : memref<2x323584xi32, #tpu.memory_space<hbm>> -> memref<1x128xi32, #tpu.memory_space<hbm>>
        %dma_wait3A_61 = tpu.memref_squeeze %dma_wait3A : memref<1x128xi32, #tpu.memory_space<hbm>> -> memref<128xi32, #tpu.memory_space<hbm>>
        %dma_wait3A_62 = tpu.memref_slice %arg2[%arg0, %multiple_of3A_57] : memref<2x323584xi32, #tpu.memory_space<hbm>> -> memref<1x128xi32, #tpu.memory_space<hbm>>
        %dma_wait3A_63 = tpu.memref_squeeze %dma_wait3A_62 : memref<1x128xi32, #tpu.memory_space<hbm>> -> memref<128xi32, #tpu.memory_space<hbm>>
        tpu.wait_dma2 semaphore(%run_scoped3A : memref<!tpu.dma_semaphore, #tpu.memory_space<semaphore_mem>>) src(%dma_wait3A_63 : memref<128xi32, #tpu.memory_space<hbm>>) dst(%arg4 : memref<128xi32, #tpu.memory_space<vmem>>)
        tpu.yield
      }) : () -> ()
      "tpu.region"() ({
        %run_scoped3A = tpu.sem_alloc : memref<!tpu.dma_semaphore, #tpu.memory_space<semaphore_mem>>
        %dma_start3A = arith.constant 0 : i32
        %dma_start3A_58 = arith.constant 0 : i32
        %dma_start3A_59 = tpu.memref_slice %arg6[%dma_start3A, %dma_start3A_58] : memref<10112x128xf32, #tpu.memory_space<vmem_shared>> -> memref<10112x128xf32, #tpu.memory_space<vmem_shared>>
        tpu.enqueue_indirect_dma source(%arg5 : memref<128x128xf32, #tpu.memory_space<vmem>>) target(%dma_start3A_59 : memref<10112x128xf32, #tpu.memory_space<vmem_shared>>) offsets(%arg4 : memref<128xi32, #tpu.memory_space<vmem>>) semaphore(%run_scoped3A : memref<!tpu.dma_semaphore, #tpu.memory_space<semaphore_mem>>) {add = true}
        %dma_wait3A = arith.constant 0 : i32
        %dma_wait3A_60 = arith.constant 0 : i32
        %dma_wait3A_61 = tpu.memref_slice %arg6[%dma_wait3A, %dma_wait3A_60] : memref<10112x128xf32, #tpu.memory_space<vmem_shared>> -> memref<10112x128xf32, #tpu.memory_space<vmem_shared>>
        tpu.wait_indirect_dma semaphore(%run_scoped3A : memref<!tpu.dma_semaphore, #tpu.memory_space<semaphore_mem>>) src(%arg5 : memref<128x128xf32, #tpu.memory_space<vmem>>) dst(%dma_wait3A_61 : memref<10112x128xf32, #tpu.memory_space<vmem_shared>>)
        tpu.yield
      }) : () -> ()
    }
    %scan3A_31 = arith.constant 158 : i32
    %barrier3A_32 = arith.constant 0 : index
    tpu.barrier barrier_id(%barrier3A_32)
    %add3A_33 = arith.constant 0 : i32
    %add3A_34 = arith.addi %multiple_of3A, %add3A_33 : i32
    "tpu.region"() ({
      %run_scoped3A = tpu.sem_alloc : memref<!tpu.dma_semaphore, #tpu.memory_space<semaphore_mem>>
      %dma_start3A = arith.constant 0 : i32
      %dma_start3A_53 = tpu.memref_slice %arg6[%add3A_34, %dma_start3A] : memref<10112x128xf32, #tpu.memory_space<vmem_shared>> -> memref<128x128xf32, #tpu.memory_space<vmem_shared>>
      %dma_start3A_54 = arith.constant 0 : i32
      %dma_start3A_55 = tpu.memref_slice %arg6[%add3A_34, %dma_start3A_54] : memref<10112x128xf32, #tpu.memory_space<vmem_shared>> -> memref<128x128xf32, #tpu.memory_space<vmem_shared>>
      tpu.enqueue_dma source(%dma_start3A_55 : memref<128x128xf32, #tpu.memory_space<vmem_shared>>) target(%arg5 : memref<128x128xf32, #tpu.memory_space<vmem>>) target_semaphore(%run_scoped3A : memref<!tpu.dma_semaphore, #tpu.memory_space<semaphore_mem>>)
      %dma_wait3A = arith.constant 0 : i32
      %dma_wait3A_56 = tpu.memref_slice %arg6[%add3A_34, %dma_wait3A] : memref<10112x128xf32, #tpu.memory_space<vmem_shared>> -> memref<128x128xf32, #tpu.memory_space<vmem_shared>>
      %dma_wait3A_57 = arith.constant 0 : i32
      %dma_wait3A_58 = tpu.memref_slice %arg6[%add3A_34, %dma_wait3A_57] : memref<10112x128xf32, #tpu.memory_space<vmem_shared>> -> memref<128x128xf32, #tpu.memory_space<vmem_shared>>
      tpu.wait_dma2 semaphore(%run_scoped3A : memref<!tpu.dma_semaphore, #tpu.memory_space<semaphore_mem>>) src(%dma_wait3A_58 : memref<128x128xf32, #tpu.memory_space<vmem_shared>>) dst(%arg5 : memref<128x128xf32, #tpu.memory_space<vmem>>)
      tpu.yield
    }) : () -> ()
    %add3A_35 = arith.constant 0 : i32
    %add3A_36 = arith.addi %multiple_of3A, %add3A_35 : i32
    "tpu.region"() ({
      %run_scoped3A = tpu.sem_alloc : memref<!tpu.dma_semaphore, #tpu.memory_space<semaphore_mem>>
      %dma_start3A = arith.constant 0 : i32
      %dma_start3A_53 = tpu.memref_slice %arg3[%arg0, %add3A_36, %dma_start3A] : memref<2x10112x128xf32, #tpu.memory_space<hbm>> -> memref<1x128x128xf32, #tpu.memory_space<hbm>>
      %dma_start3A_54 = tpu.memref_squeeze %dma_start3A_53 : memref<1x128x128xf32, #tpu.memory_space<hbm>> -> memref<128x128xf32, #tpu.memory_space<hbm>>
      %dma_start3A_55 = arith.constant 0 : i32
      %dma_start3A_56 = tpu.memref_slice %arg3[%arg0, %add3A_36, %dma_start3A_55] : memref<2x10112x128xf32, #tpu.memory_space<hbm>> -> memref<1x128x128xf32, #tpu.memory_space<hbm>>
      %dma_start3A_57 = tpu.memref_squeeze %dma_start3A_56 : memref<1x128x128xf32, #tpu.memory_space<hbm>> -> memref<128x128xf32, #tpu.memory_space<hbm>>
      tpu.enqueue_dma source(%arg5 : memref<128x128xf32, #tpu.memory_space<vmem>>) target(%dma_start3A_57 : memref<128x128xf32, #tpu.memory_space<hbm>>) target_semaphore(%run_scoped3A : memref<!tpu.dma_semaphore, #tpu.memory_space<semaphore_mem>>)
      %dma_wait3A = arith.constant 0 : i32
      %dma_wait3A_58 = tpu.memref_slice %arg3[%arg0, %add3A_36, %dma_wait3A] : memref<2x10112x128xf32, #tpu.memory_space<hbm>> -> memref<1x128x128xf32, #tpu.memory_space<hbm>>
      %dma_wait3A_59 = tpu.memref_squeeze %dma_wait3A_58 : memref<1x128x128xf32, #tpu.memory_space<hbm>> -> memref<128x128xf32, #tpu.memory_space<hbm>>
      %dma_wait3A_60 = arith.constant 0 : i32
      %dma_wait3A_61 = tpu.memref_slice %arg3[%arg0, %add3A_36, %dma_wait3A_60] : memref<2x10112x128xf32, #tpu.memory_space<hbm>> -> memref<1x128x128xf32, #tpu.memory_space<hbm>>
      %dma_wait3A_62 = tpu.memref_squeeze %dma_wait3A_61 : memref<1x128x128xf32, #tpu.memory_space<hbm>> -> memref<128x128xf32, #tpu.memory_space<hbm>>
      tpu.wait_dma2 semaphore(%run_scoped3A : memref<!tpu.dma_semaphore, #tpu.memory_space<semaphore_mem>>) src(%arg5 : memref<128x128xf32, #tpu.memory_space<vmem>>) dst(%dma_wait3A_62 : memref<128x128xf32, #tpu.memory_space<hbm>>)
      tpu.yield
    }) : () -> ()
    %add3A_37 = arith.constant 128 : i32
    %add3A_38 = arith.addi %multiple_of3A, %add3A_37 : i32
    "tpu.region"() ({
      %run_scoped3A = tpu.sem_alloc : memref<!tpu.dma_semaphore, #tpu.memory_space<semaphore_mem>>
      %dma_start3A = arith.constant 0 : i32
      %dma_start3A_53 = tpu.memref_slice %arg6[%add3A_38, %dma_start3A] : memref<10112x128xf32, #tpu.memory_space<vmem_shared>> -> memref<128x128xf32, #tpu.memory_space<vmem_shared>>
      %dma_start3A_54 = arith.constant 0 : i32
      %dma_start3A_55 = tpu.memref_slice %arg6[%add3A_38, %dma_start3A_54] : memref<10112x128xf32, #tpu.memory_space<vmem_shared>> -> memref<128x128xf32, #tpu.memory_space<vmem_shared>>
      tpu.enqueue_dma source(%dma_start3A_55 : memref<128x128xf32, #tpu.memory_space<vmem_shared>>) target(%arg5 : memref<128x128xf32, #tpu.memory_space<vmem>>) target_semaphore(%run_scoped3A : memref<!tpu.dma_semaphore, #tpu.memory_space<semaphore_mem>>)
      %dma_wait3A = arith.constant 0 : i32
      %dma_wait3A_56 = tpu.memref_slice %arg6[%add3A_38, %dma_wait3A] : memref<10112x128xf32, #tpu.memory_space<vmem_shared>> -> memref<128x128xf32, #tpu.memory_space<vmem_shared>>
      %dma_wait3A_57 = arith.constant 0 : i32
      %dma_wait3A_58 = tpu.memref_slice %arg6[%add3A_38, %dma_wait3A_57] : memref<10112x128xf32, #tpu.memory_space<vmem_shared>> -> memref<128x128xf32, #tpu.memory_space<vmem_shared>>
      tpu.wait_dma2 semaphore(%run_scoped3A : memref<!tpu.dma_semaphore, #tpu.memory_space<semaphore_mem>>) src(%dma_wait3A_58 : memref<128x128xf32, #tpu.memory_space<vmem_shared>>) dst(%arg5 : memref<128x128xf32, #tpu.memory_space<vmem>>)
      tpu.yield
    }) : () -> ()
    %add3A_39 = arith.constant 128 : i32
    %add3A_40 = arith.addi %multiple_of3A, %add3A_39 : i32
    "tpu.region"() ({
      %run_scoped3A = tpu.sem_alloc : memref<!tpu.dma_semaphore, #tpu.memory_space<semaphore_mem>>
      %dma_start3A = arith.constant 0 : i32
      %dma_start3A_53 = tpu.memref_slice %arg3[%arg0, %add3A_40, %dma_start3A] : memref<2x10112x128xf32, #tpu.memory_space<hbm>> -> memref<1x128x128xf32, #tpu.memory_space<hbm>>
      %dma_start3A_54 = tpu.memref_squeeze %dma_start3A_53 : memref<1x128x128xf32, #tpu.memory_space<hbm>> -> memref<128x128xf32, #tpu.memory_space<hbm>>
      %dma_start3A_55 = arith.constant 0 : i32
      %dma_start3A_56 = tpu.memref_slice %arg3[%arg0, %add3A_40, %dma_start3A_55] : memref<2x10112x128xf32, #tpu.memory_space<hbm>> -> memref<1x128x128xf32, #tpu.memory_space<hbm>>
      %dma_start3A_57 = tpu.memref_squeeze %dma_start3A_56 : memref<1x128x128xf32, #tpu.memory_space<hbm>> -> memref<128x128xf32, #tpu.memory_space<hbm>>
      tpu.enqueue_dma source(%arg5 : memref<128x128xf32, #tpu.memory_space<vmem>>) target(%dma_start3A_57 : memref<128x128xf32, #tpu.memory_space<hbm>>) target_semaphore(%run_scoped3A : memref<!tpu.dma_semaphore, #tpu.memory_space<semaphore_mem>>)
      %dma_wait3A = arith.constant 0 : i32
      %dma_wait3A_58 = tpu.memref_slice %arg3[%arg0, %add3A_40, %dma_wait3A] : memref<2x10112x128xf32, #tpu.memory_space<hbm>> -> memref<1x128x128xf32, #tpu.memory_space<hbm>>
      %dma_wait3A_59 = tpu.memref_squeeze %dma_wait3A_58 : memref<1x128x128xf32, #tpu.memory_space<hbm>> -> memref<128x128xf32, #tpu.memory_space<hbm>>
      %dma_wait3A_60 = arith.constant 0 : i32
      %dma_wait3A_61 = tpu.memref_slice %arg3[%arg0, %add3A_40, %dma_wait3A_60] : memref<2x10112x128xf32, #tpu.memory_space<hbm>> -> memref<1x128x128xf32, #tpu.memory_space<hbm>>
      %dma_wait3A_62 = tpu.memref_squeeze %dma_wait3A_61 : memref<1x128x128xf32, #tpu.memory_space<hbm>> -> memref<128x128xf32, #tpu.memory_space<hbm>>
      tpu.wait_dma2 semaphore(%run_scoped3A : memref<!tpu.dma_semaphore, #tpu.memory_space<semaphore_mem>>) src(%arg5 : memref<128x128xf32, #tpu.memory_space<vmem>>) dst(%dma_wait3A_62 : memref<128x128xf32, #tpu.memory_space<hbm>>)
      tpu.yield
    }) : () -> ()
    %add3A_41 = arith.constant 256 : i32
    %add3A_42 = arith.addi %multiple_of3A, %add3A_41 : i32
    "tpu.region"() ({
      %run_scoped3A = tpu.sem_alloc : memref<!tpu.dma_semaphore, #tpu.memory_space<semaphore_mem>>
      %dma_start3A = arith.constant 0 : i32
      %dma_start3A_53 = tpu.memref_slice %arg6[%add3A_42, %dma_start3A] : memref<10112x128xf32, #tpu.memory_space<vmem_shared>> -> memref<128x128xf32, #tpu.memory_space<vmem_shared>>
      %dma_start3A_54 = arith.constant 0 : i32
      %dma_start3A_55 = tpu.memref_slice %arg6[%add3A_42, %dma_start3A_54] : memref<10112x128xf32, #tpu.memory_space<vmem_shared>> -> memref<128x128xf32, #tpu.memory_space<vmem_shared>>
      tpu.enqueue_dma source(%dma_start3A_55 : memref<128x128xf32, #tpu.memory_space<vmem_shared>>) target(%arg5 : memref<128x128xf32, #tpu.memory_space<vmem>>) target_semaphore(%run_scoped3A : memref<!tpu.dma_semaphore, #tpu.memory_space<semaphore_mem>>)
      %dma_wait3A = arith.constant 0 : i32
      %dma_wait3A_56 = tpu.memref_slice %arg6[%add3A_42, %dma_wait3A] : memref<10112x128xf32, #tpu.memory_space<vmem_shared>> -> memref<128x128xf32, #tpu.memory_space<vmem_shared>>
      %dma_wait3A_57 = arith.constant 0 : i32
      %dma_wait3A_58 = tpu.memref_slice %arg6[%add3A_42, %dma_wait3A_57] : memref<10112x128xf32, #tpu.memory_space<vmem_shared>> -> memref<128x128xf32, #tpu.memory_space<vmem_shared>>
      tpu.wait_dma2 semaphore(%run_scoped3A : memref<!tpu.dma_semaphore, #tpu.memory_space<semaphore_mem>>) src(%dma_wait3A_58 : memref<128x128xf32, #tpu.memory_space<vmem_shared>>) dst(%arg5 : memref<128x128xf32, #tpu.memory_space<vmem>>)
      tpu.yield
    }) : () -> ()
    %add3A_43 = arith.constant 256 : i32
    %add3A_44 = arith.addi %multiple_of3A, %add3A_43 : i32
    "tpu.region"() ({
      %run_scoped3A = tpu.sem_alloc : memref<!tpu.dma_semaphore, #tpu.memory_space<semaphore_mem>>
      %dma_start3A = arith.constant 0 : i32
      %dma_start3A_53 = tpu.memref_slice %arg3[%arg0, %add3A_44, %dma_start3A] : memref<2x10112x128xf32, #tpu.memory_space<hbm>> -> memref<1x128x128xf32, #tpu.memory_space<hbm>>
      %dma_start3A_54 = tpu.memref_squeeze %dma_start3A_53 : memref<1x128x128xf32, #tpu.memory_space<hbm>> -> memref<128x128xf32, #tpu.memory_space<hbm>>
      %dma_start3A_55 = arith.constant 0 : i32
      %dma_start3A_56 = tpu.memref_slice %arg3[%arg0, %add3A_44, %dma_start3A_55] : memref<2x10112x128xf32, #tpu.memory_space<hbm>> -> memref<1x128x128xf32, #tpu.memory_space<hbm>>
      %dma_start3A_57 = tpu.memref_squeeze %dma_start3A_56 : memref<1x128x128xf32, #tpu.memory_space<hbm>> -> memref<128x128xf32, #tpu.memory_space<hbm>>
      tpu.enqueue_dma source(%arg5 : memref<128x128xf32, #tpu.memory_space<vmem>>) target(%dma_start3A_57 : memref<128x128xf32, #tpu.memory_space<hbm>>) target_semaphore(%run_scoped3A : memref<!tpu.dma_semaphore, #tpu.memory_space<semaphore_mem>>)
      %dma_wait3A = arith.constant 0 : i32
      %dma_wait3A_58 = tpu.memref_slice %arg3[%arg0, %add3A_44, %dma_wait3A] : memref<2x10112x128xf32, #tpu.memory_space<hbm>> -> memref<1x128x128xf32, #tpu.memory_space<hbm>>
      %dma_wait3A_59 = tpu.memref_squeeze %dma_wait3A_58 : memref<1x128x128xf32, #tpu.memory_space<hbm>> -> memref<128x128xf32, #tpu.memory_space<hbm>>
      %dma_wait3A_60 = arith.constant 0 : i32
      %dma_wait3A_61 = tpu.memref_slice %arg3[%arg0, %add3A_44, %dma_wait3A_60] : memref<2x10112x128xf32, #tpu.memory_space<hbm>> -> memref<1x128x128xf32, #tpu.memory_space<hbm>>
      %dma_wait3A_62 = tpu.memref_squeeze %dma_wait3A_61 : memref<1x128x128xf32, #tpu.memory_space<hbm>> -> memref<128x128xf32, #tpu.memory_space<hbm>>
      tpu.wait_dma2 semaphore(%run_scoped3A : memref<!tpu.dma_semaphore, #tpu.memory_space<semaphore_mem>>) src(%arg5 : memref<128x128xf32, #tpu.memory_space<vmem>>) dst(%dma_wait3A_62 : memref<128x128xf32, #tpu.memory_space<hbm>>)
      tpu.yield
    }) : () -> ()
    %add3A_45 = arith.constant 384 : i32
    %add3A_46 = arith.addi %multiple_of3A, %add3A_45 : i32
    "tpu.region"() ({
      %run_scoped3A = tpu.sem_alloc : memref<!tpu.dma_semaphore, #tpu.memory_space<semaphore_mem>>
      %dma_start3A = arith.constant 0 : i32
      %dma_start3A_53 = tpu.memref_slice %arg6[%add3A_46, %dma_start3A] : memref<10112x128xf32, #tpu.memory_space<vmem_shared>> -> memref<128x128xf32, #tpu.memory_space<vmem_shared>>
      %dma_start3A_54 = arith.constant 0 : i32
      %dma_start3A_55 = tpu.memref_slice %arg6[%add3A_46, %dma_start3A_54] : memref<10112x128xf32, #tpu.memory_space<vmem_shared>> -> memref<128x128xf32, #tpu.memory_space<vmem_shared>>
      tpu.enqueue_dma source(%dma_start3A_55 : memref<128x128xf32, #tpu.memory_space<vmem_shared>>) target(%arg5 : memref<128x128xf32, #tpu.memory_space<vmem>>) target_semaphore(%run_scoped3A : memref<!tpu.dma_semaphore, #tpu.memory_space<semaphore_mem>>)
      %dma_wait3A = arith.constant 0 : i32
      %dma_wait3A_56 = tpu.memref_slice %arg6[%add3A_46, %dma_wait3A] : memref<10112x128xf32, #tpu.memory_space<vmem_shared>> -> memref<128x128xf32, #tpu.memory_space<vmem_shared>>
      %dma_wait3A_57 = arith.constant 0 : i32
      %dma_wait3A_58 = tpu.memref_slice %arg6[%add3A_46, %dma_wait3A_57] : memref<10112x128xf32, #tpu.memory_space<vmem_shared>> -> memref<128x128xf32, #tpu.memory_space<vmem_shared>>
      tpu.wait_dma2 semaphore(%run_scoped3A : memref<!tpu.dma_semaphore, #tpu.memory_space<semaphore_mem>>) src(%dma_wait3A_58 : memref<128x128xf32, #tpu.memory_space<vmem_shared>>) dst(%arg5 : memref<128x128xf32, #tpu.memory_space<vmem>>)
      tpu.yield
    }) : () -> ()
    %add3A_47 = arith.constant 384 : i32
    %add3A_48 = arith.addi %multiple_of3A, %add3A_47 : i32
    "tpu.region"() ({
      %run_scoped3A = tpu.sem_alloc : memref<!tpu.dma_semaphore, #tpu.memory_space<semaphore_mem>>
      %dma_start3A = arith.constant 0 : i32
      %dma_start3A_53 = tpu.memref_slice %arg3[%arg0, %add3A_48, %dma_start3A] : memref<2x10112x128xf32, #tpu.memory_space<hbm>> -> memref<1x128x128xf32, #tpu.memory_space<hbm>>
      %dma_start3A_54 = tpu.memref_squeeze %dma_start3A_53 : memref<1x128x128xf32, #tpu.memory_space<hbm>> -> memref<128x128xf32, #tpu.memory_space<hbm>>
      %dma_start3A_55 = arith.constant 0 : i32
      %dma_start3A_56 = tpu.memref_slice %arg3[%arg0, %add3A_48, %dma_start3A_55] : memref<2x10112x128xf32, #tpu.memory_space<hbm>> -> memref<1x128x128xf32, #tpu.memory_space<hbm>>
      %dma_start3A_57 = tpu.memref_squeeze %dma_start3A_56 : memref<1x128x128xf32, #tpu.memory_space<hbm>> -> memref<128x128xf32, #tpu.memory_space<hbm>>
      tpu.enqueue_dma source(%arg5 : memref<128x128xf32, #tpu.memory_space<vmem>>) target(%dma_start3A_57 : memref<128x128xf32, #tpu.memory_space<hbm>>) target_semaphore(%run_scoped3A : memref<!tpu.dma_semaphore, #tpu.memory_space<semaphore_mem>>)
      %dma_wait3A = arith.constant 0 : i32
      %dma_wait3A_58 = tpu.memref_slice %arg3[%arg0, %add3A_48, %dma_wait3A] : memref<2x10112x128xf32, #tpu.memory_space<hbm>> -> memref<1x128x128xf32, #tpu.memory_space<hbm>>
      %dma_wait3A_59 = tpu.memref_squeeze %dma_wait3A_58 : memref<1x128x128xf32, #tpu.memory_space<hbm>> -> memref<128x128xf32, #tpu.memory_space<hbm>>
      %dma_wait3A_60 = arith.constant 0 : i32
      %dma_wait3A_61 = tpu.memref_slice %arg3[%arg0, %add3A_48, %dma_wait3A_60] : memref<2x10112x128xf32, #tpu.memory_space<hbm>> -> memref<1x128x128xf32, #tpu.memory_space<hbm>>
      %dma_wait3A_62 = tpu.memref_squeeze %dma_wait3A_61 : memref<1x128x128xf32, #tpu.memory_space<hbm>> -> memref<128x128xf32, #tpu.memory_space<hbm>>
      tpu.wait_dma2 semaphore(%run_scoped3A : memref<!tpu.dma_semaphore, #tpu.memory_space<semaphore_mem>>) src(%arg5 : memref<128x128xf32, #tpu.memory_space<vmem>>) dst(%dma_wait3A_62 : memref<128x128xf32, #tpu.memory_space<hbm>>)
      tpu.yield
    }) : () -> ()
    %add3A_49 = arith.constant 512 : i32
    %add3A_50 = arith.addi %multiple_of3A, %add3A_49 : i32
    "tpu.region"() ({
      %run_scoped3A = tpu.sem_alloc : memref<!tpu.dma_semaphore, #tpu.memory_space<semaphore_mem>>
      %dma_start3A = arith.constant 0 : i32
      %dma_start3A_53 = arith.constant 0 : i32
      %dma_start3A_54 = tpu.memref_slice %arg5[%dma_start3A, %dma_start3A_53] : memref<128x128xf32, #tpu.memory_space<vmem>> -> memref<120x128xf32, #tpu.memory_space<vmem>>
      %dma_start3A_55 = arith.constant 0 : i32
      %dma_start3A_56 = tpu.memref_slice %arg6[%add3A_50, %dma_start3A_55] : memref<10112x128xf32, #tpu.memory_space<vmem_shared>> -> memref<120x128xf32, #tpu.memory_space<vmem_shared>>
      %dma_start3A_57 = arith.constant 0 : i32
      %dma_start3A_58 = arith.constant 0 : i32
      %dma_start3A_59 = tpu.memref_slice %arg5[%dma_start3A_57, %dma_start3A_58] : memref<128x128xf32, #tpu.memory_space<vmem>> -> memref<120x128xf32, #tpu.memory_space<vmem>>
      %dma_start3A_60 = arith.constant 0 : i32
      %dma_start3A_61 = tpu.memref_slice %arg6[%add3A_50, %dma_start3A_60] : memref<10112x128xf32, #tpu.memory_space<vmem_shared>> -> memref<120x128xf32, #tpu.memory_space<vmem_shared>>
      tpu.enqueue_dma source(%dma_start3A_61 : memref<120x128xf32, #tpu.memory_space<vmem_shared>>) target(%dma_start3A_59 : memref<120x128xf32, #tpu.memory_space<vmem>>) target_semaphore(%run_scoped3A : memref<!tpu.dma_semaphore, #tpu.memory_space<semaphore_mem>>)
      %dma_wait3A = arith.constant 0 : i32
      %dma_wait3A_62 = arith.constant 0 : i32
      %dma_wait3A_63 = tpu.memref_slice %arg5[%dma_wait3A, %dma_wait3A_62] : memref<128x128xf32, #tpu.memory_space<vmem>> -> memref<120x128xf32, #tpu.memory_space<vmem>>
      %dma_wait3A_64 = arith.constant 0 : i32
      %dma_wait3A_65 = tpu.memref_slice %arg6[%add3A_50, %dma_wait3A_64] : memref<10112x128xf32, #tpu.memory_space<vmem_shared>> -> memref<120x128xf32, #tpu.memory_space<vmem_shared>>
      %dma_wait3A_66 = arith.constant 0 : i32
      %dma_wait3A_67 = arith.constant 0 : i32
      %dma_wait3A_68 = tpu.memref_slice %arg5[%dma_wait3A_66, %dma_wait3A_67] : memref<128x128xf32, #tpu.memory_space<vmem>> -> memref<120x128xf32, #tpu.memory_space<vmem>>
      %dma_wait3A_69 = arith.constant 0 : i32
      %dma_wait3A_70 = tpu.memref_slice %arg6[%add3A_50, %dma_wait3A_69] : memref<10112x128xf32, #tpu.memory_space<vmem_shared>> -> memref<120x128xf32, #tpu.memory_space<vmem_shared>>
      tpu.wait_dma2 semaphore(%run_scoped3A : memref<!tpu.dma_semaphore, #tpu.memory_space<semaphore_mem>>) src(%dma_wait3A_70 : memref<120x128xf32, #tpu.memory_space<vmem_shared>>) dst(%dma_wait3A_68 : memref<120x128xf32, #tpu.memory_space<vmem>>)
      tpu.yield
    }) : () -> ()
    %add3A_51 = arith.constant 512 : i32
    %add3A_52 = arith.addi %multiple_of3A, %add3A_51 : i32
    "tpu.region"() ({
      %run_scoped3A = tpu.sem_alloc : memref<!tpu.dma_semaphore, #tpu.memory_space<semaphore_mem>>
      %dma_start3A = arith.constant 0 : i32
      %dma_start3A_53 = arith.constant 0 : i32
      %dma_start3A_54 = tpu.memref_slice %arg5[%dma_start3A, %dma_start3A_53] : memref<128x128xf32, #tpu.memory_space<vmem>> -> memref<120x128xf32, #tpu.memory_space<vmem>>
      %dma_start3A_55 = arith.constant 0 : i32
      %dma_start3A_56 = tpu.memref_slice %arg3[%arg0, %add3A_52, %dma_start3A_55] : memref<2x10112x128xf32, #tpu.memory_space<hbm>> -> memref<1x120x128xf32, #tpu.memory_space<hbm>>
      %dma_start3A_57 = tpu.memref_squeeze %dma_start3A_56 : memref<1x120x128xf32, #tpu.memory_space<hbm>> -> memref<120x128xf32, #tpu.memory_space<hbm>>
      %dma_start3A_58 = arith.constant 0 : i32
      %dma_start3A_59 = tpu.memref_slice %arg3[%arg0, %add3A_52, %dma_start3A_58] : memref<2x10112x128xf32, #tpu.memory_space<hbm>> -> memref<1x120x128xf32, #tpu.memory_space<hbm>>
      %dma_start3A_60 = tpu.memref_squeeze %dma_start3A_59 : memref<1x120x128xf32, #tpu.memory_space<hbm>> -> memref<120x128xf32, #tpu.memory_space<hbm>>
      %dma_start3A_61 = arith.constant 0 : i32
      %dma_start3A_62 = arith.constant 0 : i32
      %dma_start3A_63 = tpu.memref_slice %arg5[%dma_start3A_61, %dma_start3A_62] : memref<128x128xf32, #tpu.memory_space<vmem>> -> memref<120x128xf32, #tpu.memory_space<vmem>>
      tpu.enqueue_dma source(%dma_start3A_63 : memref<120x128xf32, #tpu.memory_space<vmem>>) target(%dma_start3A_60 : memref<120x128xf32, #tpu.memory_space<hbm>>) target_semaphore(%run_scoped3A : memref<!tpu.dma_semaphore, #tpu.memory_space<semaphore_mem>>)
      %dma_wait3A = arith.constant 0 : i32
      %dma_wait3A_64 = arith.constant 0 : i32
      %dma_wait3A_65 = tpu.memref_slice %arg5[%dma_wait3A, %dma_wait3A_64] : memref<128x128xf32, #tpu.memory_space<vmem>> -> memref<120x128xf32, #tpu.memory_space<vmem>>
      %dma_wait3A_66 = arith.constant 0 : i32
      %dma_wait3A_67 = tpu.memref_slice %arg3[%arg0, %add3A_52, %dma_wait3A_66] : memref<2x10112x128xf32, #tpu.memory_space<hbm>> -> memref<1x120x128xf32, #tpu.memory_space<hbm>>
      %dma_wait3A_68 = tpu.memref_squeeze %dma_wait3A_67 : memref<1x120x128xf32, #tpu.memory_space<hbm>> -> memref<120x128xf32, #tpu.memory_space<hbm>>
      %dma_wait3A_69 = arith.constant 0 : i32
      %dma_wait3A_70 = tpu.memref_slice %arg3[%arg0, %add3A_52, %dma_wait3A_69] : memref<2x10112x128xf32, #tpu.memory_space<hbm>> -> memref<1x120x128xf32, #tpu.memory_space<hbm>>
      %dma_wait3A_71 = tpu.memref_squeeze %dma_wait3A_70 : memref<1x120x128xf32, #tpu.memory_space<hbm>> -> memref<120x128xf32, #tpu.memory_space<hbm>>
      %dma_wait3A_72 = arith.constant 0 : i32
      %dma_wait3A_73 = arith.constant 0 : i32
      %dma_wait3A_74 = tpu.memref_slice %arg5[%dma_wait3A_72, %dma_wait3A_73] : memref<128x128xf32, #tpu.memory_space<vmem>> -> memref<120x128xf32, #tpu.memory_space<vmem>>
      tpu.wait_dma2 semaphore(%run_scoped3A : memref<!tpu.dma_semaphore, #tpu.memory_space<semaphore_mem>>) src(%dma_wait3A_74 : memref<120x128xf32, #tpu.memory_space<vmem>>) dst(%dma_wait3A_71 : memref<120x128xf32, #tpu.memory_space<hbm>>)
      tpu.yield
    }) : () -> ()
    return
  }
}

#map = affine_map<(d0, d1) -> (0, 0)>
#map1 = affine_map<(d0, d1) -> (0)>
#map2 = affine_map<(d0, d1) -> (0, 0, 0)>
module attributes {stable_mosaic.version = 14 : i64} {
  func.func @k(%arg0: i32, %arg1: i32, %arg2: memref<2000x128xf32, #tpu.memory_space<hbm>>, %arg3: memref<200704xi32, #tpu.memory_space<hbm>>, %arg4: memref<200704xi32, #tpu.memory_space<hbm>>, %arg5: memref<2x2048x128xf32, #tpu.memory_space<hbm>>, %arg6: memref<128xi32, #tpu.memory_space<vmem>>, %arg7: memref<128xi32, #tpu.memory_space<vmem>>, %arg8: memref<128x128xf32, #tpu.memory_space<vmem>>, %arg9: memref<2048x128xf32, #tpu.memory_space<vmem_shared>>, %arg10: memref<!tpu.dma_semaphore, #tpu.memory_space<semaphore_mem>>) attributes {dimension_semantics = [#tpu.dimension_semantics<core_parallel>, #tpu.dimension_semantics<subcore_parallel>], iteration_bounds = array<i64: 2, 16>, scalar_prefetch = 0 : i64, scratch_operands = 5 : i64, tpu.core_type = #tpu.core_type<sc_vector_subcore>, window_params = [{transform_indices = #map}, {transform_indices = #map1}, {transform_indices = #map1}, {transform_indices = #map2}]} {
    %mul3A = arith.constant 2 : i32
    %mul3A_0 = arith.muli %arg1, %mul3A : i32
    %add3A = arith.addi %mul3A_0, %arg0 : i32
    %broadcast_in_dim3A = arith.constant 0.000000e+00 : f32
    %broadcast_in_dim3A_1 = vector.broadcast %broadcast_in_dim3A : f32 to vector<16xf32>
    %scan3A = arith.constant 0 : i32
    %scan3A_2 = arith.constant 0 : i32
    %scan3A_3 = arith.constant 128 : i32
    %scan3A_4 = arith.addi %scan3A_2, %scan3A_3 : i32
    %scan3A_5 = arith.constant 1 : i32
    scf.for %scan3A_24 = %scan3A_2 to %scan3A_4 step %scan3A_5  : i32 {
      %swap3A = arith.index_cast %scan3A_24 : i32 to index
      %swap3A_25 = arith.constant 0 : index
      %swap3A_26 = tpu.vector_load %arg8[%swap3A, %swap3A_25] {strides = array<i32>} : memref<128x128xf32, #tpu.memory_space<vmem>>, vector<1x16xf32>,
      %swap3A_27 = vector.shape_cast %swap3A_26 : vector<1x16xf32> to vector<16xf32>
      %swap3A_28 = vector.shape_cast %broadcast_in_dim3A_1 : vector<16xf32> to vector<1x16xf32>
      tpu.vector_store %arg8[%swap3A, %swap3A_25], %swap3A_28 {strides = array<i32>} : memref<128x128xf32, #tpu.memory_space<vmem>>, vector<1x16xf32>,
      %swap3A_29 = arith.index_cast %scan3A_24 : i32 to index
      %swap3A_30 = arith.constant 16 : index
      %swap3A_31 = tpu.vector_load %arg8[%swap3A_29, %swap3A_30] {strides = array<i32>} : memref<128x128xf32, #tpu.memory_space<vmem>>, vector<1x16xf32>,
      %swap3A_32 = vector.shape_cast %swap3A_31 : vector<1x16xf32> to vector<16xf32>
      %swap3A_33 = vector.shape_cast %broadcast_in_dim3A_1 : vector<16xf32> to vector<1x16xf32>
      tpu.vector_store %arg8[%swap3A_29, %swap3A_30], %swap3A_33 {strides = array<i32>} : memref<128x128xf32, #tpu.memory_space<vmem>>, vector<1x16xf32>,
      %swap3A_34 = arith.index_cast %scan3A_24 : i32 to index
      %swap3A_35 = arith.constant 32 : index
      %swap3A_36 = tpu.vector_load %arg8[%swap3A_34, %swap3A_35] {strides = array<i32>} : memref<128x128xf32, #tpu.memory_space<vmem>>, vector<1x16xf32>,
      %swap3A_37 = vector.shape_cast %swap3A_36 : vector<1x16xf32> to vector<16xf32>
      %swap3A_38 = vector.shape_cast %broadcast_in_dim3A_1 : vector<16xf32> to vector<1x16xf32>
      tpu.vector_store %arg8[%swap3A_34, %swap3A_35], %swap3A_38 {strides = array<i32>} : memref<128x128xf32, #tpu.memory_space<vmem>>, vector<1x16xf32>,
      %swap3A_39 = arith.index_cast %scan3A_24 : i32 to index
      %swap3A_40 = arith.constant 48 : index
      %swap3A_41 = tpu.vector_load %arg8[%swap3A_39, %swap3A_40] {strides = array<i32>} : memref<128x128xf32, #tpu.memory_space<vmem>>, vector<1x16xf32>,
      %swap3A_42 = vector.shape_cast %swap3A_41 : vector<1x16xf32> to vector<16xf32>
      %swap3A_43 = vector.shape_cast %broadcast_in_dim3A_1 : vector<16xf32> to vector<1x16xf32>
      tpu.vector_store %arg8[%swap3A_39, %swap3A_40], %swap3A_43 {strides = array<i32>} : memref<128x128xf32, #tpu.memory_space<vmem>>, vector<1x16xf32>,
      %swap3A_44 = arith.index_cast %scan3A_24 : i32 to index
      %swap3A_45 = arith.constant 64 : index
      %swap3A_46 = tpu.vector_load %arg8[%swap3A_44, %swap3A_45] {strides = array<i32>} : memref<128x128xf32, #tpu.memory_space<vmem>>, vector<1x16xf32>,
      %swap3A_47 = vector.shape_cast %swap3A_46 : vector<1x16xf32> to vector<16xf32>
      %swap3A_48 = vector.shape_cast %broadcast_in_dim3A_1 : vector<16xf32> to vector<1x16xf32>
      tpu.vector_store %arg8[%swap3A_44, %swap3A_45], %swap3A_48 {strides = array<i32>} : memref<128x128xf32, #tpu.memory_space<vmem>>, vector<1x16xf32>,
      %swap3A_49 = arith.index_cast %scan3A_24 : i32 to index
      %swap3A_50 = arith.constant 80 : index
      %swap3A_51 = tpu.vector_load %arg8[%swap3A_49, %swap3A_50] {strides = array<i32>} : memref<128x128xf32, #tpu.memory_space<vmem>>, vector<1x16xf32>,
      %swap3A_52 = vector.shape_cast %swap3A_51 : vector<1x16xf32> to vector<16xf32>
      %swap3A_53 = vector.shape_cast %broadcast_in_dim3A_1 : vector<16xf32> to vector<1x16xf32>
      tpu.vector_store %arg8[%swap3A_49, %swap3A_50], %swap3A_53 {strides = array<i32>} : memref<128x128xf32, #tpu.memory_space<vmem>>, vector<1x16xf32>,
      %swap3A_54 = arith.index_cast %scan3A_24 : i32 to index
      %swap3A_55 = arith.constant 96 : index
      %swap3A_56 = tpu.vector_load %arg8[%swap3A_54, %swap3A_55] {strides = array<i32>} : memref<128x128xf32, #tpu.memory_space<vmem>>, vector<1x16xf32>,
      %swap3A_57 = vector.shape_cast %swap3A_56 : vector<1x16xf32> to vector<16xf32>
      %swap3A_58 = vector.shape_cast %broadcast_in_dim3A_1 : vector<16xf32> to vector<1x16xf32>
      tpu.vector_store %arg8[%swap3A_54, %swap3A_55], %swap3A_58 {strides = array<i32>} : memref<128x128xf32, #tpu.memory_space<vmem>>, vector<1x16xf32>,
      %swap3A_59 = arith.index_cast %scan3A_24 : i32 to index
      %swap3A_60 = arith.constant 112 : index
      %swap3A_61 = tpu.vector_load %arg8[%swap3A_59, %swap3A_60] {strides = array<i32>} : memref<128x128xf32, #tpu.memory_space<vmem>>, vector<1x16xf32>,
      %swap3A_62 = vector.shape_cast %swap3A_61 : vector<1x16xf32> to vector<16xf32>
      %swap3A_63 = vector.shape_cast %broadcast_in_dim3A_1 : vector<16xf32> to vector<1x16xf32>
      tpu.vector_store %arg8[%swap3A_59, %swap3A_60], %swap3A_63 {strides = array<i32>} : memref<128x128xf32, #tpu.memory_space<vmem>>, vector<1x16xf32>,
    }
    %scan3A_6 = arith.constant 128 : i32
    %mul3A_7 = arith.constant 128 : i32
    %mul3A_8 = arith.muli %arg1, %mul3A_7 : i32
    %multiple_of3A = tpu.assume_multiple %mul3A_8, 8 : i32
    %add3A_9 = arith.constant 0 : i32
    %add3A_10 = arith.addi %multiple_of3A, %add3A_9 : i32
    "tpu.region"() ({
      %run_scoped3A = tpu.sem_alloc : memref<!tpu.dma_semaphore, #tpu.memory_space<semaphore_mem>>
      %dma_start3A = arith.constant 0 : i32
      %dma_start3A_24 = tpu.memref_slice %arg9[%add3A_10, %dma_start3A] : memref<2048x128xf32, #tpu.memory_space<vmem_shared>> -> memref<128x128xf32, #tpu.memory_space<vmem_shared>>
      %dma_start3A_25 = arith.constant 0 : i32
      %dma_start3A_26 = tpu.memref_slice %arg9[%add3A_10, %dma_start3A_25] : memref<2048x128xf32, #tpu.memory_space<vmem_shared>> -> memref<128x128xf32, #tpu.memory_space<vmem_shared>>
      tpu.enqueue_dma source(%arg8 : memref<128x128xf32, #tpu.memory_space<vmem>>) target(%dma_start3A_26 : memref<128x128xf32, #tpu.memory_space<vmem_shared>>) target_semaphore(%run_scoped3A : memref<!tpu.dma_semaphore, #tpu.memory_space<semaphore_mem>>)
      %dma_wait3A = arith.constant 0 : i32
      %dma_wait3A_27 = tpu.memref_slice %arg9[%add3A_10, %dma_wait3A] : memref<2048x128xf32, #tpu.memory_space<vmem_shared>> -> memref<128x128xf32, #tpu.memory_space<vmem_shared>>
      %dma_wait3A_28 = arith.constant 0 : i32
      %dma_wait3A_29 = tpu.memref_slice %arg9[%add3A_10, %dma_wait3A_28] : memref<2048x128xf32, #tpu.memory_space<vmem_shared>> -> memref<128x128xf32, #tpu.memory_space<vmem_shared>>
      tpu.wait_dma2 semaphore(%run_scoped3A : memref<!tpu.dma_semaphore, #tpu.memory_space<semaphore_mem>>) src(%arg8 : memref<128x128xf32, #tpu.memory_space<vmem>>) dst(%dma_wait3A_29 : memref<128x128xf32, #tpu.memory_space<vmem_shared>>)
      tpu.yield
    }) : () -> ()
    %barrier3A = arith.constant 0 : index
    tpu.barrier barrier_id(%barrier3A)
    %mul3A_11 = arith.constant 6272 : i32
    %mul3A_12 = arith.muli %add3A, %mul3A_11 : i32
    %scan3A_13 = arith.constant 0 : i32
    %scan3A_14 = arith.constant 0 : i32
    %scan3A_15 = arith.constant 49 : i32
    %scan3A_16 = arith.addi %scan3A_14, %scan3A_15 : i32
    %scan3A_17 = arith.constant 1 : i32
    scf.for %scan3A_24 = %scan3A_14 to %scan3A_16 step %scan3A_17  : i32 {
      %mul3A_25 = arith.constant 128 : i32
      %mul3A_26 = arith.muli %scan3A_24, %mul3A_25 : i32
      %add3A_27 = arith.addi %mul3A_12, %mul3A_26 : i32
      %multiple_of3A_28 = tpu.assume_multiple %add3A_27, 8 : i32
      "tpu.region"() ({
        %run_scoped3A = tpu.sem_alloc : memref<!tpu.dma_semaphore, #tpu.memory_space<semaphore_mem>>
        %dma_start3A_33 = tpu.memref_slice %arg3[%multiple_of3A_28] : memref<200704xi32, #tpu.memory_space<hbm>> -> memref<128xi32, #tpu.memory_space<hbm>>
        %dma_start3A_34 = tpu.memref_slice %arg3[%multiple_of3A_28] : memref<200704xi32, #tpu.memory_space<hbm>> -> memref<128xi32, #tpu.memory_space<hbm>>
        tpu.enqueue_dma source(%dma_start3A_34 : memref<128xi32, #tpu.memory_space<hbm>>) target(%arg6 : memref<128xi32, #tpu.memory_space<vmem>>) target_semaphore(%run_scoped3A : memref<!tpu.dma_semaphore, #tpu.memory_space<semaphore_mem>>)
        %dma_wait3A_35 = tpu.memref_slice %arg3[%multiple_of3A_28] : memref<200704xi32, #tpu.memory_space<hbm>> -> memref<128xi32, #tpu.memory_space<hbm>>
        %dma_wait3A_36 = tpu.memref_slice %arg3[%multiple_of3A_28] : memref<200704xi32, #tpu.memory_space<hbm>> -> memref<128xi32, #tpu.memory_space<hbm>>
        tpu.wait_dma2 semaphore(%run_scoped3A : memref<!tpu.dma_semaphore, #tpu.memory_space<semaphore_mem>>) src(%dma_wait3A_36 : memref<128xi32, #tpu.memory_space<hbm>>) dst(%arg6 : memref<128xi32, #tpu.memory_space<vmem>>)
        tpu.yield
      }) : () -> ()
      "tpu.region"() ({
        %run_scoped3A = tpu.sem_alloc : memref<!tpu.dma_semaphore, #tpu.memory_space<semaphore_mem>>
        %dma_start3A_33 = tpu.memref_slice %arg4[%multiple_of3A_28] : memref<200704xi32, #tpu.memory_space<hbm>> -> memref<128xi32, #tpu.memory_space<hbm>>
        %dma_start3A_34 = tpu.memref_slice %arg4[%multiple_of3A_28] : memref<200704xi32, #tpu.memory_space<hbm>> -> memref<128xi32, #tpu.memory_space<hbm>>
        tpu.enqueue_dma source(%dma_start3A_34 : memref<128xi32, #tpu.memory_space<hbm>>) target(%arg7 : memref<128xi32, #tpu.memory_space<vmem>>) target_semaphore(%run_scoped3A : memref<!tpu.dma_semaphore, #tpu.memory_space<semaphore_mem>>)
        %dma_wait3A_35 = tpu.memref_slice %arg4[%multiple_of3A_28] : memref<200704xi32, #tpu.memory_space<hbm>> -> memref<128xi32, #tpu.memory_space<hbm>>
        %dma_wait3A_36 = tpu.memref_slice %arg4[%multiple_of3A_28] : memref<200704xi32, #tpu.memory_space<hbm>> -> memref<128xi32, #tpu.memory_space<hbm>>
        tpu.wait_dma2 semaphore(%run_scoped3A : memref<!tpu.dma_semaphore, #tpu.memory_space<semaphore_mem>>) src(%dma_wait3A_36 : memref<128xi32, #tpu.memory_space<hbm>>) dst(%arg7 : memref<128xi32, #tpu.memory_space<vmem>>)
        tpu.yield
      }) : () -> ()
      %dma_start3A = arith.constant 0 : i32
      %dma_start3A_29 = arith.constant 0 : i32
      %dma_start3A_30 = tpu.memref_slice %arg2[%dma_start3A, %dma_start3A_29] : memref<2000x128xf32, #tpu.memory_space<hbm>> -> memref<2000x128xf32, #tpu.memory_space<hbm>>
      tpu.enqueue_indirect_dma source(%dma_start3A_30 : memref<2000x128xf32, #tpu.memory_space<hbm>>) target(%arg8 : memref<128x128xf32, #tpu.memory_space<vmem>>) offsets(%arg6 : memref<128xi32, #tpu.memory_space<vmem>>) semaphore(%arg10 : memref<!tpu.dma_semaphore, #tpu.memory_space<semaphore_mem>>)
      %dma_wait3A = arith.constant 0 : i32
      %dma_wait3A_31 = arith.constant 0 : i32
      %dma_wait3A_32 = tpu.memref_slice %arg2[%dma_wait3A, %dma_wait3A_31] : memref<2000x128xf32, #tpu.memory_space<hbm>> -> memref<2000x128xf32, #tpu.memory_space<hbm>>
      tpu.wait_indirect_dma semaphore(%arg10 : memref<!tpu.dma_semaphore, #tpu.memory_space<semaphore_mem>>) src(%dma_wait3A_32 : memref<2000x128xf32, #tpu.memory_space<hbm>>) dst(%arg8 : memref<128x128xf32, #tpu.memory_space<vmem>>)
      "tpu.region"() ({
        %run_scoped3A = tpu.sem_alloc : memref<!tpu.dma_semaphore, #tpu.memory_space<semaphore_mem>>
        %dma_start3A_33 = arith.constant 0 : i32
        %dma_start3A_34 = arith.constant 0 : i32
        %dma_start3A_35 = tpu.memref_slice %arg9[%dma_start3A_33, %dma_start3A_34] : memref<2048x128xf32, #tpu.memory_space<vmem_shared>> -> memref<2048x128xf32, #tpu.memory_space<vmem_shared>>
        tpu.enqueue_indirect_dma source(%arg8 : memref<128x128xf32, #tpu.memory_space<vmem>>) target(%dma_start3A_35 : memref<2048x128xf32, #tpu.memory_space<vmem_shared>>) offsets(%arg7 : memref<128xi32, #tpu.memory_space<vmem>>) semaphore(%run_scoped3A : memref<!tpu.dma_semaphore, #tpu.memory_space<semaphore_mem>>) {add = true}
        %dma_wait3A_36 = arith.constant 0 : i32
        %dma_wait3A_37 = arith.constant 0 : i32
        %dma_wait3A_38 = tpu.memref_slice %arg9[%dma_wait3A_36, %dma_wait3A_37] : memref<2048x128xf32, #tpu.memory_space<vmem_shared>> -> memref<2048x128xf32, #tpu.memory_space<vmem_shared>>
        tpu.wait_indirect_dma semaphore(%run_scoped3A : memref<!tpu.dma_semaphore, #tpu.memory_space<semaphore_mem>>) src(%arg8 : memref<128x128xf32, #tpu.memory_space<vmem>>) dst(%dma_wait3A_38 : memref<2048x128xf32, #tpu.memory_space<vmem_shared>>)
        tpu.yield
      }) : () -> ()
    }
    %scan3A_18 = arith.constant 49 : i32
    %barrier3A_19 = arith.constant 0 : index
    tpu.barrier barrier_id(%barrier3A_19)
    %add3A_20 = arith.constant 0 : i32
    %add3A_21 = arith.addi %multiple_of3A, %add3A_20 : i32
    "tpu.region"() ({
      %run_scoped3A = tpu.sem_alloc : memref<!tpu.dma_semaphore, #tpu.memory_space<semaphore_mem>>
      %dma_start3A = arith.constant 0 : i32
      %dma_start3A_24 = tpu.memref_slice %arg9[%add3A_21, %dma_start3A] : memref<2048x128xf32, #tpu.memory_space<vmem_shared>> -> memref<128x128xf32, #tpu.memory_space<vmem_shared>>
      %dma_start3A_25 = arith.constant 0 : i32
      %dma_start3A_26 = tpu.memref_slice %arg9[%add3A_21, %dma_start3A_25] : memref<2048x128xf32, #tpu.memory_space<vmem_shared>> -> memref<128x128xf32, #tpu.memory_space<vmem_shared>>
      tpu.enqueue_dma source(%dma_start3A_26 : memref<128x128xf32, #tpu.memory_space<vmem_shared>>) target(%arg8 : memref<128x128xf32, #tpu.memory_space<vmem>>) target_semaphore(%run_scoped3A : memref<!tpu.dma_semaphore, #tpu.memory_space<semaphore_mem>>)
      %dma_wait3A = arith.constant 0 : i32
      %dma_wait3A_27 = tpu.memref_slice %arg9[%add3A_21, %dma_wait3A] : memref<2048x128xf32, #tpu.memory_space<vmem_shared>> -> memref<128x128xf32, #tpu.memory_space<vmem_shared>>
      %dma_wait3A_28 = arith.constant 0 : i32
      %dma_wait3A_29 = tpu.memref_slice %arg9[%add3A_21, %dma_wait3A_28] : memref<2048x128xf32, #tpu.memory_space<vmem_shared>> -> memref<128x128xf32, #tpu.memory_space<vmem_shared>>
      tpu.wait_dma2 semaphore(%run_scoped3A : memref<!tpu.dma_semaphore, #tpu.memory_space<semaphore_mem>>) src(%dma_wait3A_29 : memref<128x128xf32, #tpu.memory_space<vmem_shared>>) dst(%arg8 : memref<128x128xf32, #tpu.memory_space<vmem>>)
      tpu.yield
    }) : () -> ()
    %add3A_22 = arith.constant 0 : i32
    %add3A_23 = arith.addi %multiple_of3A, %add3A_22 : i32
    "tpu.region"() ({
      %run_scoped3A = tpu.sem_alloc : memref<!tpu.dma_semaphore, #tpu.memory_space<semaphore_mem>>
      %dma_start3A = arith.constant 0 : i32
      %dma_start3A_24 = tpu.memref_slice %arg5[%arg0, %add3A_23, %dma_start3A] : memref<2x2048x128xf32, #tpu.memory_space<hbm>> -> memref<1x128x128xf32, #tpu.memory_space<hbm>>
      %dma_start3A_25 = tpu.memref_squeeze %dma_start3A_24 : memref<1x128x128xf32, #tpu.memory_space<hbm>> -> memref<128x128xf32, #tpu.memory_space<hbm>>
      %dma_start3A_26 = arith.constant 0 : i32
      %dma_start3A_27 = tpu.memref_slice %arg5[%arg0, %add3A_23, %dma_start3A_26] : memref<2x2048x128xf32, #tpu.memory_space<hbm>> -> memref<1x128x128xf32, #tpu.memory_space<hbm>>
      %dma_start3A_28 = tpu.memref_squeeze %dma_start3A_27 : memref<1x128x128xf32, #tpu.memory_space<hbm>> -> memref<128x128xf32, #tpu.memory_space<hbm>>
      tpu.enqueue_dma source(%arg8 : memref<128x128xf32, #tpu.memory_space<vmem>>) target(%dma_start3A_28 : memref<128x128xf32, #tpu.memory_space<hbm>>) target_semaphore(%run_scoped3A : memref<!tpu.dma_semaphore, #tpu.memory_space<semaphore_mem>>)
      %dma_wait3A = arith.constant 0 : i32
      %dma_wait3A_29 = tpu.memref_slice %arg5[%arg0, %add3A_23, %dma_wait3A] : memref<2x2048x128xf32, #tpu.memory_space<hbm>> -> memref<1x128x128xf32, #tpu.memory_space<hbm>>
      %dma_wait3A_30 = tpu.memref_squeeze %dma_wait3A_29 : memref<1x128x128xf32, #tpu.memory_space<hbm>> -> memref<128x128xf32, #tpu.memory_space<hbm>>
      %dma_wait3A_31 = arith.constant 0 : i32
      %dma_wait3A_32 = tpu.memref_slice %arg5[%arg0, %add3A_23, %dma_wait3A_31] : memref<2x2048x128xf32, #tpu.memory_space<hbm>> -> memref<1x128x128xf32, #tpu.memory_space<hbm>>
      %dma_wait3A_33 = tpu.memref_squeeze %dma_wait3A_32 : memref<1x128x128xf32, #tpu.memory_space<hbm>> -> memref<128x128xf32, #tpu.memory_space<hbm>>
      tpu.wait_dma2 semaphore(%run_scoped3A : memref<!tpu.dma_semaphore, #tpu.memory_space<semaphore_mem>>) src(%arg8 : memref<128x128xf32, #tpu.memory_space<vmem>>) dst(%dma_wait3A_33 : memref<128x128xf32, #tpu.memory_space<hbm>>)
      tpu.yield
    }) : () -> ()
    return
  }
}

#map = affine_map<(d0, d1) -> (0, 0)>
#map1 = affine_map<(d0, d1) -> (0)>
#map2 = affine_map<(d0, d1) -> (0, 0, 0)>
module attributes {stable_mosaic.version = 14 : i64} {
  func.func @k(%arg0: i32, %arg1: i32, %arg2: memref<10000x128xf32, #tpu.memory_space<hbm>>, %arg3: memref<323584xi32, #tpu.memory_space<hbm>>, %arg4: memref<323584xi32, #tpu.memory_space<hbm>>, %arg5: memref<2x10112x128xf32, #tpu.memory_space<hbm>>, %arg6: memref<128xi32, #tpu.memory_space<vmem>>, %arg7: memref<128xi32, #tpu.memory_space<vmem>>, %arg8: memref<128x128xf32, #tpu.memory_space<vmem>>, %arg9: memref<10112x128xf32, #tpu.memory_space<vmem_shared>>, %arg10: memref<!tpu.dma_semaphore, #tpu.memory_space<semaphore_mem>>) attributes {dimension_semantics = [#tpu.dimension_semantics<core_parallel>, #tpu.dimension_semantics<subcore_parallel>], iteration_bounds = array<i64: 2, 16>, scalar_prefetch = 0 : i64, scratch_operands = 5 : i64, tpu.core_type = #tpu.core_type<sc_vector_subcore>, window_params = [{transform_indices = #map}, {transform_indices = #map1}, {transform_indices = #map1}, {transform_indices = #map2}]} {
    %mul3A = arith.constant 2 : i32
    %mul3A_0 = arith.muli %arg1, %mul3A : i32
    %add3A = arith.addi %mul3A_0, %arg0 : i32
    %broadcast_in_dim3A = arith.constant 0.000000e+00 : f32
    %broadcast_in_dim3A_1 = vector.broadcast %broadcast_in_dim3A : f32 to vector<16xf32>
    %scan3A = arith.constant 0 : i32
    %scan3A_2 = arith.constant 0 : i32
    %scan3A_3 = arith.constant 128 : i32
    %scan3A_4 = arith.addi %scan3A_2, %scan3A_3 : i32
    %scan3A_5 = arith.constant 1 : i32
    scf.for %scan3A_48 = %scan3A_2 to %scan3A_4 step %scan3A_5  : i32 {
      %swap3A = arith.index_cast %scan3A_48 : i32 to index
      %swap3A_49 = arith.constant 0 : index
      %swap3A_50 = tpu.vector_load %arg8[%swap3A, %swap3A_49] {strides = array<i32>} : memref<128x128xf32, #tpu.memory_space<vmem>>, vector<1x16xf32>,
      %swap3A_51 = vector.shape_cast %swap3A_50 : vector<1x16xf32> to vector<16xf32>
      %swap3A_52 = vector.shape_cast %broadcast_in_dim3A_1 : vector<16xf32> to vector<1x16xf32>
      tpu.vector_store %arg8[%swap3A, %swap3A_49], %swap3A_52 {strides = array<i32>} : memref<128x128xf32, #tpu.memory_space<vmem>>, vector<1x16xf32>,
      %swap3A_53 = arith.index_cast %scan3A_48 : i32 to index
      %swap3A_54 = arith.constant 16 : index
      %swap3A_55 = tpu.vector_load %arg8[%swap3A_53, %swap3A_54] {strides = array<i32>} : memref<128x128xf32, #tpu.memory_space<vmem>>, vector<1x16xf32>,
      %swap3A_56 = vector.shape_cast %swap3A_55 : vector<1x16xf32> to vector<16xf32>
      %swap3A_57 = vector.shape_cast %broadcast_in_dim3A_1 : vector<16xf32> to vector<1x16xf32>
      tpu.vector_store %arg8[%swap3A_53, %swap3A_54], %swap3A_57 {strides = array<i32>} : memref<128x128xf32, #tpu.memory_space<vmem>>, vector<1x16xf32>,
      %swap3A_58 = arith.index_cast %scan3A_48 : i32 to index
      %swap3A_59 = arith.constant 32 : index
      %swap3A_60 = tpu.vector_load %arg8[%swap3A_58, %swap3A_59] {strides = array<i32>} : memref<128x128xf32, #tpu.memory_space<vmem>>, vector<1x16xf32>,
      %swap3A_61 = vector.shape_cast %swap3A_60 : vector<1x16xf32> to vector<16xf32>
      %swap3A_62 = vector.shape_cast %broadcast_in_dim3A_1 : vector<16xf32> to vector<1x16xf32>
      tpu.vector_store %arg8[%swap3A_58, %swap3A_59], %swap3A_62 {strides = array<i32>} : memref<128x128xf32, #tpu.memory_space<vmem>>, vector<1x16xf32>,
      %swap3A_63 = arith.index_cast %scan3A_48 : i32 to index
      %swap3A_64 = arith.constant 48 : index
      %swap3A_65 = tpu.vector_load %arg8[%swap3A_63, %swap3A_64] {strides = array<i32>} : memref<128x128xf32, #tpu.memory_space<vmem>>, vector<1x16xf32>,
      %swap3A_66 = vector.shape_cast %swap3A_65 : vector<1x16xf32> to vector<16xf32>
      %swap3A_67 = vector.shape_cast %broadcast_in_dim3A_1 : vector<16xf32> to vector<1x16xf32>
      tpu.vector_store %arg8[%swap3A_63, %swap3A_64], %swap3A_67 {strides = array<i32>} : memref<128x128xf32, #tpu.memory_space<vmem>>, vector<1x16xf32>,
      %swap3A_68 = arith.index_cast %scan3A_48 : i32 to index
      %swap3A_69 = arith.constant 64 : index
      %swap3A_70 = tpu.vector_load %arg8[%swap3A_68, %swap3A_69] {strides = array<i32>} : memref<128x128xf32, #tpu.memory_space<vmem>>, vector<1x16xf32>,
      %swap3A_71 = vector.shape_cast %swap3A_70 : vector<1x16xf32> to vector<16xf32>
      %swap3A_72 = vector.shape_cast %broadcast_in_dim3A_1 : vector<16xf32> to vector<1x16xf32>
      tpu.vector_store %arg8[%swap3A_68, %swap3A_69], %swap3A_72 {strides = array<i32>} : memref<128x128xf32, #tpu.memory_space<vmem>>, vector<1x16xf32>,
      %swap3A_73 = arith.index_cast %scan3A_48 : i32 to index
      %swap3A_74 = arith.constant 80 : index
      %swap3A_75 = tpu.vector_load %arg8[%swap3A_73, %swap3A_74] {strides = array<i32>} : memref<128x128xf32, #tpu.memory_space<vmem>>, vector<1x16xf32>,
      %swap3A_76 = vector.shape_cast %swap3A_75 : vector<1x16xf32> to vector<16xf32>
      %swap3A_77 = vector.shape_cast %broadcast_in_dim3A_1 : vector<16xf32> to vector<1x16xf32>
      tpu.vector_store %arg8[%swap3A_73, %swap3A_74], %swap3A_77 {strides = array<i32>} : memref<128x128xf32, #tpu.memory_space<vmem>>, vector<1x16xf32>,
      %swap3A_78 = arith.index_cast %scan3A_48 : i32 to index
      %swap3A_79 = arith.constant 96 : index
      %swap3A_80 = tpu.vector_load %arg8[%swap3A_78, %swap3A_79] {strides = array<i32>} : memref<128x128xf32, #tpu.memory_space<vmem>>, vector<1x16xf32>,
      %swap3A_81 = vector.shape_cast %swap3A_80 : vector<1x16xf32> to vector<16xf32>
      %swap3A_82 = vector.shape_cast %broadcast_in_dim3A_1 : vector<16xf32> to vector<1x16xf32>
      tpu.vector_store %arg8[%swap3A_78, %swap3A_79], %swap3A_82 {strides = array<i32>} : memref<128x128xf32, #tpu.memory_space<vmem>>, vector<1x16xf32>,
      %swap3A_83 = arith.index_cast %scan3A_48 : i32 to index
      %swap3A_84 = arith.constant 112 : index
      %swap3A_85 = tpu.vector_load %arg8[%swap3A_83, %swap3A_84] {strides = array<i32>} : memref<128x128xf32, #tpu.memory_space<vmem>>, vector<1x16xf32>,
      %swap3A_86 = vector.shape_cast %swap3A_85 : vector<1x16xf32> to vector<16xf32>
      %swap3A_87 = vector.shape_cast %broadcast_in_dim3A_1 : vector<16xf32> to vector<1x16xf32>
      tpu.vector_store %arg8[%swap3A_83, %swap3A_84], %swap3A_87 {strides = array<i32>} : memref<128x128xf32, #tpu.memory_space<vmem>>, vector<1x16xf32>,
    }
    %scan3A_6 = arith.constant 128 : i32
    %mul3A_7 = arith.constant 632 : i32
    %mul3A_8 = arith.muli %arg1, %mul3A_7 : i32
    %multiple_of3A = tpu.assume_multiple %mul3A_8, 8 : i32
    %add3A_9 = arith.constant 0 : i32
    %add3A_10 = arith.addi %multiple_of3A, %add3A_9 : i32
    "tpu.region"() ({
      %run_scoped3A = tpu.sem_alloc : memref<!tpu.dma_semaphore, #tpu.memory_space<semaphore_mem>>
      %dma_start3A = arith.constant 0 : i32
      %dma_start3A_48 = tpu.memref_slice %arg9[%add3A_10, %dma_start3A] : memref<10112x128xf32, #tpu.memory_space<vmem_shared>> -> memref<128x128xf32, #tpu.memory_space<vmem_shared>>
      %dma_start3A_49 = arith.constant 0 : i32
      %dma_start3A_50 = tpu.memref_slice %arg9[%add3A_10, %dma_start3A_49] : memref<10112x128xf32, #tpu.memory_space<vmem_shared>> -> memref<128x128xf32, #tpu.memory_space<vmem_shared>>
      tpu.enqueue_dma source(%arg8 : memref<128x128xf32, #tpu.memory_space<vmem>>) target(%dma_start3A_50 : memref<128x128xf32, #tpu.memory_space<vmem_shared>>) target_semaphore(%run_scoped3A : memref<!tpu.dma_semaphore, #tpu.memory_space<semaphore_mem>>)
      %dma_wait3A = arith.constant 0 : i32
      %dma_wait3A_51 = tpu.memref_slice %arg9[%add3A_10, %dma_wait3A] : memref<10112x128xf32, #tpu.memory_space<vmem_shared>> -> memref<128x128xf32, #tpu.memory_space<vmem_shared>>
      %dma_wait3A_52 = arith.constant 0 : i32
      %dma_wait3A_53 = tpu.memref_slice %arg9[%add3A_10, %dma_wait3A_52] : memref<10112x128xf32, #tpu.memory_space<vmem_shared>> -> memref<128x128xf32, #tpu.memory_space<vmem_shared>>
      tpu.wait_dma2 semaphore(%run_scoped3A : memref<!tpu.dma_semaphore, #tpu.memory_space<semaphore_mem>>) src(%arg8 : memref<128x128xf32, #tpu.memory_space<vmem>>) dst(%dma_wait3A_53 : memref<128x128xf32, #tpu.memory_space<vmem_shared>>)
      tpu.yield
    }) : () -> ()
    %add3A_11 = arith.constant 128 : i32
    %add3A_12 = arith.addi %multiple_of3A, %add3A_11 : i32
    "tpu.region"() ({
      %run_scoped3A = tpu.sem_alloc : memref<!tpu.dma_semaphore, #tpu.memory_space<semaphore_mem>>
      %dma_start3A = arith.constant 0 : i32
      %dma_start3A_48 = tpu.memref_slice %arg9[%add3A_12, %dma_start3A] : memref<10112x128xf32, #tpu.memory_space<vmem_shared>> -> memref<128x128xf32, #tpu.memory_space<vmem_shared>>
      %dma_start3A_49 = arith.constant 0 : i32
      %dma_start3A_50 = tpu.memref_slice %arg9[%add3A_12, %dma_start3A_49] : memref<10112x128xf32, #tpu.memory_space<vmem_shared>> -> memref<128x128xf32, #tpu.memory_space<vmem_shared>>
      tpu.enqueue_dma source(%arg8 : memref<128x128xf32, #tpu.memory_space<vmem>>) target(%dma_start3A_50 : memref<128x128xf32, #tpu.memory_space<vmem_shared>>) target_semaphore(%run_scoped3A : memref<!tpu.dma_semaphore, #tpu.memory_space<semaphore_mem>>)
      %dma_wait3A = arith.constant 0 : i32
      %dma_wait3A_51 = tpu.memref_slice %arg9[%add3A_12, %dma_wait3A] : memref<10112x128xf32, #tpu.memory_space<vmem_shared>> -> memref<128x128xf32, #tpu.memory_space<vmem_shared>>
      %dma_wait3A_52 = arith.constant 0 : i32
      %dma_wait3A_53 = tpu.memref_slice %arg9[%add3A_12, %dma_wait3A_52] : memref<10112x128xf32, #tpu.memory_space<vmem_shared>> -> memref<128x128xf32, #tpu.memory_space<vmem_shared>>
      tpu.wait_dma2 semaphore(%run_scoped3A : memref<!tpu.dma_semaphore, #tpu.memory_space<semaphore_mem>>) src(%arg8 : memref<128x128xf32, #tpu.memory_space<vmem>>) dst(%dma_wait3A_53 : memref<128x128xf32, #tpu.memory_space<vmem_shared>>)
      tpu.yield
    }) : () -> ()
    %add3A_13 = arith.constant 256 : i32
    %add3A_14 = arith.addi %multiple_of3A, %add3A_13 : i32
    "tpu.region"() ({
      %run_scoped3A = tpu.sem_alloc : memref<!tpu.dma_semaphore, #tpu.memory_space<semaphore_mem>>
      %dma_start3A = arith.constant 0 : i32
      %dma_start3A_48 = tpu.memref_slice %arg9[%add3A_14, %dma_start3A] : memref<10112x128xf32, #tpu.memory_space<vmem_shared>> -> memref<128x128xf32, #tpu.memory_space<vmem_shared>>
      %dma_start3A_49 = arith.constant 0 : i32
      %dma_start3A_50 = tpu.memref_slice %arg9[%add3A_14, %dma_start3A_49] : memref<10112x128xf32, #tpu.memory_space<vmem_shared>> -> memref<128x128xf32, #tpu.memory_space<vmem_shared>>
      tpu.enqueue_dma source(%arg8 : memref<128x128xf32, #tpu.memory_space<vmem>>) target(%dma_start3A_50 : memref<128x128xf32, #tpu.memory_space<vmem_shared>>) target_semaphore(%run_scoped3A : memref<!tpu.dma_semaphore, #tpu.memory_space<semaphore_mem>>)
      %dma_wait3A = arith.constant 0 : i32
      %dma_wait3A_51 = tpu.memref_slice %arg9[%add3A_14, %dma_wait3A] : memref<10112x128xf32, #tpu.memory_space<vmem_shared>> -> memref<128x128xf32, #tpu.memory_space<vmem_shared>>
      %dma_wait3A_52 = arith.constant 0 : i32
      %dma_wait3A_53 = tpu.memref_slice %arg9[%add3A_14, %dma_wait3A_52] : memref<10112x128xf32, #tpu.memory_space<vmem_shared>> -> memref<128x128xf32, #tpu.memory_space<vmem_shared>>
      tpu.wait_dma2 semaphore(%run_scoped3A : memref<!tpu.dma_semaphore, #tpu.memory_space<semaphore_mem>>) src(%arg8 : memref<128x128xf32, #tpu.memory_space<vmem>>) dst(%dma_wait3A_53 : memref<128x128xf32, #tpu.memory_space<vmem_shared>>)
      tpu.yield
    }) : () -> ()
    %add3A_15 = arith.constant 384 : i32
    %add3A_16 = arith.addi %multiple_of3A, %add3A_15 : i32
    "tpu.region"() ({
      %run_scoped3A = tpu.sem_alloc : memref<!tpu.dma_semaphore, #tpu.memory_space<semaphore_mem>>
      %dma_start3A = arith.constant 0 : i32
      %dma_start3A_48 = tpu.memref_slice %arg9[%add3A_16, %dma_start3A] : memref<10112x128xf32, #tpu.memory_space<vmem_shared>> -> memref<128x128xf32, #tpu.memory_space<vmem_shared>>
      %dma_start3A_49 = arith.constant 0 : i32
      %dma_start3A_50 = tpu.memref_slice %arg9[%add3A_16, %dma_start3A_49] : memref<10112x128xf32, #tpu.memory_space<vmem_shared>> -> memref<128x128xf32, #tpu.memory_space<vmem_shared>>
      tpu.enqueue_dma source(%arg8 : memref<128x128xf32, #tpu.memory_space<vmem>>) target(%dma_start3A_50 : memref<128x128xf32, #tpu.memory_space<vmem_shared>>) target_semaphore(%run_scoped3A : memref<!tpu.dma_semaphore, #tpu.memory_space<semaphore_mem>>)
      %dma_wait3A = arith.constant 0 : i32
      %dma_wait3A_51 = tpu.memref_slice %arg9[%add3A_16, %dma_wait3A] : memref<10112x128xf32, #tpu.memory_space<vmem_shared>> -> memref<128x128xf32, #tpu.memory_space<vmem_shared>>
      %dma_wait3A_52 = arith.constant 0 : i32
      %dma_wait3A_53 = tpu.memref_slice %arg9[%add3A_16, %dma_wait3A_52] : memref<10112x128xf32, #tpu.memory_space<vmem_shared>> -> memref<128x128xf32, #tpu.memory_space<vmem_shared>>
      tpu.wait_dma2 semaphore(%run_scoped3A : memref<!tpu.dma_semaphore, #tpu.memory_space<semaphore_mem>>) src(%arg8 : memref<128x128xf32, #tpu.memory_space<vmem>>) dst(%dma_wait3A_53 : memref<128x128xf32, #tpu.memory_space<vmem_shared>>)
      tpu.yield
    }) : () -> ()
    %add3A_17 = arith.constant 512 : i32
    %add3A_18 = arith.addi %multiple_of3A, %add3A_17 : i32
    "tpu.region"() ({
      %run_scoped3A = tpu.sem_alloc : memref<!tpu.dma_semaphore, #tpu.memory_space<semaphore_mem>>
      %dma_start3A = arith.constant 0 : i32
      %dma_start3A_48 = arith.constant 0 : i32
      %dma_start3A_49 = tpu.memref_slice %arg8[%dma_start3A, %dma_start3A_48] : memref<128x128xf32, #tpu.memory_space<vmem>> -> memref<120x128xf32, #tpu.memory_space<vmem>>
      %dma_start3A_50 = arith.constant 0 : i32
      %dma_start3A_51 = tpu.memref_slice %arg9[%add3A_18, %dma_start3A_50] : memref<10112x128xf32, #tpu.memory_space<vmem_shared>> -> memref<120x128xf32, #tpu.memory_space<vmem_shared>>
      %dma_start3A_52 = arith.constant 0 : i32
      %dma_start3A_53 = tpu.memref_slice %arg9[%add3A_18, %dma_start3A_52] : memref<10112x128xf32, #tpu.memory_space<vmem_shared>> -> memref<120x128xf32, #tpu.memory_space<vmem_shared>>
      %dma_start3A_54 = arith.constant 0 : i32
      %dma_start3A_55 = arith.constant 0 : i32
      %dma_start3A_56 = tpu.memref_slice %arg8[%dma_start3A_54, %dma_start3A_55] : memref<128x128xf32, #tpu.memory_space<vmem>> -> memref<120x128xf32, #tpu.memory_space<vmem>>
      tpu.enqueue_dma source(%dma_start3A_56 : memref<120x128xf32, #tpu.memory_space<vmem>>) target(%dma_start3A_53 : memref<120x128xf32, #tpu.memory_space<vmem_shared>>) target_semaphore(%run_scoped3A : memref<!tpu.dma_semaphore, #tpu.memory_space<semaphore_mem>>)
      %dma_wait3A = arith.constant 0 : i32
      %dma_wait3A_57 = arith.constant 0 : i32
      %dma_wait3A_58 = tpu.memref_slice %arg8[%dma_wait3A, %dma_wait3A_57] : memref<128x128xf32, #tpu.memory_space<vmem>> -> memref<120x128xf32, #tpu.memory_space<vmem>>
      %dma_wait3A_59 = arith.constant 0 : i32
      %dma_wait3A_60 = tpu.memref_slice %arg9[%add3A_18, %dma_wait3A_59] : memref<10112x128xf32, #tpu.memory_space<vmem_shared>> -> memref<120x128xf32, #tpu.memory_space<vmem_shared>>
      %dma_wait3A_61 = arith.constant 0 : i32
      %dma_wait3A_62 = tpu.memref_slice %arg9[%add3A_18, %dma_wait3A_61] : memref<10112x128xf32, #tpu.memory_space<vmem_shared>> -> memref<120x128xf32, #tpu.memory_space<vmem_shared>>
      %dma_wait3A_63 = arith.constant 0 : i32
      %dma_wait3A_64 = arith.constant 0 : i32
      %dma_wait3A_65 = tpu.memref_slice %arg8[%dma_wait3A_63, %dma_wait3A_64] : memref<128x128xf32, #tpu.memory_space<vmem>> -> memref<120x128xf32, #tpu.memory_space<vmem>>
      tpu.wait_dma2 semaphore(%run_scoped3A : memref<!tpu.dma_semaphore, #tpu.memory_space<semaphore_mem>>) src(%dma_wait3A_65 : memref<120x128xf32, #tpu.memory_space<vmem>>) dst(%dma_wait3A_62 : memref<120x128xf32, #tpu.memory_space<vmem_shared>>)
      tpu.yield
    }) : () -> ()
    %barrier3A = arith.constant 0 : index
    tpu.barrier barrier_id(%barrier3A)
    %mul3A_19 = arith.constant 10112 : i32
    %mul3A_20 = arith.muli %add3A, %mul3A_19 : i32
    %scan3A_21 = arith.constant 0 : i32
    %scan3A_22 = arith.constant 0 : i32
    %scan3A_23 = arith.constant 79 : i32
    %scan3A_24 = arith.addi %scan3A_22, %scan3A_23 : i32
    %scan3A_25 = arith.constant 1 : i32
    scf.for %scan3A_48 = %scan3A_22 to %scan3A_24 step %scan3A_25  : i32 {
      %mul3A_49 = arith.constant 128 : i32
      %mul3A_50 = arith.muli %scan3A_48, %mul3A_49 : i32
      %add3A_51 = arith.addi %mul3A_20, %mul3A_50 : i32
      %multiple_of3A_52 = tpu.assume_multiple %add3A_51, 8 : i32
      "tpu.region"() ({
        %run_scoped3A = tpu.sem_alloc : memref<!tpu.dma_semaphore, #tpu.memory_space<semaphore_mem>>
        %dma_start3A_57 = tpu.memref_slice %arg3[%multiple_of3A_52] : memref<323584xi32, #tpu.memory_space<hbm>> -> memref<128xi32, #tpu.memory_space<hbm>>
        %dma_start3A_58 = tpu.memref_slice %arg3[%multiple_of3A_52] : memref<323584xi32, #tpu.memory_space<hbm>> -> memref<128xi32, #tpu.memory_space<hbm>>
        tpu.enqueue_dma source(%dma_start3A_58 : memref<128xi32, #tpu.memory_space<hbm>>) target(%arg6 : memref<128xi32, #tpu.memory_space<vmem>>) target_semaphore(%run_scoped3A : memref<!tpu.dma_semaphore, #tpu.memory_space<semaphore_mem>>)
        %dma_wait3A_59 = tpu.memref_slice %arg3[%multiple_of3A_52] : memref<323584xi32, #tpu.memory_space<hbm>> -> memref<128xi32, #tpu.memory_space<hbm>>
        %dma_wait3A_60 = tpu.memref_slice %arg3[%multiple_of3A_52] : memref<323584xi32, #tpu.memory_space<hbm>> -> memref<128xi32, #tpu.memory_space<hbm>>
        tpu.wait_dma2 semaphore(%run_scoped3A : memref<!tpu.dma_semaphore, #tpu.memory_space<semaphore_mem>>) src(%dma_wait3A_60 : memref<128xi32, #tpu.memory_space<hbm>>) dst(%arg6 : memref<128xi32, #tpu.memory_space<vmem>>)
        tpu.yield
      }) : () -> ()
      "tpu.region"() ({
        %run_scoped3A = tpu.sem_alloc : memref<!tpu.dma_semaphore, #tpu.memory_space<semaphore_mem>>
        %dma_start3A_57 = tpu.memref_slice %arg4[%multiple_of3A_52] : memref<323584xi32, #tpu.memory_space<hbm>> -> memref<128xi32, #tpu.memory_space<hbm>>
        %dma_start3A_58 = tpu.memref_slice %arg4[%multiple_of3A_52] : memref<323584xi32, #tpu.memory_space<hbm>> -> memref<128xi32, #tpu.memory_space<hbm>>
        tpu.enqueue_dma source(%dma_start3A_58 : memref<128xi32, #tpu.memory_space<hbm>>) target(%arg7 : memref<128xi32, #tpu.memory_space<vmem>>) target_semaphore(%run_scoped3A : memref<!tpu.dma_semaphore, #tpu.memory_space<semaphore_mem>>)
        %dma_wait3A_59 = tpu.memref_slice %arg4[%multiple_of3A_52] : memref<323584xi32, #tpu.memory_space<hbm>> -> memref<128xi32, #tpu.memory_space<hbm>>
        %dma_wait3A_60 = tpu.memref_slice %arg4[%multiple_of3A_52] : memref<323584xi32, #tpu.memory_space<hbm>> -> memref<128xi32, #tpu.memory_space<hbm>>
        tpu.wait_dma2 semaphore(%run_scoped3A : memref<!tpu.dma_semaphore, #tpu.memory_space<semaphore_mem>>) src(%dma_wait3A_60 : memref<128xi32, #tpu.memory_space<hbm>>) dst(%arg7 : memref<128xi32, #tpu.memory_space<vmem>>)
        tpu.yield
      }) : () -> ()
      %dma_start3A = arith.constant 0 : i32
      %dma_start3A_53 = arith.constant 0 : i32
      %dma_start3A_54 = tpu.memref_slice %arg2[%dma_start3A, %dma_start3A_53] : memref<10000x128xf32, #tpu.memory_space<hbm>> -> memref<10000x128xf32, #tpu.memory_space<hbm>>
      tpu.enqueue_indirect_dma source(%dma_start3A_54 : memref<10000x128xf32, #tpu.memory_space<hbm>>) target(%arg8 : memref<128x128xf32, #tpu.memory_space<vmem>>) offsets(%arg6 : memref<128xi32, #tpu.memory_space<vmem>>) semaphore(%arg10 : memref<!tpu.dma_semaphore, #tpu.memory_space<semaphore_mem>>)
      %dma_wait3A = arith.constant 0 : i32
      %dma_wait3A_55 = arith.constant 0 : i32
      %dma_wait3A_56 = tpu.memref_slice %arg2[%dma_wait3A, %dma_wait3A_55] : memref<10000x128xf32, #tpu.memory_space<hbm>> -> memref<10000x128xf32, #tpu.memory_space<hbm>>
      tpu.wait_indirect_dma semaphore(%arg10 : memref<!tpu.dma_semaphore, #tpu.memory_space<semaphore_mem>>) src(%dma_wait3A_56 : memref<10000x128xf32, #tpu.memory_space<hbm>>) dst(%arg8 : memref<128x128xf32, #tpu.memory_space<vmem>>)
      "tpu.region"() ({
        %run_scoped3A = tpu.sem_alloc : memref<!tpu.dma_semaphore, #tpu.memory_space<semaphore_mem>>
        %dma_start3A_57 = arith.constant 0 : i32
        %dma_start3A_58 = arith.constant 0 : i32
        %dma_start3A_59 = tpu.memref_slice %arg9[%dma_start3A_57, %dma_start3A_58] : memref<10112x128xf32, #tpu.memory_space<vmem_shared>> -> memref<10112x128xf32, #tpu.memory_space<vmem_shared>>
        tpu.enqueue_indirect_dma source(%arg8 : memref<128x128xf32, #tpu.memory_space<vmem>>) target(%dma_start3A_59 : memref<10112x128xf32, #tpu.memory_space<vmem_shared>>) offsets(%arg7 : memref<128xi32, #tpu.memory_space<vmem>>) semaphore(%run_scoped3A : memref<!tpu.dma_semaphore, #tpu.memory_space<semaphore_mem>>) {add = true}
        %dma_wait3A_60 = arith.constant 0 : i32
        %dma_wait3A_61 = arith.constant 0 : i32
        %dma_wait3A_62 = tpu.memref_slice %arg9[%dma_wait3A_60, %dma_wait3A_61] : memref<10112x128xf32, #tpu.memory_space<vmem_shared>> -> memref<10112x128xf32, #tpu.memory_space<vmem_shared>>
        tpu.wait_indirect_dma semaphore(%run_scoped3A : memref<!tpu.dma_semaphore, #tpu.memory_space<semaphore_mem>>) src(%arg8 : memref<128x128xf32, #tpu.memory_space<vmem>>) dst(%dma_wait3A_62 : memref<10112x128xf32, #tpu.memory_space<vmem_shared>>)
        tpu.yield
      }) : () -> ()
    }
    %scan3A_26 = arith.constant 79 : i32
    %barrier3A_27 = arith.constant 0 : index
    tpu.barrier barrier_id(%barrier3A_27)
    %add3A_28 = arith.constant 0 : i32
    %add3A_29 = arith.addi %multiple_of3A, %add3A_28 : i32
    "tpu.region"() ({
      %run_scoped3A = tpu.sem_alloc : memref<!tpu.dma_semaphore, #tpu.memory_space<semaphore_mem>>
      %dma_start3A = arith.constant 0 : i32
      %dma_start3A_48 = tpu.memref_slice %arg9[%add3A_29, %dma_start3A] : memref<10112x128xf32, #tpu.memory_space<vmem_shared>> -> memref<128x128xf32, #tpu.memory_space<vmem_shared>>
      %dma_start3A_49 = arith.constant 0 : i32
      %dma_start3A_50 = tpu.memref_slice %arg9[%add3A_29, %dma_start3A_49] : memref<10112x128xf32, #tpu.memory_space<vmem_shared>> -> memref<128x128xf32, #tpu.memory_space<vmem_shared>>
      tpu.enqueue_dma source(%dma_start3A_50 : memref<128x128xf32, #tpu.memory_space<vmem_shared>>) target(%arg8 : memref<128x128xf32, #tpu.memory_space<vmem>>) target_semaphore(%run_scoped3A : memref<!tpu.dma_semaphore, #tpu.memory_space<semaphore_mem>>)
      %dma_wait3A = arith.constant 0 : i32
      %dma_wait3A_51 = tpu.memref_slice %arg9[%add3A_29, %dma_wait3A] : memref<10112x128xf32, #tpu.memory_space<vmem_shared>> -> memref<128x128xf32, #tpu.memory_space<vmem_shared>>
      %dma_wait3A_52 = arith.constant 0 : i32
      %dma_wait3A_53 = tpu.memref_slice %arg9[%add3A_29, %dma_wait3A_52] : memref<10112x128xf32, #tpu.memory_space<vmem_shared>> -> memref<128x128xf32, #tpu.memory_space<vmem_shared>>
      tpu.wait_dma2 semaphore(%run_scoped3A : memref<!tpu.dma_semaphore, #tpu.memory_space<semaphore_mem>>) src(%dma_wait3A_53 : memref<128x128xf32, #tpu.memory_space<vmem_shared>>) dst(%arg8 : memref<128x128xf32, #tpu.memory_space<vmem>>)
      tpu.yield
    }) : () -> ()
    %add3A_30 = arith.constant 0 : i32
    %add3A_31 = arith.addi %multiple_of3A, %add3A_30 : i32
    "tpu.region"() ({
      %run_scoped3A = tpu.sem_alloc : memref<!tpu.dma_semaphore, #tpu.memory_space<semaphore_mem>>
      %dma_start3A = arith.constant 0 : i32
      %dma_start3A_48 = tpu.memref_slice %arg5[%arg0, %add3A_31, %dma_start3A] : memref<2x10112x128xf32, #tpu.memory_space<hbm>> -> memref<1x128x128xf32, #tpu.memory_space<hbm>>
      %dma_start3A_49 = tpu.memref_squeeze %dma_start3A_48 : memref<1x128x128xf32, #tpu.memory_space<hbm>> -> memref<128x128xf32, #tpu.memory_space<hbm>>
      %dma_start3A_50 = arith.constant 0 : i32
      %dma_start3A_51 = tpu.memref_slice %arg5[%arg0, %add3A_31, %dma_start3A_50] : memref<2x10112x128xf32, #tpu.memory_space<hbm>> -> memref<1x128x128xf32, #tpu.memory_space<hbm>>
      %dma_start3A_52 = tpu.memref_squeeze %dma_start3A_51 : memref<1x128x128xf32, #tpu.memory_space<hbm>> -> memref<128x128xf32, #tpu.memory_space<hbm>>
      tpu.enqueue_dma source(%arg8 : memref<128x128xf32, #tpu.memory_space<vmem>>) target(%dma_start3A_52 : memref<128x128xf32, #tpu.memory_space<hbm>>) target_semaphore(%run_scoped3A : memref<!tpu.dma_semaphore, #tpu.memory_space<semaphore_mem>>)
      %dma_wait3A = arith.constant 0 : i32
      %dma_wait3A_53 = tpu.memref_slice %arg5[%arg0, %add3A_31, %dma_wait3A] : memref<2x10112x128xf32, #tpu.memory_space<hbm>> -> memref<1x128x128xf32, #tpu.memory_space<hbm>>
      %dma_wait3A_54 = tpu.memref_squeeze %dma_wait3A_53 : memref<1x128x128xf32, #tpu.memory_space<hbm>> -> memref<128x128xf32, #tpu.memory_space<hbm>>
      %dma_wait3A_55 = arith.constant 0 : i32
      %dma_wait3A_56 = tpu.memref_slice %arg5[%arg0, %add3A_31, %dma_wait3A_55] : memref<2x10112x128xf32, #tpu.memory_space<hbm>> -> memref<1x128x128xf32, #tpu.memory_space<hbm>>
      %dma_wait3A_57 = tpu.memref_squeeze %dma_wait3A_56 : memref<1x128x128xf32, #tpu.memory_space<hbm>> -> memref<128x128xf32, #tpu.memory_space<hbm>>
      tpu.wait_dma2 semaphore(%run_scoped3A : memref<!tpu.dma_semaphore, #tpu.memory_space<semaphore_mem>>) src(%arg8 : memref<128x128xf32, #tpu.memory_space<vmem>>) dst(%dma_wait3A_57 : memref<128x128xf32, #tpu.memory_space<hbm>>)
      tpu.yield
    }) : () -> ()
    %add3A_32 = arith.constant 128 : i32
    %add3A_33 = arith.addi %multiple_of3A, %add3A_32 : i32
    "tpu.region"() ({
      %run_scoped3A = tpu.sem_alloc : memref<!tpu.dma_semaphore, #tpu.memory_space<semaphore_mem>>
      %dma_start3A = arith.constant 0 : i32
      %dma_start3A_48 = tpu.memref_slice %arg9[%add3A_33, %dma_start3A] : memref<10112x128xf32, #tpu.memory_space<vmem_shared>> -> memref<128x128xf32, #tpu.memory_space<vmem_shared>>
      %dma_start3A_49 = arith.constant 0 : i32
      %dma_start3A_50 = tpu.memref_slice %arg9[%add3A_33, %dma_start3A_49] : memref<10112x128xf32, #tpu.memory_space<vmem_shared>> -> memref<128x128xf32, #tpu.memory_space<vmem_shared>>
      tpu.enqueue_dma source(%dma_start3A_50 : memref<128x128xf32, #tpu.memory_space<vmem_shared>>) target(%arg8 : memref<128x128xf32, #tpu.memory_space<vmem>>) target_semaphore(%run_scoped3A : memref<!tpu.dma_semaphore, #tpu.memory_space<semaphore_mem>>)
      %dma_wait3A = arith.constant 0 : i32
      %dma_wait3A_51 = tpu.memref_slice %arg9[%add3A_33, %dma_wait3A] : memref<10112x128xf32, #tpu.memory_space<vmem_shared>> -> memref<128x128xf32, #tpu.memory_space<vmem_shared>>
      %dma_wait3A_52 = arith.constant 0 : i32
      %dma_wait3A_53 = tpu.memref_slice %arg9[%add3A_33, %dma_wait3A_52] : memref<10112x128xf32, #tpu.memory_space<vmem_shared>> -> memref<128x128xf32, #tpu.memory_space<vmem_shared>>
      tpu.wait_dma2 semaphore(%run_scoped3A : memref<!tpu.dma_semaphore, #tpu.memory_space<semaphore_mem>>) src(%dma_wait3A_53 : memref<128x128xf32, #tpu.memory_space<vmem_shared>>) dst(%arg8 : memref<128x128xf32, #tpu.memory_space<vmem>>)
      tpu.yield
    }) : () -> ()
    %add3A_34 = arith.constant 128 : i32
    %add3A_35 = arith.addi %multiple_of3A, %add3A_34 : i32
    "tpu.region"() ({
      %run_scoped3A = tpu.sem_alloc : memref<!tpu.dma_semaphore, #tpu.memory_space<semaphore_mem>>
      %dma_start3A = arith.constant 0 : i32
      %dma_start3A_48 = tpu.memref_slice %arg5[%arg0, %add3A_35, %dma_start3A] : memref<2x10112x128xf32, #tpu.memory_space<hbm>> -> memref<1x128x128xf32, #tpu.memory_space<hbm>>
      %dma_start3A_49 = tpu.memref_squeeze %dma_start3A_48 : memref<1x128x128xf32, #tpu.memory_space<hbm>> -> memref<128x128xf32, #tpu.memory_space<hbm>>
      %dma_start3A_50 = arith.constant 0 : i32
      %dma_start3A_51 = tpu.memref_slice %arg5[%arg0, %add3A_35, %dma_start3A_50] : memref<2x10112x128xf32, #tpu.memory_space<hbm>> -> memref<1x128x128xf32, #tpu.memory_space<hbm>>
      %dma_start3A_52 = tpu.memref_squeeze %dma_start3A_51 : memref<1x128x128xf32, #tpu.memory_space<hbm>> -> memref<128x128xf32, #tpu.memory_space<hbm>>
      tpu.enqueue_dma source(%arg8 : memref<128x128xf32, #tpu.memory_space<vmem>>) target(%dma_start3A_52 : memref<128x128xf32, #tpu.memory_space<hbm>>) target_semaphore(%run_scoped3A : memref<!tpu.dma_semaphore, #tpu.memory_space<semaphore_mem>>)
      %dma_wait3A = arith.constant 0 : i32
      %dma_wait3A_53 = tpu.memref_slice %arg5[%arg0, %add3A_35, %dma_wait3A] : memref<2x10112x128xf32, #tpu.memory_space<hbm>> -> memref<1x128x128xf32, #tpu.memory_space<hbm>>
      %dma_wait3A_54 = tpu.memref_squeeze %dma_wait3A_53 : memref<1x128x128xf32, #tpu.memory_space<hbm>> -> memref<128x128xf32, #tpu.memory_space<hbm>>
      %dma_wait3A_55 = arith.constant 0 : i32
      %dma_wait3A_56 = tpu.memref_slice %arg5[%arg0, %add3A_35, %dma_wait3A_55] : memref<2x10112x128xf32, #tpu.memory_space<hbm>> -> memref<1x128x128xf32, #tpu.memory_space<hbm>>
      %dma_wait3A_57 = tpu.memref_squeeze %dma_wait3A_56 : memref<1x128x128xf32, #tpu.memory_space<hbm>> -> memref<128x128xf32, #tpu.memory_space<hbm>>
      tpu.wait_dma2 semaphore(%run_scoped3A : memref<!tpu.dma_semaphore, #tpu.memory_space<semaphore_mem>>) src(%arg8 : memref<128x128xf32, #tpu.memory_space<vmem>>) dst(%dma_wait3A_57 : memref<128x128xf32, #tpu.memory_space<hbm>>)
      tpu.yield
    }) : () -> ()
    %add3A_36 = arith.constant 256 : i32
    %add3A_37 = arith.addi %multiple_of3A, %add3A_36 : i32
    "tpu.region"() ({
      %run_scoped3A = tpu.sem_alloc : memref<!tpu.dma_semaphore, #tpu.memory_space<semaphore_mem>>
      %dma_start3A = arith.constant 0 : i32
      %dma_start3A_48 = tpu.memref_slice %arg9[%add3A_37, %dma_start3A] : memref<10112x128xf32, #tpu.memory_space<vmem_shared>> -> memref<128x128xf32, #tpu.memory_space<vmem_shared>>
      %dma_start3A_49 = arith.constant 0 : i32
      %dma_start3A_50 = tpu.memref_slice %arg9[%add3A_37, %dma_start3A_49] : memref<10112x128xf32, #tpu.memory_space<vmem_shared>> -> memref<128x128xf32, #tpu.memory_space<vmem_shared>>
      tpu.enqueue_dma source(%dma_start3A_50 : memref<128x128xf32, #tpu.memory_space<vmem_shared>>) target(%arg8 : memref<128x128xf32, #tpu.memory_space<vmem>>) target_semaphore(%run_scoped3A : memref<!tpu.dma_semaphore, #tpu.memory_space<semaphore_mem>>)
      %dma_wait3A = arith.constant 0 : i32
      %dma_wait3A_51 = tpu.memref_slice %arg9[%add3A_37, %dma_wait3A] : memref<10112x128xf32, #tpu.memory_space<vmem_shared>> -> memref<128x128xf32, #tpu.memory_space<vmem_shared>>
      %dma_wait3A_52 = arith.constant 0 : i32
      %dma_wait3A_53 = tpu.memref_slice %arg9[%add3A_37, %dma_wait3A_52] : memref<10112x128xf32, #tpu.memory_space<vmem_shared>> -> memref<128x128xf32, #tpu.memory_space<vmem_shared>>
      tpu.wait_dma2 semaphore(%run_scoped3A : memref<!tpu.dma_semaphore, #tpu.memory_space<semaphore_mem>>) src(%dma_wait3A_53 : memref<128x128xf32, #tpu.memory_space<vmem_shared>>) dst(%arg8 : memref<128x128xf32, #tpu.memory_space<vmem>>)
      tpu.yield
    }) : () -> ()
    %add3A_38 = arith.constant 256 : i32
    %add3A_39 = arith.addi %multiple_of3A, %add3A_38 : i32
    "tpu.region"() ({
      %run_scoped3A = tpu.sem_alloc : memref<!tpu.dma_semaphore, #tpu.memory_space<semaphore_mem>>
      %dma_start3A = arith.constant 0 : i32
      %dma_start3A_48 = tpu.memref_slice %arg5[%arg0, %add3A_39, %dma_start3A] : memref<2x10112x128xf32, #tpu.memory_space<hbm>> -> memref<1x128x128xf32, #tpu.memory_space<hbm>>
      %dma_start3A_49 = tpu.memref_squeeze %dma_start3A_48 : memref<1x128x128xf32, #tpu.memory_space<hbm>> -> memref<128x128xf32, #tpu.memory_space<hbm>>
      %dma_start3A_50 = arith.constant 0 : i32
      %dma_start3A_51 = tpu.memref_slice %arg5[%arg0, %add3A_39, %dma_start3A_50] : memref<2x10112x128xf32, #tpu.memory_space<hbm>> -> memref<1x128x128xf32, #tpu.memory_space<hbm>>
      %dma_start3A_52 = tpu.memref_squeeze %dma_start3A_51 : memref<1x128x128xf32, #tpu.memory_space<hbm>> -> memref<128x128xf32, #tpu.memory_space<hbm>>
      tpu.enqueue_dma source(%arg8 : memref<128x128xf32, #tpu.memory_space<vmem>>) target(%dma_start3A_52 : memref<128x128xf32, #tpu.memory_space<hbm>>) target_semaphore(%run_scoped3A : memref<!tpu.dma_semaphore, #tpu.memory_space<semaphore_mem>>)
      %dma_wait3A = arith.constant 0 : i32
      %dma_wait3A_53 = tpu.memref_slice %arg5[%arg0, %add3A_39, %dma_wait3A] : memref<2x10112x128xf32, #tpu.memory_space<hbm>> -> memref<1x128x128xf32, #tpu.memory_space<hbm>>
      %dma_wait3A_54 = tpu.memref_squeeze %dma_wait3A_53 : memref<1x128x128xf32, #tpu.memory_space<hbm>> -> memref<128x128xf32, #tpu.memory_space<hbm>>
      %dma_wait3A_55 = arith.constant 0 : i32
      %dma_wait3A_56 = tpu.memref_slice %arg5[%arg0, %add3A_39, %dma_wait3A_55] : memref<2x10112x128xf32, #tpu.memory_space<hbm>> -> memref<1x128x128xf32, #tpu.memory_space<hbm>>
      %dma_wait3A_57 = tpu.memref_squeeze %dma_wait3A_56 : memref<1x128x128xf32, #tpu.memory_space<hbm>> -> memref<128x128xf32, #tpu.memory_space<hbm>>
      tpu.wait_dma2 semaphore(%run_scoped3A : memref<!tpu.dma_semaphore, #tpu.memory_space<semaphore_mem>>) src(%arg8 : memref<128x128xf32, #tpu.memory_space<vmem>>) dst(%dma_wait3A_57 : memref<128x128xf32, #tpu.memory_space<hbm>>)
      tpu.yield
    }) : () -> ()
    %add3A_40 = arith.constant 384 : i32
    %add3A_41 = arith.addi %multiple_of3A, %add3A_40 : i32
    "tpu.region"() ({
      %run_scoped3A = tpu.sem_alloc : memref<!tpu.dma_semaphore, #tpu.memory_space<semaphore_mem>>
      %dma_start3A = arith.constant 0 : i32
      %dma_start3A_48 = tpu.memref_slice %arg9[%add3A_41, %dma_start3A] : memref<10112x128xf32, #tpu.memory_space<vmem_shared>> -> memref<128x128xf32, #tpu.memory_space<vmem_shared>>
      %dma_start3A_49 = arith.constant 0 : i32
      %dma_start3A_50 = tpu.memref_slice %arg9[%add3A_41, %dma_start3A_49] : memref<10112x128xf32, #tpu.memory_space<vmem_shared>> -> memref<128x128xf32, #tpu.memory_space<vmem_shared>>
      tpu.enqueue_dma source(%dma_start3A_50 : memref<128x128xf32, #tpu.memory_space<vmem_shared>>) target(%arg8 : memref<128x128xf32, #tpu.memory_space<vmem>>) target_semaphore(%run_scoped3A : memref<!tpu.dma_semaphore, #tpu.memory_space<semaphore_mem>>)
      %dma_wait3A = arith.constant 0 : i32
      %dma_wait3A_51 = tpu.memref_slice %arg9[%add3A_41, %dma_wait3A] : memref<10112x128xf32, #tpu.memory_space<vmem_shared>> -> memref<128x128xf32, #tpu.memory_space<vmem_shared>>
      %dma_wait3A_52 = arith.constant 0 : i32
      %dma_wait3A_53 = tpu.memref_slice %arg9[%add3A_41, %dma_wait3A_52] : memref<10112x128xf32, #tpu.memory_space<vmem_shared>> -> memref<128x128xf32, #tpu.memory_space<vmem_shared>>
      tpu.wait_dma2 semaphore(%run_scoped3A : memref<!tpu.dma_semaphore, #tpu.memory_space<semaphore_mem>>) src(%dma_wait3A_53 : memref<128x128xf32, #tpu.memory_space<vmem_shared>>) dst(%arg8 : memref<128x128xf32, #tpu.memory_space<vmem>>)
      tpu.yield
    }) : () -> ()
    %add3A_42 = arith.constant 384 : i32
    %add3A_43 = arith.addi %multiple_of3A, %add3A_42 : i32
    "tpu.region"() ({
      %run_scoped3A = tpu.sem_alloc : memref<!tpu.dma_semaphore, #tpu.memory_space<semaphore_mem>>
      %dma_start3A = arith.constant 0 : i32
      %dma_start3A_48 = tpu.memref_slice %arg5[%arg0, %add3A_43, %dma_start3A] : memref<2x10112x128xf32, #tpu.memory_space<hbm>> -> memref<1x128x128xf32, #tpu.memory_space<hbm>>
      %dma_start3A_49 = tpu.memref_squeeze %dma_start3A_48 : memref<1x128x128xf32, #tpu.memory_space<hbm>> -> memref<128x128xf32, #tpu.memory_space<hbm>>
      %dma_start3A_50 = arith.constant 0 : i32
      %dma_start3A_51 = tpu.memref_slice %arg5[%arg0, %add3A_43, %dma_start3A_50] : memref<2x10112x128xf32, #tpu.memory_space<hbm>> -> memref<1x128x128xf32, #tpu.memory_space<hbm>>
      %dma_start3A_52 = tpu.memref_squeeze %dma_start3A_51 : memref<1x128x128xf32, #tpu.memory_space<hbm>> -> memref<128x128xf32, #tpu.memory_space<hbm>>
      tpu.enqueue_dma source(%arg8 : memref<128x128xf32, #tpu.memory_space<vmem>>) target(%dma_start3A_52 : memref<128x128xf32, #tpu.memory_space<hbm>>) target_semaphore(%run_scoped3A : memref<!tpu.dma_semaphore, #tpu.memory_space<semaphore_mem>>)
      %dma_wait3A = arith.constant 0 : i32
      %dma_wait3A_53 = tpu.memref_slice %arg5[%arg0, %add3A_43, %dma_wait3A] : memref<2x10112x128xf32, #tpu.memory_space<hbm>> -> memref<1x128x128xf32, #tpu.memory_space<hbm>>
      %dma_wait3A_54 = tpu.memref_squeeze %dma_wait3A_53 : memref<1x128x128xf32, #tpu.memory_space<hbm>> -> memref<128x128xf32, #tpu.memory_space<hbm>>
      %dma_wait3A_55 = arith.constant 0 : i32
      %dma_wait3A_56 = tpu.memref_slice %arg5[%arg0, %add3A_43, %dma_wait3A_55] : memref<2x10112x128xf32, #tpu.memory_space<hbm>> -> memref<1x128x128xf32, #tpu.memory_space<hbm>>
      %dma_wait3A_57 = tpu.memref_squeeze %dma_wait3A_56 : memref<1x128x128xf32, #tpu.memory_space<hbm>> -> memref<128x128xf32, #tpu.memory_space<hbm>>
      tpu.wait_dma2 semaphore(%run_scoped3A : memref<!tpu.dma_semaphore, #tpu.memory_space<semaphore_mem>>) src(%arg8 : memref<128x128xf32, #tpu.memory_space<vmem>>) dst(%dma_wait3A_57 : memref<128x128xf32, #tpu.memory_space<hbm>>)
      tpu.yield
    }) : () -> ()
    %add3A_44 = arith.constant 512 : i32
    %add3A_45 = arith.addi %multiple_of3A, %add3A_44 : i32
    "tpu.region"() ({
      %run_scoped3A = tpu.sem_alloc : memref<!tpu.dma_semaphore, #tpu.memory_space<semaphore_mem>>
      %dma_start3A = arith.constant 0 : i32
      %dma_start3A_48 = arith.constant 0 : i32
      %dma_start3A_49 = tpu.memref_slice %arg8[%dma_start3A, %dma_start3A_48] : memref<128x128xf32, #tpu.memory_space<vmem>> -> memref<120x128xf32, #tpu.memory_space<vmem>>
      %dma_start3A_50 = arith.constant 0 : i32
      %dma_start3A_51 = tpu.memref_slice %arg9[%add3A_45, %dma_start3A_50] : memref<10112x128xf32, #tpu.memory_space<vmem_shared>> -> memref<120x128xf32, #tpu.memory_space<vmem_shared>>
      %dma_start3A_52 = arith.constant 0 : i32
      %dma_start3A_53 = arith.constant 0 : i32
      %dma_start3A_54 = tpu.memref_slice %arg8[%dma_start3A_52, %dma_start3A_53] : memref<128x128xf32, #tpu.memory_space<vmem>> -> memref<120x128xf32, #tpu.memory_space<vmem>>
      %dma_start3A_55 = arith.constant 0 : i32
      %dma_start3A_56 = tpu.memref_slice %arg9[%add3A_45, %dma_start3A_55] : memref<10112x128xf32, #tpu.memory_space<vmem_shared>> -> memref<120x128xf32, #tpu.memory_space<vmem_shared>>
      tpu.enqueue_dma source(%dma_start3A_56 : memref<120x128xf32, #tpu.memory_space<vmem_shared>>) target(%dma_start3A_54 : memref<120x128xf32, #tpu.memory_space<vmem>>) target_semaphore(%run_scoped3A : memref<!tpu.dma_semaphore, #tpu.memory_space<semaphore_mem>>)
      %dma_wait3A = arith.constant 0 : i32
      %dma_wait3A_57 = arith.constant 0 : i32
      %dma_wait3A_58 = tpu.memref_slice %arg8[%dma_wait3A, %dma_wait3A_57] : memref<128x128xf32, #tpu.memory_space<vmem>> -> memref<120x128xf32, #tpu.memory_space<vmem>>
      %dma_wait3A_59 = arith.constant 0 : i32
      %dma_wait3A_60 = tpu.memref_slice %arg9[%add3A_45, %dma_wait3A_59] : memref<10112x128xf32, #tpu.memory_space<vmem_shared>> -> memref<120x128xf32, #tpu.memory_space<vmem_shared>>
      %dma_wait3A_61 = arith.constant 0 : i32
      %dma_wait3A_62 = arith.constant 0 : i32
      %dma_wait3A_63 = tpu.memref_slice %arg8[%dma_wait3A_61, %dma_wait3A_62] : memref<128x128xf32, #tpu.memory_space<vmem>> -> memref<120x128xf32, #tpu.memory_space<vmem>>
      %dma_wait3A_64 = arith.constant 0 : i32
      %dma_wait3A_65 = tpu.memref_slice %arg9[%add3A_45, %dma_wait3A_64] : memref<10112x128xf32, #tpu.memory_space<vmem_shared>> -> memref<120x128xf32, #tpu.memory_space<vmem_shared>>
      tpu.wait_dma2 semaphore(%run_scoped3A : memref<!tpu.dma_semaphore, #tpu.memory_space<semaphore_mem>>) src(%dma_wait3A_65 : memref<120x128xf32, #tpu.memory_space<vmem_shared>>) dst(%dma_wait3A_63 : memref<120x128xf32, #tpu.memory_space<vmem>>)
      tpu.yield
    }) : () -> ()
    %add3A_46 = arith.constant 512 : i32
    %add3A_47 = arith.addi %multiple_of3A, %add3A_46 : i32
    "tpu.region"() ({
      %run_scoped3A = tpu.sem_alloc : memref<!tpu.dma_semaphore, #tpu.memory_space<semaphore_mem>>
      %dma_start3A = arith.constant 0 : i32
      %dma_start3A_48 = arith.constant 0 : i32
      %dma_start3A_49 = tpu.memref_slice %arg8[%dma_start3A, %dma_start3A_48] : memref<128x128xf32, #tpu.memory_space<vmem>> -> memref<120x128xf32, #tpu.memory_space<vmem>>
      %dma_start3A_50 = arith.constant 0 : i32
      %dma_start3A_51 = tpu.memref_slice %arg5[%arg0, %add3A_47, %dma_start3A_50] : memref<2x10112x128xf32, #tpu.memory_space<hbm>> -> memref<1x120x128xf32, #tpu.memory_space<hbm>>
      %dma_start3A_52 = tpu.memref_squeeze %dma_start3A_51 : memref<1x120x128xf32, #tpu.memory_space<hbm>> -> memref<120x128xf32, #tpu.memory_space<hbm>>
      %dma_start3A_53 = arith.constant 0 : i32
      %dma_start3A_54 = tpu.memref_slice %arg5[%arg0, %add3A_47, %dma_start3A_53] : memref<2x10112x128xf32, #tpu.memory_space<hbm>> -> memref<1x120x128xf32, #tpu.memory_space<hbm>>
      %dma_start3A_55 = tpu.memref_squeeze %dma_start3A_54 : memref<1x120x128xf32, #tpu.memory_space<hbm>> -> memref<120x128xf32, #tpu.memory_space<hbm>>
      %dma_start3A_56 = arith.constant 0 : i32
      %dma_start3A_57 = arith.constant 0 : i32
      %dma_start3A_58 = tpu.memref_slice %arg8[%dma_start3A_56, %dma_start3A_57] : memref<128x128xf32, #tpu.memory_space<vmem>> -> memref<120x128xf32, #tpu.memory_space<vmem>>
      tpu.enqueue_dma source(%dma_start3A_58 : memref<120x128xf32, #tpu.memory_space<vmem>>) target(%dma_start3A_55 : memref<120x128xf32, #tpu.memory_space<hbm>>) target_semaphore(%run_scoped3A : memref<!tpu.dma_semaphore, #tpu.memory_space<semaphore_mem>>)
      %dma_wait3A = arith.constant 0 : i32
      %dma_wait3A_59 = arith.constant 0 : i32
      %dma_wait3A_60 = tpu.memref_slice %arg8[%dma_wait3A, %dma_wait3A_59] : memref<128x128xf32, #tpu.memory_space<vmem>> -> memref<120x128xf32, #tpu.memory_space<vmem>>
      %dma_wait3A_61 = arith.constant 0 : i32
      %dma_wait3A_62 = tpu.memref_slice %arg5[%arg0, %add3A_47, %dma_wait3A_61] : memref<2x10112x128xf32, #tpu.memory_space<hbm>> -> memref<1x120x128xf32, #tpu.memory_space<hbm>>
      %dma_wait3A_63 = tpu.memref_squeeze %dma_wait3A_62 : memref<1x120x128xf32, #tpu.memory_space<hbm>> -> memref<120x128xf32, #tpu.memory_space<hbm>>
      %dma_wait3A_64 = arith.constant 0 : i32
      %dma_wait3A_65 = tpu.memref_slice %arg5[%arg0, %add3A_47, %dma_wait3A_64] : memref<2x10112x128xf32, #tpu.memory_space<hbm>> -> memref<1x120x128xf32, #tpu.memory_space<hbm>>
      %dma_wait3A_66 = tpu.memref_squeeze %dma_wait3A_65 : memref<1x120x128xf32, #tpu.memory_space<hbm>> -> memref<120x128xf32, #tpu.memory_space<hbm>>
      %dma_wait3A_67 = arith.constant 0 : i32
      %dma_wait3A_68 = arith.constant 0 : i32
      %dma_wait3A_69 = tpu.memref_slice %arg8[%dma_wait3A_67, %dma_wait3A_68] : memref<128x128xf32, #tpu.memory_space<vmem>> -> memref<120x128xf32, #tpu.memory_space<vmem>>
      tpu.wait_dma2 semaphore(%run_scoped3A : memref<!tpu.dma_semaphore, #tpu.memory_space<semaphore_mem>>) src(%dma_wait3A_69 : memref<120x128xf32, #tpu.memory_space<vmem>>) dst(%dma_wait3A_66 : memref<120x128xf32, #tpu.memory_space<hbm>>)
      tpu.yield
    }) : () -> ()
    return
  }
}

#map = affine_map<(d0, d1) -> (0, 0)>
#map1 = affine_map<(d0, d1) -> (0)>
#map2 = affine_map<(d0, d1) -> (0, 0, 0)>
module attributes {stable_mosaic.version = 14 : i64} {
  func.func @k(%arg0: i32, %arg1: i32, %arg2: memref<10000x128xf32, #tpu.memory_space<hbm>>, %arg3: memref<200704xi32, #tpu.memory_space<hbm>>, %arg4: memref<200704xi32, #tpu.memory_space<hbm>>, %arg5: memref<2x2048x128xf32, #tpu.memory_space<hbm>>, %arg6: memref<128xi32, #tpu.memory_space<vmem>>, %arg7: memref<128xi32, #tpu.memory_space<vmem>>, %arg8: memref<128x128xf32, #tpu.memory_space<vmem>>, %arg9: memref<2048x128xf32, #tpu.memory_space<vmem_shared>>, %arg10: memref<!tpu.dma_semaphore, #tpu.memory_space<semaphore_mem>>) attributes {dimension_semantics = [#tpu.dimension_semantics<core_parallel>, #tpu.dimension_semantics<subcore_parallel>], iteration_bounds = array<i64: 2, 16>, scalar_prefetch = 0 : i64, scratch_operands = 5 : i64, tpu.core_type = #tpu.core_type<sc_vector_subcore>, window_params = [{transform_indices = #map}, {transform_indices = #map1}, {transform_indices = #map1}, {transform_indices = #map2}]} {
    %mul3A = arith.constant 2 : i32
    %mul3A_0 = arith.muli %arg1, %mul3A : i32
    %add3A = arith.addi %mul3A_0, %arg0 : i32
    %broadcast_in_dim3A = arith.constant 0.000000e+00 : f32
    %broadcast_in_dim3A_1 = vector.broadcast %broadcast_in_dim3A : f32 to vector<16xf32>
    %scan3A = arith.constant 0 : i32
    %scan3A_2 = arith.constant 0 : i32
    %scan3A_3 = arith.constant 128 : i32
    %scan3A_4 = arith.addi %scan3A_2, %scan3A_3 : i32
    %scan3A_5 = arith.constant 1 : i32
    scf.for %scan3A_24 = %scan3A_2 to %scan3A_4 step %scan3A_5  : i32 {
      %swap3A = arith.index_cast %scan3A_24 : i32 to index
      %swap3A_25 = arith.constant 0 : index
      %swap3A_26 = tpu.vector_load %arg8[%swap3A, %swap3A_25] {strides = array<i32>} : memref<128x128xf32, #tpu.memory_space<vmem>>, vector<1x16xf32>,
      %swap3A_27 = vector.shape_cast %swap3A_26 : vector<1x16xf32> to vector<16xf32>
      %swap3A_28 = vector.shape_cast %broadcast_in_dim3A_1 : vector<16xf32> to vector<1x16xf32>
      tpu.vector_store %arg8[%swap3A, %swap3A_25], %swap3A_28 {strides = array<i32>} : memref<128x128xf32, #tpu.memory_space<vmem>>, vector<1x16xf32>,
      %swap3A_29 = arith.index_cast %scan3A_24 : i32 to index
      %swap3A_30 = arith.constant 16 : index
      %swap3A_31 = tpu.vector_load %arg8[%swap3A_29, %swap3A_30] {strides = array<i32>} : memref<128x128xf32, #tpu.memory_space<vmem>>, vector<1x16xf32>,
      %swap3A_32 = vector.shape_cast %swap3A_31 : vector<1x16xf32> to vector<16xf32>
      %swap3A_33 = vector.shape_cast %broadcast_in_dim3A_1 : vector<16xf32> to vector<1x16xf32>
      tpu.vector_store %arg8[%swap3A_29, %swap3A_30], %swap3A_33 {strides = array<i32>} : memref<128x128xf32, #tpu.memory_space<vmem>>, vector<1x16xf32>,
      %swap3A_34 = arith.index_cast %scan3A_24 : i32 to index
      %swap3A_35 = arith.constant 32 : index
      %swap3A_36 = tpu.vector_load %arg8[%swap3A_34, %swap3A_35] {strides = array<i32>} : memref<128x128xf32, #tpu.memory_space<vmem>>, vector<1x16xf32>,
      %swap3A_37 = vector.shape_cast %swap3A_36 : vector<1x16xf32> to vector<16xf32>
      %swap3A_38 = vector.shape_cast %broadcast_in_dim3A_1 : vector<16xf32> to vector<1x16xf32>
      tpu.vector_store %arg8[%swap3A_34, %swap3A_35], %swap3A_38 {strides = array<i32>} : memref<128x128xf32, #tpu.memory_space<vmem>>, vector<1x16xf32>,
      %swap3A_39 = arith.index_cast %scan3A_24 : i32 to index
      %swap3A_40 = arith.constant 48 : index
      %swap3A_41 = tpu.vector_load %arg8[%swap3A_39, %swap3A_40] {strides = array<i32>} : memref<128x128xf32, #tpu.memory_space<vmem>>, vector<1x16xf32>,
      %swap3A_42 = vector.shape_cast %swap3A_41 : vector<1x16xf32> to vector<16xf32>
      %swap3A_43 = vector.shape_cast %broadcast_in_dim3A_1 : vector<16xf32> to vector<1x16xf32>
      tpu.vector_store %arg8[%swap3A_39, %swap3A_40], %swap3A_43 {strides = array<i32>} : memref<128x128xf32, #tpu.memory_space<vmem>>, vector<1x16xf32>,
      %swap3A_44 = arith.index_cast %scan3A_24 : i32 to index
      %swap3A_45 = arith.constant 64 : index
      %swap3A_46 = tpu.vector_load %arg8[%swap3A_44, %swap3A_45] {strides = array<i32>} : memref<128x128xf32, #tpu.memory_space<vmem>>, vector<1x16xf32>,
      %swap3A_47 = vector.shape_cast %swap3A_46 : vector<1x16xf32> to vector<16xf32>
      %swap3A_48 = vector.shape_cast %broadcast_in_dim3A_1 : vector<16xf32> to vector<1x16xf32>
      tpu.vector_store %arg8[%swap3A_44, %swap3A_45], %swap3A_48 {strides = array<i32>} : memref<128x128xf32, #tpu.memory_space<vmem>>, vector<1x16xf32>,
      %swap3A_49 = arith.index_cast %scan3A_24 : i32 to index
      %swap3A_50 = arith.constant 80 : index
      %swap3A_51 = tpu.vector_load %arg8[%swap3A_49, %swap3A_50] {strides = array<i32>} : memref<128x128xf32, #tpu.memory_space<vmem>>, vector<1x16xf32>,
      %swap3A_52 = vector.shape_cast %swap3A_51 : vector<1x16xf32> to vector<16xf32>
      %swap3A_53 = vector.shape_cast %broadcast_in_dim3A_1 : vector<16xf32> to vector<1x16xf32>
      tpu.vector_store %arg8[%swap3A_49, %swap3A_50], %swap3A_53 {strides = array<i32>} : memref<128x128xf32, #tpu.memory_space<vmem>>, vector<1x16xf32>,
      %swap3A_54 = arith.index_cast %scan3A_24 : i32 to index
      %swap3A_55 = arith.constant 96 : index
      %swap3A_56 = tpu.vector_load %arg8[%swap3A_54, %swap3A_55] {strides = array<i32>} : memref<128x128xf32, #tpu.memory_space<vmem>>, vector<1x16xf32>,
      %swap3A_57 = vector.shape_cast %swap3A_56 : vector<1x16xf32> to vector<16xf32>
      %swap3A_58 = vector.shape_cast %broadcast_in_dim3A_1 : vector<16xf32> to vector<1x16xf32>
      tpu.vector_store %arg8[%swap3A_54, %swap3A_55], %swap3A_58 {strides = array<i32>} : memref<128x128xf32, #tpu.memory_space<vmem>>, vector<1x16xf32>,
      %swap3A_59 = arith.index_cast %scan3A_24 : i32 to index
      %swap3A_60 = arith.constant 112 : index
      %swap3A_61 = tpu.vector_load %arg8[%swap3A_59, %swap3A_60] {strides = array<i32>} : memref<128x128xf32, #tpu.memory_space<vmem>>, vector<1x16xf32>,
      %swap3A_62 = vector.shape_cast %swap3A_61 : vector<1x16xf32> to vector<16xf32>
      %swap3A_63 = vector.shape_cast %broadcast_in_dim3A_1 : vector<16xf32> to vector<1x16xf32>
      tpu.vector_store %arg8[%swap3A_59, %swap3A_60], %swap3A_63 {strides = array<i32>} : memref<128x128xf32, #tpu.memory_space<vmem>>, vector<1x16xf32>,
    }
    %scan3A_6 = arith.constant 128 : i32
    %mul3A_7 = arith.constant 128 : i32
    %mul3A_8 = arith.muli %arg1, %mul3A_7 : i32
    %multiple_of3A = tpu.assume_multiple %mul3A_8, 8 : i32
    %add3A_9 = arith.constant 0 : i32
    %add3A_10 = arith.addi %multiple_of3A, %add3A_9 : i32
    "tpu.region"() ({
      %run_scoped3A = tpu.sem_alloc : memref<!tpu.dma_semaphore, #tpu.memory_space<semaphore_mem>>
      %dma_start3A = arith.constant 0 : i32
      %dma_start3A_24 = tpu.memref_slice %arg9[%add3A_10, %dma_start3A] : memref<2048x128xf32, #tpu.memory_space<vmem_shared>> -> memref<128x128xf32, #tpu.memory_space<vmem_shared>>
      %dma_start3A_25 = arith.constant 0 : i32
      %dma_start3A_26 = tpu.memref_slice %arg9[%add3A_10, %dma_start3A_25] : memref<2048x128xf32, #tpu.memory_space<vmem_shared>> -> memref<128x128xf32, #tpu.memory_space<vmem_shared>>
      tpu.enqueue_dma source(%arg8 : memref<128x128xf32, #tpu.memory_space<vmem>>) target(%dma_start3A_26 : memref<128x128xf32, #tpu.memory_space<vmem_shared>>) target_semaphore(%run_scoped3A : memref<!tpu.dma_semaphore, #tpu.memory_space<semaphore_mem>>)
      %dma_wait3A = arith.constant 0 : i32
      %dma_wait3A_27 = tpu.memref_slice %arg9[%add3A_10, %dma_wait3A] : memref<2048x128xf32, #tpu.memory_space<vmem_shared>> -> memref<128x128xf32, #tpu.memory_space<vmem_shared>>
      %dma_wait3A_28 = arith.constant 0 : i32
      %dma_wait3A_29 = tpu.memref_slice %arg9[%add3A_10, %dma_wait3A_28] : memref<2048x128xf32, #tpu.memory_space<vmem_shared>> -> memref<128x128xf32, #tpu.memory_space<vmem_shared>>
      tpu.wait_dma2 semaphore(%run_scoped3A : memref<!tpu.dma_semaphore, #tpu.memory_space<semaphore_mem>>) src(%arg8 : memref<128x128xf32, #tpu.memory_space<vmem>>) dst(%dma_wait3A_29 : memref<128x128xf32, #tpu.memory_space<vmem_shared>>)
      tpu.yield
    }) : () -> ()
    %barrier3A = arith.constant 0 : index
    tpu.barrier barrier_id(%barrier3A)
    %mul3A_11 = arith.constant 6272 : i32
    %mul3A_12 = arith.muli %add3A, %mul3A_11 : i32
    %scan3A_13 = arith.constant 0 : i32
    %scan3A_14 = arith.constant 0 : i32
    %scan3A_15 = arith.constant 49 : i32
    %scan3A_16 = arith.addi %scan3A_14, %scan3A_15 : i32
    %scan3A_17 = arith.constant 1 : i32
    scf.for %scan3A_24 = %scan3A_14 to %scan3A_16 step %scan3A_17  : i32 {
      %mul3A_25 = arith.constant 128 : i32
      %mul3A_26 = arith.muli %scan3A_24, %mul3A_25 : i32
      %add3A_27 = arith.addi %mul3A_12, %mul3A_26 : i32
      %multiple_of3A_28 = tpu.assume_multiple %add3A_27, 8 : i32
      "tpu.region"() ({
        %run_scoped3A = tpu.sem_alloc : memref<!tpu.dma_semaphore, #tpu.memory_space<semaphore_mem>>
        %dma_start3A_33 = tpu.memref_slice %arg3[%multiple_of3A_28] : memref<200704xi32, #tpu.memory_space<hbm>> -> memref<128xi32, #tpu.memory_space<hbm>>
        %dma_start3A_34 = tpu.memref_slice %arg3[%multiple_of3A_28] : memref<200704xi32, #tpu.memory_space<hbm>> -> memref<128xi32, #tpu.memory_space<hbm>>
        tpu.enqueue_dma source(%dma_start3A_34 : memref<128xi32, #tpu.memory_space<hbm>>) target(%arg6 : memref<128xi32, #tpu.memory_space<vmem>>) target_semaphore(%run_scoped3A : memref<!tpu.dma_semaphore, #tpu.memory_space<semaphore_mem>>)
        %dma_wait3A_35 = tpu.memref_slice %arg3[%multiple_of3A_28] : memref<200704xi32, #tpu.memory_space<hbm>> -> memref<128xi32, #tpu.memory_space<hbm>>
        %dma_wait3A_36 = tpu.memref_slice %arg3[%multiple_of3A_28] : memref<200704xi32, #tpu.memory_space<hbm>> -> memref<128xi32, #tpu.memory_space<hbm>>
        tpu.wait_dma2 semaphore(%run_scoped3A : memref<!tpu.dma_semaphore, #tpu.memory_space<semaphore_mem>>) src(%dma_wait3A_36 : memref<128xi32, #tpu.memory_space<hbm>>) dst(%arg6 : memref<128xi32, #tpu.memory_space<vmem>>)
        tpu.yield
      }) : () -> ()
      "tpu.region"() ({
        %run_scoped3A = tpu.sem_alloc : memref<!tpu.dma_semaphore, #tpu.memory_space<semaphore_mem>>
        %dma_start3A_33 = tpu.memref_slice %arg4[%multiple_of3A_28] : memref<200704xi32, #tpu.memory_space<hbm>> -> memref<128xi32, #tpu.memory_space<hbm>>
        %dma_start3A_34 = tpu.memref_slice %arg4[%multiple_of3A_28] : memref<200704xi32, #tpu.memory_space<hbm>> -> memref<128xi32, #tpu.memory_space<hbm>>
        tpu.enqueue_dma source(%dma_start3A_34 : memref<128xi32, #tpu.memory_space<hbm>>) target(%arg7 : memref<128xi32, #tpu.memory_space<vmem>>) target_semaphore(%run_scoped3A : memref<!tpu.dma_semaphore, #tpu.memory_space<semaphore_mem>>)
        %dma_wait3A_35 = tpu.memref_slice %arg4[%multiple_of3A_28] : memref<200704xi32, #tpu.memory_space<hbm>> -> memref<128xi32, #tpu.memory_space<hbm>>
        %dma_wait3A_36 = tpu.memref_slice %arg4[%multiple_of3A_28] : memref<200704xi32, #tpu.memory_space<hbm>> -> memref<128xi32, #tpu.memory_space<hbm>>
        tpu.wait_dma2 semaphore(%run_scoped3A : memref<!tpu.dma_semaphore, #tpu.memory_space<semaphore_mem>>) src(%dma_wait3A_36 : memref<128xi32, #tpu.memory_space<hbm>>) dst(%arg7 : memref<128xi32, #tpu.memory_space<vmem>>)
        tpu.yield
      }) : () -> ()
      %dma_start3A = arith.constant 0 : i32
      %dma_start3A_29 = arith.constant 0 : i32
      %dma_start3A_30 = tpu.memref_slice %arg2[%dma_start3A, %dma_start3A_29] : memref<10000x128xf32, #tpu.memory_space<hbm>> -> memref<10000x128xf32, #tpu.memory_space<hbm>>
      tpu.enqueue_indirect_dma source(%dma_start3A_30 : memref<10000x128xf32, #tpu.memory_space<hbm>>) target(%arg8 : memref<128x128xf32, #tpu.memory_space<vmem>>) offsets(%arg6 : memref<128xi32, #tpu.memory_space<vmem>>) semaphore(%arg10 : memref<!tpu.dma_semaphore, #tpu.memory_space<semaphore_mem>>)
      %dma_wait3A = arith.constant 0 : i32
      %dma_wait3A_31 = arith.constant 0 : i32
      %dma_wait3A_32 = tpu.memref_slice %arg2[%dma_wait3A, %dma_wait3A_31] : memref<10000x128xf32, #tpu.memory_space<hbm>> -> memref<10000x128xf32, #tpu.memory_space<hbm>>
      tpu.wait_indirect_dma semaphore(%arg10 : memref<!tpu.dma_semaphore, #tpu.memory_space<semaphore_mem>>) src(%dma_wait3A_32 : memref<10000x128xf32, #tpu.memory_space<hbm>>) dst(%arg8 : memref<128x128xf32, #tpu.memory_space<vmem>>)
      "tpu.region"() ({
        %run_scoped3A = tpu.sem_alloc : memref<!tpu.dma_semaphore, #tpu.memory_space<semaphore_mem>>
        %dma_start3A_33 = arith.constant 0 : i32
        %dma_start3A_34 = arith.constant 0 : i32
        %dma_start3A_35 = tpu.memref_slice %arg9[%dma_start3A_33, %dma_start3A_34] : memref<2048x128xf32, #tpu.memory_space<vmem_shared>> -> memref<2048x128xf32, #tpu.memory_space<vmem_shared>>
        tpu.enqueue_indirect_dma source(%arg8 : memref<128x128xf32, #tpu.memory_space<vmem>>) target(%dma_start3A_35 : memref<2048x128xf32, #tpu.memory_space<vmem_shared>>) offsets(%arg7 : memref<128xi32, #tpu.memory_space<vmem>>) semaphore(%run_scoped3A : memref<!tpu.dma_semaphore, #tpu.memory_space<semaphore_mem>>) {add = true}
        %dma_wait3A_36 = arith.constant 0 : i32
        %dma_wait3A_37 = arith.constant 0 : i32
        %dma_wait3A_38 = tpu.memref_slice %arg9[%dma_wait3A_36, %dma_wait3A_37] : memref<2048x128xf32, #tpu.memory_space<vmem_shared>> -> memref<2048x128xf32, #tpu.memory_space<vmem_shared>>
        tpu.wait_indirect_dma semaphore(%run_scoped3A : memref<!tpu.dma_semaphore, #tpu.memory_space<semaphore_mem>>) src(%arg8 : memref<128x128xf32, #tpu.memory_space<vmem>>) dst(%dma_wait3A_38 : memref<2048x128xf32, #tpu.memory_space<vmem_shared>>)
        tpu.yield
      }) : () -> ()
    }
    %scan3A_18 = arith.constant 49 : i32
    %barrier3A_19 = arith.constant 0 : index
    tpu.barrier barrier_id(%barrier3A_19)
    %add3A_20 = arith.constant 0 : i32
    %add3A_21 = arith.addi %multiple_of3A, %add3A_20 : i32
    "tpu.region"() ({
      %run_scoped3A = tpu.sem_alloc : memref<!tpu.dma_semaphore, #tpu.memory_space<semaphore_mem>>
      %dma_start3A = arith.constant 0 : i32
      %dma_start3A_24 = tpu.memref_slice %arg9[%add3A_21, %dma_start3A] : memref<2048x128xf32, #tpu.memory_space<vmem_shared>> -> memref<128x128xf32, #tpu.memory_space<vmem_shared>>
      %dma_start3A_25 = arith.constant 0 : i32
      %dma_start3A_26 = tpu.memref_slice %arg9[%add3A_21, %dma_start3A_25] : memref<2048x128xf32, #tpu.memory_space<vmem_shared>> -> memref<128x128xf32, #tpu.memory_space<vmem_shared>>
      tpu.enqueue_dma source(%dma_start3A_26 : memref<128x128xf32, #tpu.memory_space<vmem_shared>>) target(%arg8 : memref<128x128xf32, #tpu.memory_space<vmem>>) target_semaphore(%run_scoped3A : memref<!tpu.dma_semaphore, #tpu.memory_space<semaphore_mem>>)
      %dma_wait3A = arith.constant 0 : i32
      %dma_wait3A_27 = tpu.memref_slice %arg9[%add3A_21, %dma_wait3A] : memref<2048x128xf32, #tpu.memory_space<vmem_shared>> -> memref<128x128xf32, #tpu.memory_space<vmem_shared>>
      %dma_wait3A_28 = arith.constant 0 : i32
      %dma_wait3A_29 = tpu.memref_slice %arg9[%add3A_21, %dma_wait3A_28] : memref<2048x128xf32, #tpu.memory_space<vmem_shared>> -> memref<128x128xf32, #tpu.memory_space<vmem_shared>>
      tpu.wait_dma2 semaphore(%run_scoped3A : memref<!tpu.dma_semaphore, #tpu.memory_space<semaphore_mem>>) src(%dma_wait3A_29 : memref<128x128xf32, #tpu.memory_space<vmem_shared>>) dst(%arg8 : memref<128x128xf32, #tpu.memory_space<vmem>>)
      tpu.yield
    }) : () -> ()
    %add3A_22 = arith.constant 0 : i32
    %add3A_23 = arith.addi %multiple_of3A, %add3A_22 : i32
    "tpu.region"() ({
      %run_scoped3A = tpu.sem_alloc : memref<!tpu.dma_semaphore, #tpu.memory_space<semaphore_mem>>
      %dma_start3A = arith.constant 0 : i32
      %dma_start3A_24 = tpu.memref_slice %arg5[%arg0, %add3A_23, %dma_start3A] : memref<2x2048x128xf32, #tpu.memory_space<hbm>> -> memref<1x128x128xf32, #tpu.memory_space<hbm>>
      %dma_start3A_25 = tpu.memref_squeeze %dma_start3A_24 : memref<1x128x128xf32, #tpu.memory_space<hbm>> -> memref<128x128xf32, #tpu.memory_space<hbm>>
      %dma_start3A_26 = arith.constant 0 : i32
      %dma_start3A_27 = tpu.memref_slice %arg5[%arg0, %add3A_23, %dma_start3A_26] : memref<2x2048x128xf32, #tpu.memory_space<hbm>> -> memref<1x128x128xf32, #tpu.memory_space<hbm>>
      %dma_start3A_28 = tpu.memref_squeeze %dma_start3A_27 : memref<1x128x128xf32, #tpu.memory_space<hbm>> -> memref<128x128xf32, #tpu.memory_space<hbm>>
      tpu.enqueue_dma source(%arg8 : memref<128x128xf32, #tpu.memory_space<vmem>>) target(%dma_start3A_28 : memref<128x128xf32, #tpu.memory_space<hbm>>) target_semaphore(%run_scoped3A : memref<!tpu.dma_semaphore, #tpu.memory_space<semaphore_mem>>)
      %dma_wait3A = arith.constant 0 : i32
      %dma_wait3A_29 = tpu.memref_slice %arg5[%arg0, %add3A_23, %dma_wait3A] : memref<2x2048x128xf32, #tpu.memory_space<hbm>> -> memref<1x128x128xf32, #tpu.memory_space<hbm>>
      %dma_wait3A_30 = tpu.memref_squeeze %dma_wait3A_29 : memref<1x128x128xf32, #tpu.memory_space<hbm>> -> memref<128x128xf32, #tpu.memory_space<hbm>>
      %dma_wait3A_31 = arith.constant 0 : i32
      %dma_wait3A_32 = tpu.memref_slice %arg5[%arg0, %add3A_23, %dma_wait3A_31] : memref<2x2048x128xf32, #tpu.memory_space<hbm>> -> memref<1x128x128xf32, #tpu.memory_space<hbm>>
      %dma_wait3A_33 = tpu.memref_squeeze %dma_wait3A_32 : memref<1x128x128xf32, #tpu.memory_space<hbm>> -> memref<128x128xf32, #tpu.memory_space<hbm>>
      tpu.wait_dma2 semaphore(%run_scoped3A : memref<!tpu.dma_semaphore, #tpu.memory_space<semaphore_mem>>) src(%arg8 : memref<128x128xf32, #tpu.memory_space<vmem>>) dst(%dma_wait3A_33 : memref<128x128xf32, #tpu.memory_space<hbm>>)
      tpu.yield
    }) : () -> ()
    return
  }
}

#map = affine_map<(d0, d1) -> (0, 0)>
#map1 = affine_map<(d0, d1) -> (0)>
#map2 = affine_map<(d0, d1) -> (0, 0, 0)>
module attributes {stable_mosaic.version = 14 : i64} {
  func.func @k(%arg0: i32, %arg1: i32, %arg2: memref<2000x128xf32, #tpu.memory_space<hbm>>, %arg3: memref<200704xi32, #tpu.memory_space<hbm>>, %arg4: memref<200704xi32, #tpu.memory_space<hbm>>, %arg5: memref<2x2048x128xf32, #tpu.memory_space<hbm>>, %arg6: memref<128xi32, #tpu.memory_space<vmem>>, %arg7: memref<128xi32, #tpu.memory_space<vmem>>, %arg8: memref<128x128xf32, #tpu.memory_space<vmem>>, %arg9: memref<2048x128xf32, #tpu.memory_space<vmem_shared>>, %arg10: memref<!tpu.dma_semaphore, #tpu.memory_space<semaphore_mem>>) attributes {dimension_semantics = [#tpu.dimension_semantics<core_parallel>, #tpu.dimension_semantics<subcore_parallel>], iteration_bounds = array<i64: 2, 16>, scalar_prefetch = 0 : i64, scratch_operands = 5 : i64, tpu.core_type = #tpu.core_type<sc_vector_subcore>, window_params = [{transform_indices = #map}, {transform_indices = #map1}, {transform_indices = #map1}, {transform_indices = #map2}]} {
    %mul3A = arith.constant 2 : i32
    %mul3A_0 = arith.muli %arg1, %mul3A : i32
    %add3A = arith.addi %mul3A_0, %arg0 : i32
    %broadcast_in_dim3A = arith.constant 0.000000e+00 : f32
    %broadcast_in_dim3A_1 = vector.broadcast %broadcast_in_dim3A : f32 to vector<16xf32>
    %scan3A = arith.constant 0 : i32
    %scan3A_2 = arith.constant 0 : i32
    %scan3A_3 = arith.constant 128 : i32
    %scan3A_4 = arith.addi %scan3A_2, %scan3A_3 : i32
    %scan3A_5 = arith.constant 1 : i32
    scf.for %scan3A_24 = %scan3A_2 to %scan3A_4 step %scan3A_5  : i32 {
      %swap3A = arith.index_cast %scan3A_24 : i32 to index
      %swap3A_25 = arith.constant 0 : index
      %swap3A_26 = tpu.vector_load %arg8[%swap3A, %swap3A_25] {strides = array<i32>} : memref<128x128xf32, #tpu.memory_space<vmem>>, vector<1x16xf32>,
      %swap3A_27 = vector.shape_cast %swap3A_26 : vector<1x16xf32> to vector<16xf32>
      %swap3A_28 = vector.shape_cast %broadcast_in_dim3A_1 : vector<16xf32> to vector<1x16xf32>
      tpu.vector_store %arg8[%swap3A, %swap3A_25], %swap3A_28 {strides = array<i32>} : memref<128x128xf32, #tpu.memory_space<vmem>>, vector<1x16xf32>,
      %swap3A_29 = arith.index_cast %scan3A_24 : i32 to index
      %swap3A_30 = arith.constant 16 : index
      %swap3A_31 = tpu.vector_load %arg8[%swap3A_29, %swap3A_30] {strides = array<i32>} : memref<128x128xf32, #tpu.memory_space<vmem>>, vector<1x16xf32>,
      %swap3A_32 = vector.shape_cast %swap3A_31 : vector<1x16xf32> to vector<16xf32>
      %swap3A_33 = vector.shape_cast %broadcast_in_dim3A_1 : vector<16xf32> to vector<1x16xf32>
      tpu.vector_store %arg8[%swap3A_29, %swap3A_30], %swap3A_33 {strides = array<i32>} : memref<128x128xf32, #tpu.memory_space<vmem>>, vector<1x16xf32>,
      %swap3A_34 = arith.index_cast %scan3A_24 : i32 to index
      %swap3A_35 = arith.constant 32 : index
      %swap3A_36 = tpu.vector_load %arg8[%swap3A_34, %swap3A_35] {strides = array<i32>} : memref<128x128xf32, #tpu.memory_space<vmem>>, vector<1x16xf32>,
      %swap3A_37 = vector.shape_cast %swap3A_36 : vector<1x16xf32> to vector<16xf32>
      %swap3A_38 = vector.shape_cast %broadcast_in_dim3A_1 : vector<16xf32> to vector<1x16xf32>
      tpu.vector_store %arg8[%swap3A_34, %swap3A_35], %swap3A_38 {strides = array<i32>} : memref<128x128xf32, #tpu.memory_space<vmem>>, vector<1x16xf32>,
      %swap3A_39 = arith.index_cast %scan3A_24 : i32 to index
      %swap3A_40 = arith.constant 48 : index
      %swap3A_41 = tpu.vector_load %arg8[%swap3A_39, %swap3A_40] {strides = array<i32>} : memref<128x128xf32, #tpu.memory_space<vmem>>, vector<1x16xf32>,
      %swap3A_42 = vector.shape_cast %swap3A_41 : vector<1x16xf32> to vector<16xf32>
      %swap3A_43 = vector.shape_cast %broadcast_in_dim3A_1 : vector<16xf32> to vector<1x16xf32>
      tpu.vector_store %arg8[%swap3A_39, %swap3A_40], %swap3A_43 {strides = array<i32>} : memref<128x128xf32, #tpu.memory_space<vmem>>, vector<1x16xf32>,
      %swap3A_44 = arith.index_cast %scan3A_24 : i32 to index
      %swap3A_45 = arith.constant 64 : index
      %swap3A_46 = tpu.vector_load %arg8[%swap3A_44, %swap3A_45] {strides = array<i32>} : memref<128x128xf32, #tpu.memory_space<vmem>>, vector<1x16xf32>,
      %swap3A_47 = vector.shape_cast %swap3A_46 : vector<1x16xf32> to vector<16xf32>
      %swap3A_48 = vector.shape_cast %broadcast_in_dim3A_1 : vector<16xf32> to vector<1x16xf32>
      tpu.vector_store %arg8[%swap3A_44, %swap3A_45], %swap3A_48 {strides = array<i32>} : memref<128x128xf32, #tpu.memory_space<vmem>>, vector<1x16xf32>,
      %swap3A_49 = arith.index_cast %scan3A_24 : i32 to index
      %swap3A_50 = arith.constant 80 : index
      %swap3A_51 = tpu.vector_load %arg8[%swap3A_49, %swap3A_50] {strides = array<i32>} : memref<128x128xf32, #tpu.memory_space<vmem>>, vector<1x16xf32>,
      %swap3A_52 = vector.shape_cast %swap3A_51 : vector<1x16xf32> to vector<16xf32>
      %swap3A_53 = vector.shape_cast %broadcast_in_dim3A_1 : vector<16xf32> to vector<1x16xf32>
      tpu.vector_store %arg8[%swap3A_49, %swap3A_50], %swap3A_53 {strides = array<i32>} : memref<128x128xf32, #tpu.memory_space<vmem>>, vector<1x16xf32>,
      %swap3A_54 = arith.index_cast %scan3A_24 : i32 to index
      %swap3A_55 = arith.constant 96 : index
      %swap3A_56 = tpu.vector_load %arg8[%swap3A_54, %swap3A_55] {strides = array<i32>} : memref<128x128xf32, #tpu.memory_space<vmem>>, vector<1x16xf32>,
      %swap3A_57 = vector.shape_cast %swap3A_56 : vector<1x16xf32> to vector<16xf32>
      %swap3A_58 = vector.shape_cast %broadcast_in_dim3A_1 : vector<16xf32> to vector<1x16xf32>
      tpu.vector_store %arg8[%swap3A_54, %swap3A_55], %swap3A_58 {strides = array<i32>} : memref<128x128xf32, #tpu.memory_space<vmem>>, vector<1x16xf32>,
      %swap3A_59 = arith.index_cast %scan3A_24 : i32 to index
      %swap3A_60 = arith.constant 112 : index
      %swap3A_61 = tpu.vector_load %arg8[%swap3A_59, %swap3A_60] {strides = array<i32>} : memref<128x128xf32, #tpu.memory_space<vmem>>, vector<1x16xf32>,
      %swap3A_62 = vector.shape_cast %swap3A_61 : vector<1x16xf32> to vector<16xf32>
      %swap3A_63 = vector.shape_cast %broadcast_in_dim3A_1 : vector<16xf32> to vector<1x16xf32>
      tpu.vector_store %arg8[%swap3A_59, %swap3A_60], %swap3A_63 {strides = array<i32>} : memref<128x128xf32, #tpu.memory_space<vmem>>, vector<1x16xf32>,
    }
    %scan3A_6 = arith.constant 128 : i32
    %mul3A_7 = arith.constant 128 : i32
    %mul3A_8 = arith.muli %arg1, %mul3A_7 : i32
    %multiple_of3A = tpu.assume_multiple %mul3A_8, 8 : i32
    %add3A_9 = arith.constant 0 : i32
    %add3A_10 = arith.addi %multiple_of3A, %add3A_9 : i32
    "tpu.region"() ({
      %run_scoped3A = tpu.sem_alloc : memref<!tpu.dma_semaphore, #tpu.memory_space<semaphore_mem>>
      %dma_start3A = arith.constant 0 : i32
      %dma_start3A_24 = tpu.memref_slice %arg9[%add3A_10, %dma_start3A] : memref<2048x128xf32, #tpu.memory_space<vmem_shared>> -> memref<128x128xf32, #tpu.memory_space<vmem_shared>>
      %dma_start3A_25 = arith.constant 0 : i32
      %dma_start3A_26 = tpu.memref_slice %arg9[%add3A_10, %dma_start3A_25] : memref<2048x128xf32, #tpu.memory_space<vmem_shared>> -> memref<128x128xf32, #tpu.memory_space<vmem_shared>>
      tpu.enqueue_dma source(%arg8 : memref<128x128xf32, #tpu.memory_space<vmem>>) target(%dma_start3A_26 : memref<128x128xf32, #tpu.memory_space<vmem_shared>>) target_semaphore(%run_scoped3A : memref<!tpu.dma_semaphore, #tpu.memory_space<semaphore_mem>>)
      %dma_wait3A = arith.constant 0 : i32
      %dma_wait3A_27 = tpu.memref_slice %arg9[%add3A_10, %dma_wait3A] : memref<2048x128xf32, #tpu.memory_space<vmem_shared>> -> memref<128x128xf32, #tpu.memory_space<vmem_shared>>
      %dma_wait3A_28 = arith.constant 0 : i32
      %dma_wait3A_29 = tpu.memref_slice %arg9[%add3A_10, %dma_wait3A_28] : memref<2048x128xf32, #tpu.memory_space<vmem_shared>> -> memref<128x128xf32, #tpu.memory_space<vmem_shared>>
      tpu.wait_dma2 semaphore(%run_scoped3A : memref<!tpu.dma_semaphore, #tpu.memory_space<semaphore_mem>>) src(%arg8 : memref<128x128xf32, #tpu.memory_space<vmem>>) dst(%dma_wait3A_29 : memref<128x128xf32, #tpu.memory_space<vmem_shared>>)
      tpu.yield
    }) : () -> ()
    %barrier3A = arith.constant 0 : index
    tpu.barrier barrier_id(%barrier3A)
    %mul3A_11 = arith.constant 6272 : i32
    %mul3A_12 = arith.muli %add3A, %mul3A_11 : i32
    %scan3A_13 = arith.constant 0 : i32
    %scan3A_14 = arith.constant 0 : i32
    %scan3A_15 = arith.constant 49 : i32
    %scan3A_16 = arith.addi %scan3A_14, %scan3A_15 : i32
    %scan3A_17 = arith.constant 1 : i32
    scf.for %scan3A_24 = %scan3A_14 to %scan3A_16 step %scan3A_17  : i32 {
      %mul3A_25 = arith.constant 128 : i32
      %mul3A_26 = arith.muli %scan3A_24, %mul3A_25 : i32
      %add3A_27 = arith.addi %mul3A_12, %mul3A_26 : i32
      %multiple_of3A_28 = tpu.assume_multiple %add3A_27, 8 : i32
      "tpu.region"() ({
        %run_scoped3A = tpu.sem_alloc : memref<!tpu.dma_semaphore, #tpu.memory_space<semaphore_mem>>
        %dma_start3A_33 = tpu.memref_slice %arg3[%multiple_of3A_28] : memref<200704xi32, #tpu.memory_space<hbm>> -> memref<128xi32, #tpu.memory_space<hbm>>
        %dma_start3A_34 = tpu.memref_slice %arg3[%multiple_of3A_28] : memref<200704xi32, #tpu.memory_space<hbm>> -> memref<128xi32, #tpu.memory_space<hbm>>
        tpu.enqueue_dma source(%dma_start3A_34 : memref<128xi32, #tpu.memory_space<hbm>>) target(%arg6 : memref<128xi32, #tpu.memory_space<vmem>>) target_semaphore(%run_scoped3A : memref<!tpu.dma_semaphore, #tpu.memory_space<semaphore_mem>>)
        %dma_wait3A_35 = tpu.memref_slice %arg3[%multiple_of3A_28] : memref<200704xi32, #tpu.memory_space<hbm>> -> memref<128xi32, #tpu.memory_space<hbm>>
        %dma_wait3A_36 = tpu.memref_slice %arg3[%multiple_of3A_28] : memref<200704xi32, #tpu.memory_space<hbm>> -> memref<128xi32, #tpu.memory_space<hbm>>
        tpu.wait_dma2 semaphore(%run_scoped3A : memref<!tpu.dma_semaphore, #tpu.memory_space<semaphore_mem>>) src(%dma_wait3A_36 : memref<128xi32, #tpu.memory_space<hbm>>) dst(%arg6 : memref<128xi32, #tpu.memory_space<vmem>>)
        tpu.yield
      }) : () -> ()
      "tpu.region"() ({
        %run_scoped3A = tpu.sem_alloc : memref<!tpu.dma_semaphore, #tpu.memory_space<semaphore_mem>>
        %dma_start3A_33 = tpu.memref_slice %arg4[%multiple_of3A_28] : memref<200704xi32, #tpu.memory_space<hbm>> -> memref<128xi32, #tpu.memory_space<hbm>>
        %dma_start3A_34 = tpu.memref_slice %arg4[%multiple_of3A_28] : memref<200704xi32, #tpu.memory_space<hbm>> -> memref<128xi32, #tpu.memory_space<hbm>>
        tpu.enqueue_dma source(%dma_start3A_34 : memref<128xi32, #tpu.memory_space<hbm>>) target(%arg7 : memref<128xi32, #tpu.memory_space<vmem>>) target_semaphore(%run_scoped3A : memref<!tpu.dma_semaphore, #tpu.memory_space<semaphore_mem>>)
        %dma_wait3A_35 = tpu.memref_slice %arg4[%multiple_of3A_28] : memref<200704xi32, #tpu.memory_space<hbm>> -> memref<128xi32, #tpu.memory_space<hbm>>
        %dma_wait3A_36 = tpu.memref_slice %arg4[%multiple_of3A_28] : memref<200704xi32, #tpu.memory_space<hbm>> -> memref<128xi32, #tpu.memory_space<hbm>>
        tpu.wait_dma2 semaphore(%run_scoped3A : memref<!tpu.dma_semaphore, #tpu.memory_space<semaphore_mem>>) src(%dma_wait3A_36 : memref<128xi32, #tpu.memory_space<hbm>>) dst(%arg7 : memref<128xi32, #tpu.memory_space<vmem>>)
        tpu.yield
      }) : () -> ()
      %dma_start3A = arith.constant 0 : i32
      %dma_start3A_29 = arith.constant 0 : i32
      %dma_start3A_30 = tpu.memref_slice %arg2[%dma_start3A, %dma_start3A_29] : memref<2000x128xf32, #tpu.memory_space<hbm>> -> memref<2000x128xf32, #tpu.memory_space<hbm>>
      tpu.enqueue_indirect_dma source(%dma_start3A_30 : memref<2000x128xf32, #tpu.memory_space<hbm>>) target(%arg8 : memref<128x128xf32, #tpu.memory_space<vmem>>) offsets(%arg6 : memref<128xi32, #tpu.memory_space<vmem>>) semaphore(%arg10 : memref<!tpu.dma_semaphore, #tpu.memory_space<semaphore_mem>>)
      %dma_wait3A = arith.constant 0 : i32
      %dma_wait3A_31 = arith.constant 0 : i32
      %dma_wait3A_32 = tpu.memref_slice %arg2[%dma_wait3A, %dma_wait3A_31] : memref<2000x128xf32, #tpu.memory_space<hbm>> -> memref<2000x128xf32, #tpu.memory_space<hbm>>
      tpu.wait_indirect_dma semaphore(%arg10 : memref<!tpu.dma_semaphore, #tpu.memory_space<semaphore_mem>>) src(%dma_wait3A_32 : memref<2000x128xf32, #tpu.memory_space<hbm>>) dst(%arg8 : memref<128x128xf32, #tpu.memory_space<vmem>>)
      "tpu.region"() ({
        %run_scoped3A = tpu.sem_alloc : memref<!tpu.dma_semaphore, #tpu.memory_space<semaphore_mem>>
        %dma_start3A_33 = arith.constant 0 : i32
        %dma_start3A_34 = arith.constant 0 : i32
        %dma_start3A_35 = tpu.memref_slice %arg9[%dma_start3A_33, %dma_start3A_34] : memref<2048x128xf32, #tpu.memory_space<vmem_shared>> -> memref<2048x128xf32, #tpu.memory_space<vmem_shared>>
        tpu.enqueue_indirect_dma source(%arg8 : memref<128x128xf32, #tpu.memory_space<vmem>>) target(%dma_start3A_35 : memref<2048x128xf32, #tpu.memory_space<vmem_shared>>) offsets(%arg7 : memref<128xi32, #tpu.memory_space<vmem>>) semaphore(%run_scoped3A : memref<!tpu.dma_semaphore, #tpu.memory_space<semaphore_mem>>) {add = true}
        %dma_wait3A_36 = arith.constant 0 : i32
        %dma_wait3A_37 = arith.constant 0 : i32
        %dma_wait3A_38 = tpu.memref_slice %arg9[%dma_wait3A_36, %dma_wait3A_37] : memref<2048x128xf32, #tpu.memory_space<vmem_shared>> -> memref<2048x128xf32, #tpu.memory_space<vmem_shared>>
        tpu.wait_indirect_dma semaphore(%run_scoped3A : memref<!tpu.dma_semaphore, #tpu.memory_space<semaphore_mem>>) src(%arg8 : memref<128x128xf32, #tpu.memory_space<vmem>>) dst(%dma_wait3A_38 : memref<2048x128xf32, #tpu.memory_space<vmem_shared>>)
        tpu.yield
      }) : () -> ()
    }
    %scan3A_18 = arith.constant 49 : i32
    %barrier3A_19 = arith.constant 0 : index
    tpu.barrier barrier_id(%barrier3A_19)
    %add3A_20 = arith.constant 0 : i32
    %add3A_21 = arith.addi %multiple_of3A, %add3A_20 : i32
    "tpu.region"() ({
      %run_scoped3A = tpu.sem_alloc : memref<!tpu.dma_semaphore, #tpu.memory_space<semaphore_mem>>
      %dma_start3A = arith.constant 0 : i32
      %dma_start3A_24 = tpu.memref_slice %arg9[%add3A_21, %dma_start3A] : memref<2048x128xf32, #tpu.memory_space<vmem_shared>> -> memref<128x128xf32, #tpu.memory_space<vmem_shared>>
      %dma_start3A_25 = arith.constant 0 : i32
      %dma_start3A_26 = tpu.memref_slice %arg9[%add3A_21, %dma_start3A_25] : memref<2048x128xf32, #tpu.memory_space<vmem_shared>> -> memref<128x128xf32, #tpu.memory_space<vmem_shared>>
      tpu.enqueue_dma source(%dma_start3A_26 : memref<128x128xf32, #tpu.memory_space<vmem_shared>>) target(%arg8 : memref<128x128xf32, #tpu.memory_space<vmem>>) target_semaphore(%run_scoped3A : memref<!tpu.dma_semaphore, #tpu.memory_space<semaphore_mem>>)
      %dma_wait3A = arith.constant 0 : i32
      %dma_wait3A_27 = tpu.memref_slice %arg9[%add3A_21, %dma_wait3A] : memref<2048x128xf32, #tpu.memory_space<vmem_shared>> -> memref<128x128xf32, #tpu.memory_space<vmem_shared>>
      %dma_wait3A_28 = arith.constant 0 : i32
      %dma_wait3A_29 = tpu.memref_slice %arg9[%add3A_21, %dma_wait3A_28] : memref<2048x128xf32, #tpu.memory_space<vmem_shared>> -> memref<128x128xf32, #tpu.memory_space<vmem_shared>>
      tpu.wait_dma2 semaphore(%run_scoped3A : memref<!tpu.dma_semaphore, #tpu.memory_space<semaphore_mem>>) src(%dma_wait3A_29 : memref<128x128xf32, #tpu.memory_space<vmem_shared>>) dst(%arg8 : memref<128x128xf32, #tpu.memory_space<vmem>>)
      tpu.yield
    }) : () -> ()
    %add3A_22 = arith.constant 0 : i32
    %add3A_23 = arith.addi %multiple_of3A, %add3A_22 : i32
    "tpu.region"() ({
      %run_scoped3A = tpu.sem_alloc : memref<!tpu.dma_semaphore, #tpu.memory_space<semaphore_mem>>
      %dma_start3A = arith.constant 0 : i32
      %dma_start3A_24 = tpu.memref_slice %arg5[%arg0, %add3A_23, %dma_start3A] : memref<2x2048x128xf32, #tpu.memory_space<hbm>> -> memref<1x128x128xf32, #tpu.memory_space<hbm>>
      %dma_start3A_25 = tpu.memref_squeeze %dma_start3A_24 : memref<1x128x128xf32, #tpu.memory_space<hbm>> -> memref<128x128xf32, #tpu.memory_space<hbm>>
      %dma_start3A_26 = arith.constant 0 : i32
      %dma_start3A_27 = tpu.memref_slice %arg5[%arg0, %add3A_23, %dma_start3A_26] : memref<2x2048x128xf32, #tpu.memory_space<hbm>> -> memref<1x128x128xf32, #tpu.memory_space<hbm>>
      %dma_start3A_28 = tpu.memref_squeeze %dma_start3A_27 : memref<1x128x128xf32, #tpu.memory_space<hbm>> -> memref<128x128xf32, #tpu.memory_space<hbm>>
      tpu.enqueue_dma source(%arg8 : memref<128x128xf32, #tpu.memory_space<vmem>>) target(%dma_start3A_28 : memref<128x128xf32, #tpu.memory_space<hbm>>) target_semaphore(%run_scoped3A : memref<!tpu.dma_semaphore, #tpu.memory_space<semaphore_mem>>)
      %dma_wait3A = arith.constant 0 : i32
      %dma_wait3A_29 = tpu.memref_slice %arg5[%arg0, %add3A_23, %dma_wait3A] : memref<2x2048x128xf32, #tpu.memory_space<hbm>> -> memref<1x128x128xf32, #tpu.memory_space<hbm>>
      %dma_wait3A_30 = tpu.memref_squeeze %dma_wait3A_29 : memref<1x128x128xf32, #tpu.memory_space<hbm>> -> memref<128x128xf32, #tpu.memory_space<hbm>>
      %dma_wait3A_31 = arith.constant 0 : i32
      %dma_wait3A_32 = tpu.memref_slice %arg5[%arg0, %add3A_23, %dma_wait3A_31] : memref<2x2048x128xf32, #tpu.memory_space<hbm>> -> memref<1x128x128xf32, #tpu.memory_space<hbm>>
      %dma_wait3A_33 = tpu.memref_squeeze %dma_wait3A_32 : memref<1x128x128xf32, #tpu.memory_space<hbm>> -> memref<128x128xf32, #tpu.memory_space<hbm>>
      tpu.wait_dma2 semaphore(%run_scoped3A : memref<!tpu.dma_semaphore, #tpu.memory_space<semaphore_mem>>) src(%arg8 : memref<128x128xf32, #tpu.memory_space<vmem>>) dst(%dma_wait3A_33 : memref<128x128xf32, #tpu.memory_space<hbm>>)
      tpu.yield
    }) : () -> ()
    return
  }
}

module attributes {stable_mosaic.version = 14 : i64} {
  func.func @_t0_body(%arg0: memref<2x10112x128xf32, #tpu.memory_space<vmem>>, %arg1: memref<2x2048x128xf32, #tpu.memory_space<vmem>>, %arg2: memref<10000x128xf32, #tpu.memory_space<vmem>>, %arg3: memref<10000x128xf32, #tpu.memory_space<vmem>>, %arg4: memref<10000x1xf32, #tpu.memory_space<vmem>>, %arg5: memref<10000x1xf32, #tpu.memory_space<vmem>>, %arg6: memref<2000x1xf32, #tpu.memory_space<vmem>>, %arg7: memref<2000x1xf32, #tpu.memory_space<vmem>>) attributes {dimension_semantics = [], scalar_prefetch = 0 : i64, scratch_operands = 0 : i64, tpu.core_type = #tpu.core_type<tc>} {
    %get3A = arith.constant 0 : index
    %get3A_0 = arith.constant 0 : index
    %get3A_1 = arith.constant 0 : index
    %get3A_2 = vector.load %arg0[%get3A, %get3A_0, %get3A_1] : memref<2x10112x128xf32, #tpu.memory_space<vmem>>, vector<1x10000x1xf32>
    %get3A_3 = vector.shape_cast %get3A_2 : vector<1x10000x1xf32> to vector<10000x1xf32>
    %max3A = arith.constant 1.000000e+00 : f32
    %max3A_4 = vector.broadcast %max3A : f32 to vector<10000x1xf32>
    %max3A_5 = arith.maximumf %get3A_3, %max3A_4 : vector<10000x1xf32>
    %rsqrt3A = math.rsqrt %max3A_5 : vector<10000x1xf32>
    %get3A_6 = arith.constant 1 : index
    %get3A_7 = arith.constant 0 : index
    %get3A_8 = arith.constant 0 : index
    %get3A_9 = vector.load %arg0[%get3A_6, %get3A_7, %get3A_8] : memref<2x10112x128xf32, #tpu.memory_space<vmem>>, vector<1x10000x1xf32>
    %get3A_10 = vector.shape_cast %get3A_9 : vector<1x10000x1xf32> to vector<10000x1xf32>
    %max3A_11 = arith.constant 1.000000e+00 : f32
    %max3A_12 = vector.broadcast %max3A_11 : f32 to vector<10000x1xf32>
    %max3A_13 = arith.maximumf %get3A_10, %max3A_12 : vector<10000x1xf32>
    %rsqrt3A_14 = math.rsqrt %max3A_13 : vector<10000x1xf32>
    %get3A_15 = arith.constant 0 : index
    %get3A_16 = arith.constant 0 : index
    %get3A_17 = arith.constant 0 : index
    %get3A_18 = vector.load %arg1[%get3A_15, %get3A_16, %get3A_17] : memref<2x2048x128xf32, #tpu.memory_space<vmem>>, vector<1x2000x1xf32>
    %get3A_19 = vector.shape_cast %get3A_18 : vector<1x2000x1xf32> to vector<2000x1xf32>
    %gt3A = arith.constant 0.000000e+00 : f32
    %gt3A_20 = vector.broadcast %gt3A : f32 to vector<2000x1xf32>
    %gt3A_21 = arith.cmpf ogt, %get3A_19, %gt3A_20 : vector<2000x1xf32>
    %max3A_22 = arith.constant 9.99999996E-13 : f32
    %max3A_23 = vector.broadcast %max3A_22 : f32 to vector<2000x1xf32>
    %max3A_24 = arith.maximumf %get3A_19, %max3A_23 : vector<2000x1xf32>
    %div3A = arith.constant 1.000000e+00 : f32
    %div3A_25 = vector.broadcast %div3A : f32 to vector<2000x1xf32>
    %div3A_26 = arith.divf %div3A_25, %max3A_24 : vector<2000x1xf32>
    %jit3A = arith.constant 0.000000e+00 : f32
    %broadcast_in_dim3A = vector.broadcast %jit3A : f32 to vector<2000x1xf32>
    %select_n3A = arith.select %gt3A_21, %div3A_26, %broadcast_in_dim3A : vector<2000x1xi1>, vector<2000x1xf32>
    %get3A_27 = arith.constant 1 : index
    %get3A_28 = arith.constant 0 : index
    %get3A_29 = arith.constant 0 : index
    %get3A_30 = vector.load %arg1[%get3A_27, %get3A_28, %get3A_29] : memref<2x2048x128xf32, #tpu.memory_space<vmem>>, vector<1x2000x1xf32>
    %get3A_31 = vector.shape_cast %get3A_30 : vector<1x2000x1xf32> to vector<2000x1xf32>
    %gt3A_32 = arith.constant 0.000000e+00 : f32
    %gt3A_33 = vector.broadcast %gt3A_32 : f32 to vector<2000x1xf32>
    %gt3A_34 = arith.cmpf ogt, %get3A_31, %gt3A_33 : vector<2000x1xf32>
    %max3A_35 = arith.constant 9.99999996E-13 : f32
    %max3A_36 = vector.broadcast %max3A_35 : f32 to vector<2000x1xf32>
    %max3A_37 = arith.maximumf %get3A_31, %max3A_36 : vector<2000x1xf32>
    %div3A_38 = arith.constant 1.000000e+00 : f32
    %div3A_39 = vector.broadcast %div3A_38 : f32 to vector<2000x1xf32>
    %div3A_40 = arith.divf %div3A_39, %max3A_37 : vector<2000x1xf32>
    %jit3A_41 = arith.constant 0.000000e+00 : f32
    %broadcast_in_dim3A_42 = vector.broadcast %jit3A_41 : f32 to vector<2000x1xf32>
    %select_n3A_43 = arith.select %gt3A_34, %div3A_40, %broadcast_in_dim3A_42 : vector<2000x1xi1>, vector<2000x1xf32>
    %get3A_44 = arith.constant 0 : index
    %get3A_45 = arith.constant 0 : index
    %get3A_46 = vector.load %arg2[%get3A_44, %get3A_45] : memref<10000x128xf32, #tpu.memory_space<vmem>>, vector<10000x128xf32>
    %mul3A = vector.broadcast %rsqrt3A : vector<10000x1xf32> to vector<10000x128xf32>
    %mul3A_47 = arith.mulf %get3A_46, %mul3A : vector<10000x128xf32>
    %swap3A = arith.constant 0 : index
    %swap3A_48 = arith.constant 0 : index
    %swap3A_49 = vector.load %arg3[%swap3A, %swap3A_48] : memref<10000x128xf32, #tpu.memory_space<vmem>>, vector<10000x128xf32>
    tpu.vector_store %arg3[%swap3A, %swap3A_48], %mul3A_47 {strides = array<i32>} : memref<10000x128xf32, #tpu.memory_space<vmem>>, vector<10000x128xf32>,
    %swap3A_50 = arith.constant 0 : index
    %swap3A_51 = arith.constant 0 : index
    %swap3A_52 = vector.load %arg4[%swap3A_50, %swap3A_51] : memref<10000x1xf32, #tpu.memory_space<vmem>>, vector<10000x1xf32>
    tpu.vector_store %arg4[%swap3A_50, %swap3A_51], %rsqrt3A {strides = array<i32>} : memref<10000x1xf32, #tpu.memory_space<vmem>>, vector<10000x1xf32>,
    %swap3A_53 = arith.constant 0 : index
    %swap3A_54 = arith.constant 0 : index
    %swap3A_55 = vector.load %arg5[%swap3A_53, %swap3A_54] : memref<10000x1xf32, #tpu.memory_space<vmem>>, vector<10000x1xf32>
    tpu.vector_store %arg5[%swap3A_53, %swap3A_54], %rsqrt3A_14 {strides = array<i32>} : memref<10000x1xf32, #tpu.memory_space<vmem>>, vector<10000x1xf32>,
    %swap3A_56 = arith.constant 0 : index
    %swap3A_57 = arith.constant 0 : index
    %swap3A_58 = vector.load %arg6[%swap3A_56, %swap3A_57] : memref<2000x1xf32, #tpu.memory_space<vmem>>, vector<2000x1xf32>
    tpu.vector_store %arg6[%swap3A_56, %swap3A_57], %select_n3A {strides = array<i32>} : memref<2000x1xf32, #tpu.memory_space<vmem>>, vector<2000x1xf32>,
    %swap3A_59 = arith.constant 0 : index
    %swap3A_60 = arith.constant 0 : index
    %swap3A_61 = vector.load %arg7[%swap3A_59, %swap3A_60] : memref<2000x1xf32, #tpu.memory_space<vmem>>, vector<2000x1xf32>
    tpu.vector_store %arg7[%swap3A_59, %swap3A_60], %select_n3A_43 {strides = array<i32>} : memref<2000x1xf32, #tpu.memory_space<vmem>>, vector<2000x1xf32>,
    return
  }
}

module attributes {stable_mosaic.version = 14 : i64} {
  func.func @_t2_body(%arg0: memref<2x10112x128xf32, #tpu.memory_space<vmem>>, %arg1: memref<10000x1xf32, #tpu.memory_space<vmem>>, %arg2: memref<128x128xf32, #tpu.memory_space<vmem>>, %arg3: memref<1x128xf32, #tpu.memory_space<vmem>>, %arg4: memref<128x128xf32, #tpu.memory_space<vmem>>, %arg5: memref<10000x128xf32, #tpu.memory_space<vmem>>) attributes {dimension_semantics = [], scalar_prefetch = 0 : i64, scratch_operands = 0 : i64, tpu.core_type = #tpu.core_type<tc>} {
    %get3A = arith.constant 0 : index
    %get3A_0 = arith.constant 0 : index
    %get3A_1 = arith.constant 0 : index
    %get3A_2 = vector.load %arg0[%get3A, %get3A_0, %get3A_1] : memref<2x10112x128xf32, #tpu.memory_space<vmem>>, vector<1x10000x128xf32>
    %get3A_3 = vector.shape_cast %get3A_2 : vector<1x10000x128xf32> to vector<10000x128xf32>
    %get3A_4 = arith.constant 1 : index
    %get3A_5 = arith.constant 0 : index
    %get3A_6 = arith.constant 0 : index
    %get3A_7 = vector.load %arg0[%get3A_4, %get3A_5, %get3A_6] : memref<2x10112x128xf32, #tpu.memory_space<vmem>>, vector<1x10000x128xf32>
    %get3A_8 = vector.shape_cast %get3A_7 : vector<1x10000x128xf32> to vector<10000x128xf32>
    %add3A = arith.addf %get3A_3, %get3A_8 : vector<10000x128xf32>
    %get3A_9 = arith.constant 0 : index
    %get3A_10 = arith.constant 0 : index
    %get3A_11 = vector.load %arg1[%get3A_9, %get3A_10] : memref<10000x1xf32, #tpu.memory_space<vmem>>, vector<10000x1xf32>
    %mul3A = vector.broadcast %get3A_11 : vector<10000x1xf32> to vector<10000x128xf32>
    %mul3A_12 = arith.mulf %add3A, %mul3A : vector<10000x128xf32>
    %get3A_13 = arith.constant 0 : index
    %get3A_14 = arith.constant 0 : index
    %get3A_15 = vector.load %arg2[%get3A_13, %get3A_14] : memref<128x128xf32, #tpu.memory_space<vmem>>, vector<128x128xf32>
    %dot_general3A = arith.constant dense<0.000000e+00> : vector<10000x128xf32>
    %dot_general3A_16 = tpu.matmul %mul3A_12, %get3A_15, %dot_general3A {dimension_numbers = #tpu.dot_dimension_numbers<[1], [0], [0], [1], [0, 0, 1, 1], [], []>, transpose_lhs_hint = false} : vector<10000x128xf32>, vector<128x128xf32>, vector<10000x128xf32> -> vector<10000x128xf32>
    %get3A_17 = arith.constant 0 : index
    %get3A_18 = arith.constant 0 : index
    %get3A_19 = vector.load %arg3[%get3A_17, %get3A_18] : memref<1x128xf32, #tpu.memory_space<vmem>>, vector<1x128xf32>
    %add3A_20 = vector.broadcast %get3A_19 : vector<1x128xf32> to vector<10000x128xf32>
    %add3A_21 = arith.addf %dot_general3A_16, %add3A_20 : vector<10000x128xf32>
    %get3A_22 = arith.constant 0 : index
    %get3A_23 = arith.constant 0 : index
    %get3A_24 = vector.load %arg4[%get3A_22, %get3A_23] : memref<128x128xf32, #tpu.memory_space<vmem>>, vector<128x128xf32>
    %dot_general3A_25 = arith.constant dense<0.000000e+00> : vector<10000x128xf32>
    %dot_general3A_26 = tpu.matmul %add3A_21, %get3A_24, %dot_general3A_25 {dimension_numbers = #tpu.dot_dimension_numbers<[1], [0], [0], [1], [0, 0, 1, 1], [], []>, transpose_lhs_hint = false} : vector<10000x128xf32>, vector<128x128xf32>, vector<10000x128xf32> -> vector<10000x128xf32>
    %swap3A = arith.constant 0 : index
    %swap3A_27 = arith.constant 0 : index
    %swap3A_28 = vector.load %arg5[%swap3A, %swap3A_27] : memref<10000x128xf32, #tpu.memory_space<vmem>>, vector<10000x128xf32>
    tpu.vector_store %arg5[%swap3A, %swap3A_27], %dot_general3A_26 {strides = array<i32>} : memref<10000x128xf32, #tpu.memory_space<vmem>>, vector<10000x128xf32>,
    return
  }
}

module attributes {stable_mosaic.version = 14 : i64} {
  func.func @_t3_body(%arg0: memref<2x2048x128xf32, #tpu.memory_space<vmem>>, %arg1: memref<2000x1xf32, #tpu.memory_space<vmem>>, %arg2: memref<2000x128xf32, #tpu.memory_space<vmem>>) attributes {dimension_semantics = [], scalar_prefetch = 0 : i64, scratch_operands = 0 : i64, tpu.core_type = #tpu.core_type<tc>} {
    %get3A = arith.constant 0 : index
    %get3A_0 = arith.constant 0 : index
    %get3A_1 = arith.constant 0 : index
    %get3A_2 = vector.load %arg0[%get3A, %get3A_0, %get3A_1] : memref<2x2048x128xf32, #tpu.memory_space<vmem>>, vector<1x2000x128xf32>
    %get3A_3 = vector.shape_cast %get3A_2 : vector<1x2000x128xf32> to vector<2000x128xf32>
    %get3A_4 = arith.constant 1 : index
    %get3A_5 = arith.constant 0 : index
    %get3A_6 = arith.constant 0 : index
    %get3A_7 = vector.load %arg0[%get3A_4, %get3A_5, %get3A_6] : memref<2x2048x128xf32, #tpu.memory_space<vmem>>, vector<1x2000x128xf32>
    %get3A_8 = vector.shape_cast %get3A_7 : vector<1x2000x128xf32> to vector<2000x128xf32>
    %add3A = arith.addf %get3A_3, %get3A_8 : vector<2000x128xf32>
    %get3A_9 = arith.constant 0 : index
    %get3A_10 = arith.constant 0 : index
    %get3A_11 = vector.load %arg1[%get3A_9, %get3A_10] : memref<2000x1xf32, #tpu.memory_space<vmem>>, vector<2000x1xf32>
    %mul3A = vector.broadcast %get3A_11 : vector<2000x1xf32> to vector<2000x128xf32>
    %mul3A_12 = arith.mulf %add3A, %mul3A : vector<2000x128xf32>
    %swap3A = arith.constant 0 : index
    %swap3A_13 = arith.constant 0 : index
    %swap3A_14 = vector.load %arg2[%swap3A, %swap3A_13] : memref<2000x128xf32, #tpu.memory_space<vmem>>, vector<2000x128xf32>
    tpu.vector_store %arg2[%swap3A, %swap3A_13], %mul3A_12 {strides = array<i32>} : memref<2000x128xf32, #tpu.memory_space<vmem>>, vector<2000x128xf32>,
    return
  }
}

module attributes {stable_mosaic.version = 14 : i64} {
  func.func @_t4_body(%arg0: memref<2x2048x128xf32, #tpu.memory_space<vmem>>, %arg1: memref<2000x1xf32, #tpu.memory_space<vmem>>, %arg2: memref<1x128xf32, #tpu.memory_space<vmem>>, %arg3: memref<10000x128xf32, #tpu.memory_space<vmem>>, %arg4: memref<10000x1xf32, #tpu.memory_space<vmem>>, %arg5: memref<10000x128xf32, #tpu.memory_space<vmem>>) attributes {dimension_semantics = [], scalar_prefetch = 0 : i64, scratch_operands = 0 : i64, tpu.core_type = #tpu.core_type<tc>} {
    %get3A = arith.constant 0 : index
    %get3A_0 = arith.constant 0 : index
    %get3A_1 = arith.constant 0 : index
    %get3A_2 = vector.load %arg0[%get3A, %get3A_0, %get3A_1] : memref<2x2048x128xf32, #tpu.memory_space<vmem>>, vector<1x2000x128xf32>
    %get3A_3 = vector.shape_cast %get3A_2 : vector<1x2000x128xf32> to vector<2000x128xf32>
    %get3A_4 = arith.constant 1 : index
    %get3A_5 = arith.constant 0 : index
    %get3A_6 = arith.constant 0 : index
    %get3A_7 = vector.load %arg0[%get3A_4, %get3A_5, %get3A_6] : memref<2x2048x128xf32, #tpu.memory_space<vmem>>, vector<1x2000x128xf32>
    %get3A_8 = vector.shape_cast %get3A_7 : vector<1x2000x128xf32> to vector<2000x128xf32>
    %add3A = arith.addf %get3A_3, %get3A_8 : vector<2000x128xf32>
    %get3A_9 = arith.constant 0 : index
    %get3A_10 = arith.constant 0 : index
    %get3A_11 = vector.load %arg1[%get3A_9, %get3A_10] : memref<2000x1xf32, #tpu.memory_space<vmem>>, vector<2000x1xf32>
    %mul3A = vector.broadcast %get3A_11 : vector<2000x1xf32> to vector<2000x128xf32>
    %mul3A_12 = arith.mulf %add3A, %mul3A : vector<2000x128xf32>
    %broadcast_in_dim3A = arith.constant 0.000000e+00 : f32
    %broadcast_in_dim3A_13 = vector.broadcast %broadcast_in_dim3A : f32 to vector<8000x128xf32>
    %concatenate3A = tpu.concatenate %mul3A_12, %broadcast_in_dim3A_13 in 0 : vector<2000x128xf32>, vector<8000x128xf32> -> vector<10000x128xf32>
    %get3A_14 = arith.constant 0 : index
    %get3A_15 = arith.constant 0 : index
    %get3A_16 = vector.load %arg2[%get3A_14, %get3A_15] : memref<1x128xf32, #tpu.memory_space<vmem>>, vector<1x128xf32>
    %add3A_17 = vector.broadcast %get3A_16 : vector<1x128xf32> to vector<10000x128xf32>
    %add3A_18 = arith.addf %concatenate3A, %add3A_17 : vector<10000x128xf32>
    %max3A = arith.constant 0.000000e+00 : f32
    %max3A_19 = vector.broadcast %max3A : f32 to vector<10000x128xf32>
    %max3A_20 = arith.maximumf %add3A_18, %max3A_19 : vector<10000x128xf32>
    %get3A_21 = arith.constant 0 : index
    %get3A_22 = arith.constant 0 : index
    %get3A_23 = vector.load %arg3[%get3A_21, %get3A_22] : memref<10000x128xf32, #tpu.memory_space<vmem>>, vector<10000x128xf32>
    %add3A_24 = arith.addf %max3A_20, %get3A_23 : vector<10000x128xf32>
    %get3A_25 = arith.constant 0 : index
    %get3A_26 = arith.constant 0 : index
    %get3A_27 = vector.load %arg4[%get3A_25, %get3A_26] : memref<10000x1xf32, #tpu.memory_space<vmem>>, vector<10000x1xf32>
    %mul3A_28 = vector.broadcast %get3A_27 : vector<10000x1xf32> to vector<10000x128xf32>
    %mul3A_29 = arith.mulf %add3A_24, %mul3A_28 : vector<10000x128xf32>
    %swap3A = arith.constant 0 : index
    %swap3A_30 = arith.constant 0 : index
    %swap3A_31 = vector.load %arg5[%swap3A, %swap3A_30] : memref<10000x128xf32, #tpu.memory_space<vmem>>, vector<10000x128xf32>
    tpu.vector_store %arg5[%swap3A, %swap3A_30], %mul3A_29 {strides = array<i32>} : memref<10000x128xf32, #tpu.memory_space<vmem>>, vector<10000x128xf32>,
    return
  }
}

module attributes {stable_mosaic.version = 14 : i64} {
  func.func @_t7_body(%arg0: memref<2x2048x128xf32, #tpu.memory_space<vmem>>, %arg1: memref<2000x1xf32, #tpu.memory_space<vmem>>, %arg2: memref<1x128xf32, #tpu.memory_space<vmem>>, %arg3: memref<10000x128xf32, #tpu.memory_space<vmem>>, %arg4: memref<512x256xf32, #tpu.memory_space<vmem>>, %arg5: memref<256x128xf32, #tpu.memory_space<vmem>>, %arg6: memref<1x128xf32, #tpu.memory_space<vmem>>, %arg7: memref<128x128xf32, #tpu.memory_space<vmem>>, %arg8: memref<1x128xf32, #tpu.memory_space<vmem>>, %arg9: memref<384x128xf32, #tpu.memory_space<vmem>>, %arg10: memref<1x128xf32, #tpu.memory_space<vmem>>, %arg11: memref<384x128xf32, #tpu.memory_space<vmem>>, %arg12: memref<1x128xf32, #tpu.memory_space<vmem>>, %arg13: memref<512x256xf32, #tpu.memory_space<vmem>>) attributes {dimension_semantics = [], scalar_prefetch = 0 : i64, scratch_operands = 0 : i64, tpu.core_type = #tpu.core_type<tc>} {
    %get3A = arith.constant 0 : index
    %get3A_0 = arith.constant 0 : index
    %get3A_1 = arith.constant 0 : index
    %get3A_2 = vector.load %arg0[%get3A, %get3A_0, %get3A_1] : memref<2x2048x128xf32, #tpu.memory_space<vmem>>, vector<1x2000x128xf32>
    %get3A_3 = vector.shape_cast %get3A_2 : vector<1x2000x128xf32> to vector<2000x128xf32>
    %get3A_4 = arith.constant 1 : index
    %get3A_5 = arith.constant 0 : index
    %get3A_6 = arith.constant 0 : index
    %get3A_7 = vector.load %arg0[%get3A_4, %get3A_5, %get3A_6] : memref<2x2048x128xf32, #tpu.memory_space<vmem>>, vector<1x2000x128xf32>
    %get3A_8 = vector.shape_cast %get3A_7 : vector<1x2000x128xf32> to vector<2000x128xf32>
    %add3A = arith.addf %get3A_3, %get3A_8 : vector<2000x128xf32>
    %get3A_9 = arith.constant 0 : index
    %get3A_10 = arith.constant 0 : index
    %get3A_11 = vector.load %arg1[%get3A_9, %get3A_10] : memref<2000x1xf32, #tpu.memory_space<vmem>>, vector<2000x1xf32>
    %mul3A = vector.broadcast %get3A_11 : vector<2000x1xf32> to vector<2000x128xf32>
    %mul3A_12 = arith.mulf %add3A, %mul3A : vector<2000x128xf32>
    %broadcast_in_dim3A = arith.constant 0.000000e+00 : f32
    %broadcast_in_dim3A_13 = vector.broadcast %broadcast_in_dim3A : f32 to vector<8000x128xf32>
    %concatenate3A = tpu.concatenate %mul3A_12, %broadcast_in_dim3A_13 in 0 : vector<2000x128xf32>, vector<8000x128xf32> -> vector<10000x128xf32>
    %get3A_14 = arith.constant 0 : index
    %get3A_15 = arith.constant 0 : index
    %get3A_16 = vector.load %arg2[%get3A_14, %get3A_15] : memref<1x128xf32, #tpu.memory_space<vmem>>, vector<1x128xf32>
    %add3A_17 = vector.broadcast %get3A_16 : vector<1x128xf32> to vector<10000x128xf32>
    %add3A_18 = arith.addf %concatenate3A, %add3A_17 : vector<10000x128xf32>
    %max3A = arith.constant 0.000000e+00 : f32
    %max3A_19 = vector.broadcast %max3A : f32 to vector<10000x128xf32>
    %max3A_20 = arith.maximumf %add3A_18, %max3A_19 : vector<10000x128xf32>
    %get3A_21 = arith.constant 0 : index
    %get3A_22 = arith.constant 0 : index
    %get3A_23 = vector.load %arg3[%get3A_21, %get3A_22] : memref<10000x128xf32, #tpu.memory_space<vmem>>, vector<10000x128xf32>
    %add3A_24 = arith.addf %max3A_20, %get3A_23 : vector<10000x128xf32>
    %get3A_25 = arith.constant 0 : index
    %get3A_26 = arith.constant 0 : index
    %get3A_27 = vector.load %arg4[%get3A_25, %get3A_26] : memref<512x256xf32, #tpu.memory_space<vmem>>, vector<512x256xf32>
    %get3A_28 = arith.constant 0 : index
    %get3A_29 = arith.constant 0 : index
    %get3A_30 = vector.load %arg5[%get3A_28, %get3A_29] : memref<256x128xf32, #tpu.memory_space<vmem>>, vector<256x128xf32>
    %dot_general3A = arith.constant dense<0.000000e+00> : vector<512x128xf32>
    %dot_general3A_31 = tpu.matmul %get3A_27, %get3A_30, %dot_general3A {dimension_numbers = #tpu.dot_dimension_numbers<[1], [0], [0], [1], [0, 0, 1, 1], [], []>, transpose_lhs_hint = false} : vector<512x256xf32>, vector<256x128xf32>, vector<512x128xf32> -> vector<512x128xf32>
    %get3A_32 = arith.constant 0 : index
    %get3A_33 = arith.constant 0 : index
    %get3A_34 = vector.load %arg6[%get3A_32, %get3A_33] : memref<1x128xf32, #tpu.memory_space<vmem>>, vector<1x128xf32>
    %add3A_35 = vector.broadcast %get3A_34 : vector<1x128xf32> to vector<512x128xf32>
    %add3A_36 = arith.addf %dot_general3A_31, %add3A_35 : vector<512x128xf32>
    %max3A_37 = arith.constant 0.000000e+00 : f32
    %max3A_38 = vector.broadcast %max3A_37 : f32 to vector<512x128xf32>
    %max3A_39 = arith.maximumf %add3A_36, %max3A_38 : vector<512x128xf32>
    %get3A_40 = arith.constant 0 : index
    %get3A_41 = arith.constant 0 : index
    %get3A_42 = vector.load %arg7[%get3A_40, %get3A_41] : memref<128x128xf32, #tpu.memory_space<vmem>>, vector<128x128xf32>
    %dot_general3A_43 = arith.constant dense<0.000000e+00> : vector<10000x128xf32>
    %dot_general3A_44 = tpu.matmul %add3A_24, %get3A_42, %dot_general3A_43 {dimension_numbers = #tpu.dot_dimension_numbers<[1], [0], [0], [1], [0, 0, 1, 1], [], []>, transpose_lhs_hint = false} : vector<10000x128xf32>, vector<128x128xf32>, vector<10000x128xf32> -> vector<10000x128xf32>
    %get3A_45 = arith.constant 0 : index
    %get3A_46 = arith.constant 0 : index
    %get3A_47 = vector.load %arg8[%get3A_45, %get3A_46] : memref<1x128xf32, #tpu.memory_space<vmem>>, vector<1x128xf32>
    %add3A_48 = vector.broadcast %get3A_47 : vector<1x128xf32> to vector<10000x128xf32>
    %add3A_49 = arith.addf %dot_general3A_44, %add3A_48 : vector<10000x128xf32>
    %max3A_50 = arith.constant 0.000000e+00 : f32
    %max3A_51 = vector.broadcast %max3A_50 : f32 to vector<10000x128xf32>
    %max3A_52 = arith.maximumf %add3A_49, %max3A_51 : vector<10000x128xf32>
    %dot_general3A_53 = arith.constant dense<0.000000e+00> : vector<512x10000xf32>
    %dot_general3A_54 = tpu.matmul %max3A_39, %max3A_52, %dot_general3A_53 {dimension_numbers = #tpu.dot_dimension_numbers<[1], [1], [0], [0], [0, 0, 1, 0], [], []>, transpose_lhs_hint = false} : vector<512x128xf32>, vector<10000x128xf32>, vector<512x10000xf32> -> vector<512x10000xf32>
    %reduce_max3A = arith.constant dense<0xFF800000> : vector<512xf32>
    %reduce_max3A_55 = vector.multi_reduction <maximumf>, %dot_general3A_54, %reduce_max3A [1] : vector<512x10000xf32> to vector<512xf32>
    %broadcast_in_dim3A_56 = vector.shape_cast %reduce_max3A_55 : vector<512xf32> to vector<512x1xf32>
    %sub3A = vector.broadcast %broadcast_in_dim3A_56 : vector<512x1xf32> to vector<512x10000xf32>
    %sub3A_57 = arith.subf %dot_general3A_54, %sub3A : vector<512x10000xf32>
    %exp3A = math.exp %sub3A_57 : vector<512x10000xf32>
    %reduce_sum3A = arith.constant dense<0.000000e+00> : vector<512xf32>
    %reduce_sum3A_58 = vector.multi_reduction <add>, %exp3A, %reduce_sum3A [1] : vector<512x10000xf32> to vector<512xf32>
    %broadcast_in_dim3A_59 = vector.shape_cast %reduce_sum3A_58 : vector<512xf32> to vector<512x1xf32>
    %div3A = vector.broadcast %broadcast_in_dim3A_59 : vector<512x1xf32> to vector<512x10000xf32>
    %div3A_60 = arith.divf %exp3A, %div3A : vector<512x10000xf32>
    %dot_general3A_61 = arith.constant dense<0.000000e+00> : vector<512x128xf32>
    %dot_general3A_62 = tpu.matmul %div3A_60, %add3A_24, %dot_general3A_61 {dimension_numbers = #tpu.dot_dimension_numbers<[1], [0], [0], [1], [0, 0, 1, 1], [], []>, transpose_lhs_hint = false} : vector<512x10000xf32>, vector<10000x128xf32>, vector<512x128xf32> -> vector<512x128xf32>
    %concatenate3A_63 = tpu.concatenate %get3A_27, %dot_general3A_62 in 1 : vector<512x256xf32>, vector<512x128xf32> -> vector<512x384xf32>
    %get3A_64 = arith.constant 0 : index
    %get3A_65 = arith.constant 0 : index
    %get3A_66 = vector.load %arg9[%get3A_64, %get3A_65] : memref<384x128xf32, #tpu.memory_space<vmem>>, vector<384x128xf32>
    %dot_general3A_67 = arith.constant dense<0.000000e+00> : vector<512x128xf32>
    %dot_general3A_68 = tpu.matmul %concatenate3A_63, %get3A_66, %dot_general3A_67 {dimension_numbers = #tpu.dot_dimension_numbers<[1], [0], [0], [1], [0, 0, 1, 1], [], []>, transpose_lhs_hint = false} : vector<512x384xf32>, vector<384x128xf32>, vector<512x128xf32> -> vector<512x128xf32>
    %get3A_69 = arith.constant 0 : index
    %get3A_70 = arith.constant 0 : index
    %get3A_71 = vector.load %arg10[%get3A_69, %get3A_70] : memref<1x128xf32, #tpu.memory_space<vmem>>, vector<1x128xf32>
    %add3A_72 = vector.broadcast %get3A_71 : vector<1x128xf32> to vector<512x128xf32>
    %add3A_73 = arith.addf %dot_general3A_68, %add3A_72 : vector<512x128xf32>
    %logistic3A = arith.negf %add3A_73 : vector<512x128xf32>
    %logistic3A_74 = math.exp %logistic3A : vector<512x128xf32>
    %logistic3A_75 = arith.constant 1.000000e+00 : f32
    %logistic3A_76 = vector.broadcast %logistic3A_75 : f32 to vector<512x128xf32>
    %logistic3A_77 = arith.addf %logistic3A_76, %logistic3A_74 : vector<512x128xf32>
    %logistic3A_78 = arith.divf %logistic3A_76, %logistic3A_77 : vector<512x128xf32>
    %get3A_79 = arith.constant 0 : index
    %get3A_80 = arith.constant 0 : index
    %get3A_81 = vector.load %arg11[%get3A_79, %get3A_80] : memref<384x128xf32, #tpu.memory_space<vmem>>, vector<384x128xf32>
    %dot_general3A_82 = arith.constant dense<0.000000e+00> : vector<512x128xf32>
    %dot_general3A_83 = tpu.matmul %concatenate3A_63, %get3A_81, %dot_general3A_82 {dimension_numbers = #tpu.dot_dimension_numbers<[1], [0], [0], [1], [0, 0, 1, 1], [], []>, transpose_lhs_hint = false} : vector<512x384xf32>, vector<384x128xf32>, vector<512x128xf32> -> vector<512x128xf32>
    %get3A_84 = arith.constant 0 : index
    %get3A_85 = arith.constant 0 : index
    %get3A_86 = vector.load %arg12[%get3A_84, %get3A_85] : memref<1x128xf32, #tpu.memory_space<vmem>>, vector<1x128xf32>
    %add3A_87 = vector.broadcast %get3A_86 : vector<1x128xf32> to vector<512x128xf32>
    %add3A_88 = arith.addf %dot_general3A_83, %add3A_87 : vector<512x128xf32>
    %tanh3A = math.tanh %add3A_88 : vector<512x128xf32>
    %concatenate3A_89 = tpu.concatenate %logistic3A_78, %tanh3A in 1 : vector<512x128xf32>, vector<512x128xf32> -> vector<512x256xf32>
    %swap3A = arith.constant 0 : index
    %swap3A_90 = arith.constant 0 : index
    %swap3A_91 = vector.load %arg13[%swap3A, %swap3A_90] : memref<512x256xf32, #tpu.memory_space<vmem>>, vector<512x256xf32>
    tpu.vector_store %arg13[%swap3A, %swap3A_90], %concatenate3A_89 {strides = array<i32>} : memref<512x256xf32, #tpu.memory_space<vmem>>, vector<512x256xf32>,
    return
  }
}

</mosaic_0001>

<sc_bundles>
// kernel: kernel.17.cloned.1.call-start
scs
__scs_entry_jumppad:
0x0: {  	(pc) =	sbr.rel $0x88, $3  }
0x1: {  	(tag) =	ssettag $0x0;
	lr =	simm.s32 $0x1  }
0x2: {  	[smem:$0x3F8D] =	sst lr;
	_ =	strace $0xD0000000  }
0x3: {  	_ = 	snop  }
0x4: {  	_ = 	snop  }
0x5: {  	_ = 	snop  }
0x6: {  	_ = 	snop  }
0x7: {  	_ = 	snop  }
__scs_overlays_trampoline_lowered:
0x8: {  	[smem:$0x3F9C] =	sst s0  }
0x9: {  	[smem:$0x3F9D] =	sst s1  }
0xa: {  	[smem:$0x3F9E] =	sst s2  }
0xb: {  	[smem:$0x3F9F] =	sst s3  }
0xc: {  	[smem:$0x3FA0] =	sst s4  }
0xd: {  	[smem:$0x3FA1] =	sst s5  }
0xe: {  	[smem:$0x3FA2] =	sst s6  }
0xf: {  	[smem:$0x3FA3] =	sst s7  }
0x10: {  	[smem:$0x3FA4] =	sst s8  }
0x11: {  	[smem:$0x3FA5] =	sst s9;
	s0 =	simm.s32 @!p0 $0x0  }
0x12: {  	s1 =	sld [smem:$0x3F8B];
	s0 =	simm.s32 @p0 $0x1  }
0x13: {  	[smem:$0x3FA6] =	sst s0;
	s0 =	simm.s32 @!p1 $0x0  }
0x14: {  	s2 =	sld [smem:$0x3F8A];
	s0 =	simm.s32 @p1 $0x1  }
0x15: {  	[smem:$0x3FA7] =	sst s0;
	s0 =	simm.s32 @!p2 $0x0  }
0x16: {  	s3 =	sld [smem:$0x3FDB];
	s0 =	simm.s32 @p2 $0x1  }
0x17: {  	s4 =	simm.s32 $0x1BF5;
	[smem:$0x3FA9] =	sst s0  }
0x18: {  	s0 =	sld [smem:$0x3F8C];
	_ =	swait.ge [sflag:s4], $0x0  }
0x19: {  	s7 =	sld [smem:$0x3F8D]  }
0x1a: {  	s8 =	sadd.s32 $0xFFFFE003, lr  }
0x1b: {  	s9 =	sadd.s32 $0xFFFFFEF7, lr;
	s5 =	simm.s32 $0xFFFFFFFF;
	p2 =	slt.u32 s8, $0xFFFFF086  }
0x1c: {  	p1 =	slt.u32 s9, $0xF7A;
	s5 =	simm.s32 @!p2 $0x0  }
0x1d: {  	s5 =	simm.s32 @p1 $0x1;
	p0 =	seq.s32 s7, s2  }
0x1e: {  	s7 =	smul.u32 @!p0 $0xF7A, s2;
	p2 =	seq.s32 @!p0 s5, $0x0  }
0x1f: {  	s9 =	smul.u32 $0xF7A, s1;
	s8 =	simm.s32 @!p0 $0x1BF5;
	p2 =	por !p2, p0  }
0x20: {  	[sflag:s8] =	ssyncset.s32 @!p0 $0xFFFFF086;
	s6 =	sadd.s32 @!p0 s3, s7;
	s7 =	simm.s32 @!p0 $0x108  }
0x21: {  	s3 =	sadd.s32 s3, s9;
	s6 =	sadd.s32 @!p0 $0x88, s6;
	s7 =	simm.s32 @p2 $0x1082  }
0x22: {  	[simem:s7], [sflag:s8] =	dma.local @!p0 [hbm:s6], $0xF7A  }
0x23: {  	s9 =	sor.u32 $0xD0000000, s2;
	s6 =	simm.s32 $0x108;
	_ =	swait.ge @!p0 [sflag:s8], $0x0  }
0x24: {  	s3 =	sadd.s32 $0x88, s3;
	s6 =	simm.s32 @!p1 $0x1082;
	[sflag:s4] =	ssyncset.s32 $0xFFFFF086  }
0x25: {  	[simem:s6], [sflag:s4] =	dma.local [hbm:s3], $0xF7A  }
0x26: {  	[smem:$0x3F8D] =	sst s1;
	(tag) =	ssettag s2;
	_ =	strace s9  }
0x27: {  	s1 =	sld [smem:$0x3F9D]  }
0x28: {  	s2 =	sld [smem:$0x3F9E]  }
0x29: {  	s4 =	sld [smem:$0x3FA0]  }
0x2a: {  	p0 =	seq.s32 s5, $0x0;
	s5 =	sld [smem:$0x3FA1]  }
0x2b: {  	s6 =	sld [smem:$0x3FA2]  }
0x2c: {  	s7 =	sld [smem:$0x3FA3]  }
0x2d: {  	s3 =	simm.s32 $0x108;
	s8 =	sld [smem:$0x3FA4]  }
0x2e: {  	s3 =	simm.s32 @!p0 $0x1082;
	s9 =	sld [smem:$0x3FA5]  }
0x2f: {  	lr =	sadd.s32 s0, s3;
	s0 =	sld [smem:$0x3F9C]  }
0x30: {  	s3 =	sld [smem:$0x3F9F]  }
0x31: {  	[smem:$0x3FA8] =	sst s10  }
0x32: {  	s10 =	sld [smem:$0x3FA6];
	_ =	sdelay $0x3  }
0x33: {  	p0 =	seq.s32 s10, $0x1;
	s10 =	sld [smem:$0x3FA8];
	_ =	sdelay $0x3  }
0x34: {  	[smem:$0x3FA8] =	sst s10  }
0x35: {  	s10 =	sld [smem:$0x3FA7];
	_ =	sdelay $0x3  }
0x36: {  	p1 =	seq.s32 s10, $0x1;
	s10 =	sld [smem:$0x3FA8];
	_ =	sdelay $0x3  }
0x37: {  	[smem:$0x3FA8] =	sst s10  }
0x38: {  	s10 =	sld [smem:$0x3FA9]  }
0x39: {  	_ = 	snop;
	(pc) =	sbr.ind lr, $3  }
0x3a: {  	_ = 	snop  }
0x3b: {  	_ = 	snop  }
0x3c: {  	p2 =	seq.s32 s10, $0x1;
	s10 =	sld [smem:$0x3FA8]  }
0x3d: {  	_ =	shalt  }
0x3e: {  	_ =	shalt  }
0x3f: {  	_ =	shalt  }
0x40: {  	_ =	shalt  }
0x41: {  	_ =	shalt  }
0x42: {  	_ =	shalt  }
0x43: {  	_ =	shalt  }
0x44: {  	_ =	shalt  }
0x45: {  	_ =	shalt  }
0x46: {  	_ =	shalt  }
0x47: {  	_ =	shalt  }
0x48: {  	_ =	shalt  }
0x49: {  	_ =	shalt  }
0x4a: {  	_ =	shalt  }
0x4b: {  	_ =	shalt  }
0x4c: {  	_ =	shalt  }
0x4d: {  	_ =	shalt  }
0x4e: {  	_ =	shalt  }
0x4f: {  	_ =	shalt  }
0x50: {  	_ =	shalt  }
0x51: {  	_ =	shalt  }
0x52: {  	_ =	shalt  }
0x53: {  	_ =	shalt  }
0x54: {  	_ =	shalt  }
0x55: {  	_ =	shalt  }
0x56: {  	_ =	shalt  }
0x57: {  	_ =	shalt  }
0x58: {  	_ =	shalt  }
0x59: {  	_ =	shalt  }
0x5a: {  	_ =	shalt  }
0x5b: {  	_ =	shalt  }
0x5c: {  	_ =	shalt  }
0x5d: {  	_ =	shalt  }
0x5e: {  	_ =	shalt  }
0x5f: {  	_ =	shalt  }
0x60: {  	_ =	shalt  }
0x61: {  	_ =	shalt  }
0x62: {  	_ =	shalt  }
0x63: {  	_ =	shalt  }
0x64: {  	_ =	shalt  }
0x65: {  	_ =	shalt  }
0x66: {  	_ =	shalt  }
0x67: {  	_ =	shalt  }
0x68: {  	_ =	shalt  }
0x69: {  	_ =	shalt  }
0x6a: {  	_ =	shalt  }
0x6b: {  	_ =	shalt  }
0x6c: {  	_ =	shalt  }
0x6d: {  	_ =	shalt  }
0x6e: {  	_ =	shalt  }
0x6f: {  	_ =	shalt  }
0x70: {  	_ =	shalt  }
0x71: {  	_ =	shalt  }
0x72: {  	_ =	shalt  }
0x73: {  	_ =	shalt  }
0x74: {  	_ =	shalt  }
0x75: {  	_ =	shalt  }
0x76: {  	_ =	shalt  }
0x77: {  	_ =	shalt  }
0x78: {  	_ =	shalt  }
0x79: {  	_ =	shalt  }
0x7a: {  	_ =	shalt  }
0x7b: {  	_ =	shalt  }
0x7c: {  	_ =	shalt  }
0x7d: {  	_ =	shalt  }
0x7e: {  	_ =	shalt  }
0x7f: {  	_ =	shalt  }
0x80: {  	_ =	shalt  }
0x81: {  	_ =	shalt  }
0x82: {  	_ =	shalt  }
0x83: {  	_ =	shalt  }
0x84: {  	_ =	shalt  }
0x85: {  	_ =	shalt  }
0x86: {  	_ =	shalt  }
0x87: {  	_ =	shalt  }
.Lfunc_end0:
.L_simem_size_0:
called_computation_lowered:
.L_overlay_start_0:
0x88: {  	s2 =	sld [smem:$0x3FD9]  }
0x89: {  	s3 =	sld [smem:$0x3FFE];
	_ =	sdelay $0x1  }
0x8a: {  	s1 =	srdreg.scid  }
0x8b: {  	s0 =	sand.u32 $0x1, s1  }
0x8c: {  	s17 =	sshll.u32 s0, $0xA;
	s2 =	sadd.s32 s3, s2  }
0x8d: {  	s2 =	sadd.s32 s2, s17  }
0x8e: {  	[smem:$0x3FB4] =	sst s2  }
0x8f: {  	_ = 	snop  }
0x90: {  	(tm) =	ssettm $0x1  }
0x91: {  	s18 =	sld [smem:$0x3FFB];
	_ =	sdelay $0x3  }
0x92: {  	_ =	strace s18  }
0x93: {  	s2 =	sld [smem:$0x3FFC];
	_ =	sdelay $0x3  }
0x94: {  	_ =	strace s2  }
0x95: {  	s2 =	sld [smem:$0x3FFD];
	_ =	sdelay $0x3  }
0x96: {  	_ =	strace s2  }
0x97: {  	_ =	strace $0x8FFFFFFF  }
0x98: {  	s19 =	sld [smem:$0x3FDB];
	_ =	sdelay $0x1  }
0x99: {  	s20 =	simm.s32 $_scs_section_size  }
0x9a: {  	s4 =	simm.s32 $_size__tile_overlayer_lowered;
	s5 =	simm.s32 $_tile_overlayer_lowered  }
0x9b: {  	s6 =	simm.s32 $0x1BFF;
	s21 =	sshll.u32 s5, $0x1;
	s3 =	sadd.s32 s20, s19  }
0x9c: {  	s22 =	simm.s32 $0x0;
	s4 =	sshll.u32 s4, $0x1;
	s5 =	sadd.s32 s21, s3  }
0x9d: {  	[timem:s22], [sflag:s6] =	dma.local [hbm:s5], s4  }
0x9e: {  	_ =	swait.ge [sflag:s6], s4  }
0x9f: {  	s4 =	ssub.s32 $0x0, s4;
	[sflag:s6] =	ssyncset.done $0x0  }
0xa0: {  	[sflag:s6] =	ssyncadd.s32 s4;
	_ =	sdelay $0x1  }
0xa1: {  	s23 =	simm.s32 $0x1B8B  }
0xa2: {  	_ =	swait.ge [sflag:s23], $0x1  }
0xa3: {  	[sflag:s23] =	ssyncset.done $0x0  }
0xa4: {  	[sflag:s23] =	ssyncadd.s32 $0xFFFFFFFF  }
0xa5: {  	s4 =	sld [smem:$0x0]  }
0xa6: {  	s5 =	sand.u32 $0xFFFFFFFE, s1  }
0xa7: {  	p0 =	sne.s32 s1, s5  }
0xa8: {  	s5 =	sshll.u32 @p0 s5, $0xE  }
0xa9: {  	s5 =	sadd.s32 @p0 $0x11B8D, s5;
	s6 =	sshll.u32 @p0 s4, $0x11  }
0xaa: {  	s5 =	sor.u32 @p0 s6, s5  }
0xab: {  	[sflag:s5] =	ssyncadd.remote.s32 @p0 $0x1;
	_ =	sdelay $0x1  }
0xac: {  	s5 =	simm.s32 @p0 $0x1B8D  }
0xad: {  	_ =	swait.eq @p0 [sflag:s5], $0x1  }
0xae: {  	[sflag:s5] =	ssyncadd.s32 @p0 $0xFFFFFFFF  }
0xaf: {  	s6 =	sshll.u32 @!p0 s1, $0xE  }
0xb0: {  	s6 =	sor.u32 @!p0 $0x4000, s6;
	s5 =	simm.s32 @!p0 $0x1B8D  }
0xb1: {  	s4 =	sshll.u32 @!p0 s4, $0x11;
	s6 =	sadd.s32 @!p0 $0x11B8D, s6;
	_ =	swait.eq @!p0 [sflag:s5], $0x1  }
0xb2: {  	s4 =	sor.u32 @!p0 s4, s6;
	[sflag:s5] =	ssyncadd.s32 @!p0 $0xFFFFFFFF  }
0xb3: {  	s25 =	simm.s32 $0x1B8E;
	s24 =	sld [smem:$0x3FFE];
	[sflag:s4] =	ssyncadd.remote.s32 @!p0 $0x1  }
0xb4: {  	s26 =	simm.s32 $execute0_lowered;
	[smem:$0x3FD2] =	sst s25  }
0xb5: {  	s5 =	sshll.u32 s26, $0x1;
	_ =	strace $0x80000049;
	[dreg:$0x1] =	wrdreg $0xFFFFFFFF  }
0xb6: {  	s28 =	simm.s32 $_size_execute0_lowered;
	s3 =	sadd.s32 s3, s5;
	[dreg:$0x0] =	wrdreg $0x0  }
0xb7: {  	s5 =	sshll.u32 s28, $0x1;
	[dreg:$0x2] =	wrdreg s3  }
0xb8: {  	[dreg:$0x3] =	wrdreg s5  }
0xb9: {  	[dreg:$0x4] =	wrdreg $0xC0  }
0xba: {  	_ =	task [dreg:s22], $0x5FFFF  }
0xbb: {  	[dreg:$0x1] =	wrdreg $0xFFFFFFFF  }
0xbc: {  	[dreg:$0x0] =	wrdreg $0x60  }
0xbd: {  	[dreg:$0x2] =	wrdreg s24  }
0xbe: {  	[dreg:$0x3] =	wrdreg $0x40800  }
0xbf: {  	[dreg:$0x4] =	wrdreg $0x9  }
0xc0: {  	_ =	task.clear_ibuf [dreg:s22], $0x5FFFF;
	_ =	strace $0x90000049  }
0xc1: {  	s29 =	simm.s32 $0x9;
	_ =	strace $0x8000004B  }
0xc2: {  	_ =	swait.ge [sflag:s29], $0x1  }
0xc3: {  	[sflag:s29] =	ssyncadd.s32 $0xFFFFFFFF  }
0xc4: {  	_ =	strace $0x9000004B  }
0xc5: {  	_ =	sfence  }
0xc6: {  	s30 =	sld [smem:$0x0];
	_ =	sdelay $0x2  }
0xc7: {  	s31 =	sshll.u32 s1, $0xD;
	s1 =	sshrl.u32 s1, $0x2  }
0xc8: {  	s4 =	sand.u32 $0x4000, s31;
	s1 =	sadd.s32 s1, s30  }
0xc9: {  	s0 =	sor.u32 s4, s0;
	s1 =	sshll.u32 s1, $0x11  }
0xca: {  	s0 =	sor.u32 s1, s0  }
0xcb: {  	s0 =	sadd.s32 $0x8F2B, s0  }
0xcc: {  	[sflag:s0] =	ssyncadd.remote.s32 $0x1  }
0xcd: {  	_ =	sfence.sel $0xFFFF  }
0xce: {  	[dreg:$0x0] =	wrdreg $0xFFFFFFFF;
	(pc) =	sbr.abs _section_cstart, $3  }
0xcf: {  	[dreg:$0x1] =	wrdreg $0xFFFFFFFF  }
0xd0: {  	_ =	task.clear_ibuf [dreg:s22], $0x2FFFF;
	_ =	strace $0x9FFFFFFF  }
0xd1: {  	(tm) =	ssettm $0x7FFFFFFF  }
tec
execute0_lowered:
.L_overlay_start_1:
0x0: {  	(tag) =	ssettag $0x1  }
0x1: {  	s4 =	rddreg [dreg:$0x0]  }
0x2: {  	s2 =	rddreg [dreg:$0x1];
	s1 =	stileid.u32  }
0x3: {  	s0 =	rddreg [dreg:$0x2];
	s5 =	smul.u32 $0x13C0, s1  }
0x4: {  	s3 =	simm.s32 $0x0;
	s6 =	srdreg.scid;
	s23 =	smul.u32 $0x4F000, s1  }
0x5: {  	[smem:$0x7FF] =	sst s3;
	s9 =	sand.u32 $0x1, s6;
	s10 =	smul.u32 $0x13C00, s1  }
0x6: {  	s14 =	sadd.s32 $0x62E00, s4;
	_ =	strace $0x8000004A;
	s24 =	ssub.s32 $0x2, s9  }
0x7: {  	s16 =	smul.u32 $0x13C000, s9;
	s19 =	sshll.u32 s9, $0x4;
	s13 =	sadd.s32 s5, s4  }
0x8: {  	s25 =	sshrl.u32 s24, $0x1;
	s6 =	sshrl.u32 s23, $0x2;
	s11 =	sadd.s32 $0x4000, s10  }
0x9: {  	s12 =	sadd.s32 $0x8000, s10;
	s17 =	sadd.s32 $0xC000, s10;
	s18 =	sadd.s32 $0x10000, s10  }
0xa: {  	s15 =	ssub.s32 s24, s25;
	s4 =	sadd.s32 s6, s2;
	s5 =	sadd.s32 s11, s2  }
0xb: {  	s6 =	sadd.s32 s12, s2;
	s7 =	sadd.s32 s17, s2;
	s8 =	sadd.s32 s18, s2  }
0xc: {  	s10 =	sadd.s32 s10, s16;
	s28 =	sadd.s32 s16, s11;
	s29 =	sadd.s32 s16, s12  }
0xd: {  	s30 =	sadd.s32 s16, s17;
	s16 =	sadd.s32 s16, s18;
	s31 =	sadd.s32 s19, s13  }
0xe: {  	s17 =	simm.s32 $0x1;
	s18 =	simm.s32 $0x0;
	s26 =	sshrl.u32 s10, $0x3  }
0xf: {  	s10 =	sshrl.u32 s28, $0x3;
	s11 =	sshrl.u32 s29, $0x3;
	s12 =	sshrl.u32 s30, $0x3  }
0x10: {  	s16 =	sshrl.u32 s16, $0x3;
	s9 =	sadd.s32 s14, s26;
	s10 =	sadd.s32 s14, s10  }
0x11: {  	s11 =	sadd.s32 s14, s11;
	s12 =	sadd.s32 s14, s12;
	s13 =	sadd.s32 s14, s16  }
0x12: {  	v0 =	vimm.f32 $0.0e+00;
	v1 =	vimm.f32 $1.000000000e+00;
	s14 =	smax.u32 s15, $0x1;
	s15 =	sadd.s32 $0x4F200, s31;
	s16 =	simm.s32 $0x80  }
.LBB2_1:
0x13: {  	s19 =	simm.s32 $0x0;
	s20 =	simm.s32 $0x200  }
.LBB2_2:
0x14: {  	p0 =	sne.s32 s20, $0xFE00;
	[tilespmem:s19+$0xF0] =	vst v0  }
0x15: {  	[tilespmem:s19+$0x80] =	vst v0  }
0x16: {  	[tilespmem:s19+$0x90] =	vst v0  }
.Ltmp0:
0x17: {  	[tilespmem:s19+$0xA0] =	vst v0;
	(pc) =	sbr.rel @p0 .LBB2_2-.Ltmp0, $4  }
0x18: {  	[tilespmem:s19+$0xB0] =	vst v0  }
0x19: {  	[tilespmem:s19+$0xC0] =	vst v0  }
0x1a: {  	[tilespmem:s19+$0xD0] =	vst v0  }
0x1b: {  	[tilespmem:s19+$0xE0] =	vst v0;
	s19 =	sshra.s32 s20, $0x2;
	s20 =	sadd.s32 $0x200, s20  }
0x1c: {  	[tilespmem:s19+$0xF0] =	vst v0  }
0x1d: {  	[tilespmem:s19+$0x80] =	vst v0  }
0x1e: {  	[tilespmem:s19+$0x90] =	vst v0  }
0x1f: {  	[tilespmem:s19+$0xA0] =	vst v0  }
0x20: {  	[tilespmem:s19+$0xB0] =	vst v0  }
0x21: {  	[tilespmem:s19+$0xC0] =	vst v0  }
0x22: {  	[tilespmem:s19+$0xD0] =	vst v0  }
0x23: {  	[tilespmem:s19+$0xE0] =	vst v0  }
0x24: {  	[spmem:s4] =	stream.linear.scatter [tilespmem:s16], [sflag:$0x1], $0x4000, $0x38;
	[tilespmem:$0x17C80] =	vst v63  }
0x25: {  	_ =	swait.ge [sflag:s17], $0x4000  }
0x26: {  	[sflag:s17] =	ssyncset.done $0x0  }
0x27: {  	[sflag:s17] =	ssyncadd.s32 $0xFFFFC000  }
0x28: {  	[spmem:s5] =	stream.linear.scatter [tilespmem:s16], [sflag:$0x1], $0x4000, $0x38;
	[tilespmem:$0x17C80] =	vst v63  }
0x29: {  	_ =	swait.ge [sflag:s17], $0x4000  }
0x2a: {  	[sflag:s17] =	ssyncset.done $0x0  }
0x2b: {  	[sflag:s17] =	ssyncadd.s32 $0xFFFFC000  }
0x2c: {  	[spmem:s6] =	stream.linear.scatter [tilespmem:s16], [sflag:$0x1], $0x4000, $0x38;
	[tilespmem:$0x17C80] =	vst v63  }
0x2d: {  	_ =	swait.ge [sflag:s17], $0x4000  }
0x2e: {  	[sflag:s17] =	ssyncset.done $0x0  }
0x2f: {  	[sflag:s17] =	ssyncadd.s32 $0xFFFFC000  }
0x30: {  	[spmem:s7] =	stream.linear.scatter [tilespmem:s16], [sflag:$0x1], $0x4000, $0x38;
	[tilespmem:$0x17C80] =	vst v63  }
0x31: {  	_ =	swait.ge [sflag:s17], $0x4000  }
0x32: {  	[sflag:s17] =	ssyncset.done $0x0  }
0x33: {  	[sflag:s17] =	ssyncadd.s32 $0xFFFFC000  }
0x34: {  	[spmem:s8] =	stream.linear.scatter [tilespmem:s16], [sflag:$0x1], $0x3C00, $0x38;
	[tilespmem:$0x17C80] =	vst v63  }
0x35: {  	_ =	swait.ge [sflag:s17], $0x3C00  }
0x36: {  	[sflag:s17] =	ssyncset.done $0x0  }
0x37: {  	s19 =	simm.s32 $0x0;
	s20 =	simm.s32 $0x200;
	[sflag:s17] =	ssyncadd.s32 $0xFFFFC400  }
.LBB2_4:
0x38: {  	p0 =	sne.s32 s20, $0xFE00;
	[tilespmem:s19+$0xF0] =	vst v1  }
0x39: {  	[tilespmem:s19+$0x80] =	vst v1  }
0x3a: {  	[tilespmem:s19+$0x90] =	vst v1  }
.Ltmp1:
0x3b: {  	[tilespmem:s19+$0xA0] =	vst v1;
	(pc) =	sbr.rel @p0 .LBB2_4-.Ltmp1, $4  }
0x3c: {  	[tilespmem:s19+$0xB0] =	vst v1  }
0x3d: {  	[tilespmem:s19+$0xC0] =	vst v1  }
0x3e: {  	[tilespmem:s19+$0xD0] =	vst v1  }
0x3f: {  	[tilespmem:s19+$0xE0] =	vst v1;
	s19 =	sshra.s32 s20, $0x2;
	s20 =	sadd.s32 $0x200, s20  }
0x40: {  	[tilespmem:s19+$0xF0] =	vst v1  }
0x41: {  	[tilespmem:s19+$0x80] =	vst v1  }
0x42: {  	[tilespmem:s19+$0x90] =	vst v1  }
0x43: {  	[tilespmem:s19+$0xA0] =	vst v1  }
0x44: {  	[tilespmem:s19+$0xB0] =	vst v1  }
0x45: {  	[tilespmem:s19+$0xC0] =	vst v1  }
0x46: {  	[tilespmem:s19+$0xD0] =	vst v1  }
0x47: {  	[tilespmem:s19+$0xE0] =	vst v1  }
0x48: {  	s31 =	sadd.s32 $0x0, s15;
	[bflag:$0x0] =	sbarrier.arrive $0xFFFF  }
0x49: {  	[tilespmem:s3], [sflag:$0x1] =	stream.linear.gather [hbm4b:s31+s3], $0x80, $0x38;
	[tilespmem:$0x17C80] =	vst v63  }
0x4a: {  	_ =	swait.ge [sflag:s17], $0x80  }
0x4b: {  	[sflag:s17] =	ssyncset.done $0x0  }
0x4c: {  	[sflag:s17] =	ssyncadd.s32 $0xFFFFFF80  }
0x4d: {  	[spmem:s2] =	stream.indirect.scatter.add.f32 [tilespmem:s16], [sflag:$0x1], $0x80, s3, s16, $0xb8;
	[tilespmem:$0x17C80] =	vst v63  }
0x4e: {  	_ =	swait.ge [sflag:s17], $0x4000  }
0x4f: {  	s19 =	simm.s32 $0x20;
	s20 =	simm.s32 $0x40;
	[sflag:s17] =	ssyncset.done $0x0  }
.LBB2_6:
0x50: {  	s21 =	sadd.s32 s19, s15  }
0x51: {  	[sflag:s17] =	ssyncadd.s32 $0xFFFFC000;
	s19 =	smov.u32 s20;
	s22 =	sadd.s32 $0x20, s20  }
0x52: {  	[tilespmem:s3], [sflag:$0x1] =	stream.linear.gather [hbm4b:s21+s3], $0x80, $0x38;
	[tilespmem:$0x17C80] =	vst v63  }
0x53: {  	p0 =	sne.s32 s20, $0x13A0;
	_ =	swait.ge [sflag:s17], $0x80  }
.Ltmp2:
0x54: {  	[sflag:s17] =	ssyncset.done $0x0;
	(pc) =	sbr.rel @p0 .LBB2_6-.Ltmp2, $4  }
0x55: {  	[sflag:s17] =	ssyncadd.s32 $0xFFFFFF80  }
0x56: {  	[spmem:s2] =	stream.indirect.scatter.add.f32 [tilespmem:s16], [sflag:$0x1], $0x80, s3, s16, $0xb8;
	[tilespmem:$0x17C80] =	vst v63  }
0x57: {  	_ =	swait.ge [sflag:s17], $0x4000  }
0x58: {  	s20 =	smov.u32 s22;
	[sflag:s17] =	ssyncset.done $0x0  }
0x59: {  	s19 =	sadd.s32 s19, s15;
	[sflag:s17] =	ssyncadd.s32 $0xFFFFC000  }
0x5a: {  	[tilespmem:s3], [sflag:$0x1] =	stream.linear.gather [hbm4b:s19+s3], $0x80, $0x38;
	[tilespmem:$0x17C80] =	vst v63  }
0x5b: {  	_ =	swait.ge [sflag:s17], $0x80  }
0x5c: {  	[sflag:s17] =	ssyncset.done $0x0  }
0x5d: {  	[sflag:s17] =	ssyncadd.s32 $0xFFFFFF80  }
0x5e: {  	[spmem:s2] =	stream.indirect.scatter.add.f32 [tilespmem:s16], [sflag:$0x1], $0x80, s3, s16, $0xb8;
	[tilespmem:$0x17C80] =	vst v63  }
0x5f: {  	_ =	swait.ge [sflag:s17], $0x4000  }
0x60: {  	[sflag:s17] =	ssyncset.done $0x0  }
0x61: {  	[sflag:s17] =	ssyncadd.s32 $0xFFFFC000  }
0x62: {  	[bflag:$0x0] =	sbarrier.arrive $0xFFFF  }
0x63: {  	[tilespmem:s16], [sflag:$0x1] =	stream.linear.gather [spmem:s4], $0x4000, $0x38;
	[tilespmem:$0x17C80] =	vst v63  }
0x64: {  	_ =	swait.ge [sflag:s17], $0x4000  }
0x65: {  	[sflag:s17] =	ssyncset.done $0x0  }
0x66: {  	[sflag:s17] =	ssyncadd.s32 $0xFFFFC000  }
0x67: {  	[hbm4b:s9+s3] =	stream.linear.scatter [tilespmem:s16], [sflag:$0x1], $0x4000, $0x38;
	[tilespmem:$0x17C80] =	vst v63  }
0x68: {  	_ =	swait.ge [sflag:s17], $0x4000  }
0x69: {  	[sflag:s17] =	ssyncset.done $0x0  }
0x6a: {  	[sflag:s17] =	ssyncadd.s32 $0xFFFFC000  }
0x6b: {  	[tilespmem:s16], [sflag:$0x1] =	stream.linear.gather [spmem:s5], $0x4000, $0x38;
	[tilespmem:$0x17C80] =	vst v63  }
0x6c: {  	_ =	swait.ge [sflag:s17], $0x4000  }
0x6d: {  	[sflag:s17] =	ssyncset.done $0x0  }
0x6e: {  	[sflag:s17] =	ssyncadd.s32 $0xFFFFC000  }
0x6f: {  	[hbm4b:s10+s3] =	stream.linear.scatter [tilespmem:s16], [sflag:$0x1], $0x4000, $0x38;
	[tilespmem:$0x17C80] =	vst v63  }
0x70: {  	_ =	swait.ge [sflag:s17], $0x4000  }
0x71: {  	[sflag:s17] =	ssyncset.done $0x0  }
0x72: {  	[sflag:s17] =	ssyncadd.s32 $0xFFFFC000  }
0x73: {  	[tilespmem:s16], [sflag:$0x1] =	stream.linear.gather [spmem:s6], $0x4000, $0x38;
	[tilespmem:$0x17C80] =	vst v63  }
0x74: {  	_ =	swait.ge [sflag:s17], $0x4000  }
0x75: {  	[sflag:s17] =	ssyncset.done $0x0  }
0x76: {  	[sflag:s17] =	ssyncadd.s32 $0xFFFFC000  }
0x77: {  	[hbm4b:s11+s3] =	stream.linear.scatter [tilespmem:s16], [sflag:$0x1], $0x4000, $0x38;
	[tilespmem:$0x17C80] =	vst v63  }
0x78: {  	_ =	swait.ge [sflag:s17], $0x4000  }
0x79: {  	[sflag:s17] =	ssyncset.done $0x0  }
0x7a: {  	[sflag:s17] =	ssyncadd.s32 $0xFFFFC000  }
0x7b: {  	[tilespmem:s16], [sflag:$0x1] =	stream.linear.gather [spmem:s7], $0x4000, $0x38;
	[tilespmem:$0x17C80] =	vst v63  }
0x7c: {  	_ =	swait.ge [sflag:s17], $0x4000  }
0x7d: {  	[sflag:s17] =	ssyncset.done $0x0  }
0x7e: {  	[sflag:s17] =	ssyncadd.s32 $0xFFFFC000  }
0x7f: {  	[hbm4b:s12+s3] =	stream.linear.scatter [tilespmem:s16], [sflag:$0x1], $0x4000, $0x38;
	[tilespmem:$0x17C80] =	vst v63  }
0x80: {  	_ =	swait.ge [sflag:s17], $0x4000  }
0x81: {  	[sflag:s17] =	ssyncset.done $0x0  }
0x82: {  	[sflag:s17] =	ssyncadd.s32 $0xFFFFC000  }
0x83: {  	[tilespmem:s16], [sflag:$0x1] =	stream.linear.gather [spmem:s8], $0x3C00, $0x38;
	[tilespmem:$0x17C80] =	vst v63  }
0x84: {  	s18 =	sadd.s32 $0x1, s18;
	_ =	swait.ge [sflag:s17], $0x3C00  }
0x85: {  	p0 =	sne.s32 s18, s14;
	[sflag:s17] =	ssyncset.done $0x0  }
.Ltmp3:
0x86: {  	[sflag:s17] =	ssyncadd.s32 $0xFFFFC400;
	(pc) =	sbr.rel @p0 .LBB2_1-.Ltmp3, $4  }
0x87: {  	[hbm4b:s13+s3] =	stream.linear.scatter [tilespmem:s16], [sflag:$0x1], $0x3C00, $0x38;
	[tilespmem:$0x17C80] =	vst v63  }
0x88: {  	_ =	swait.ge [sflag:s17], $0x3C00  }
0x89: {  	[sflag:s17] =	ssyncset.done $0x0  }
0x8a: {  	[sflag:s17] =	ssyncadd.s32 $0xFFFFC400  }
0x8b: {  	_ =	sfence.sel $0x180000  }
0x8c: {  	[bflag:$0x0] =	sbarrier.arrive $0xFFFF  }
0x8d: {  	p0 =	sne.s32 s1, $0x0;
	_ =	strace $0x9000004A  }
0x8e: {  	s0 =	sadd.s32 @!p0 $0x100000, s0;
	[bflag:$0x2] =	sbarrier.arrive $0xFFFF  }
0x8f: {  	[sflag:s0] =	ssyncadd.tile.s32 @!p0 $0x1;
	_ =	shalt  }
.Lfunc_end2:
_tile_overlayer_lowered:
.L_overlay_start_2:
0x90: {  	(tag) =	ssettag $0x2  }
0x91: {  	s0 =	rddreg [dreg:$0x0];
	s2 =	stileid.u32  }
0x92: {  	s1 =	rddreg [dreg:$0x1];
	p0 =	sne.s32 s2, $0x0  }
0x93: {  	s3 =	rddreg [dreg:$0x2];
	[bflag:$0x3] =	sbarrier.arrive $0xFFFF;
	s2 =	simm.s32 @!p0 $0x1C01  }
0x94: {  	[timem:s3], [sflag:s2] =	dma.local @!p0 [hbm:s0], s1  }
0x95: {  	s0 =	simm.s32 @!p0 $0x1  }
0x96: {  	_ =	swait.ge @!p0 [sflag:s0], s1  }
0x97: {  	s1 =	ssub.s32 @!p0 $0x0, s1;
	[sflag:s0] =	ssyncset.done @!p0 $0x0  }
0x98: {  	[sflag:s0] =	ssyncadd.s32 @!p0 s1  }
0x99: {  	[bflag:$0x3] =	sbarrier.arrive $0xFFFF  }
0x9a: {  	_ =	shalt  }

// kernel: kernel.20.cloned.1.call-start
scs
__scs_entry_jumppad:
0x0: {  	(pc) =	sbr.rel $0x88, $3  }
0x1: {  	(tag) =	ssettag $0x0;
	lr =	simm.s32 $0x1  }
0x2: {  	[smem:$0x3F8D] =	sst lr;
	_ =	strace $0xD0000000  }
0x3: {  	_ = 	snop  }
0x4: {  	_ = 	snop  }
0x5: {  	_ = 	snop  }
0x6: {  	_ = 	snop  }
0x7: {  	_ = 	snop  }
__scs_overlays_trampoline_lowered:
0x8: {  	[smem:$0x3F9C] =	sst s0  }
0x9: {  	[smem:$0x3F9D] =	sst s1  }
0xa: {  	[smem:$0x3F9E] =	sst s2  }
0xb: {  	[smem:$0x3F9F] =	sst s3  }
0xc: {  	[smem:$0x3FA0] =	sst s4  }
0xd: {  	[smem:$0x3FA1] =	sst s5  }
0xe: {  	[smem:$0x3FA2] =	sst s6  }
0xf: {  	[smem:$0x3FA3] =	sst s7  }
0x10: {  	[smem:$0x3FA4] =	sst s8  }
0x11: {  	[smem:$0x3FA5] =	sst s9;
	s0 =	simm.s32 @!p0 $0x0  }
0x12: {  	s1 =	sld [smem:$0x3F8B];
	s0 =	simm.s32 @p0 $0x1  }
0x13: {  	[smem:$0x3FA6] =	sst s0;
	s0 =	simm.s32 @!p1 $0x0  }
0x14: {  	s2 =	sld [smem:$0x3F8A];
	s0 =	simm.s32 @p1 $0x1  }
0x15: {  	[smem:$0x3FA7] =	sst s0;
	s0 =	simm.s32 @!p2 $0x0  }
0x16: {  	s3 =	sld [smem:$0x3FDB];
	s0 =	simm.s32 @p2 $0x1  }
0x17: {  	s4 =	simm.s32 $0x1BF5;
	[smem:$0x3FA9] =	sst s0  }
0x18: {  	s0 =	sld [smem:$0x3F8C];
	_ =	swait.ge [sflag:s4], $0x0  }
0x19: {  	s7 =	sld [smem:$0x3F8D]  }
0x1a: {  	s8 =	sadd.s32 $0xFFFFE003, lr  }
0x1b: {  	s9 =	sadd.s32 $0xFFFFFEF7, lr;
	s5 =	simm.s32 $0xFFFFFFFF;
	p2 =	slt.u32 s8, $0xFFFFF086  }
0x1c: {  	p1 =	slt.u32 s9, $0xF7A;
	s5 =	simm.s32 @!p2 $0x0  }
0x1d: {  	s5 =	simm.s32 @p1 $0x1;
	p0 =	seq.s32 s7, s2  }
0x1e: {  	s7 =	smul.u32 @!p0 $0xF7A, s2;
	p2 =	seq.s32 @!p0 s5, $0x0  }
0x1f: {  	s9 =	smul.u32 $0xF7A, s1;
	s8 =	simm.s32 @!p0 $0x1BF5;
	p2 =	por !p2, p0  }
0x20: {  	[sflag:s8] =	ssyncset.s32 @!p0 $0xFFFFF086;
	s6 =	sadd.s32 @!p0 s3, s7;
	s7 =	simm.s32 @!p0 $0x108  }
0x21: {  	s3 =	sadd.s32 s3, s9;
	s6 =	sadd.s32 @!p0 $0x88, s6;
	s7 =	simm.s32 @p2 $0x1082  }
0x22: {  	[simem:s7], [sflag:s8] =	dma.local @!p0 [hbm:s6], $0xF7A  }
0x23: {  	s9 =	sor.u32 $0xD0000000, s2;
	s6 =	simm.s32 $0x108;
	_ =	swait.ge @!p0 [sflag:s8], $0x0  }
0x24: {  	s3 =	sadd.s32 $0x88, s3;
	s6 =	simm.s32 @!p1 $0x1082;
	[sflag:s4] =	ssyncset.s32 $0xFFFFF086  }
0x25: {  	[simem:s6], [sflag:s4] =	dma.local [hbm:s3], $0xF7A  }
0x26: {  	[smem:$0x3F8D] =	sst s1;
	(tag) =	ssettag s2;
	_ =	strace s9  }
0x27: {  	s1 =	sld [smem:$0x3F9D]  }
0x28: {  	s2 =	sld [smem:$0x3F9E]  }
0x29: {  	s4 =	sld [smem:$0x3FA0]  }
0x2a: {  	p0 =	seq.s32 s5, $0x0;
	s5 =	sld [smem:$0x3FA1]  }
0x2b: {  	s6 =	sld [smem:$0x3FA2]  }
0x2c: {  	s7 =	sld [smem:$0x3FA3]  }
0x2d: {  	s3 =	simm.s32 $0x108;
	s8 =	sld [smem:$0x3FA4]  }
0x2e: {  	s3 =	simm.s32 @!p0 $0x1082;
	s9 =	sld [smem:$0x3FA5]  }
0x2f: {  	lr =	sadd.s32 s0, s3;
	s0 =	sld [smem:$0x3F9C]  }
0x30: {  	s3 =	sld [smem:$0x3F9F]  }
0x31: {  	[smem:$0x3FA8] =	sst s10  }
0x32: {  	s10 =	sld [smem:$0x3FA6];
	_ =	sdelay $0x3  }
0x33: {  	p0 =	seq.s32 s10, $0x1;
	s10 =	sld [smem:$0x3FA8];
	_ =	sdelay $0x3  }
0x34: {  	[smem:$0x3FA8] =	sst s10  }
0x35: {  	s10 =	sld [smem:$0x3FA7];
	_ =	sdelay $0x3  }
0x36: {  	p1 =	seq.s32 s10, $0x1;
	s10 =	sld [smem:$0x3FA8];
	_ =	sdelay $0x3  }
0x37: {  	[smem:$0x3FA8] =	sst s10  }
0x38: {  	s10 =	sld [smem:$0x3FA9]  }
0x39: {  	_ = 	snop;
	(pc) =	sbr.ind lr, $3  }
0x3a: {  	_ = 	snop  }
0x3b: {  	_ = 	snop  }
0x3c: {  	p2 =	seq.s32 s10, $0x1;
	s10 =	sld [smem:$0x3FA8]  }
0x3d: {  	_ =	shalt  }
0x3e: {  	_ =	shalt  }
0x3f: {  	_ =	shalt  }
0x40: {  	_ =	shalt  }
0x41: {  	_ =	shalt  }
0x42: {  	_ =	shalt  }
0x43: {  	_ =	shalt  }
0x44: {  	_ =	shalt  }
0x45: {  	_ =	shalt  }
0x46: {  	_ =	shalt  }
0x47: {  	_ =	shalt  }
0x48: {  	_ =	shalt  }
0x49: {  	_ =	shalt  }
0x4a: {  	_ =	shalt  }
0x4b: {  	_ =	shalt  }
0x4c: {  	_ =	shalt  }
0x4d: {  	_ =	shalt  }
0x4e: {  	_ =	shalt  }
0x4f: {  	_ =	shalt  }
0x50: {  	_ =	shalt  }
0x51: {  	_ =	shalt  }
0x52: {  	_ =	shalt  }
0x53: {  	_ =	shalt  }
0x54: {  	_ =	shalt  }
0x55: {  	_ =	shalt  }
0x56: {  	_ =	shalt  }
0x57: {  	_ =	shalt  }
0x58: {  	_ =	shalt  }
0x59: {  	_ =	shalt  }
0x5a: {  	_ =	shalt  }
0x5b: {  	_ =	shalt  }
0x5c: {  	_ =	shalt  }
0x5d: {  	_ =	shalt  }
0x5e: {  	_ =	shalt  }
0x5f: {  	_ =	shalt  }
0x60: {  	_ =	shalt  }
0x61: {  	_ =	shalt  }
0x62: {  	_ =	shalt  }
0x63: {  	_ =	shalt  }
0x64: {  	_ =	shalt  }
0x65: {  	_ =	shalt  }
0x66: {  	_ =	shalt  }
0x67: {  	_ =	shalt  }
0x68: {  	_ =	shalt  }
0x69: {  	_ =	shalt  }
0x6a: {  	_ =	shalt  }
0x6b: {  	_ =	shalt  }
0x6c: {  	_ =	shalt  }
0x6d: {  	_ =	shalt  }
0x6e: {  	_ =	shalt  }
0x6f: {  	_ =	shalt  }
0x70: {  	_ =	shalt  }
0x71: {  	_ =	shalt  }
0x72: {  	_ =	shalt  }
0x73: {  	_ =	shalt  }
0x74: {  	_ =	shalt  }
0x75: {  	_ =	shalt  }
0x76: {  	_ =	shalt  }
0x77: {  	_ =	shalt  }
0x78: {  	_ =	shalt  }
0x79: {  	_ =	shalt  }
0x7a: {  	_ =	shalt  }
0x7b: {  	_ =	shalt  }
0x7c: {  	_ =	shalt  }
0x7d: {  	_ =	shalt  }
0x7e: {  	_ =	shalt  }
0x7f: {  	_ =	shalt  }
0x80: {  	_ =	shalt  }
0x81: {  	_ =	shalt  }
0x82: {  	_ =	shalt  }
0x83: {  	_ =	shalt  }
0x84: {  	_ =	shalt  }
0x85: {  	_ =	shalt  }
0x86: {  	_ =	shalt  }
0x87: {  	_ =	shalt  }
.Lfunc_end0:
.L_simem_size_0:
called_computation.1_lowered:
.L_overlay_start_0:
0x88: {  	s2 =	sld [smem:$0x3FD9]  }
0x89: {  	s3 =	sld [smem:$0x3FFE];
	_ =	sdelay $0x1  }
0x8a: {  	s1 =	srdreg.scid  }
0x8b: {  	s0 =	sand.u32 $0x1, s1  }
0x8c: {  	s16 =	sshll.u32 s0, $0xA;
	s2 =	sadd.s32 s3, s2  }
0x8d: {  	s2 =	sadd.s32 s2, s16  }
0x8e: {  	[smem:$0x3FB4] =	sst s2  }
0x8f: {  	_ = 	snop  }
0x90: {  	(tm) =	ssettm $0x1  }
0x91: {  	s17 =	sld [smem:$0x3FFB];
	_ =	sdelay $0x3  }
0x92: {  	_ =	strace s17  }
0x93: {  	s2 =	sld [smem:$0x3FFC];
	_ =	sdelay $0x3  }
0x94: {  	_ =	strace s2  }
0x95: {  	s2 =	sld [smem:$0x3FFD];
	_ =	sdelay $0x3  }
0x96: {  	_ =	strace s2  }
0x97: {  	_ =	strace $0x8FFFFFFF  }
0x98: {  	s18 =	sld [smem:$0x3FDB];
	_ =	sdelay $0x1  }
0x99: {  	s19 =	simm.s32 $_scs_section_size  }
0x9a: {  	s4 =	simm.s32 $_size__tile_overlayer_lowered;
	s5 =	simm.s32 $_tile_overlayer_lowered  }
0x9b: {  	s22 =	simm.s32 $0x1BFF;
	s21 =	sshll.u32 s5, $0x1;
	s2 =	sadd.s32 s19, s18  }
0x9c: {  	s6 =	simm.s32 $0x0;
	s20 =	sshll.u32 s4, $0x1;
	s4 =	sadd.s32 s21, s2  }
0x9d: {  	[timem:s6], [sflag:s22] =	dma.local [hbm:s4], s20  }
0x9e: {  	_ =	swait.ge [sflag:s22], s20  }
0x9f: {  	s3 =	ssub.s32 $0x0, s20;
	[sflag:s22] =	ssyncset.done $0x0  }
0xa0: {  	[sflag:s22] =	ssyncadd.s32 s3;
	_ =	sdelay $0x1  }
0xa1: {  	s23 =	simm.s32 $0x1B8B  }
0xa2: {  	_ =	swait.ge [sflag:s23], $0x1  }
0xa3: {  	[sflag:s23] =	ssyncset.done $0x0  }
0xa4: {  	s25 =	simm.s32 $0x1B8E;
	s24 =	sld [smem:$0x3FFE];
	[sflag:s23] =	ssyncadd.s32 $0xFFFFFFFF  }
0xa5: {  	s26 =	simm.s32 $execute0_lowered;
	[smem:$0x3FD2] =	sst s25  }
0xa6: {  	s4 =	sshll.u32 s26, $0x1;
	_ =	strace $0x80000046;
	[dreg:$0x1] =	wrdreg $0xFFFFFFFF  }
0xa7: {  	s28 =	simm.s32 $_size_execute0_lowered;
	s2 =	sadd.s32 s2, s4;
	[dreg:$0x0] =	wrdreg $0x0  }
0xa8: {  	s4 =	sshll.u32 s28, $0x1;
	[dreg:$0x2] =	wrdreg s2  }
0xa9: {  	[dreg:$0x3] =	wrdreg s4  }
0xaa: {  	[dreg:$0x4] =	wrdreg $0xC0  }
0xab: {  	_ =	task [dreg:s6], $0x5FFFF  }
0xac: {  	[dreg:$0x1] =	wrdreg $0xFFFFFFFF  }
0xad: {  	[dreg:$0x0] =	wrdreg $0x60  }
0xae: {  	[dreg:$0x2] =	wrdreg s24  }
0xaf: {  	[dreg:$0x3] =	wrdreg $0x40800  }
0xb0: {  	[dreg:$0x4] =	wrdreg $0xA  }
0xb1: {  	_ =	task.clear_ibuf [dreg:s6], $0x5FFFF;
	_ =	strace $0x90000046  }
0xb2: {  	s29 =	simm.s32 $0xA;
	_ =	strace $0x80000048  }
0xb3: {  	_ =	swait.ge [sflag:s29], $0x1  }
0xb4: {  	[sflag:s29] =	ssyncadd.s32 $0xFFFFFFFF  }
0xb5: {  	_ =	strace $0x90000048  }
0xb6: {  	_ =	sfence  }
0xb7: {  	s30 =	sld [smem:$0x0];
	_ =	sdelay $0x2  }
0xb8: {  	s31 =	sshll.u32 s1, $0xD;
	s1 =	sshrl.u32 s1, $0x2  }
0xb9: {  	s3 =	sand.u32 $0x4000, s31;
	s1 =	sadd.s32 s1, s30  }
0xba: {  	s0 =	sor.u32 s3, s0;
	s1 =	sshll.u32 s1, $0x11  }
0xbb: {  	s0 =	sor.u32 s1, s0  }
0xbc: {  	s0 =	sadd.s32 $0x8F2B, s0  }
0xbd: {  	[sflag:s0] =	ssyncadd.remote.s32 $0x1  }
0xbe: {  	_ =	sfence.sel $0xFFFF  }
0xbf: {  	[dreg:$0x0] =	wrdreg $0xFFFFFFFF;
	(pc) =	sbr.abs _section_cstart, $3  }
0xc0: {  	[dreg:$0x1] =	wrdreg $0xFFFFFFFF  }
0xc1: {  	_ =	task.clear_ibuf [dreg:s6], $0x2FFFF;
	_ =	strace $0x9FFFFFFF  }
0xc2: {  	(tm) =	ssettm $0x7FFFFFFF  }
0xc3: {  	_ =	shalt  }
tec
execute0_lowered:
.L_overlay_start_1:
0x0: {  	(tag) =	ssettag $0x1  }
0x1: {  	s4 =	rddreg [dreg:$0x0]  }
0x2: {  	s2 =	rddreg [dreg:$0x1]  }
0x3: {  	s0 =	rddreg [dreg:$0x2];
	s5 =	srdreg.scid  }
0x4: {  	s3 =	simm.s32 $0x0;
	s1 =	stileid.u32;
	s10 =	simm.s32 $0x0  }
0x5: {  	s5 =	sand.u32 $0x1, s5;
	[smem:$0x7FF] =	sst s3;
	s6 =	smul.u32 $0xC40, s1  }
0x6: {  	s8 =	sshll.u32 s1, $0xB;
	s29 =	sshll.u32 s1, $0xE;
	s7 =	ssub.s32 $0x2, s5  }
0x7: {  	_ =	strace $0x80000047;
	s8 =	sadd.s32 s8, s4;
	s30 =	sshll.u32 s5, $0x4  }
0x8: {  	s5 =	sshll.u32 s5, $0xF;
	s9 =	sshrl.u32 s7, $0x1;
	s6 =	sadd.s32 s6, s4  }
0x9: {  	s4 =	sadd.s32 s29, s2;
	s5 =	sadd.s32 s5, s8;
	s8 =	simm.s32 $0x80  }
0xa: {  	s7 =	ssub.s32 s7, s9;
	s31 =	sadd.s32 s30, s6;
	s5 =	sadd.s32 $0x2B600, s5  }
0xb: {  	v0 =	vimm.f32 $0.0e+00;
	v1 =	vimm.f32 $1.000000000e+00;
	s9 =	simm.s32 $0x1;
	s6 =	smax.u32 s7, $0x1;
	s7 =	sadd.s32 $0x1F200, s31  }
.LBB2_1:
0xc: {  	s11 =	simm.s32 $0x0;
	s12 =	simm.s32 $0x200  }
.LBB2_2:
0xd: {  	p0 =	sne.s32 s12, $0xFE00;
	[tilespmem:s11+$0xF0] =	vst v0  }
0xe: {  	[tilespmem:s11+$0x80] =	vst v0  }
0xf: {  	[tilespmem:s11+$0x90] =	vst v0  }
.Ltmp0:
0x10: {  	[tilespmem:s11+$0xA0] =	vst v0;
	(pc) =	sbr.rel @p0 .LBB2_2-.Ltmp0, $4  }
0x11: {  	[tilespmem:s11+$0xB0] =	vst v0  }
0x12: {  	[tilespmem:s11+$0xC0] =	vst v0  }
0x13: {  	[tilespmem:s11+$0xD0] =	vst v0  }
0x14: {  	[tilespmem:s11+$0xE0] =	vst v0;
	s11 =	sshra.s32 s12, $0x2;
	s12 =	sadd.s32 $0x200, s12  }
0x15: {  	[tilespmem:s11+$0xF0] =	vst v0  }
0x16: {  	[tilespmem:s11+$0x80] =	vst v0  }
0x17: {  	[tilespmem:s11+$0x90] =	vst v0  }
0x18: {  	[tilespmem:s11+$0xA0] =	vst v0  }
0x19: {  	[tilespmem:s11+$0xB0] =	vst v0  }
0x1a: {  	[tilespmem:s11+$0xC0] =	vst v0  }
0x1b: {  	[tilespmem:s11+$0xD0] =	vst v0  }
0x1c: {  	[tilespmem:s11+$0xE0] =	vst v0  }
0x1d: {  	[spmem:s4] =	stream.linear.scatter [tilespmem:s8], [sflag:$0x1], $0x4000, $0x38;
	[tilespmem:$0x8080] =	vst v63  }
0x1e: {  	_ =	swait.ge [sflag:s9], $0x4000  }
0x1f: {  	[sflag:s9] =	ssyncset.done $0x0  }
0x20: {  	s11 =	simm.s32 $0x0;
	s12 =	simm.s32 $0x200;
	[sflag:s9] =	ssyncadd.s32 $0xFFFFC000  }
.LBB2_4:
0x21: {  	p0 =	sne.s32 s12, $0xFE00;
	[tilespmem:s11+$0xF0] =	vst v1  }
0x22: {  	[tilespmem:s11+$0x80] =	vst v1  }
0x23: {  	[tilespmem:s11+$0x90] =	vst v1  }
.Ltmp1:
0x24: {  	[tilespmem:s11+$0xA0] =	vst v1;
	(pc) =	sbr.rel @p0 .LBB2_4-.Ltmp1, $4  }
0x25: {  	[tilespmem:s11+$0xB0] =	vst v1  }
0x26: {  	[tilespmem:s11+$0xC0] =	vst v1  }
0x27: {  	[tilespmem:s11+$0xD0] =	vst v1  }
0x28: {  	[tilespmem:s11+$0xE0] =	vst v1;
	s11 =	sshra.s32 s12, $0x2;
	s12 =	sadd.s32 $0x200, s12  }
0x29: {  	[tilespmem:s11+$0xF0] =	vst v1  }
0x2a: {  	[tilespmem:s11+$0x80] =	vst v1  }
0x2b: {  	[tilespmem:s11+$0x90] =	vst v1  }
0x2c: {  	[tilespmem:s11+$0xA0] =	vst v1  }
0x2d: {  	[tilespmem:s11+$0xB0] =	vst v1  }
0x2e: {  	[tilespmem:s11+$0xC0] =	vst v1  }
0x2f: {  	[tilespmem:s11+$0xD0] =	vst v1  }
0x30: {  	[tilespmem:s11+$0xE0] =	vst v1  }
0x31: {  	s31 =	sadd.s32 $0x0, s7;
	[bflag:$0x0] =	sbarrier.arrive $0xFFFF  }
0x32: {  	[tilespmem:s3], [sflag:$0x1] =	stream.linear.gather [hbm4b:s31+s3], $0x80, $0x38;
	[tilespmem:$0x8080] =	vst v63  }
0x33: {  	_ =	swait.ge [sflag:s9], $0x80  }
0x34: {  	[sflag:s9] =	ssyncset.done $0x0  }
0x35: {  	[sflag:s9] =	ssyncadd.s32 $0xFFFFFF80  }
0x36: {  	[spmem:s2] =	stream.indirect.scatter.add.f32 [tilespmem:s8], [sflag:$0x1], $0x80, s3, s8, $0xb8;
	[tilespmem:$0x8080] =	vst v63  }
0x37: {  	_ =	swait.ge [sflag:s9], $0x4000  }
0x38: {  	s11 =	simm.s32 $0x20;
	s12 =	simm.s32 $0x40;
	[sflag:s9] =	ssyncset.done $0x0  }
.LBB2_6:
0x39: {  	s13 =	sadd.s32 s11, s7  }
0x3a: {  	[sflag:s9] =	ssyncadd.s32 $0xFFFFC000;
	s11 =	smov.u32 s12;
	s14 =	sadd.s32 $0x20, s12  }
0x3b: {  	[tilespmem:s3], [sflag:$0x1] =	stream.linear.gather [hbm4b:s13+s3], $0x80, $0x38;
	[tilespmem:$0x8080] =	vst v63  }
0x3c: {  	p0 =	sne.s32 s12, $0xC20;
	_ =	swait.ge [sflag:s9], $0x80  }
.Ltmp2:
0x3d: {  	[sflag:s9] =	ssyncset.done $0x0;
	(pc) =	sbr.rel @p0 .LBB2_6-.Ltmp2, $4  }
0x3e: {  	[sflag:s9] =	ssyncadd.s32 $0xFFFFFF80  }
0x3f: {  	[spmem:s2] =	stream.indirect.scatter.add.f32 [tilespmem:s8], [sflag:$0x1], $0x80, s3, s8, $0xb8;
	[tilespmem:$0x8080] =	vst v63  }
0x40: {  	_ =	swait.ge [sflag:s9], $0x4000  }
0x41: {  	s12 =	smov.u32 s14;
	[sflag:s9] =	ssyncset.done $0x0  }
0x42: {  	s11 =	sadd.s32 s11, s7;
	[sflag:s9] =	ssyncadd.s32 $0xFFFFC000  }
0x43: {  	[tilespmem:s3], [sflag:$0x1] =	stream.linear.gather [hbm4b:s11+s3], $0x80, $0x38;
	[tilespmem:$0x8080] =	vst v63  }
0x44: {  	_ =	swait.ge [sflag:s9], $0x80  }
0x45: {  	[sflag:s9] =	ssyncset.done $0x0  }
0x46: {  	[sflag:s9] =	ssyncadd.s32 $0xFFFFFF80  }
0x47: {  	[spmem:s2] =	stream.indirect.scatter.add.f32 [tilespmem:s8], [sflag:$0x1], $0x80, s3, s8, $0xb8;
	[tilespmem:$0x8080] =	vst v63  }
0x48: {  	_ =	swait.ge [sflag:s9], $0x4000  }
0x49: {  	[sflag:s9] =	ssyncset.done $0x0  }
0x4a: {  	[sflag:s9] =	ssyncadd.s32 $0xFFFFC000  }
0x4b: {  	[bflag:$0x0] =	sbarrier.arrive $0xFFFF  }
0x4c: {  	[tilespmem:s8], [sflag:$0x1] =	stream.linear.gather [spmem:s4], $0x4000, $0x38;
	[tilespmem:$0x8080] =	vst v63  }
0x4d: {  	s10 =	sadd.s32 $0x1, s10;
	_ =	swait.ge [sflag:s9], $0x4000  }
0x4e: {  	p0 =	sne.s32 s10, s6;
	[sflag:s9] =	ssyncset.done $0x0  }
.Ltmp3:
0x4f: {  	[sflag:s9] =	ssyncadd.s32 $0xFFFFC000;
	(pc) =	sbr.rel @p0 .LBB2_1-.Ltmp3, $4  }
0x50: {  	[hbm4b:s5+s3] =	stream.linear.scatter [tilespmem:s8], [sflag:$0x1], $0x4000, $0x38;
	[tilespmem:$0x8080] =	vst v63  }
0x51: {  	_ =	swait.ge [sflag:s9], $0x4000  }
0x52: {  	[sflag:s9] =	ssyncset.done $0x0  }
0x53: {  	[sflag:s9] =	ssyncadd.s32 $0xFFFFC000  }
0x54: {  	_ =	sfence.sel $0x180000  }
0x55: {  	[bflag:$0x0] =	sbarrier.arrive $0xFFFF  }
0x56: {  	p0 =	sne.s32 s1, $0x0;
	_ =	strace $0x90000047  }
0x57: {  	s0 =	sadd.s32 @!p0 $0x100000, s0;
	[bflag:$0x2] =	sbarrier.arrive $0xFFFF  }
0x58: {  	[sflag:s0] =	ssyncadd.tile.s32 @!p0 $0x1;
	_ =	shalt  }
.Lfunc_end2:
_tile_overlayer_lowered:
.L_overlay_start_2:
0x59: {  	(tag) =	ssettag $0x2  }
0x5a: {  	s0 =	rddreg [dreg:$0x0];
	s2 =	stileid.u32  }
0x5b: {  	s1 =	rddreg [dreg:$0x1];
	p0 =	sne.s32 s2, $0x0  }
0x5c: {  	s3 =	rddreg [dreg:$0x2];
	[bflag:$0x3] =	sbarrier.arrive $0xFFFF;
	s2 =	simm.s32 @!p0 $0x1C01  }
0x5d: {  	[timem:s3], [sflag:s2] =	dma.local @!p0 [hbm:s0], s1  }
0x5e: {  	s0 =	simm.s32 @!p0 $0x1  }
0x5f: {  	_ =	swait.ge @!p0 [sflag:s0], s1  }
0x60: {  	s1 =	ssub.s32 @!p0 $0x0, s1;
	[sflag:s0] =	ssyncset.done @!p0 $0x0  }
0x61: {  	[sflag:s0] =	ssyncadd.s32 @!p0 s1  }
0x62: {  	[bflag:$0x3] =	sbarrier.arrive $0xFFFF  }
0x63: {  	_ =	shalt  }

// kernel: kernel.23.cloned.1.call-start
scs
__scs_entry_jumppad:
0x0: {  	(pc) =	sbr.rel $0x88, $3  }
0x1: {  	(tag) =	ssettag $0x0;
	lr =	simm.s32 $0x1  }
0x2: {  	[smem:$0x3F8D] =	sst lr;
	_ =	strace $0xD0000000  }
0x3: {  	_ = 	snop  }
0x4: {  	_ = 	snop  }
0x5: {  	_ = 	snop  }
0x6: {  	_ = 	snop  }
0x7: {  	_ = 	snop  }
__scs_overlays_trampoline_lowered:
0x8: {  	[smem:$0x3F9C] =	sst s0  }
0x9: {  	[smem:$0x3F9D] =	sst s1  }
0xa: {  	[smem:$0x3F9E] =	sst s2  }
0xb: {  	[smem:$0x3F9F] =	sst s3  }
0xc: {  	[smem:$0x3FA0] =	sst s4  }
0xd: {  	[smem:$0x3FA1] =	sst s5  }
0xe: {  	[smem:$0x3FA2] =	sst s6  }
0xf: {  	[smem:$0x3FA3] =	sst s7  }
0x10: {  	[smem:$0x3FA4] =	sst s8  }
0x11: {  	[smem:$0x3FA5] =	sst s9;
	s0 =	simm.s32 @!p0 $0x0  }
0x12: {  	s1 =	sld [smem:$0x3F8B];
	s0 =	simm.s32 @p0 $0x1  }
0x13: {  	[smem:$0x3FA6] =	sst s0;
	s0 =	simm.s32 @!p1 $0x0  }
0x14: {  	s2 =	sld [smem:$0x3F8A];
	s0 =	simm.s32 @p1 $0x1  }
0x15: {  	[smem:$0x3FA7] =	sst s0;
	s0 =	simm.s32 @!p2 $0x0  }
0x16: {  	s3 =	sld [smem:$0x3FDB];
	s0 =	simm.s32 @p2 $0x1  }
0x17: {  	s4 =	simm.s32 $0x1BF5;
	[smem:$0x3FA9] =	sst s0  }
0x18: {  	s0 =	sld [smem:$0x3F8C];
	_ =	swait.ge [sflag:s4], $0x0  }
0x19: {  	s7 =	sld [smem:$0x3F8D]  }
0x1a: {  	s8 =	sadd.s32 $0xFFFFE003, lr  }
0x1b: {  	s9 =	sadd.s32 $0xFFFFFEF7, lr;
	s5 =	simm.s32 $0xFFFFFFFF;
	p2 =	slt.u32 s8, $0xFFFFF086  }
0x1c: {  	p1 =	slt.u32 s9, $0xF7A;
	s5 =	simm.s32 @!p2 $0x0  }
0x1d: {  	s5 =	simm.s32 @p1 $0x1;
	p0 =	seq.s32 s7, s2  }
0x1e: {  	s7 =	smul.u32 @!p0 $0xF7A, s2;
	p2 =	seq.s32 @!p0 s5, $0x0  }
0x1f: {  	s9 =	smul.u32 $0xF7A, s1;
	s8 =	simm.s32 @!p0 $0x1BF5;
	p2 =	por !p2, p0  }
0x20: {  	[sflag:s8] =	ssyncset.s32 @!p0 $0xFFFFF086;
	s6 =	sadd.s32 @!p0 s3, s7;
	s7 =	simm.s32 @!p0 $0x108  }
0x21: {  	s3 =	sadd.s32 s3, s9;
	s6 =	sadd.s32 @!p0 $0x88, s6;
	s7 =	simm.s32 @p2 $0x1082  }
0x22: {  	[simem:s7], [sflag:s8] =	dma.local @!p0 [hbm:s6], $0xF7A  }
0x23: {  	s9 =	sor.u32 $0xD0000000, s2;
	s6 =	simm.s32 $0x108;
	_ =	swait.ge @!p0 [sflag:s8], $0x0  }
0x24: {  	s3 =	sadd.s32 $0x88, s3;
	s6 =	simm.s32 @!p1 $0x1082;
	[sflag:s4] =	ssyncset.s32 $0xFFFFF086  }
0x25: {  	[simem:s6], [sflag:s4] =	dma.local [hbm:s3], $0xF7A  }
0x26: {  	[smem:$0x3F8D] =	sst s1;
	(tag) =	ssettag s2;
	_ =	strace s9  }
0x27: {  	s1 =	sld [smem:$0x3F9D]  }
0x28: {  	s2 =	sld [smem:$0x3F9E]  }
0x29: {  	s4 =	sld [smem:$0x3FA0]  }
0x2a: {  	p0 =	seq.s32 s5, $0x0;
	s5 =	sld [smem:$0x3FA1]  }
0x2b: {  	s6 =	sld [smem:$0x3FA2]  }
0x2c: {  	s7 =	sld [smem:$0x3FA3]  }
0x2d: {  	s3 =	simm.s32 $0x108;
	s8 =	sld [smem:$0x3FA4]  }
0x2e: {  	s3 =	simm.s32 @!p0 $0x1082;
	s9 =	sld [smem:$0x3FA5]  }
0x2f: {  	lr =	sadd.s32 s0, s3;
	s0 =	sld [smem:$0x3F9C]  }
0x30: {  	s3 =	sld [smem:$0x3F9F]  }
0x31: {  	[smem:$0x3FA8] =	sst s10  }
0x32: {  	s10 =	sld [smem:$0x3FA6];
	_ =	sdelay $0x3  }
0x33: {  	p0 =	seq.s32 s10, $0x1;
	s10 =	sld [smem:$0x3FA8];
	_ =	sdelay $0x3  }
0x34: {  	[smem:$0x3FA8] =	sst s10  }
0x35: {  	s10 =	sld [smem:$0x3FA7];
	_ =	sdelay $0x3  }
0x36: {  	p1 =	seq.s32 s10, $0x1;
	s10 =	sld [smem:$0x3FA8];
	_ =	sdelay $0x3  }
0x37: {  	[smem:$0x3FA8] =	sst s10  }
0x38: {  	s10 =	sld [smem:$0x3FA9]  }
0x39: {  	_ = 	snop;
	(pc) =	sbr.ind lr, $3  }
0x3a: {  	_ = 	snop  }
0x3b: {  	_ = 	snop  }
0x3c: {  	p2 =	seq.s32 s10, $0x1;
	s10 =	sld [smem:$0x3FA8]  }
0x3d: {  	_ =	shalt  }
0x3e: {  	_ =	shalt  }
0x3f: {  	_ =	shalt  }
0x40: {  	_ =	shalt  }
0x41: {  	_ =	shalt  }
0x42: {  	_ =	shalt  }
0x43: {  	_ =	shalt  }
0x44: {  	_ =	shalt  }
0x45: {  	_ =	shalt  }
0x46: {  	_ =	shalt  }
0x47: {  	_ =	shalt  }
0x48: {  	_ =	shalt  }
0x49: {  	_ =	shalt  }
0x4a: {  	_ =	shalt  }
0x4b: {  	_ =	shalt  }
0x4c: {  	_ =	shalt  }
0x4d: {  	_ =	shalt  }
0x4e: {  	_ =	shalt  }
0x4f: {  	_ =	shalt  }
0x50: {  	_ =	shalt  }
0x51: {  	_ =	shalt  }
0x52: {  	_ =	shalt  }
0x53: {  	_ =	shalt  }
0x54: {  	_ =	shalt  }
0x55: {  	_ =	shalt  }
0x56: {  	_ =	shalt  }
0x57: {  	_ =	shalt  }
0x58: {  	_ =	shalt  }
0x59: {  	_ =	shalt  }
0x5a: {  	_ =	shalt  }
0x5b: {  	_ =	shalt  }
0x5c: {  	_ =	shalt  }
0x5d: {  	_ =	shalt  }
0x5e: {  	_ =	shalt  }
0x5f: {  	_ =	shalt  }
0x60: {  	_ =	shalt  }
0x61: {  	_ =	shalt  }
0x62: {  	_ =	shalt  }
0x63: {  	_ =	shalt  }
0x64: {  	_ =	shalt  }
0x65: {  	_ =	shalt  }
0x66: {  	_ =	shalt  }
0x67: {  	_ =	shalt  }
0x68: {  	_ =	shalt  }
0x69: {  	_ =	shalt  }
0x6a: {  	_ =	shalt  }
0x6b: {  	_ =	shalt  }
0x6c: {  	_ =	shalt  }
0x6d: {  	_ =	shalt  }
0x6e: {  	_ =	shalt  }
0x6f: {  	_ =	shalt  }
0x70: {  	_ =	shalt  }
0x71: {  	_ =	shalt  }
0x72: {  	_ =	shalt  }
0x73: {  	_ =	shalt  }
0x74: {  	_ =	shalt  }
0x75: {  	_ =	shalt  }
0x76: {  	_ =	shalt  }
0x77: {  	_ =	shalt  }
0x78: {  	_ =	shalt  }
0x79: {  	_ =	shalt  }
0x7a: {  	_ =	shalt  }
0x7b: {  	_ =	shalt  }
0x7c: {  	_ =	shalt  }
0x7d: {  	_ =	shalt  }
0x7e: {  	_ =	shalt  }
0x7f: {  	_ =	shalt  }
0x80: {  	_ =	shalt  }
0x81: {  	_ =	shalt  }
0x82: {  	_ =	shalt  }
0x83: {  	_ =	shalt  }
0x84: {  	_ =	shalt  }
0x85: {  	_ =	shalt  }
0x86: {  	_ =	shalt  }
0x87: {  	_ =	shalt  }
.Lfunc_end0:
.L_simem_size_0:
called_computation.2_lowered:
.L_overlay_start_0:
0x88: {  	s2 =	sld [smem:$0x3FD9]  }
0x89: {  	s3 =	sld [smem:$0x3FFE];
	_ =	sdelay $0x1  }
0x8a: {  	s1 =	srdreg.scid  }
0x8b: {  	s0 =	sand.u32 $0x1, s1  }
0x8c: {  	s16 =	sshll.u32 s0, $0xA;
	s2 =	sadd.s32 s3, s2  }
0x8d: {  	s2 =	sadd.s32 s2, s16  }
0x8e: {  	[smem:$0x3FB4] =	sst s2  }
0x8f: {  	_ = 	snop  }
0x90: {  	(tm) =	ssettm $0x1  }
0x91: {  	s17 =	sld [smem:$0x3FFB];
	_ =	sdelay $0x3  }
0x92: {  	_ =	strace s17  }
0x93: {  	s2 =	sld [smem:$0x3FFC];
	_ =	sdelay $0x3  }
0x94: {  	_ =	strace s2  }
0x95: {  	s2 =	sld [smem:$0x3FFD];
	_ =	sdelay $0x3  }
0x96: {  	_ =	strace s2  }
0x97: {  	_ =	strace $0x8FFFFFFF  }
0x98: {  	s18 =	sld [smem:$0x3FDB];
	_ =	sdelay $0x1  }
0x99: {  	s19 =	simm.s32 $_scs_section_size  }
0x9a: {  	s4 =	simm.s32 $_size__tile_overlayer_lowered;
	s5 =	simm.s32 $_tile_overlayer_lowered  }
0x9b: {  	s22 =	simm.s32 $0x1BFF;
	s21 =	sshll.u32 s5, $0x1;
	s2 =	sadd.s32 s19, s18  }
0x9c: {  	s6 =	simm.s32 $0x0;
	s20 =	sshll.u32 s4, $0x1;
	s4 =	sadd.s32 s21, s2  }
0x9d: {  	[timem:s6], [sflag:s22] =	dma.local [hbm:s4], s20  }
0x9e: {  	_ =	swait.ge [sflag:s22], s20  }
0x9f: {  	s3 =	ssub.s32 $0x0, s20;
	[sflag:s22] =	ssyncset.done $0x0  }
0xa0: {  	[sflag:s22] =	ssyncadd.s32 s3;
	_ =	sdelay $0x1  }
0xa1: {  	s23 =	simm.s32 $0x1B8B  }
0xa2: {  	_ =	swait.ge [sflag:s23], $0x1  }
0xa3: {  	[sflag:s23] =	ssyncset.done $0x0  }
0xa4: {  	s25 =	simm.s32 $0x1B8E;
	s24 =	sld [smem:$0x3FFE];
	[sflag:s23] =	ssyncadd.s32 $0xFFFFFFFF  }
0xa5: {  	s26 =	simm.s32 $execute0_lowered;
	[smem:$0x3FD2] =	sst s25  }
0xa6: {  	s4 =	sshll.u32 s26, $0x1;
	_ =	strace $0x8000004C;
	[dreg:$0x1] =	wrdreg $0xFFFFFFFF  }
0xa7: {  	s28 =	simm.s32 $_size_execute0_lowered;
	s2 =	sadd.s32 s2, s4;
	[dreg:$0x0] =	wrdreg $0x0  }
0xa8: {  	s4 =	sshll.u32 s28, $0x1;
	[dreg:$0x2] =	wrdreg s2  }
0xa9: {  	[dreg:$0x3] =	wrdreg s4  }
0xaa: {  	[dreg:$0x4] =	wrdreg $0xC0  }
0xab: {  	_ =	task [dreg:s6], $0x5FFFF  }
0xac: {  	[dreg:$0x1] =	wrdreg $0xFFFFFFFF  }
0xad: {  	[dreg:$0x0] =	wrdreg $0x60  }
0xae: {  	[dreg:$0x2] =	wrdreg s24  }
0xaf: {  	[dreg:$0x3] =	wrdreg $0x41000  }
0xb0: {  	[dreg:$0x4] =	wrdreg $0x9  }
0xb1: {  	_ =	task.clear_ibuf [dreg:s6], $0x5FFFF;
	_ =	strace $0x9000004C  }
0xb2: {  	s29 =	simm.s32 $0x9;
	_ =	strace $0x8000004E  }
0xb3: {  	_ =	swait.ge [sflag:s29], $0x1  }
0xb4: {  	[sflag:s29] =	ssyncadd.s32 $0xFFFFFFFF  }
0xb5: {  	_ =	strace $0x9000004E  }
0xb6: {  	_ =	sfence  }
0xb7: {  	s30 =	sld [smem:$0x0];
	_ =	sdelay $0x2  }
0xb8: {  	s31 =	sshll.u32 s1, $0xD;
	s1 =	sshrl.u32 s1, $0x2  }
0xb9: {  	s3 =	sand.u32 $0x4000, s31;
	s1 =	sadd.s32 s1, s30  }
0xba: {  	s0 =	sor.u32 s3, s0;
	s1 =	sshll.u32 s1, $0x11  }
0xbb: {  	s0 =	sor.u32 s1, s0  }
0xbc: {  	s0 =	sadd.s32 $0x8F2B, s0  }
0xbd: {  	[sflag:s0] =	ssyncadd.remote.s32 $0x1  }
0xbe: {  	_ =	sfence.sel $0xFFFF  }
0xbf: {  	[dreg:$0x0] =	wrdreg $0xFFFFFFFF;
	(pc) =	sbr.abs _section_cstart, $3  }
0xc0: {  	[dreg:$0x1] =	wrdreg $0xFFFFFFFF  }
0xc1: {  	_ =	task.clear_ibuf [dreg:s6], $0x2FFFF;
	_ =	strace $0x9FFFFFFF  }
0xc2: {  	(tm) =	ssettm $0x7FFFFFFF  }
0xc3: {  	_ =	shalt  }
tec
execute0_lowered:
.L_overlay_start_1:
0x0: {  	(tag) =	ssettag $0x1  }
0x1: {  	s5 =	rddreg [dreg:$0x0]  }
0x2: {  	s2 =	rddreg [dreg:$0x1]  }
0x3: {  	s0 =	rddreg [dreg:$0x2]  }
0x4: {  	s3 =	simm.s32 $0x0;
	s1 =	stileid.u32;
	s7 =	srdreg.scid  }
0x5: {  	s21 =	simm.s32 $0x1;
	s22 =	simm.s32 $0x0;
	s6 =	smul.u32 $0x9E0, s1  }
0x6: {  	[smem:$0x7FF] =	sst s3;
	s4 =	sadd.s32 $0x4F200, s5;
	s24 =	smul.u32 $0x4F000, s1  }
0x7: {  	s12 =	sand.u32 $0x1, s7;
	s9 =	smul.u32 $0x13C00, s1;
	s15 =	sadd.s32 $0x9D600, s5  }
0x8: {  	_ =	strace $0x8000004D;
	s25 =	ssub.s32 $0x2, s12;
	s18 =	smul.u32 $0x13C000, s12  }
0x9: {  	s28 =	smul.u32 $0x4F0, s12;
	s14 =	sadd.s32 s6, s5;
	s26 =	sshrl.u32 s25, $0x1  }
0xa: {  	s7 =	sshrl.u32 s24, $0x2;
	s10 =	sadd.s32 $0x4000, s9;
	s13 =	sadd.s32 $0x8000, s9  }
0xb: {  	s17 =	sadd.s32 $0xC000, s9;
	s19 =	sadd.s32 $0x10000, s9;
	s16 =	ssub.s32 s25, s26  }
0xc: {  	s5 =	sadd.s32 s7, s2;
	s6 =	sadd.s32 s10, s2;
	s7 =	sadd.s32 s13, s2  }
0xd: {  	s8 =	sadd.s32 s17, s2;
	s11 =	sadd.s32 s9, s18;
	s10 =	sadd.s32 s18, s10  }
0xe: {  	s9 =	sadd.s32 s19, s2;
	s13 =	sadd.s32 s18, s13;
	s17 =	sadd.s32 s18, s17  }
0xf: {  	s30 =	sadd.s32 s18, s19;
	s31 =	sadd.s32 s28, s14;
	s18 =	simm.s32 $0x100  }
0x10: {  	s19 =	simm.s32 $0x2;
	s11 =	sshrl.u32 s11, $0x3;
	s20 =	sshrl.u32 s10, $0x3  }
0x11: {  	s13 =	sshrl.u32 s13, $0x3;
	s29 =	sshrl.u32 s17, $0x3;
	s17 =	sshrl.u32 s30, $0x3  }
0x12: {  	s10 =	sadd.s32 s15, s11;
	s11 =	sadd.s32 s15, s20;
	s12 =	sadd.s32 s15, s13  }
0x13: {  	s13 =	sadd.s32 s15, s29;
	s14 =	sadd.s32 s15, s17;
	s15 =	smax.u32 s16, $0x1  }
0x14: {  	v0 =	vimm.f32 $0.0e+00;
	s16 =	sadd.s32 $0x3B600, s31;
	s17 =	sadd.s32 $0x45400, s31;
	s20 =	simm.s32 $0x80  }
.LBB2_1:
0x15: {  	s23 =	simm.s32 $0x0;
	s24 =	simm.s32 $0x200  }
.LBB2_2:
0x16: {  	p0 =	sne.s32 s24, $0xFE00;
	[tilespmem:s23+$0x170] =	vst v0  }
0x17: {  	[tilespmem:s23+$0x100] =	vst v0  }
0x18: {  	[tilespmem:s23+$0x110] =	vst v0  }
.Ltmp0:
0x19: {  	[tilespmem:s23+$0x120] =	vst v0;
	(pc) =	sbr.rel @p0 .LBB2_2-.Ltmp0, $4  }
0x1a: {  	[tilespmem:s23+$0x130] =	vst v0  }
0x1b: {  	[tilespmem:s23+$0x140] =	vst v0  }
0x1c: {  	[tilespmem:s23+$0x150] =	vst v0  }
0x1d: {  	[tilespmem:s23+$0x160] =	vst v0;
	s23 =	sshra.s32 s24, $0x2;
	s24 =	sadd.s32 $0x200, s24  }
0x1e: {  	[tilespmem:s23+$0x170] =	vst v0  }
0x1f: {  	[tilespmem:s23+$0x100] =	vst v0  }
0x20: {  	[tilespmem:s23+$0x110] =	vst v0  }
0x21: {  	[tilespmem:s23+$0x120] =	vst v0  }
0x22: {  	[tilespmem:s23+$0x130] =	vst v0  }
0x23: {  	[tilespmem:s23+$0x140] =	vst v0  }
0x24: {  	[tilespmem:s23+$0x150] =	vst v0  }
0x25: {  	[tilespmem:s23+$0x160] =	vst v0  }
0x26: {  	[spmem:s5] =	stream.linear.scatter [tilespmem:s18], [sflag:$0x2], $0x4000, $0x38;
	[tilespmem:$0x17D00] =	vst v63  }
0x27: {  	_ =	swait.ge [sflag:s19], $0x4000  }
0x28: {  	[sflag:s19] =	ssyncset.done $0x0  }
0x29: {  	[sflag:s19] =	ssyncadd.s32 $0xFFFFC000  }
0x2a: {  	[spmem:s6] =	stream.linear.scatter [tilespmem:s18], [sflag:$0x2], $0x4000, $0x38;
	[tilespmem:$0x17D00] =	vst v63  }
0x2b: {  	_ =	swait.ge [sflag:s19], $0x4000  }
0x2c: {  	[sflag:s19] =	ssyncset.done $0x0  }
0x2d: {  	[sflag:s19] =	ssyncadd.s32 $0xFFFFC000  }
0x2e: {  	[spmem:s7] =	stream.linear.scatter [tilespmem:s18], [sflag:$0x2], $0x4000, $0x38;
	[tilespmem:$0x17D00] =	vst v63  }
0x2f: {  	_ =	swait.ge [sflag:s19], $0x4000  }
0x30: {  	[sflag:s19] =	ssyncset.done $0x0  }
0x31: {  	[sflag:s19] =	ssyncadd.s32 $0xFFFFC000  }
0x32: {  	[spmem:s8] =	stream.linear.scatter [tilespmem:s18], [sflag:$0x2], $0x4000, $0x38;
	[tilespmem:$0x17D00] =	vst v63  }
0x33: {  	_ =	swait.ge [sflag:s19], $0x4000  }
0x34: {  	[sflag:s19] =	ssyncset.done $0x0  }
0x35: {  	[sflag:s19] =	ssyncadd.s32 $0xFFFFC000  }
0x36: {  	[spmem:s9] =	stream.linear.scatter [tilespmem:s18], [sflag:$0x2], $0x3C00, $0x38;
	[tilespmem:$0x17D00] =	vst v63  }
0x37: {  	_ =	swait.ge [sflag:s19], $0x3C00  }
0x38: {  	[sflag:s19] =	ssyncset.done $0x0  }
0x39: {  	[sflag:s19] =	ssyncadd.s32 $0xFFFFC400  }
0x3a: {  	s30 =	sadd.s32 $0x0, s17;
	[bflag:$0x0] =	sbarrier.arrive $0xFFFF  }
0x3b: {  	[tilespmem:s3], [sflag:$0x2] =	stream.linear.gather [hbm4b:s30+s3], $0x80, $0x38;
	[tilespmem:$0x17D00] =	vst v63  }
0x3c: {  	_ =	swait.ge [sflag:s19], $0x80  }
0x3d: {  	[sflag:s19] =	ssyncset.done $0x0  }
0x3e: {  	s31 =	sadd.s32 $0x0, s16;
	[sflag:s19] =	ssyncadd.s32 $0xFFFFFF80  }
0x3f: {  	[tilespmem:s20], [sflag:$0x2] =	stream.linear.gather [hbm4b:s31+s3], $0x80, $0x38;
	[tilespmem:$0x17D00] =	vst v63  }
0x40: {  	_ =	swait.ge [sflag:s19], $0x80  }
0x41: {  	[sflag:s19] =	ssyncset.done $0x0  }
0x42: {  	[sflag:s19] =	ssyncadd.s32 $0xFFFFFF80  }
0x43: {  	[tilespmem:s18], [sflag:$0x1] =	stream.indirect.gather [hbm4b:s4+s20], $0x80, s3, s20, $0xb8;
	[tilespmem:$0x17D00] =	vst v63  }
0x44: {  	_ =	swait.ge [sflag:s21], $0x4000  }
0x45: {  	[sflag:s21] =	ssyncset.done $0x0  }
0x46: {  	[sflag:s21] =	ssyncadd.s32 $0xFFFFC000  }
0x47: {  	[spmem:s2] =	stream.indirect.scatter.add.f32 [tilespmem:s18], [sflag:$0x2], $0x80, s20, s20, $0xb8;
	[tilespmem:$0x17D00] =	vst v63  }
0x48: {  	_ =	swait.ge [sflag:s19], $0x4000  }
0x49: {  	s23 =	simm.s32 $0x10;
	s24 =	simm.s32 $0x20;
	[sflag:s19] =	ssyncset.done $0x0  }
.LBB2_4:
0x4a: {  	s25 =	sadd.s32 s23, s17  }
0x4b: {  	[sflag:s19] =	ssyncadd.s32 $0xFFFFC000;
	s26 =	smov.u32 s24;
	s28 =	sadd.s32 $0x10, s24  }
0x4c: {  	[tilespmem:s3], [sflag:$0x2] =	stream.linear.gather [hbm4b:s25+s3], $0x80, $0x38;
	[tilespmem:$0x17D00] =	vst v63  }
0x4d: {  	p0 =	sne.s32 s24, $0x4E0;
	_ =	swait.ge [sflag:s19], $0x80  }
0x4e: {  	[sflag:s19] =	ssyncset.done $0x0  }
0x4f: {  	s24 =	sadd.s32 s23, s16;
	s23 =	smov.u32 s26;
	[sflag:s19] =	ssyncadd.s32 $0xFFFFFF80  }
0x50: {  	[tilespmem:s20], [sflag:$0x2] =	stream.linear.gather [hbm4b:s24+s3], $0x80, $0x38;
	[tilespmem:$0x17D00] =	vst v63  }
0x51: {  	_ =	swait.ge [sflag:s19], $0x80  }
0x52: {  	[sflag:s19] =	ssyncset.done $0x0  }
0x53: {  	[sflag:s19] =	ssyncadd.s32 $0xFFFFFF80  }
0x54: {  	[tilespmem:s18], [sflag:$0x1] =	stream.indirect.gather [hbm4b:s4+s20], $0x80, s3, s20, $0xb8;
	[tilespmem:$0x17D00] =	vst v63  }
0x55: {  	_ =	swait.ge [sflag:s21], $0x4000  }
.Ltmp1:
0x56: {  	[sflag:s21] =	ssyncset.done $0x0;
	(pc) =	sbr.rel @p0 .LBB2_4-.Ltmp1, $4  }
0x57: {  	[sflag:s21] =	ssyncadd.s32 $0xFFFFC000  }
0x58: {  	[spmem:s2] =	stream.indirect.scatter.add.f32 [tilespmem:s18], [sflag:$0x2], $0x80, s20, s20, $0xb8;
	[tilespmem:$0x17D00] =	vst v63  }
0x59: {  	_ =	swait.ge [sflag:s19], $0x4000  }
0x5a: {  	s24 =	smov.u32 s28;
	[sflag:s19] =	ssyncset.done $0x0  }
0x5b: {  	s24 =	sadd.s32 s23, s17;
	[sflag:s19] =	ssyncadd.s32 $0xFFFFC000  }
0x5c: {  	[tilespmem:s3], [sflag:$0x2] =	stream.linear.gather [hbm4b:s24+s3], $0x80, $0x38;
	[tilespmem:$0x17D00] =	vst v63  }
0x5d: {  	_ =	swait.ge [sflag:s19], $0x80  }
0x5e: {  	[sflag:s19] =	ssyncset.done $0x0  }
0x5f: {  	s31 =	sadd.s32 s23, s16;
	[sflag:s19] =	ssyncadd.s32 $0xFFFFFF80  }
0x60: {  	[tilespmem:s20], [sflag:$0x2] =	stream.linear.gather [hbm4b:s31+s3], $0x80, $0x38;
	[tilespmem:$0x17D00] =	vst v63  }
0x61: {  	_ =	swait.ge [sflag:s19], $0x80  }
0x62: {  	[sflag:s19] =	ssyncset.done $0x0  }
0x63: {  	[sflag:s19] =	ssyncadd.s32 $0xFFFFFF80  }
0x64: {  	[tilespmem:s18], [sflag:$0x1] =	stream.indirect.gather [hbm4b:s4+s20], $0x80, s3, s20, $0xb8;
	[tilespmem:$0x17D00] =	vst v63  }
0x65: {  	_ =	swait.ge [sflag:s21], $0x4000  }
0x66: {  	[sflag:s21] =	ssyncset.done $0x0  }
0x67: {  	[sflag:s21] =	ssyncadd.s32 $0xFFFFC000  }
0x68: {  	[spmem:s2] =	stream.indirect.scatter.add.f32 [tilespmem:s18], [sflag:$0x2], $0x80, s20, s20, $0xb8;
	[tilespmem:$0x17D00] =	vst v63  }
0x69: {  	_ =	swait.ge [sflag:s19], $0x4000  }
0x6a: {  	[sflag:s19] =	ssyncset.done $0x0  }
0x6b: {  	[sflag:s19] =	ssyncadd.s32 $0xFFFFC000  }
0x6c: {  	[bflag:$0x0] =	sbarrier.arrive $0xFFFF  }
0x6d: {  	[tilespmem:s18], [sflag:$0x2] =	stream.linear.gather [spmem:s5], $0x4000, $0x38;
	[tilespmem:$0x17D00] =	vst v63  }
0x6e: {  	_ =	swait.ge [sflag:s19], $0x4000  }
0x6f: {  	[sflag:s19] =	ssyncset.done $0x0  }
0x70: {  	[sflag:s19] =	ssyncadd.s32 $0xFFFFC000  }
0x71: {  	[hbm4b:s10+s3] =	stream.linear.scatter [tilespmem:s18], [sflag:$0x2], $0x4000, $0x38;
	[tilespmem:$0x17D00] =	vst v63  }
0x72: {  	_ =	swait.ge [sflag:s19], $0x4000  }
0x73: {  	[sflag:s19] =	ssyncset.done $0x0  }
0x74: {  	[sflag:s19] =	ssyncadd.s32 $0xFFFFC000  }
0x75: {  	[tilespmem:s18], [sflag:$0x2] =	stream.linear.gather [spmem:s6], $0x4000, $0x38;
	[tilespmem:$0x17D00] =	vst v63  }
0x76: {  	_ =	swait.ge [sflag:s19], $0x4000  }
0x77: {  	[sflag:s19] =	ssyncset.done $0x0  }
0x78: {  	[sflag:s19] =	ssyncadd.s32 $0xFFFFC000  }
0x79: {  	[hbm4b:s11+s3] =	stream.linear.scatter [tilespmem:s18], [sflag:$0x2], $0x4000, $0x38;
	[tilespmem:$0x17D00] =	vst v63  }
0x7a: {  	_ =	swait.ge [sflag:s19], $0x4000  }
0x7b: {  	[sflag:s19] =	ssyncset.done $0x0  }
0x7c: {  	[sflag:s19] =	ssyncadd.s32 $0xFFFFC000  }
0x7d: {  	[tilespmem:s18], [sflag:$0x2] =	stream.linear.gather [spmem:s7], $0x4000, $0x38;
	[tilespmem:$0x17D00] =	vst v63  }
0x7e: {  	_ =	swait.ge [sflag:s19], $0x4000  }
0x7f: {  	[sflag:s19] =	ssyncset.done $0x0  }
0x80: {  	[sflag:s19] =	ssyncadd.s32 $0xFFFFC000  }
0x81: {  	[hbm4b:s12+s3] =	stream.linear.scatter [tilespmem:s18], [sflag:$0x2], $0x4000, $0x38;
	[tilespmem:$0x17D00] =	vst v63  }
0x82: {  	_ =	swait.ge [sflag:s19], $0x4000  }
0x83: {  	[sflag:s19] =	ssyncset.done $0x0  }
0x84: {  	[sflag:s19] =	ssyncadd.s32 $0xFFFFC000  }
0x85: {  	[tilespmem:s18], [sflag:$0x2] =	stream.linear.gather [spmem:s8], $0x4000, $0x38;
	[tilespmem:$0x17D00] =	vst v63  }
0x86: {  	_ =	swait.ge [sflag:s19], $0x4000  }
0x87: {  	[sflag:s19] =	ssyncset.done $0x0  }
0x88: {  	[sflag:s19] =	ssyncadd.s32 $0xFFFFC000  }
0x89: {  	[hbm4b:s13+s3] =	stream.linear.scatter [tilespmem:s18], [sflag:$0x2], $0x4000, $0x38;
	[tilespmem:$0x17D00] =	vst v63  }
0x8a: {  	_ =	swait.ge [sflag:s19], $0x4000  }
0x8b: {  	[sflag:s19] =	ssyncset.done $0x0  }
0x8c: {  	[sflag:s19] =	ssyncadd.s32 $0xFFFFC000  }
0x8d: {  	[tilespmem:s18], [sflag:$0x2] =	stream.linear.gather [spmem:s9], $0x3C00, $0x38;
	[tilespmem:$0x17D00] =	vst v63  }
0x8e: {  	s22 =	sadd.s32 $0x1, s22;
	_ =	swait.ge [sflag:s19], $0x3C00  }
0x8f: {  	p0 =	sne.s32 s22, s15;
	[sflag:s19] =	ssyncset.done $0x0  }
.Ltmp2:
0x90: {  	[sflag:s19] =	ssyncadd.s32 $0xFFFFC400;
	(pc) =	sbr.rel @p0 .LBB2_1-.Ltmp2, $4  }
0x91: {  	[hbm4b:s14+s3] =	stream.linear.scatter [tilespmem:s18], [sflag:$0x2], $0x3C00, $0x38;
	[tilespmem:$0x17D00] =	vst v63  }
0x92: {  	_ =	swait.ge [sflag:s19], $0x3C00  }
0x93: {  	[sflag:s19] =	ssyncset.done $0x0  }
0x94: {  	[sflag:s19] =	ssyncadd.s32 $0xFFFFC400  }
0x95: {  	_ =	sfence.sel $0x180000  }
0x96: {  	[bflag:$0x0] =	sbarrier.arrive $0xFFFF  }
0x97: {  	p0 =	sne.s32 s1, $0x0;
	_ =	strace $0x9000004D  }
0x98: {  	s0 =	sadd.s32 @!p0 $0x100000, s0;
	[bflag:$0x2] =	sbarrier.arrive $0xFFFF  }
0x99: {  	[sflag:s0] =	ssyncadd.tile.s32 @!p0 $0x1;
	_ =	shalt  }
.Lfunc_end2:
_tile_overlayer_lowered:
.L_overlay_start_2:
0x9a: {  	(tag) =	ssettag $0x2  }
0x9b: {  	s0 =	rddreg [dreg:$0x0];
	s2 =	stileid.u32  }
0x9c: {  	s1 =	rddreg [dreg:$0x1];
	p0 =	sne.s32 s2, $0x0  }
0x9d: {  	s3 =	rddreg [dreg:$0x2];
	[bflag:$0x3] =	sbarrier.arrive $0xFFFF;
	s2 =	simm.s32 @!p0 $0x1C02  }
0x9e: {  	[timem:s3], [sflag:s2] =	dma.local @!p0 [hbm:s0], s1  }
0x9f: {  	s0 =	simm.s32 @!p0 $0x2  }
0xa0: {  	_ =	swait.ge @!p0 [sflag:s0], s1  }
0xa1: {  	s1 =	ssub.s32 @!p0 $0x0, s1;
	[sflag:s0] =	ssyncset.done @!p0 $0x0  }
0xa2: {  	[sflag:s0] =	ssyncadd.s32 @!p0 s1  }
0xa3: {  	[bflag:$0x3] =	sbarrier.arrive $0xFFFF  }
0xa4: {  	_ =	shalt  }

// kernel: kernel.26.cloned.1.call-start
scs
__scs_entry_jumppad:
0x0: {  	(pc) =	sbr.rel $0x88, $3  }
0x1: {  	(tag) =	ssettag $0x0;
	lr =	simm.s32 $0x1  }
0x2: {  	[smem:$0x3F8D] =	sst lr;
	_ =	strace $0xD0000000  }
0x3: {  	_ = 	snop  }
0x4: {  	_ = 	snop  }
0x5: {  	_ = 	snop  }
0x6: {  	_ = 	snop  }
0x7: {  	_ = 	snop  }
__scs_overlays_trampoline_lowered:
0x8: {  	[smem:$0x3F9C] =	sst s0  }
0x9: {  	[smem:$0x3F9D] =	sst s1  }
0xa: {  	[smem:$0x3F9E] =	sst s2  }
0xb: {  	[smem:$0x3F9F] =	sst s3  }
0xc: {  	[smem:$0x3FA0] =	sst s4  }
0xd: {  	[smem:$0x3FA1] =	sst s5  }
0xe: {  	[smem:$0x3FA2] =	sst s6  }
0xf: {  	[smem:$0x3FA3] =	sst s7  }
0x10: {  	[smem:$0x3FA4] =	sst s8  }
0x11: {  	[smem:$0x3FA5] =	sst s9;
	s0 =	simm.s32 @!p0 $0x0  }
0x12: {  	s1 =	sld [smem:$0x3F8B];
	s0 =	simm.s32 @p0 $0x1  }
0x13: {  	[smem:$0x3FA6] =	sst s0;
	s0 =	simm.s32 @!p1 $0x0  }
0x14: {  	s2 =	sld [smem:$0x3F8A];
	s0 =	simm.s32 @p1 $0x1  }
0x15: {  	[smem:$0x3FA7] =	sst s0;
	s0 =	simm.s32 @!p2 $0x0  }
0x16: {  	s3 =	sld [smem:$0x3FDB];
	s0 =	simm.s32 @p2 $0x1  }
0x17: {  	s4 =	simm.s32 $0x1BF5;
	[smem:$0x3FA9] =	sst s0  }
0x18: {  	s0 =	sld [smem:$0x3F8C];
	_ =	swait.ge [sflag:s4], $0x0  }
0x19: {  	s7 =	sld [smem:$0x3F8D]  }
0x1a: {  	s8 =	sadd.s32 $0xFFFFE003, lr  }
0x1b: {  	s9 =	sadd.s32 $0xFFFFFEF7, lr;
	s5 =	simm.s32 $0xFFFFFFFF;
	p2 =	slt.u32 s8, $0xFFFFF086  }
0x1c: {  	p1 =	slt.u32 s9, $0xF7A;
	s5 =	simm.s32 @!p2 $0x0  }
0x1d: {  	s5 =	simm.s32 @p1 $0x1;
	p0 =	seq.s32 s7, s2  }
0x1e: {  	s7 =	smul.u32 @!p0 $0xF7A, s2;
	p2 =	seq.s32 @!p0 s5, $0x0  }
0x1f: {  	s9 =	smul.u32 $0xF7A, s1;
	s8 =	simm.s32 @!p0 $0x1BF5;
	p2 =	por !p2, p0  }
0x20: {  	[sflag:s8] =	ssyncset.s32 @!p0 $0xFFFFF086;
	s6 =	sadd.s32 @!p0 s3, s7;
	s7 =	simm.s32 @!p0 $0x108  }
0x21: {  	s3 =	sadd.s32 s3, s9;
	s6 =	sadd.s32 @!p0 $0x88, s6;
	s7 =	simm.s32 @p2 $0x1082  }
0x22: {  	[simem:s7], [sflag:s8] =	dma.local @!p0 [hbm:s6], $0xF7A  }
0x23: {  	s9 =	sor.u32 $0xD0000000, s2;
	s6 =	simm.s32 $0x108;
	_ =	swait.ge @!p0 [sflag:s8], $0x0  }
0x24: {  	s3 =	sadd.s32 $0x88, s3;
	s6 =	simm.s32 @!p1 $0x1082;
	[sflag:s4] =	ssyncset.s32 $0xFFFFF086  }
0x25: {  	[simem:s6], [sflag:s4] =	dma.local [hbm:s3], $0xF7A  }
0x26: {  	[smem:$0x3F8D] =	sst s1;
	(tag) =	ssettag s2;
	_ =	strace s9  }
0x27: {  	s1 =	sld [smem:$0x3F9D]  }
0x28: {  	s2 =	sld [smem:$0x3F9E]  }
0x29: {  	s4 =	sld [smem:$0x3FA0]  }
0x2a: {  	p0 =	seq.s32 s5, $0x0;
	s5 =	sld [smem:$0x3FA1]  }
0x2b: {  	s6 =	sld [smem:$0x3FA2]  }
0x2c: {  	s7 =	sld [smem:$0x3FA3]  }
0x2d: {  	s3 =	simm.s32 $0x108;
	s8 =	sld [smem:$0x3FA4]  }
0x2e: {  	s3 =	simm.s32 @!p0 $0x1082;
	s9 =	sld [smem:$0x3FA5]  }
0x2f: {  	lr =	sadd.s32 s0, s3;
	s0 =	sld [smem:$0x3F9C]  }
0x30: {  	s3 =	sld [smem:$0x3F9F]  }
0x31: {  	[smem:$0x3FA8] =	sst s10  }
0x32: {  	s10 =	sld [smem:$0x3FA6];
	_ =	sdelay $0x3  }
0x33: {  	p0 =	seq.s32 s10, $0x1;
	s10 =	sld [smem:$0x3FA8];
	_ =	sdelay $0x3  }
0x34: {  	[smem:$0x3FA8] =	sst s10  }
0x35: {  	s10 =	sld [smem:$0x3FA7];
	_ =	sdelay $0x3  }
0x36: {  	p1 =	seq.s32 s10, $0x1;
	s10 =	sld [smem:$0x3FA8];
	_ =	sdelay $0x3  }
0x37: {  	[smem:$0x3FA8] =	sst s10  }
0x38: {  	s10 =	sld [smem:$0x3FA9]  }
0x39: {  	_ = 	snop;
	(pc) =	sbr.ind lr, $3  }
0x3a: {  	_ = 	snop  }
0x3b: {  	_ = 	snop  }
0x3c: {  	p2 =	seq.s32 s10, $0x1;
	s10 =	sld [smem:$0x3FA8]  }
0x3d: {  	_ =	shalt  }
0x3e: {  	_ =	shalt  }
0x3f: {  	_ =	shalt  }
0x40: {  	_ =	shalt  }
0x41: {  	_ =	shalt  }
0x42: {  	_ =	shalt  }
0x43: {  	_ =	shalt  }
0x44: {  	_ =	shalt  }
0x45: {  	_ =	shalt  }
0x46: {  	_ =	shalt  }
0x47: {  	_ =	shalt  }
0x48: {  	_ =	shalt  }
0x49: {  	_ =	shalt  }
0x4a: {  	_ =	shalt  }
0x4b: {  	_ =	shalt  }
0x4c: {  	_ =	shalt  }
0x4d: {  	_ =	shalt  }
0x4e: {  	_ =	shalt  }
0x4f: {  	_ =	shalt  }
0x50: {  	_ =	shalt  }
0x51: {  	_ =	shalt  }
0x52: {  	_ =	shalt  }
0x53: {  	_ =	shalt  }
0x54: {  	_ =	shalt  }
0x55: {  	_ =	shalt  }
0x56: {  	_ =	shalt  }
0x57: {  	_ =	shalt  }
0x58: {  	_ =	shalt  }
0x59: {  	_ =	shalt  }
0x5a: {  	_ =	shalt  }
0x5b: {  	_ =	shalt  }
0x5c: {  	_ =	shalt  }
0x5d: {  	_ =	shalt  }
0x5e: {  	_ =	shalt  }
0x5f: {  	_ =	shalt  }
0x60: {  	_ =	shalt  }
0x61: {  	_ =	shalt  }
0x62: {  	_ =	shalt  }
0x63: {  	_ =	shalt  }
0x64: {  	_ =	shalt  }
0x65: {  	_ =	shalt  }
0x66: {  	_ =	shalt  }
0x67: {  	_ =	shalt  }
0x68: {  	_ =	shalt  }
0x69: {  	_ =	shalt  }
0x6a: {  	_ =	shalt  }
0x6b: {  	_ =	shalt  }
0x6c: {  	_ =	shalt  }
0x6d: {  	_ =	shalt  }
0x6e: {  	_ =	shalt  }
0x6f: {  	_ =	shalt  }
0x70: {  	_ =	shalt  }
0x71: {  	_ =	shalt  }
0x72: {  	_ =	shalt  }
0x73: {  	_ =	shalt  }
0x74: {  	_ =	shalt  }
0x75: {  	_ =	shalt  }
0x76: {  	_ =	shalt  }
0x77: {  	_ =	shalt  }
0x78: {  	_ =	shalt  }
0x79: {  	_ =	shalt  }
0x7a: {  	_ =	shalt  }
0x7b: {  	_ =	shalt  }
0x7c: {  	_ =	shalt  }
0x7d: {  	_ =	shalt  }
0x7e: {  	_ =	shalt  }
0x7f: {  	_ =	shalt  }
0x80: {  	_ =	shalt  }
0x81: {  	_ =	shalt  }
0x82: {  	_ =	shalt  }
0x83: {  	_ =	shalt  }
0x84: {  	_ =	shalt  }
0x85: {  	_ =	shalt  }
0x86: {  	_ =	shalt  }
0x87: {  	_ =	shalt  }
.Lfunc_end0:
.L_simem_size_0:
called_computation.3_lowered:
.L_overlay_start_0:
0x88: {  	s2 =	sld [smem:$0x3FD9]  }
0x89: {  	s3 =	sld [smem:$0x3FFE];
	_ =	sdelay $0x1  }
0x8a: {  	s1 =	srdreg.scid  }
0x8b: {  	s0 =	sand.u32 $0x1, s1  }
0x8c: {  	s16 =	sshll.u32 s0, $0xA;
	s2 =	sadd.s32 s3, s2  }
0x8d: {  	s2 =	sadd.s32 s2, s16  }
0x8e: {  	[smem:$0x3FB4] =	sst s2  }
0x8f: {  	_ = 	snop  }
0x90: {  	(tm) =	ssettm $0x1  }
0x91: {  	s17 =	sld [smem:$0x3FFB];
	_ =	sdelay $0x3  }
0x92: {  	_ =	strace s17  }
0x93: {  	s2 =	sld [smem:$0x3FFC];
	_ =	sdelay $0x3  }
0x94: {  	_ =	strace s2  }
0x95: {  	s2 =	sld [smem:$0x3FFD];
	_ =	sdelay $0x3  }
0x96: {  	_ =	strace s2  }
0x97: {  	_ =	strace $0x8FFFFFFF  }
0x98: {  	s18 =	sld [smem:$0x3FDB];
	_ =	sdelay $0x1  }
0x99: {  	s19 =	simm.s32 $_scs_section_size  }
0x9a: {  	s4 =	simm.s32 $_size__tile_overlayer_lowered;
	s5 =	simm.s32 $_tile_overlayer_lowered  }
0x9b: {  	s22 =	simm.s32 $0x1BFF;
	s21 =	sshll.u32 s5, $0x1;
	s2 =	sadd.s32 s19, s18  }
0x9c: {  	s6 =	simm.s32 $0x0;
	s20 =	sshll.u32 s4, $0x1;
	s4 =	sadd.s32 s21, s2  }
0x9d: {  	[timem:s6], [sflag:s22] =	dma.local [hbm:s4], s20  }
0x9e: {  	_ =	swait.ge [sflag:s22], s20  }
0x9f: {  	s3 =	ssub.s32 $0x0, s20;
	[sflag:s22] =	ssyncset.done $0x0  }
0xa0: {  	[sflag:s22] =	ssyncadd.s32 s3;
	_ =	sdelay $0x1  }
0xa1: {  	s23 =	simm.s32 $0x1B8B  }
0xa2: {  	_ =	swait.ge [sflag:s23], $0x1  }
0xa3: {  	[sflag:s23] =	ssyncset.done $0x0  }
0xa4: {  	s25 =	simm.s32 $0x1B8E;
	s24 =	sld [smem:$0x3FFE];
	[sflag:s23] =	ssyncadd.s32 $0xFFFFFFFF  }
0xa5: {  	s26 =	simm.s32 $execute0_lowered;
	[smem:$0x3FD2] =	sst s25  }
0xa6: {  	s4 =	sshll.u32 s26, $0x1;
	_ =	strace $0x8000004F;
	[dreg:$0x1] =	wrdreg $0xFFFFFFFF  }
0xa7: {  	s28 =	simm.s32 $_size_execute0_lowered;
	s2 =	sadd.s32 s2, s4;
	[dreg:$0x0] =	wrdreg $0x0  }
0xa8: {  	s4 =	sshll.u32 s28, $0x1;
	[dreg:$0x2] =	wrdreg s2  }
0xa9: {  	[dreg:$0x3] =	wrdreg s4  }
0xaa: {  	[dreg:$0x4] =	wrdreg $0xC0  }
0xab: {  	_ =	task [dreg:s6], $0x5FFFF  }
0xac: {  	[dreg:$0x1] =	wrdreg $0xFFFFFFFF  }
0xad: {  	[dreg:$0x0] =	wrdreg $0x60  }
0xae: {  	[dreg:$0x2] =	wrdreg s24  }
0xaf: {  	[dreg:$0x3] =	wrdreg $0x41000  }
0xb0: {  	[dreg:$0x4] =	wrdreg $0x9  }
0xb1: {  	_ =	task.clear_ibuf [dreg:s6], $0x5FFFF;
	_ =	strace $0x9000004F  }
0xb2: {  	s29 =	simm.s32 $0x9;
	_ =	strace $0x80000051  }
0xb3: {  	_ =	swait.ge [sflag:s29], $0x1  }
0xb4: {  	[sflag:s29] =	ssyncadd.s32 $0xFFFFFFFF  }
0xb5: {  	_ =	strace $0x90000051  }
0xb6: {  	_ =	sfence  }
0xb7: {  	s30 =	sld [smem:$0x0];
	_ =	sdelay $0x2  }
0xb8: {  	s31 =	sshll.u32 s1, $0xD;
	s1 =	sshrl.u32 s1, $0x2  }
0xb9: {  	s3 =	sand.u32 $0x4000, s31;
	s1 =	sadd.s32 s1, s30  }
0xba: {  	s0 =	sor.u32 s3, s0;
	s1 =	sshll.u32 s1, $0x11  }
0xbb: {  	s0 =	sor.u32 s1, s0  }
0xbc: {  	s0 =	sadd.s32 $0x8F2B, s0  }
0xbd: {  	[sflag:s0] =	ssyncadd.remote.s32 $0x1  }
0xbe: {  	_ =	sfence.sel $0xFFFF  }
0xbf: {  	[dreg:$0x0] =	wrdreg $0xFFFFFFFF;
	(pc) =	sbr.abs _section_cstart, $3  }
0xc0: {  	[dreg:$0x1] =	wrdreg $0xFFFFFFFF  }
0xc1: {  	_ =	task.clear_ibuf [dreg:s6], $0x2FFFF;
	_ =	strace $0x9FFFFFFF  }
0xc2: {  	(tm) =	ssettm $0x7FFFFFFF  }
0xc3: {  	_ =	shalt  }
tec
execute0_lowered:
.L_overlay_start_1:
0x0: {  	(tag) =	ssettag $0x1  }
0x1: {  	s5 =	rddreg [dreg:$0x0]  }
0x2: {  	s2 =	rddreg [dreg:$0x1]  }
0x3: {  	s0 =	rddreg [dreg:$0x2];
	s3 =	simm.s32 $0x0;
	s1 =	stileid.u32  }
0x4: {  	s7 =	srdreg.scid;
	s11 =	simm.s32 $0x2;
	s12 =	simm.s32 $0x80  }
0x5: {  	s13 =	simm.s32 $0x1;
	s14 =	simm.s32 $0x0;
	[smem:$0x7FF] =	sst s3  }
0x6: {  	s6 =	smul.u32 $0x620, s1;
	s4 =	sadd.s32 $0x4F200, s5;
	s7 =	sand.u32 $0x1, s7  }
0x7: {  	s8 =	sshll.u32 s1, $0xB;
	s31 =	sshll.u32 s1, $0xE;
	_ =	strace $0x80000050  }
0x8: {  	s9 =	ssub.s32 $0x2, s7;
	s8 =	sadd.s32 s8, s5;
	s10 =	smul.u32 $0x310, s7  }
0x9: {  	s7 =	sshll.u32 s7, $0xF;
	s6 =	sadd.s32 s6, s5;
	s30 =	sshrl.u32 s9, $0x1  }
0xa: {  	s5 =	sadd.s32 s31, s2;
	s7 =	sadd.s32 s7, s8;
	s9 =	ssub.s32 s9, s30  }
0xb: {  	s10 =	sadd.s32 s10, s6;
	s6 =	sadd.s32 $0x1F200, s7;
	s7 =	smax.u32 s9, $0x1  }
0xc: {  	v0 =	vimm.f32 $0.0e+00;
	s8 =	sadd.s32 $0x19000, s10;
	s9 =	sadd.s32 $0x6A00, s10;
	s10 =	simm.s32 $0x100  }
.LBB2_1:
0xd: {  	s15 =	simm.s32 $0x0;
	s16 =	simm.s32 $0x200  }
.LBB2_2:
0xe: {  	p0 =	sne.s32 s16, $0xFE00;
	[tilespmem:s15+$0x170] =	vst v0  }
0xf: {  	[tilespmem:s15+$0x100] =	vst v0  }
0x10: {  	[tilespmem:s15+$0x110] =	vst v0  }
.Ltmp0:
0x11: {  	[tilespmem:s15+$0x120] =	vst v0;
	(pc) =	sbr.rel @p0 .LBB2_2-.Ltmp0, $4  }
0x12: {  	[tilespmem:s15+$0x130] =	vst v0  }
0x13: {  	[tilespmem:s15+$0x140] =	vst v0  }
0x14: {  	[tilespmem:s15+$0x150] =	vst v0  }
0x15: {  	[tilespmem:s15+$0x160] =	vst v0;
	s15 =	sshra.s32 s16, $0x2;
	s16 =	sadd.s32 $0x200, s16  }
0x16: {  	[tilespmem:s15+$0x170] =	vst v0  }
0x17: {  	[tilespmem:s15+$0x100] =	vst v0  }
0x18: {  	[tilespmem:s15+$0x110] =	vst v0  }
0x19: {  	[tilespmem:s15+$0x120] =	vst v0  }
0x1a: {  	[tilespmem:s15+$0x130] =	vst v0  }
0x1b: {  	[tilespmem:s15+$0x140] =	vst v0  }
0x1c: {  	[tilespmem:s15+$0x150] =	vst v0  }
0x1d: {  	[tilespmem:s15+$0x160] =	vst v0  }
0x1e: {  	[spmem:s5] =	stream.linear.scatter [tilespmem:s10], [sflag:$0x2], $0x4000, $0x38;
	[tilespmem:$0x8100] =	vst v63  }
0x1f: {  	_ =	swait.ge [sflag:s11], $0x4000  }
0x20: {  	[sflag:s11] =	ssyncset.done $0x0  }
0x21: {  	[sflag:s11] =	ssyncadd.s32 $0xFFFFC000  }
0x22: {  	s30 =	sadd.s32 $0x0, s9;
	[bflag:$0x0] =	sbarrier.arrive $0xFFFF  }
0x23: {  	[tilespmem:s3], [sflag:$0x2] =	stream.linear.gather [hbm4b:s30+s3], $0x80, $0x38;
	[tilespmem:$0x8100] =	vst v63  }
0x24: {  	_ =	swait.ge [sflag:s11], $0x80  }
0x25: {  	[sflag:s11] =	ssyncset.done $0x0  }
0x26: {  	s31 =	sadd.s32 $0x0, s8;
	[sflag:s11] =	ssyncadd.s32 $0xFFFFFF80  }
0x27: {  	[tilespmem:s12], [sflag:$0x2] =	stream.linear.gather [hbm4b:s31+s3], $0x80, $0x38;
	[tilespmem:$0x8100] =	vst v63  }
0x28: {  	_ =	swait.ge [sflag:s11], $0x80  }
0x29: {  	[sflag:s11] =	ssyncset.done $0x0  }
0x2a: {  	[sflag:s11] =	ssyncadd.s32 $0xFFFFFF80  }
0x2b: {  	[tilespmem:s10], [sflag:$0x1] =	stream.indirect.gather [hbm4b:s4+s12], $0x80, s3, s12, $0xb8;
	[tilespmem:$0x8100] =	vst v63  }
0x2c: {  	_ =	swait.ge [sflag:s13], $0x4000  }
0x2d: {  	[sflag:s13] =	ssyncset.done $0x0  }
0x2e: {  	[sflag:s13] =	ssyncadd.s32 $0xFFFFC000  }
0x2f: {  	[spmem:s2] =	stream.indirect.scatter.add.f32 [tilespmem:s10], [sflag:$0x2], $0x80, s12, s12, $0xb8;
	[tilespmem:$0x8100] =	vst v63  }
0x30: {  	_ =	swait.ge [sflag:s11], $0x4000  }
0x31: {  	s15 =	simm.s32 $0x10;
	s16 =	simm.s32 $0x20;
	[sflag:s11] =	ssyncset.done $0x0  }
.LBB2_4:
0x32: {  	s17 =	sadd.s32 s15, s9  }
0x33: {  	[sflag:s11] =	ssyncadd.s32 $0xFFFFC000;
	s18 =	smov.u32 s16;
	s19 =	sadd.s32 $0x10, s16  }
0x34: {  	[tilespmem:s3], [sflag:$0x2] =	stream.linear.gather [hbm4b:s17+s3], $0x80, $0x38;
	[tilespmem:$0x8100] =	vst v63  }
0x35: {  	p0 =	sne.s32 s16, $0x300;
	_ =	swait.ge [sflag:s11], $0x80  }
0x36: {  	[sflag:s11] =	ssyncset.done $0x0  }
0x37: {  	s16 =	sadd.s32 s15, s8;
	s15 =	smov.u32 s18;
	[sflag:s11] =	ssyncadd.s32 $0xFFFFFF80  }
0x38: {  	[tilespmem:s12], [sflag:$0x2] =	stream.linear.gather [hbm4b:s16+s3], $0x80, $0x38;
	[tilespmem:$0x8100] =	vst v63  }
0x39: {  	_ =	swait.ge [sflag:s11], $0x80  }
0x3a: {  	[sflag:s11] =	ssyncset.done $0x0  }
0x3b: {  	[sflag:s11] =	ssyncadd.s32 $0xFFFFFF80  }
0x3c: {  	[tilespmem:s10], [sflag:$0x1] =	stream.indirect.gather [hbm4b:s4+s12], $0x80, s3, s12, $0xb8;
	[tilespmem:$0x8100] =	vst v63  }
0x3d: {  	_ =	swait.ge [sflag:s13], $0x4000  }
.Ltmp1:
0x3e: {  	[sflag:s13] =	ssyncset.done $0x0;
	(pc) =	sbr.rel @p0 .LBB2_4-.Ltmp1, $4  }
0x3f: {  	[sflag:s13] =	ssyncadd.s32 $0xFFFFC000  }
0x40: {  	[spmem:s2] =	stream.indirect.scatter.add.f32 [tilespmem:s10], [sflag:$0x2], $0x80, s12, s12, $0xb8;
	[tilespmem:$0x8100] =	vst v63  }
0x41: {  	_ =	swait.ge [sflag:s11], $0x4000  }
0x42: {  	s16 =	smov.u32 s19;
	[sflag:s11] =	ssyncset.done $0x0  }
0x43: {  	s16 =	sadd.s32 s15, s9;
	[sflag:s11] =	ssyncadd.s32 $0xFFFFC000  }
0x44: {  	[tilespmem:s3], [sflag:$0x2] =	stream.linear.gather [hbm4b:s16+s3], $0x80, $0x38;
	[tilespmem:$0x8100] =	vst v63  }
0x45: {  	_ =	swait.ge [sflag:s11], $0x80  }
0x46: {  	[sflag:s11] =	ssyncset.done $0x0  }
0x47: {  	s31 =	sadd.s32 s15, s8;
	[sflag:s11] =	ssyncadd.s32 $0xFFFFFF80  }
0x48: {  	[tilespmem:s12], [sflag:$0x2] =	stream.linear.gather [hbm4b:s31+s3], $0x80, $0x38;
	[tilespmem:$0x8100] =	vst v63  }
0x49: {  	_ =	swait.ge [sflag:s11], $0x80  }
0x4a: {  	[sflag:s11] =	ssyncset.done $0x0  }
0x4b: {  	[sflag:s11] =	ssyncadd.s32 $0xFFFFFF80  }
0x4c: {  	[tilespmem:s10], [sflag:$0x1] =	stream.indirect.gather [hbm4b:s4+s12], $0x80, s3, s12, $0xb8;
	[tilespmem:$0x8100] =	vst v63  }
0x4d: {  	_ =	swait.ge [sflag:s13], $0x4000  }
0x4e: {  	[sflag:s13] =	ssyncset.done $0x0  }
0x4f: {  	[sflag:s13] =	ssyncadd.s32 $0xFFFFC000  }
0x50: {  	[spmem:s2] =	stream.indirect.scatter.add.f32 [tilespmem:s10], [sflag:$0x2], $0x80, s12, s12, $0xb8;
	[tilespmem:$0x8100] =	vst v63  }
0x51: {  	_ =	swait.ge [sflag:s11], $0x4000  }
0x52: {  	[sflag:s11] =	ssyncset.done $0x0  }
0x53: {  	[sflag:s11] =	ssyncadd.s32 $0xFFFFC000  }
0x54: {  	[bflag:$0x0] =	sbarrier.arrive $0xFFFF  }
0x55: {  	[tilespmem:s10], [sflag:$0x2] =	stream.linear.gather [spmem:s5], $0x4000, $0x38;
	[tilespmem:$0x8100] =	vst v63  }
0x56: {  	s14 =	sadd.s32 $0x1, s14;
	_ =	swait.ge [sflag:s11], $0x4000  }
0x57: {  	p0 =	sne.s32 s14, s7;
	[sflag:s11] =	ssyncset.done $0x0  }
.Ltmp2:
0x58: {  	[sflag:s11] =	ssyncadd.s32 $0xFFFFC000;
	(pc) =	sbr.rel @p0 .LBB2_1-.Ltmp2, $4  }
0x59: {  	[hbm4b:s6+s3] =	stream.linear.scatter [tilespmem:s10], [sflag:$0x2], $0x4000, $0x38;
	[tilespmem:$0x8100] =	vst v63  }
0x5a: {  	_ =	swait.ge [sflag:s11], $0x4000  }
0x5b: {  	[sflag:s11] =	ssyncset.done $0x0  }
0x5c: {  	[sflag:s11] =	ssyncadd.s32 $0xFFFFC000  }
0x5d: {  	_ =	sfence.sel $0x180000  }
0x5e: {  	[bflag:$0x0] =	sbarrier.arrive $0xFFFF  }
0x5f: {  	p0 =	sne.s32 s1, $0x0;
	_ =	strace $0x90000050  }
0x60: {  	s0 =	sadd.s32 @!p0 $0x100000, s0;
	[bflag:$0x2] =	sbarrier.arrive $0xFFFF  }
0x61: {  	[sflag:s0] =	ssyncadd.tile.s32 @!p0 $0x1;
	_ =	shalt  }
.Lfunc_end2:
_tile_overlayer_lowered:
.L_overlay_start_2:
0x62: {  	(tag) =	ssettag $0x2  }
0x63: {  	s0 =	rddreg [dreg:$0x0];
	s2 =	stileid.u32  }
0x64: {  	s1 =	rddreg [dreg:$0x1];
	p0 =	sne.s32 s2, $0x0  }
0x65: {  	s3 =	rddreg [dreg:$0x2];
	[bflag:$0x3] =	sbarrier.arrive $0xFFFF;
	s2 =	simm.s32 @!p0 $0x1C02  }
0x66: {  	[timem:s3], [sflag:s2] =	dma.local @!p0 [hbm:s0], s1  }
0x67: {  	s0 =	simm.s32 @!p0 $0x2  }
0x68: {  	_ =	swait.ge @!p0 [sflag:s0], s1  }
0x69: {  	s1 =	ssub.s32 @!p0 $0x0, s1;
	[sflag:s0] =	ssyncset.done @!p0 $0x0  }
0x6a: {  	[sflag:s0] =	ssyncadd.s32 @!p0 s1  }
0x6b: {  	[bflag:$0x3] =	sbarrier.arrive $0xFFFF  }
0x6c: {  	_ =	shalt  }

// kernel: kernel.29.cloned.1.call-start
scs
__scs_entry_jumppad:
0x0: {  	(pc) =	sbr.rel $0x88, $3  }
0x1: {  	(tag) =	ssettag $0x0;
	lr =	simm.s32 $0x1  }
0x2: {  	[smem:$0x3F8D] =	sst lr;
	_ =	strace $0xD0000000  }
0x3: {  	_ = 	snop  }
0x4: {  	_ = 	snop  }
0x5: {  	_ = 	snop  }
0x6: {  	_ = 	snop  }
0x7: {  	_ = 	snop  }
__scs_overlays_trampoline_lowered:
0x8: {  	[smem:$0x3F9C] =	sst s0  }
0x9: {  	[smem:$0x3F9D] =	sst s1  }
0xa: {  	[smem:$0x3F9E] =	sst s2  }
0xb: {  	[smem:$0x3F9F] =	sst s3  }
0xc: {  	[smem:$0x3FA0] =	sst s4  }
0xd: {  	[smem:$0x3FA1] =	sst s5  }
0xe: {  	[smem:$0x3FA2] =	sst s6  }
0xf: {  	[smem:$0x3FA3] =	sst s7  }
0x10: {  	[smem:$0x3FA4] =	sst s8  }
0x11: {  	[smem:$0x3FA5] =	sst s9;
	s0 =	simm.s32 @!p0 $0x0  }
0x12: {  	s1 =	sld [smem:$0x3F8B];
	s0 =	simm.s32 @p0 $0x1  }
0x13: {  	[smem:$0x3FA6] =	sst s0;
	s0 =	simm.s32 @!p1 $0x0  }
0x14: {  	s2 =	sld [smem:$0x3F8A];
	s0 =	simm.s32 @p1 $0x1  }
0x15: {  	[smem:$0x3FA7] =	sst s0;
	s0 =	simm.s32 @!p2 $0x0  }
0x16: {  	s3 =	sld [smem:$0x3FDB];
	s0 =	simm.s32 @p2 $0x1  }
0x17: {  	s4 =	simm.s32 $0x1BF5;
	[smem:$0x3FA9] =	sst s0  }
0x18: {  	s0 =	sld [smem:$0x3F8C];
	_ =	swait.ge [sflag:s4], $0x0  }
0x19: {  	s7 =	sld [smem:$0x3F8D]  }
0x1a: {  	s8 =	sadd.s32 $0xFFFFE003, lr  }
0x1b: {  	s9 =	sadd.s32 $0xFFFFFEF7, lr;
	s5 =	simm.s32 $0xFFFFFFFF;
	p2 =	slt.u32 s8, $0xFFFFF086  }
0x1c: {  	p1 =	slt.u32 s9, $0xF7A;
	s5 =	simm.s32 @!p2 $0x0  }
0x1d: {  	s5 =	simm.s32 @p1 $0x1;
	p0 =	seq.s32 s7, s2  }
0x1e: {  	s7 =	smul.u32 @!p0 $0xF7A, s2;
	p2 =	seq.s32 @!p0 s5, $0x0  }
0x1f: {  	s9 =	smul.u32 $0xF7A, s1;
	s8 =	simm.s32 @!p0 $0x1BF5;
	p2 =	por !p2, p0  }
0x20: {  	[sflag:s8] =	ssyncset.s32 @!p0 $0xFFFFF086;
	s6 =	sadd.s32 @!p0 s3, s7;
	s7 =	simm.s32 @!p0 $0x108  }
0x21: {  	s3 =	sadd.s32 s3, s9;
	s6 =	sadd.s32 @!p0 $0x88, s6;
	s7 =	simm.s32 @p2 $0x1082  }
0x22: {  	[simem:s7], [sflag:s8] =	dma.local @!p0 [hbm:s6], $0xF7A  }
0x23: {  	s9 =	sor.u32 $0xD0000000, s2;
	s6 =	simm.s32 $0x108;
	_ =	swait.ge @!p0 [sflag:s8], $0x0  }
0x24: {  	s3 =	sadd.s32 $0x88, s3;
	s6 =	simm.s32 @!p1 $0x1082;
	[sflag:s4] =	ssyncset.s32 $0xFFFFF086  }
0x25: {  	[simem:s6], [sflag:s4] =	dma.local [hbm:s3], $0xF7A  }
0x26: {  	[smem:$0x3F8D] =	sst s1;
	(tag) =	ssettag s2;
	_ =	strace s9  }
0x27: {  	s1 =	sld [smem:$0x3F9D]  }
0x28: {  	s2 =	sld [smem:$0x3F9E]  }
0x29: {  	s4 =	sld [smem:$0x3FA0]  }
0x2a: {  	p0 =	seq.s32 s5, $0x0;
	s5 =	sld [smem:$0x3FA1]  }
0x2b: {  	s6 =	sld [smem:$0x3FA2]  }
0x2c: {  	s7 =	sld [smem:$0x3FA3]  }
0x2d: {  	s3 =	simm.s32 $0x108;
	s8 =	sld [smem:$0x3FA4]  }
0x2e: {  	s3 =	simm.s32 @!p0 $0x1082;
	s9 =	sld [smem:$0x3FA5]  }
0x2f: {  	lr =	sadd.s32 s0, s3;
	s0 =	sld [smem:$0x3F9C]  }
0x30: {  	s3 =	sld [smem:$0x3F9F]  }
0x31: {  	[smem:$0x3FA8] =	sst s10  }
0x32: {  	s10 =	sld [smem:$0x3FA6];
	_ =	sdelay $0x3  }
0x33: {  	p0 =	seq.s32 s10, $0x1;
	s10 =	sld [smem:$0x3FA8];
	_ =	sdelay $0x3  }
0x34: {  	[smem:$0x3FA8] =	sst s10  }
0x35: {  	s10 =	sld [smem:$0x3FA7];
	_ =	sdelay $0x3  }
0x36: {  	p1 =	seq.s32 s10, $0x1;
	s10 =	sld [smem:$0x3FA8];
	_ =	sdelay $0x3  }
0x37: {  	[smem:$0x3FA8] =	sst s10  }
0x38: {  	s10 =	sld [smem:$0x3FA9]  }
0x39: {  	_ = 	snop;
	(pc) =	sbr.ind lr, $3  }
0x3a: {  	_ = 	snop  }
0x3b: {  	_ = 	snop  }
0x3c: {  	p2 =	seq.s32 s10, $0x1;
	s10 =	sld [smem:$0x3FA8]  }
0x3d: {  	_ =	shalt  }
0x3e: {  	_ =	shalt  }
0x3f: {  	_ =	shalt  }
0x40: {  	_ =	shalt  }
0x41: {  	_ =	shalt  }
0x42: {  	_ =	shalt  }
0x43: {  	_ =	shalt  }
0x44: {  	_ =	shalt  }
0x45: {  	_ =	shalt  }
0x46: {  	_ =	shalt  }
0x47: {  	_ =	shalt  }
0x48: {  	_ =	shalt  }
0x49: {  	_ =	shalt  }
0x4a: {  	_ =	shalt  }
0x4b: {  	_ =	shalt  }
0x4c: {  	_ =	shalt  }
0x4d: {  	_ =	shalt  }
0x4e: {  	_ =	shalt  }
0x4f: {  	_ =	shalt  }
0x50: {  	_ =	shalt  }
0x51: {  	_ =	shalt  }
0x52: {  	_ =	shalt  }
0x53: {  	_ =	shalt  }
0x54: {  	_ =	shalt  }
0x55: {  	_ =	shalt  }
0x56: {  	_ =	shalt  }
0x57: {  	_ =	shalt  }
0x58: {  	_ =	shalt  }
0x59: {  	_ =	shalt  }
0x5a: {  	_ =	shalt  }
0x5b: {  	_ =	shalt  }
0x5c: {  	_ =	shalt  }
0x5d: {  	_ =	shalt  }
0x5e: {  	_ =	shalt  }
0x5f: {  	_ =	shalt  }
0x60: {  	_ =	shalt  }
0x61: {  	_ =	shalt  }
0x62: {  	_ =	shalt  }
0x63: {  	_ =	shalt  }
0x64: {  	_ =	shalt  }
0x65: {  	_ =	shalt  }
0x66: {  	_ =	shalt  }
0x67: {  	_ =	shalt  }
0x68: {  	_ =	shalt  }
0x69: {  	_ =	shalt  }
0x6a: {  	_ =	shalt  }
0x6b: {  	_ =	shalt  }
0x6c: {  	_ =	shalt  }
0x6d: {  	_ =	shalt  }
0x6e: {  	_ =	shalt  }
0x6f: {  	_ =	shalt  }
0x70: {  	_ =	shalt  }
0x71: {  	_ =	shalt  }
0x72: {  	_ =	shalt  }
0x73: {  	_ =	shalt  }
0x74: {  	_ =	shalt  }
0x75: {  	_ =	shalt  }
0x76: {  	_ =	shalt  }
0x77: {  	_ =	shalt  }
0x78: {  	_ =	shalt  }
0x79: {  	_ =	shalt  }
0x7a: {  	_ =	shalt  }
0x7b: {  	_ =	shalt  }
0x7c: {  	_ =	shalt  }
0x7d: {  	_ =	shalt  }
0x7e: {  	_ =	shalt  }
0x7f: {  	_ =	shalt  }
0x80: {  	_ =	shalt  }
0x81: {  	_ =	shalt  }
0x82: {  	_ =	shalt  }
0x83: {  	_ =	shalt  }
0x84: {  	_ =	shalt  }
0x85: {  	_ =	shalt  }
0x86: {  	_ =	shalt  }
0x87: {  	_ =	shalt  }
.Lfunc_end0:
.L_simem_size_0:
called_computation.4_lowered:
.L_overlay_start_0:
0x88: {  	s2 =	sld [smem:$0x3FD9]  }
0x89: {  	s3 =	sld [smem:$0x3FFE];
	_ =	sdelay $0x1  }
0x8a: {  	s1 =	srdreg.scid  }
0x8b: {  	s0 =	sand.u32 $0x1, s1  }
0x8c: {  	s16 =	sshll.u32 s0, $0xA;
	s2 =	sadd.s32 s3, s2  }
0x8d: {  	s2 =	sadd.s32 s2, s16  }
0x8e: {  	[smem:$0x3FB4] =	sst s2  }
0x8f: {  	_ = 	snop  }
0x90: {  	(tm) =	ssettm $0x1  }
0x91: {  	s17 =	sld [smem:$0x3FFB];
	_ =	sdelay $0x3  }
0x92: {  	_ =	strace s17  }
0x93: {  	s2 =	sld [smem:$0x3FFC];
	_ =	sdelay $0x3  }
0x94: {  	_ =	strace s2  }
0x95: {  	s2 =	sld [smem:$0x3FFD];
	_ =	sdelay $0x3  }
0x96: {  	_ =	strace s2  }
0x97: {  	_ =	strace $0x8FFFFFFF  }
0x98: {  	s18 =	sld [smem:$0x3FDB];
	_ =	sdelay $0x1  }
0x99: {  	s19 =	simm.s32 $_scs_section_size  }
0x9a: {  	s4 =	simm.s32 $_size__tile_overlayer_lowered;
	s5 =	simm.s32 $_tile_overlayer_lowered  }
0x9b: {  	s22 =	simm.s32 $0x1BFF;
	s21 =	sshll.u32 s5, $0x1;
	s2 =	sadd.s32 s19, s18  }
0x9c: {  	s6 =	simm.s32 $0x0;
	s20 =	sshll.u32 s4, $0x1;
	s4 =	sadd.s32 s21, s2  }
0x9d: {  	[timem:s6], [sflag:s22] =	dma.local [hbm:s4], s20  }
0x9e: {  	_ =	swait.ge [sflag:s22], s20  }
0x9f: {  	s3 =	ssub.s32 $0x0, s20;
	[sflag:s22] =	ssyncset.done $0x0  }
0xa0: {  	[sflag:s22] =	ssyncadd.s32 s3;
	_ =	sdelay $0x1  }
0xa1: {  	s23 =	simm.s32 $0x1B8B  }
0xa2: {  	_ =	swait.ge [sflag:s23], $0x1  }
0xa3: {  	[sflag:s23] =	ssyncset.done $0x0  }
0xa4: {  	s25 =	simm.s32 $0x1B8E;
	s24 =	sld [smem:$0x3FFE];
	[sflag:s23] =	ssyncadd.s32 $0xFFFFFFFF  }
0xa5: {  	s26 =	simm.s32 $execute0_lowered;
	[smem:$0x3FD2] =	sst s25  }
0xa6: {  	s4 =	sshll.u32 s26, $0x1;
	_ =	strace $0x80000052;
	[dreg:$0x1] =	wrdreg $0xFFFFFFFF  }
0xa7: {  	s28 =	simm.s32 $_size_execute0_lowered;
	s2 =	sadd.s32 s2, s4;
	[dreg:$0x0] =	wrdreg $0x0  }
0xa8: {  	s4 =	sshll.u32 s28, $0x1;
	[dreg:$0x2] =	wrdreg s2  }
0xa9: {  	[dreg:$0x3] =	wrdreg s4  }
0xaa: {  	[dreg:$0x4] =	wrdreg $0xC0  }
0xab: {  	_ =	task [dreg:s6], $0x5FFFF  }
0xac: {  	[dreg:$0x1] =	wrdreg $0xFFFFFFFF  }
0xad: {  	[dreg:$0x0] =	wrdreg $0x60  }
0xae: {  	[dreg:$0x2] =	wrdreg s24  }
0xaf: {  	[dreg:$0x3] =	wrdreg $0x41000  }
0xb0: {  	[dreg:$0x4] =	wrdreg $0x9  }
0xb1: {  	_ =	task.clear_ibuf [dreg:s6], $0x5FFFF;
	_ =	strace $0x90000052  }
0xb2: {  	s29 =	simm.s32 $0x9;
	_ =	strace $0x80000054  }
0xb3: {  	_ =	swait.ge [sflag:s29], $0x1  }
0xb4: {  	[sflag:s29] =	ssyncadd.s32 $0xFFFFFFFF  }
0xb5: {  	_ =	strace $0x90000054  }
0xb6: {  	_ =	sfence  }
0xb7: {  	s30 =	sld [smem:$0x0];
	_ =	sdelay $0x2  }
0xb8: {  	s31 =	sshll.u32 s1, $0xD;
	s1 =	sshrl.u32 s1, $0x2  }
0xb9: {  	s3 =	sand.u32 $0x4000, s31;
	s1 =	sadd.s32 s1, s30  }
0xba: {  	s0 =	sor.u32 s3, s0;
	s1 =	sshll.u32 s1, $0x11  }
0xbb: {  	s0 =	sor.u32 s1, s0  }
0xbc: {  	s0 =	sadd.s32 $0x8F2B, s0  }
0xbd: {  	[sflag:s0] =	ssyncadd.remote.s32 $0x1  }
0xbe: {  	_ =	sfence.sel $0xFFFF  }
0xbf: {  	[dreg:$0x0] =	wrdreg $0xFFFFFFFF;
	(pc) =	sbr.abs _section_cstart, $3  }
0xc0: {  	[dreg:$0x1] =	wrdreg $0xFFFFFFFF  }
0xc1: {  	_ =	task.clear_ibuf [dreg:s6], $0x2FFFF;
	_ =	strace $0x9FFFFFFF  }
0xc2: {  	(tm) =	ssettm $0x7FFFFFFF  }
0xc3: {  	_ =	shalt  }
tec
execute0_lowered:
.L_overlay_start_1:
0x0: {  	(tag) =	ssettag $0x1  }
0x1: {  	s5 =	rddreg [dreg:$0x0]  }
0x2: {  	s2 =	rddreg [dreg:$0x1]  }
0x3: {  	s0 =	rddreg [dreg:$0x2];
	s3 =	simm.s32 $0x0;
	s1 =	stileid.u32  }
0x4: {  	s7 =	srdreg.scid;
	s11 =	simm.s32 $0x2;
	s12 =	simm.s32 $0x80  }
0x5: {  	s13 =	simm.s32 $0x1;
	s14 =	simm.s32 $0x0;
	[smem:$0x7FF] =	sst s3  }
0x6: {  	s6 =	smul.u32 $0x620, s1;
	s4 =	sadd.s32 $0x1F200, s5;
	s7 =	sand.u32 $0x1, s7  }
0x7: {  	s8 =	sshll.u32 s1, $0xB;
	s31 =	sshll.u32 s1, $0xE;
	_ =	strace $0x80000053  }
0x8: {  	s9 =	ssub.s32 $0x2, s7;
	s8 =	sadd.s32 s8, s5;
	s10 =	smul.u32 $0x310, s7  }
0x9: {  	s7 =	sshll.u32 s7, $0xF;
	s6 =	sadd.s32 s6, s5;
	s30 =	sshrl.u32 s9, $0x1  }
0xa: {  	s5 =	sadd.s32 s31, s2;
	s7 =	sadd.s32 s7, s8;
	s9 =	ssub.s32 s9, s30  }
0xb: {  	s10 =	sadd.s32 s10, s6;
	s6 =	sadd.s32 $0x27000, s7;
	s7 =	smax.u32 s9, $0x1  }
0xc: {  	v0 =	vimm.f32 $0.0e+00;
	s8 =	sadd.s32 $0x12E00, s10;
	s9 =	sadd.s32 $0xCC00, s10;
	s10 =	simm.s32 $0x100  }
.LBB2_1:
0xd: {  	s15 =	simm.s32 $0x0;
	s16 =	simm.s32 $0x200  }
.LBB2_2:
0xe: {  	p0 =	sne.s32 s16, $0xFE00;
	[tilespmem:s15+$0x170] =	vst v0  }
0xf: {  	[tilespmem:s15+$0x100] =	vst v0  }
0x10: {  	[tilespmem:s15+$0x110] =	vst v0  }
.Ltmp0:
0x11: {  	[tilespmem:s15+$0x120] =	vst v0;
	(pc) =	sbr.rel @p0 .LBB2_2-.Ltmp0, $4  }
0x12: {  	[tilespmem:s15+$0x130] =	vst v0  }
0x13: {  	[tilespmem:s15+$0x140] =	vst v0  }
0x14: {  	[tilespmem:s15+$0x150] =	vst v0  }
0x15: {  	[tilespmem:s15+$0x160] =	vst v0;
	s15 =	sshra.s32 s16, $0x2;
	s16 =	sadd.s32 $0x200, s16  }
0x16: {  	[tilespmem:s15+$0x170] =	vst v0  }
0x17: {  	[tilespmem:s15+$0x100] =	vst v0  }
0x18: {  	[tilespmem:s15+$0x110] =	vst v0  }
0x19: {  	[tilespmem:s15+$0x120] =	vst v0  }
0x1a: {  	[tilespmem:s15+$0x130] =	vst v0  }
0x1b: {  	[tilespmem:s15+$0x140] =	vst v0  }
0x1c: {  	[tilespmem:s15+$0x150] =	vst v0  }
0x1d: {  	[tilespmem:s15+$0x160] =	vst v0  }
0x1e: {  	[spmem:s5] =	stream.linear.scatter [tilespmem:s10], [sflag:$0x2], $0x4000, $0x38;
	[tilespmem:$0x8100] =	vst v63  }
0x1f: {  	_ =	swait.ge [sflag:s11], $0x4000  }
0x20: {  	[sflag:s11] =	ssyncset.done $0x0  }
0x21: {  	[sflag:s11] =	ssyncadd.s32 $0xFFFFC000  }
0x22: {  	s30 =	sadd.s32 $0x0, s9;
	[bflag:$0x0] =	sbarrier.arrive $0xFFFF  }
0x23: {  	[tilespmem:s3], [sflag:$0x2] =	stream.linear.gather [hbm4b:s30+s3], $0x80, $0x38;
	[tilespmem:$0x8100] =	vst v63  }
0x24: {  	_ =	swait.ge [sflag:s11], $0x80  }
0x25: {  	[sflag:s11] =	ssyncset.done $0x0  }
0x26: {  	s31 =	sadd.s32 $0x0, s8;
	[sflag:s11] =	ssyncadd.s32 $0xFFFFFF80  }
0x27: {  	[tilespmem:s12], [sflag:$0x2] =	stream.linear.gather [hbm4b:s31+s3], $0x80, $0x38;
	[tilespmem:$0x8100] =	vst v63  }
0x28: {  	_ =	swait.ge [sflag:s11], $0x80  }
0x29: {  	[sflag:s11] =	ssyncset.done $0x0  }
0x2a: {  	[sflag:s11] =	ssyncadd.s32 $0xFFFFFF80  }
0x2b: {  	[tilespmem:s10], [sflag:$0x1] =	stream.indirect.gather [hbm4b:s4+s12], $0x80, s3, s12, $0xb8;
	[tilespmem:$0x8100] =	vst v63  }
0x2c: {  	_ =	swait.ge [sflag:s13], $0x4000  }
0x2d: {  	[sflag:s13] =	ssyncset.done $0x0  }
0x2e: {  	[sflag:s13] =	ssyncadd.s32 $0xFFFFC000  }
0x2f: {  	[spmem:s2] =	stream.indirect.scatter.add.f32 [tilespmem:s10], [sflag:$0x2], $0x80, s12, s12, $0xb8;
	[tilespmem:$0x8100] =	vst v63  }
0x30: {  	_ =	swait.ge [sflag:s11], $0x4000  }
0x31: {  	s15 =	simm.s32 $0x10;
	s16 =	simm.s32 $0x20;
	[sflag:s11] =	ssyncset.done $0x0  }
.LBB2_4:
0x32: {  	s17 =	sadd.s32 s15, s9  }
0x33: {  	[sflag:s11] =	ssyncadd.s32 $0xFFFFC000;
	s18 =	smov.u32 s16;
	s19 =	sadd.s32 $0x10, s16  }
0x34: {  	[tilespmem:s3], [sflag:$0x2] =	stream.linear.gather [hbm4b:s17+s3], $0x80, $0x38;
	[tilespmem:$0x8100] =	vst v63  }
0x35: {  	p0 =	sne.s32 s16, $0x300;
	_ =	swait.ge [sflag:s11], $0x80  }
0x36: {  	[sflag:s11] =	ssyncset.done $0x0  }
0x37: {  	s16 =	sadd.s32 s15, s8;
	s15 =	smov.u32 s18;
	[sflag:s11] =	ssyncadd.s32 $0xFFFFFF80  }
0x38: {  	[tilespmem:s12], [sflag:$0x2] =	stream.linear.gather [hbm4b:s16+s3], $0x80, $0x38;
	[tilespmem:$0x8100] =	vst v63  }
0x39: {  	_ =	swait.ge [sflag:s11], $0x80  }
0x3a: {  	[sflag:s11] =	ssyncset.done $0x0  }
0x3b: {  	[sflag:s11] =	ssyncadd.s32 $0xFFFFFF80  }
0x3c: {  	[tilespmem:s10], [sflag:$0x1] =	stream.indirect.gather [hbm4b:s4+s12], $0x80, s3, s12, $0xb8;
	[tilespmem:$0x8100] =	vst v63  }
0x3d: {  	_ =	swait.ge [sflag:s13], $0x4000  }
.Ltmp1:
0x3e: {  	[sflag:s13] =	ssyncset.done $0x0;
	(pc) =	sbr.rel @p0 .LBB2_4-.Ltmp1, $4  }
0x3f: {  	[sflag:s13] =	ssyncadd.s32 $0xFFFFC000  }
0x40: {  	[spmem:s2] =	stream.indirect.scatter.add.f32 [tilespmem:s10], [sflag:$0x2], $0x80, s12, s12, $0xb8;
	[tilespmem:$0x8100] =	vst v63  }
0x41: {  	_ =	swait.ge [sflag:s11], $0x4000  }
0x42: {  	s16 =	smov.u32 s19;
	[sflag:s11] =	ssyncset.done $0x0  }
0x43: {  	s16 =	sadd.s32 s15, s9;
	[sflag:s11] =	ssyncadd.s32 $0xFFFFC000  }
0x44: {  	[tilespmem:s3], [sflag:$0x2] =	stream.linear.gather [hbm4b:s16+s3], $0x80, $0x38;
	[tilespmem:$0x8100] =	vst v63  }
0x45: {  	_ =	swait.ge [sflag:s11], $0x80  }
0x46: {  	[sflag:s11] =	ssyncset.done $0x0  }
0x47: {  	s31 =	sadd.s32 s15, s8;
	[sflag:s11] =	ssyncadd.s32 $0xFFFFFF80  }
0x48: {  	[tilespmem:s12], [sflag:$0x2] =	stream.linear.gather [hbm4b:s31+s3], $0x80, $0x38;
	[tilespmem:$0x8100] =	vst v63  }
0x49: {  	_ =	swait.ge [sflag:s11], $0x80  }
0x4a: {  	[sflag:s11] =	ssyncset.done $0x0  }
0x4b: {  	[sflag:s11] =	ssyncadd.s32 $0xFFFFFF80  }
0x4c: {  	[tilespmem:s10], [sflag:$0x1] =	stream.indirect.gather [hbm4b:s4+s12], $0x80, s3, s12, $0xb8;
	[tilespmem:$0x8100] =	vst v63  }
0x4d: {  	_ =	swait.ge [sflag:s13], $0x4000  }
0x4e: {  	[sflag:s13] =	ssyncset.done $0x0  }
0x4f: {  	[sflag:s13] =	ssyncadd.s32 $0xFFFFC000  }
0x50: {  	[spmem:s2] =	stream.indirect.scatter.add.f32 [tilespmem:s10], [sflag:$0x2], $0x80, s12, s12, $0xb8;
	[tilespmem:$0x8100] =	vst v63  }
0x51: {  	_ =	swait.ge [sflag:s11], $0x4000  }
0x52: {  	[sflag:s11] =	ssyncset.done $0x0  }
0x53: {  	[sflag:s11] =	ssyncadd.s32 $0xFFFFC000  }
0x54: {  	[bflag:$0x0] =	sbarrier.arrive $0xFFFF  }
0x55: {  	[tilespmem:s10], [sflag:$0x2] =	stream.linear.gather [spmem:s5], $0x4000, $0x38;
	[tilespmem:$0x8100] =	vst v63  }
0x56: {  	s14 =	sadd.s32 $0x1, s14;
	_ =	swait.ge [sflag:s11], $0x4000  }
0x57: {  	p0 =	sne.s32 s14, s7;
	[sflag:s11] =	ssyncset.done $0x0  }
.Ltmp2:
0x58: {  	[sflag:s11] =	ssyncadd.s32 $0xFFFFC000;
	(pc) =	sbr.rel @p0 .LBB2_1-.Ltmp2, $4  }
0x59: {  	[hbm4b:s6+s3] =	stream.linear.scatter [tilespmem:s10], [sflag:$0x2], $0x4000, $0x38;
	[tilespmem:$0x8100] =	vst v63  }
0x5a: {  	_ =	swait.ge [sflag:s11], $0x4000  }
0x5b: {  	[sflag:s11] =	ssyncset.done $0x0  }
0x5c: {  	[sflag:s11] =	ssyncadd.s32 $0xFFFFC000  }
0x5d: {  	_ =	sfence.sel $0x180000  }
0x5e: {  	[bflag:$0x0] =	sbarrier.arrive $0xFFFF  }
0x5f: {  	p0 =	sne.s32 s1, $0x0;
	_ =	strace $0x90000053  }
0x60: {  	s0 =	sadd.s32 @!p0 $0x100000, s0;
	[bflag:$0x2] =	sbarrier.arrive $0xFFFF  }
0x61: {  	[sflag:s0] =	ssyncadd.tile.s32 @!p0 $0x1;
	_ =	shalt  }
.Lfunc_end2:
_tile_overlayer_lowered:
.L_overlay_start_2:
0x62: {  	(tag) =	ssettag $0x2  }
0x63: {  	s0 =	rddreg [dreg:$0x0];
	s2 =	stileid.u32  }
0x64: {  	s1 =	rddreg [dreg:$0x1];
	p0 =	sne.s32 s2, $0x0  }
0x65: {  	s3 =	rddreg [dreg:$0x2];
	[bflag:$0x3] =	sbarrier.arrive $0xFFFF;
	s2 =	simm.s32 @!p0 $0x1C02  }
0x66: {  	[timem:s3], [sflag:s2] =	dma.local @!p0 [hbm:s0], s1  }
0x67: {  	s0 =	simm.s32 @!p0 $0x2  }
0x68: {  	_ =	swait.ge @!p0 [sflag:s0], s1  }
0x69: {  	s1 =	ssub.s32 @!p0 $0x0, s1;
	[sflag:s0] =	ssyncset.done @!p0 $0x0  }
0x6a: {  	[sflag:s0] =	ssyncadd.s32 @!p0 s1  }
0x6b: {  	[bflag:$0x3] =	sbarrier.arrive $0xFFFF  }
0x6c: {  	_ =	shalt  }

// kernel: kernel.32.cloned.1.call-start
scs
__scs_entry_jumppad:
0x0: {  	(pc) =	sbr.rel $0x88, $3  }
0x1: {  	(tag) =	ssettag $0x0;
	lr =	simm.s32 $0x1  }
0x2: {  	[smem:$0x3F8D] =	sst lr;
	_ =	strace $0xD0000000  }
0x3: {  	_ = 	snop  }
0x4: {  	_ = 	snop  }
0x5: {  	_ = 	snop  }
0x6: {  	_ = 	snop  }
0x7: {  	_ = 	snop  }
__scs_overlays_trampoline_lowered:
0x8: {  	[smem:$0x3F9C] =	sst s0  }
0x9: {  	[smem:$0x3F9D] =	sst s1  }
0xa: {  	[smem:$0x3F9E] =	sst s2  }
0xb: {  	[smem:$0x3F9F] =	sst s3  }
0xc: {  	[smem:$0x3FA0] =	sst s4  }
0xd: {  	[smem:$0x3FA1] =	sst s5  }
0xe: {  	[smem:$0x3FA2] =	sst s6  }
0xf: {  	[smem:$0x3FA3] =	sst s7  }
0x10: {  	[smem:$0x3FA4] =	sst s8  }
0x11: {  	[smem:$0x3FA5] =	sst s9;
	s0 =	simm.s32 @!p0 $0x0  }
0x12: {  	s1 =	sld [smem:$0x3F8B];
	s0 =	simm.s32 @p0 $0x1  }
0x13: {  	[smem:$0x3FA6] =	sst s0;
	s0 =	simm.s32 @!p1 $0x0  }
0x14: {  	s2 =	sld [smem:$0x3F8A];
	s0 =	simm.s32 @p1 $0x1  }
0x15: {  	[smem:$0x3FA7] =	sst s0;
	s0 =	simm.s32 @!p2 $0x0  }
0x16: {  	s3 =	sld [smem:$0x3FDB];
	s0 =	simm.s32 @p2 $0x1  }
0x17: {  	s4 =	simm.s32 $0x1BF5;
	[smem:$0x3FA9] =	sst s0  }
0x18: {  	s0 =	sld [smem:$0x3F8C];
	_ =	swait.ge [sflag:s4], $0x0  }
0x19: {  	s7 =	sld [smem:$0x3F8D]  }
0x1a: {  	s8 =	sadd.s32 $0xFFFFE003, lr  }
0x1b: {  	s9 =	sadd.s32 $0xFFFFFEF7, lr;
	s5 =	simm.s32 $0xFFFFFFFF;
	p2 =	slt.u32 s8, $0xFFFFF086  }
0x1c: {  	p1 =	slt.u32 s9, $0xF7A;
	s5 =	simm.s32 @!p2 $0x0  }
0x1d: {  	s5 =	simm.s32 @p1 $0x1;
	p0 =	seq.s32 s7, s2  }
0x1e: {  	s7 =	smul.u32 @!p0 $0xF7A, s2;
	p2 =	seq.s32 @!p0 s5, $0x0  }
0x1f: {  	s9 =	smul.u32 $0xF7A, s1;
	s8 =	simm.s32 @!p0 $0x1BF5;
	p2 =	por !p2, p0  }
0x20: {  	[sflag:s8] =	ssyncset.s32 @!p0 $0xFFFFF086;
	s6 =	sadd.s32 @!p0 s3, s7;
	s7 =	simm.s32 @!p0 $0x108  }
0x21: {  	s3 =	sadd.s32 s3, s9;
	s6 =	sadd.s32 @!p0 $0x88, s6;
	s7 =	simm.s32 @p2 $0x1082  }
0x22: {  	[simem:s7], [sflag:s8] =	dma.local @!p0 [hbm:s6], $0xF7A  }
0x23: {  	s9 =	sor.u32 $0xD0000000, s2;
	s6 =	simm.s32 $0x108;
	_ =	swait.ge @!p0 [sflag:s8], $0x0  }
0x24: {  	s3 =	sadd.s32 $0x88, s3;
	s6 =	simm.s32 @!p1 $0x1082;
	[sflag:s4] =	ssyncset.s32 $0xFFFFF086  }
0x25: {  	[simem:s6], [sflag:s4] =	dma.local [hbm:s3], $0xF7A  }
0x26: {  	[smem:$0x3F8D] =	sst s1;
	(tag) =	ssettag s2;
	_ =	strace s9  }
0x27: {  	s1 =	sld [smem:$0x3F9D]  }
0x28: {  	s2 =	sld [smem:$0x3F9E]  }
0x29: {  	s4 =	sld [smem:$0x3FA0]  }
0x2a: {  	p0 =	seq.s32 s5, $0x0;
	s5 =	sld [smem:$0x3FA1]  }
0x2b: {  	s6 =	sld [smem:$0x3FA2]  }
0x2c: {  	s7 =	sld [smem:$0x3FA3]  }
0x2d: {  	s3 =	simm.s32 $0x108;
	s8 =	sld [smem:$0x3FA4]  }
0x2e: {  	s3 =	simm.s32 @!p0 $0x1082;
	s9 =	sld [smem:$0x3FA5]  }
0x2f: {  	lr =	sadd.s32 s0, s3;
	s0 =	sld [smem:$0x3F9C]  }
0x30: {  	s3 =	sld [smem:$0x3F9F]  }
0x31: {  	[smem:$0x3FA8] =	sst s10  }
0x32: {  	s10 =	sld [smem:$0x3FA6];
	_ =	sdelay $0x3  }
0x33: {  	p0 =	seq.s32 s10, $0x1;
	s10 =	sld [smem:$0x3FA8];
	_ =	sdelay $0x3  }
0x34: {  	[smem:$0x3FA8] =	sst s10  }
0x35: {  	s10 =	sld [smem:$0x3FA7];
	_ =	sdelay $0x3  }
0x36: {  	p1 =	seq.s32 s10, $0x1;
	s10 =	sld [smem:$0x3FA8];
	_ =	sdelay $0x3  }
0x37: {  	[smem:$0x3FA8] =	sst s10  }
0x38: {  	s10 =	sld [smem:$0x3FA9]  }
0x39: {  	_ = 	snop;
	(pc) =	sbr.ind lr, $3  }
0x3a: {  	_ = 	snop  }
0x3b: {  	_ = 	snop  }
0x3c: {  	p2 =	seq.s32 s10, $0x1;
	s10 =	sld [smem:$0x3FA8]  }
0x3d: {  	_ =	shalt  }
0x3e: {  	_ =	shalt  }
0x3f: {  	_ =	shalt  }
0x40: {  	_ =	shalt  }
0x41: {  	_ =	shalt  }
0x42: {  	_ =	shalt  }
0x43: {  	_ =	shalt  }
0x44: {  	_ =	shalt  }
0x45: {  	_ =	shalt  }
0x46: {  	_ =	shalt  }
0x47: {  	_ =	shalt  }
0x48: {  	_ =	shalt  }
0x49: {  	_ =	shalt  }
0x4a: {  	_ =	shalt  }
0x4b: {  	_ =	shalt  }
0x4c: {  	_ =	shalt  }
0x4d: {  	_ =	shalt  }
0x4e: {  	_ =	shalt  }
0x4f: {  	_ =	shalt  }
0x50: {  	_ =	shalt  }
0x51: {  	_ =	shalt  }
0x52: {  	_ =	shalt  }
0x53: {  	_ =	shalt  }
0x54: {  	_ =	shalt  }
0x55: {  	_ =	shalt  }
0x56: {  	_ =	shalt  }
0x57: {  	_ =	shalt  }
0x58: {  	_ =	shalt  }
0x59: {  	_ =	shalt  }
0x5a: {  	_ =	shalt  }
0x5b: {  	_ =	shalt  }
0x5c: {  	_ =	shalt  }
0x5d: {  	_ =	shalt  }
0x5e: {  	_ =	shalt  }
0x5f: {  	_ =	shalt  }
0x60: {  	_ =	shalt  }
0x61: {  	_ =	shalt  }
0x62: {  	_ =	shalt  }
0x63: {  	_ =	shalt  }
0x64: {  	_ =	shalt  }
0x65: {  	_ =	shalt  }
0x66: {  	_ =	shalt  }
0x67: {  	_ =	shalt  }
0x68: {  	_ =	shalt  }
0x69: {  	_ =	shalt  }
0x6a: {  	_ =	shalt  }
0x6b: {  	_ =	shalt  }
0x6c: {  	_ =	shalt  }
0x6d: {  	_ =	shalt  }
0x6e: {  	_ =	shalt  }
0x6f: {  	_ =	shalt  }
0x70: {  	_ =	shalt  }
0x71: {  	_ =	shalt  }
0x72: {  	_ =	shalt  }
0x73: {  	_ =	shalt  }
0x74: {  	_ =	shalt  }
0x75: {  	_ =	shalt  }
0x76: {  	_ =	shalt  }
0x77: {  	_ =	shalt  }
0x78: {  	_ =	shalt  }
0x79: {  	_ =	shalt  }
0x7a: {  	_ =	shalt  }
0x7b: {  	_ =	shalt  }
0x7c: {  	_ =	shalt  }
0x7d: {  	_ =	shalt  }
0x7e: {  	_ =	shalt  }
0x7f: {  	_ =	shalt  }
0x80: {  	_ =	shalt  }
0x81: {  	_ =	shalt  }
0x82: {  	_ =	shalt  }
0x83: {  	_ =	shalt  }
0x84: {  	_ =	shalt  }
0x85: {  	_ =	shalt  }
0x86: {  	_ =	shalt  }
0x87: {  	_ =	shalt  }
.Lfunc_end0:
.L_simem_size_0:
called_computation.5_lowered:
.L_overlay_start_0:
0x88: {  	s2 =	sld [smem:$0x3FD9]  }
0x89: {  	s3 =	sld [smem:$0x3FFE];
	_ =	sdelay $0x1  }
0x8a: {  	s1 =	srdreg.scid  }
0x8b: {  	s0 =	sand.u32 $0x1, s1  }
0x8c: {  	s16 =	sshll.u32 s0, $0xA;
	s2 =	sadd.s32 s3, s2  }
0x8d: {  	s2 =	sadd.s32 s2, s16  }
0x8e: {  	[smem:$0x3FB4] =	sst s2  }
0x8f: {  	_ = 	snop  }
0x90: {  	(tm) =	ssettm $0x1  }
0x91: {  	s17 =	sld [smem:$0x3FFB];
	_ =	sdelay $0x3  }
0x92: {  	_ =	strace s17  }
0x93: {  	s2 =	sld [smem:$0x3FFC];
	_ =	sdelay $0x3  }
0x94: {  	_ =	strace s2  }
0x95: {  	s2 =	sld [smem:$0x3FFD];
	_ =	sdelay $0x3  }
0x96: {  	_ =	strace s2  }
0x97: {  	_ =	strace $0x8FFFFFFF  }
0x98: {  	s18 =	sld [smem:$0x3FDB];
	_ =	sdelay $0x1  }
0x99: {  	s19 =	simm.s32 $_scs_section_size  }
0x9a: {  	s4 =	simm.s32 $_size__tile_overlayer_lowered;
	s5 =	simm.s32 $_tile_overlayer_lowered  }
0x9b: {  	s22 =	simm.s32 $0x1BFF;
	s21 =	sshll.u32 s5, $0x1;
	s2 =	sadd.s32 s19, s18  }
0x9c: {  	s6 =	simm.s32 $0x0;
	s20 =	sshll.u32 s4, $0x1;
	s4 =	sadd.s32 s21, s2  }
0x9d: {  	[timem:s6], [sflag:s22] =	dma.local [hbm:s4], s20  }
0x9e: {  	_ =	swait.ge [sflag:s22], s20  }
0x9f: {  	s3 =	ssub.s32 $0x0, s20;
	[sflag:s22] =	ssyncset.done $0x0  }
0xa0: {  	[sflag:s22] =	ssyncadd.s32 s3;
	_ =	sdelay $0x1  }
0xa1: {  	s23 =	simm.s32 $0x1B8B  }
0xa2: {  	_ =	swait.ge [sflag:s23], $0x1  }
0xa3: {  	[sflag:s23] =	ssyncset.done $0x0  }
0xa4: {  	s25 =	simm.s32 $0x1B8E;
	s24 =	sld [smem:$0x3FFE];
	[sflag:s23] =	ssyncadd.s32 $0xFFFFFFFF  }
0xa5: {  	s26 =	simm.s32 $execute0_lowered;
	[smem:$0x3FD2] =	sst s25  }
0xa6: {  	s4 =	sshll.u32 s26, $0x1;
	_ =	strace $0x80000055;
	[dreg:$0x1] =	wrdreg $0xFFFFFFFF  }
0xa7: {  	s28 =	simm.s32 $_size_execute0_lowered;
	s2 =	sadd.s32 s2, s4;
	[dreg:$0x0] =	wrdreg $0x0  }
0xa8: {  	s4 =	sshll.u32 s28, $0x1;
	[dreg:$0x2] =	wrdreg s2  }
0xa9: {  	[dreg:$0x3] =	wrdreg s4  }
0xaa: {  	[dreg:$0x4] =	wrdreg $0xC0  }
0xab: {  	_ =	task [dreg:s6], $0x5FFFF  }
0xac: {  	[dreg:$0x1] =	wrdreg $0xFFFFFFFF  }
0xad: {  	[dreg:$0x0] =	wrdreg $0x60  }
0xae: {  	[dreg:$0x2] =	wrdreg s24  }
0xaf: {  	[dreg:$0x3] =	wrdreg $0x41000  }
0xb0: {  	[dreg:$0x4] =	wrdreg $0x9  }
0xb1: {  	_ =	task.clear_ibuf [dreg:s6], $0x5FFFF;
	_ =	strace $0x90000055  }
0xb2: {  	s29 =	simm.s32 $0x9;
	_ =	strace $0x80000057  }
0xb3: {  	_ =	swait.ge [sflag:s29], $0x1  }
0xb4: {  	[sflag:s29] =	ssyncadd.s32 $0xFFFFFFFF  }
0xb5: {  	_ =	strace $0x90000057  }
0xb6: {  	_ =	sfence  }
0xb7: {  	s30 =	sld [smem:$0x0];
	_ =	sdelay $0x2  }
0xb8: {  	s31 =	sshll.u32 s1, $0xD;
	s1 =	sshrl.u32 s1, $0x2  }
0xb9: {  	s3 =	sand.u32 $0x4000, s31;
	s1 =	sadd.s32 s1, s30  }
0xba: {  	s0 =	sor.u32 s3, s0;
	s1 =	sshll.u32 s1, $0x11  }
0xbb: {  	s0 =	sor.u32 s1, s0  }
0xbc: {  	s0 =	sadd.s32 $0x8F2B, s0  }
0xbd: {  	[sflag:s0] =	ssyncadd.remote.s32 $0x1  }
0xbe: {  	_ =	sfence.sel $0xFFFF  }
0xbf: {  	[dreg:$0x0] =	wrdreg $0xFFFFFFFF;
	(pc) =	sbr.abs _section_cstart, $3  }
0xc0: {  	[dreg:$0x1] =	wrdreg $0xFFFFFFFF  }
0xc1: {  	_ =	task.clear_ibuf [dreg:s6], $0x2FFFF;
	_ =	strace $0x9FFFFFFF  }
0xc2: {  	(tm) =	ssettm $0x7FFFFFFF  }
0xc3: {  	_ =	shalt  }
tec
execute0_lowered:
.L_overlay_start_1:
0x0: {  	(tag) =	ssettag $0x1  }
0x1: {  	s5 =	rddreg [dreg:$0x0]  }
0x2: {  	s2 =	rddreg [dreg:$0x1]  }
0x3: {  	s0 =	rddreg [dreg:$0x2]  }
0x4: {  	s3 =	simm.s32 $0x0;
	s1 =	stileid.u32;
	s7 =	srdreg.scid  }
0x5: {  	s21 =	simm.s32 $0x1;
	s22 =	simm.s32 $0x0;
	s6 =	smul.u32 $0x9E0, s1  }
0x6: {  	[smem:$0x7FF] =	sst s3;
	s4 =	sadd.s32 $0x4F200, s5;
	s24 =	smul.u32 $0x4F000, s1  }
0x7: {  	s12 =	sand.u32 $0x1, s7;
	s9 =	smul.u32 $0x13C00, s1;
	s15 =	sadd.s32 $0x76400, s5  }
0x8: {  	_ =	strace $0x80000056;
	s25 =	ssub.s32 $0x2, s12;
	s18 =	smul.u32 $0x13C000, s12  }
0x9: {  	s28 =	smul.u32 $0x4F0, s12;
	s14 =	sadd.s32 s6, s5;
	s26 =	sshrl.u32 s25, $0x1  }
0xa: {  	s7 =	sshrl.u32 s24, $0x2;
	s10 =	sadd.s32 $0x4000, s9;
	s13 =	sadd.s32 $0x8000, s9  }
0xb: {  	s17 =	sadd.s32 $0xC000, s9;
	s19 =	sadd.s32 $0x10000, s9;
	s16 =	ssub.s32 s25, s26  }
0xc: {  	s5 =	sadd.s32 s7, s2;
	s6 =	sadd.s32 s10, s2;
	s7 =	sadd.s32 s13, s2  }
0xd: {  	s8 =	sadd.s32 s17, s2;
	s11 =	sadd.s32 s9, s18;
	s10 =	sadd.s32 s18, s10  }
0xe: {  	s9 =	sadd.s32 s19, s2;
	s13 =	sadd.s32 s18, s13;
	s17 =	sadd.s32 s18, s17  }
0xf: {  	s30 =	sadd.s32 s18, s19;
	s31 =	sadd.s32 s28, s14;
	s18 =	simm.s32 $0x100  }
0x10: {  	s19 =	simm.s32 $0x2;
	s11 =	sshrl.u32 s11, $0x3;
	s20 =	sshrl.u32 s10, $0x3  }
0x11: {  	s13 =	sshrl.u32 s13, $0x3;
	s29 =	sshrl.u32 s17, $0x3;
	s17 =	sshrl.u32 s30, $0x3  }
0x12: {  	s10 =	sadd.s32 s15, s11;
	s11 =	sadd.s32 s15, s20;
	s12 =	sadd.s32 s15, s13  }
0x13: {  	s13 =	sadd.s32 s15, s29;
	s14 =	sadd.s32 s15, s17;
	s15 =	smax.u32 s16, $0x1  }
0x14: {  	v0 =	vimm.f32 $0.0e+00;
	s16 =	sadd.s32 $0x3B600, s31;
	s17 =	sadd.s32 $0x45400, s31;
	s20 =	simm.s32 $0x80  }
.LBB2_1:
0x15: {  	s23 =	simm.s32 $0x0;
	s24 =	simm.s32 $0x200  }
.LBB2_2:
0x16: {  	p0 =	sne.s32 s24, $0xFE00;
	[tilespmem:s23+$0x170] =	vst v0  }
0x17: {  	[tilespmem:s23+$0x100] =	vst v0  }
0x18: {  	[tilespmem:s23+$0x110] =	vst v0  }
.Ltmp0:
0x19: {  	[tilespmem:s23+$0x120] =	vst v0;
	(pc) =	sbr.rel @p0 .LBB2_2-.Ltmp0, $4  }
0x1a: {  	[tilespmem:s23+$0x130] =	vst v0  }
0x1b: {  	[tilespmem:s23+$0x140] =	vst v0  }
0x1c: {  	[tilespmem:s23+$0x150] =	vst v0  }
0x1d: {  	[tilespmem:s23+$0x160] =	vst v0;
	s23 =	sshra.s32 s24, $0x2;
	s24 =	sadd.s32 $0x200, s24  }
0x1e: {  	[tilespmem:s23+$0x170] =	vst v0  }
0x1f: {  	[tilespmem:s23+$0x100] =	vst v0  }
0x20: {  	[tilespmem:s23+$0x110] =	vst v0  }
0x21: {  	[tilespmem:s23+$0x120] =	vst v0  }
0x22: {  	[tilespmem:s23+$0x130] =	vst v0  }
0x23: {  	[tilespmem:s23+$0x140] =	vst v0  }
0x24: {  	[tilespmem:s23+$0x150] =	vst v0  }
0x25: {  	[tilespmem:s23+$0x160] =	vst v0  }
0x26: {  	[spmem:s5] =	stream.linear.scatter [tilespmem:s18], [sflag:$0x2], $0x4000, $0x38;
	[tilespmem:$0x17D00] =	vst v63  }
0x27: {  	_ =	swait.ge [sflag:s19], $0x4000  }
0x28: {  	[sflag:s19] =	ssyncset.done $0x0  }
0x29: {  	[sflag:s19] =	ssyncadd.s32 $0xFFFFC000  }
0x2a: {  	[spmem:s6] =	stream.linear.scatter [tilespmem:s18], [sflag:$0x2], $0x4000, $0x38;
	[tilespmem:$0x17D00] =	vst v63  }
0x2b: {  	_ =	swait.ge [sflag:s19], $0x4000  }
0x2c: {  	[sflag:s19] =	ssyncset.done $0x0  }
0x2d: {  	[sflag:s19] =	ssyncadd.s32 $0xFFFFC000  }
0x2e: {  	[spmem:s7] =	stream.linear.scatter [tilespmem:s18], [sflag:$0x2], $0x4000, $0x38;
	[tilespmem:$0x17D00] =	vst v63  }
0x2f: {  	_ =	swait.ge [sflag:s19], $0x4000  }
0x30: {  	[sflag:s19] =	ssyncset.done $0x0  }
0x31: {  	[sflag:s19] =	ssyncadd.s32 $0xFFFFC000  }
0x32: {  	[spmem:s8] =	stream.linear.scatter [tilespmem:s18], [sflag:$0x2], $0x4000, $0x38;
	[tilespmem:$0x17D00] =	vst v63  }
0x33: {  	_ =	swait.ge [sflag:s19], $0x4000  }
0x34: {  	[sflag:s19] =	ssyncset.done $0x0  }
0x35: {  	[sflag:s19] =	ssyncadd.s32 $0xFFFFC000  }
0x36: {  	[spmem:s9] =	stream.linear.scatter [tilespmem:s18], [sflag:$0x2], $0x3C00, $0x38;
	[tilespmem:$0x17D00] =	vst v63  }
0x37: {  	_ =	swait.ge [sflag:s19], $0x3C00  }
0x38: {  	[sflag:s19] =	ssyncset.done $0x0  }
0x39: {  	[sflag:s19] =	ssyncadd.s32 $0xFFFFC400  }
0x3a: {  	s30 =	sadd.s32 $0x0, s17;
	[bflag:$0x0] =	sbarrier.arrive $0xFFFF  }
0x3b: {  	[tilespmem:s3], [sflag:$0x2] =	stream.linear.gather [hbm4b:s30+s3], $0x80, $0x38;
	[tilespmem:$0x17D00] =	vst v63  }
0x3c: {  	_ =	swait.ge [sflag:s19], $0x80  }
0x3d: {  	[sflag:s19] =	ssyncset.done $0x0  }
0x3e: {  	s31 =	sadd.s32 $0x0, s16;
	[sflag:s19] =	ssyncadd.s32 $0xFFFFFF80  }
0x3f: {  	[tilespmem:s20], [sflag:$0x2] =	stream.linear.gather [hbm4b:s31+s3], $0x80, $0x38;
	[tilespmem:$0x17D00] =	vst v63  }
0x40: {  	_ =	swait.ge [sflag:s19], $0x80  }
0x41: {  	[sflag:s19] =	ssyncset.done $0x0  }
0x42: {  	[sflag:s19] =	ssyncadd.s32 $0xFFFFFF80  }
0x43: {  	[tilespmem:s18], [sflag:$0x1] =	stream.indirect.gather [hbm4b:s4+s20], $0x80, s3, s20, $0xb8;
	[tilespmem:$0x17D00] =	vst v63  }
0x44: {  	_ =	swait.ge [sflag:s21], $0x4000  }
0x45: {  	[sflag:s21] =	ssyncset.done $0x0  }
0x46: {  	[sflag:s21] =	ssyncadd.s32 $0xFFFFC000  }
0x47: {  	[spmem:s2] =	stream.indirect.scatter.add.f32 [tilespmem:s18], [sflag:$0x2], $0x80, s20, s20, $0xb8;
	[tilespmem:$0x17D00] =	vst v63  }
0x48: {  	_ =	swait.ge [sflag:s19], $0x4000  }
0x49: {  	s23 =	simm.s32 $0x10;
	s24 =	simm.s32 $0x20;
	[sflag:s19] =	ssyncset.done $0x0  }
.LBB2_4:
0x4a: {  	s25 =	sadd.s32 s23, s17  }
0x4b: {  	[sflag:s19] =	ssyncadd.s32 $0xFFFFC000;
	s26 =	smov.u32 s24;
	s28 =	sadd.s32 $0x10, s24  }
0x4c: {  	[tilespmem:s3], [sflag:$0x2] =	stream.linear.gather [hbm4b:s25+s3], $0x80, $0x38;
	[tilespmem:$0x17D00] =	vst v63  }
0x4d: {  	p0 =	sne.s32 s24, $0x4E0;
	_ =	swait.ge [sflag:s19], $0x80  }
0x4e: {  	[sflag:s19] =	ssyncset.done $0x0  }
0x4f: {  	s24 =	sadd.s32 s23, s16;
	s23 =	smov.u32 s26;
	[sflag:s19] =	ssyncadd.s32 $0xFFFFFF80  }
0x50: {  	[tilespmem:s20], [sflag:$0x2] =	stream.linear.gather [hbm4b:s24+s3], $0x80, $0x38;
	[tilespmem:$0x17D00] =	vst v63  }
0x51: {  	_ =	swait.ge [sflag:s19], $0x80  }
0x52: {  	[sflag:s19] =	ssyncset.done $0x0  }
0x53: {  	[sflag:s19] =	ssyncadd.s32 $0xFFFFFF80  }
0x54: {  	[tilespmem:s18], [sflag:$0x1] =	stream.indirect.gather [hbm4b:s4+s20], $0x80, s3, s20, $0xb8;
	[tilespmem:$0x17D00] =	vst v63  }
0x55: {  	_ =	swait.ge [sflag:s21], $0x4000  }
.Ltmp1:
0x56: {  	[sflag:s21] =	ssyncset.done $0x0;
	(pc) =	sbr.rel @p0 .LBB2_4-.Ltmp1, $4  }
0x57: {  	[sflag:s21] =	ssyncadd.s32 $0xFFFFC000  }
0x58: {  	[spmem:s2] =	stream.indirect.scatter.add.f32 [tilespmem:s18], [sflag:$0x2], $0x80, s20, s20, $0xb8;
	[tilespmem:$0x17D00] =	vst v63  }
0x59: {  	_ =	swait.ge [sflag:s19], $0x4000  }
0x5a: {  	s24 =	smov.u32 s28;
	[sflag:s19] =	ssyncset.done $0x0  }
0x5b: {  	s24 =	sadd.s32 s23, s17;
	[sflag:s19] =	ssyncadd.s32 $0xFFFFC000  }
0x5c: {  	[tilespmem:s3], [sflag:$0x2] =	stream.linear.gather [hbm4b:s24+s3], $0x80, $0x38;
	[tilespmem:$0x17D00] =	vst v63  }
0x5d: {  	_ =	swait.ge [sflag:s19], $0x80  }
0x5e: {  	[sflag:s19] =	ssyncset.done $0x0  }
0x5f: {  	s31 =	sadd.s32 s23, s16;
	[sflag:s19] =	ssyncadd.s32 $0xFFFFFF80  }
0x60: {  	[tilespmem:s20], [sflag:$0x2] =	stream.linear.gather [hbm4b:s31+s3], $0x80, $0x38;
	[tilespmem:$0x17D00] =	vst v63  }
0x61: {  	_ =	swait.ge [sflag:s19], $0x80  }
0x62: {  	[sflag:s19] =	ssyncset.done $0x0  }
0x63: {  	[sflag:s19] =	ssyncadd.s32 $0xFFFFFF80  }
0x64: {  	[tilespmem:s18], [sflag:$0x1] =	stream.indirect.gather [hbm4b:s4+s20], $0x80, s3, s20, $0xb8;
	[tilespmem:$0x17D00] =	vst v63  }
0x65: {  	_ =	swait.ge [sflag:s21], $0x4000  }
0x66: {  	[sflag:s21] =	ssyncset.done $0x0  }
0x67: {  	[sflag:s21] =	ssyncadd.s32 $0xFFFFC000  }
0x68: {  	[spmem:s2] =	stream.indirect.scatter.add.f32 [tilespmem:s18], [sflag:$0x2], $0x80, s20, s20, $0xb8;
	[tilespmem:$0x17D00] =	vst v63  }
0x69: {  	_ =	swait.ge [sflag:s19], $0x4000  }
0x6a: {  	[sflag:s19] =	ssyncset.done $0x0  }
0x6b: {  	[sflag:s19] =	ssyncadd.s32 $0xFFFFC000  }
0x6c: {  	[bflag:$0x0] =	sbarrier.arrive $0xFFFF  }
0x6d: {  	[tilespmem:s18], [sflag:$0x2] =	stream.linear.gather [spmem:s5], $0x4000, $0x38;
	[tilespmem:$0x17D00] =	vst v63  }
0x6e: {  	_ =	swait.ge [sflag:s19], $0x4000  }
0x6f: {  	[sflag:s19] =	ssyncset.done $0x0  }
0x70: {  	[sflag:s19] =	ssyncadd.s32 $0xFFFFC000  }
0x71: {  	[hbm4b:s10+s3] =	stream.linear.scatter [tilespmem:s18], [sflag:$0x2], $0x4000, $0x38;
	[tilespmem:$0x17D00] =	vst v63  }
0x72: {  	_ =	swait.ge [sflag:s19], $0x4000  }
0x73: {  	[sflag:s19] =	ssyncset.done $0x0  }
0x74: {  	[sflag:s19] =	ssyncadd.s32 $0xFFFFC000  }
0x75: {  	[tilespmem:s18], [sflag:$0x2] =	stream.linear.gather [spmem:s6], $0x4000, $0x38;
	[tilespmem:$0x17D00] =	vst v63  }
0x76: {  	_ =	swait.ge [sflag:s19], $0x4000  }
0x77: {  	[sflag:s19] =	ssyncset.done $0x0  }
0x78: {  	[sflag:s19] =	ssyncadd.s32 $0xFFFFC000  }
0x79: {  	[hbm4b:s11+s3] =	stream.linear.scatter [tilespmem:s18], [sflag:$0x2], $0x4000, $0x38;
	[tilespmem:$0x17D00] =	vst v63  }
0x7a: {  	_ =	swait.ge [sflag:s19], $0x4000  }
0x7b: {  	[sflag:s19] =	ssyncset.done $0x0  }
0x7c: {  	[sflag:s19] =	ssyncadd.s32 $0xFFFFC000  }
0x7d: {  	[tilespmem:s18], [sflag:$0x2] =	stream.linear.gather [spmem:s7], $0x4000, $0x38;
	[tilespmem:$0x17D00] =	vst v63  }
0x7e: {  	_ =	swait.ge [sflag:s19], $0x4000  }
0x7f: {  	[sflag:s19] =	ssyncset.done $0x0  }
0x80: {  	[sflag:s19] =	ssyncadd.s32 $0xFFFFC000  }
0x81: {  	[hbm4b:s12+s3] =	stream.linear.scatter [tilespmem:s18], [sflag:$0x2], $0x4000, $0x38;
	[tilespmem:$0x17D00] =	vst v63  }
0x82: {  	_ =	swait.ge [sflag:s19], $0x4000  }
0x83: {  	[sflag:s19] =	ssyncset.done $0x0  }
0x84: {  	[sflag:s19] =	ssyncadd.s32 $0xFFFFC000  }
0x85: {  	[tilespmem:s18], [sflag:$0x2] =	stream.linear.gather [spmem:s8], $0x4000, $0x38;
	[tilespmem:$0x17D00] =	vst v63  }
0x86: {  	_ =	swait.ge [sflag:s19], $0x4000  }
0x87: {  	[sflag:s19] =	ssyncset.done $0x0  }
0x88: {  	[sflag:s19] =	ssyncadd.s32 $0xFFFFC000  }
0x89: {  	[hbm4b:s13+s3] =	stream.linear.scatter [tilespmem:s18], [sflag:$0x2], $0x4000, $0x38;
	[tilespmem:$0x17D00] =	vst v63  }
0x8a: {  	_ =	swait.ge [sflag:s19], $0x4000  }
0x8b: {  	[sflag:s19] =	ssyncset.done $0x0  }
0x8c: {  	[sflag:s19] =	ssyncadd.s32 $0xFFFFC000  }
0x8d: {  	[tilespmem:s18], [sflag:$0x2] =	stream.linear.gather [spmem:s9], $0x3C00, $0x38;
	[tilespmem:$0x17D00] =	vst v63  }
0x8e: {  	s22 =	sadd.s32 $0x1, s22;
	_ =	swait.ge [sflag:s19], $0x3C00  }
0x8f: {  	p0 =	sne.s32 s22, s15;
	[sflag:s19] =	ssyncset.done $0x0  }
.Ltmp2:
0x90: {  	[sflag:s19] =	ssyncadd.s32 $0xFFFFC400;
	(pc) =	sbr.rel @p0 .LBB2_1-.Ltmp2, $4  }
0x91: {  	[hbm4b:s14+s3] =	stream.linear.scatter [tilespmem:s18], [sflag:$0x2], $0x3C00, $0x38;
	[tilespmem:$0x17D00] =	vst v63  }
0x92: {  	_ =	swait.ge [sflag:s19], $0x3C00  }
0x93: {  	[sflag:s19] =	ssyncset.done $0x0  }
0x94: {  	[sflag:s19] =	ssyncadd.s32 $0xFFFFC400  }
0x95: {  	_ =	sfence.sel $0x180000  }
0x96: {  	[bflag:$0x0] =	sbarrier.arrive $0xFFFF  }
0x97: {  	p0 =	sne.s32 s1, $0x0;
	_ =	strace $0x90000056  }
0x98: {  	s0 =	sadd.s32 @!p0 $0x100000, s0;
	[bflag:$0x2] =	sbarrier.arrive $0xFFFF  }
0x99: {  	[sflag:s0] =	ssyncadd.tile.s32 @!p0 $0x1;
	_ =	shalt  }
.Lfunc_end2:
_tile_overlayer_lowered:
.L_overlay_start_2:
0x9a: {  	(tag) =	ssettag $0x2  }
0x9b: {  	s0 =	rddreg [dreg:$0x0];
	s2 =	stileid.u32  }
0x9c: {  	s1 =	rddreg [dreg:$0x1];
	p0 =	sne.s32 s2, $0x0  }
0x9d: {  	s3 =	rddreg [dreg:$0x2];
	[bflag:$0x3] =	sbarrier.arrive $0xFFFF;
	s2 =	simm.s32 @!p0 $0x1C02  }
0x9e: {  	[timem:s3], [sflag:s2] =	dma.local @!p0 [hbm:s0], s1  }
0x9f: {  	s0 =	simm.s32 @!p0 $0x2  }
0xa0: {  	_ =	swait.ge @!p0 [sflag:s0], s1  }
0xa1: {  	s1 =	ssub.s32 @!p0 $0x0, s1;
	[sflag:s0] =	ssyncset.done @!p0 $0x0  }
0xa2: {  	[sflag:s0] =	ssyncadd.s32 @!p0 s1  }
0xa3: {  	[bflag:$0x3] =	sbarrier.arrive $0xFFFF  }
0xa4: {  	_ =	shalt  }

// kernel: kernel.35.cloned.1.call-start
scs
__scs_entry_jumppad:
0x0: {  	(pc) =	sbr.rel $0x88, $3  }
0x1: {  	(tag) =	ssettag $0x0;
	lr =	simm.s32 $0x1  }
0x2: {  	[smem:$0x3F8D] =	sst lr;
	_ =	strace $0xD0000000  }
0x3: {  	_ = 	snop  }
0x4: {  	_ = 	snop  }
0x5: {  	_ = 	snop  }
0x6: {  	_ = 	snop  }
0x7: {  	_ = 	snop  }
__scs_overlays_trampoline_lowered:
0x8: {  	[smem:$0x3F9C] =	sst s0  }
0x9: {  	[smem:$0x3F9D] =	sst s1  }
0xa: {  	[smem:$0x3F9E] =	sst s2  }
0xb: {  	[smem:$0x3F9F] =	sst s3  }
0xc: {  	[smem:$0x3FA0] =	sst s4  }
0xd: {  	[smem:$0x3FA1] =	sst s5  }
0xe: {  	[smem:$0x3FA2] =	sst s6  }
0xf: {  	[smem:$0x3FA3] =	sst s7  }
0x10: {  	[smem:$0x3FA4] =	sst s8  }
0x11: {  	[smem:$0x3FA5] =	sst s9;
	s0 =	simm.s32 @!p0 $0x0  }
0x12: {  	s1 =	sld [smem:$0x3F8B];
	s0 =	simm.s32 @p0 $0x1  }
0x13: {  	[smem:$0x3FA6] =	sst s0;
	s0 =	simm.s32 @!p1 $0x0  }
0x14: {  	s2 =	sld [smem:$0x3F8A];
	s0 =	simm.s32 @p1 $0x1  }
0x15: {  	[smem:$0x3FA7] =	sst s0;
	s0 =	simm.s32 @!p2 $0x0  }
0x16: {  	s3 =	sld [smem:$0x3FDB];
	s0 =	simm.s32 @p2 $0x1  }
0x17: {  	s4 =	simm.s32 $0x1BF5;
	[smem:$0x3FA9] =	sst s0  }
0x18: {  	s0 =	sld [smem:$0x3F8C];
	_ =	swait.ge [sflag:s4], $0x0  }
0x19: {  	s7 =	sld [smem:$0x3F8D]  }
0x1a: {  	s8 =	sadd.s32 $0xFFFFE003, lr  }
0x1b: {  	s9 =	sadd.s32 $0xFFFFFEF7, lr;
	s5 =	simm.s32 $0xFFFFFFFF;
	p2 =	slt.u32 s8, $0xFFFFF086  }
0x1c: {  	p1 =	slt.u32 s9, $0xF7A;
	s5 =	simm.s32 @!p2 $0x0  }
0x1d: {  	s5 =	simm.s32 @p1 $0x1;
	p0 =	seq.s32 s7, s2  }
0x1e: {  	s7 =	smul.u32 @!p0 $0xF7A, s2;
	p2 =	seq.s32 @!p0 s5, $0x0  }
0x1f: {  	s9 =	smul.u32 $0xF7A, s1;
	s8 =	simm.s32 @!p0 $0x1BF5;
	p2 =	por !p2, p0  }
0x20: {  	[sflag:s8] =	ssyncset.s32 @!p0 $0xFFFFF086;
	s6 =	sadd.s32 @!p0 s3, s7;
	s7 =	simm.s32 @!p0 $0x108  }
0x21: {  	s3 =	sadd.s32 s3, s9;
	s6 =	sadd.s32 @!p0 $0x88, s6;
	s7 =	simm.s32 @p2 $0x1082  }
0x22: {  	[simem:s7], [sflag:s8] =	dma.local @!p0 [hbm:s6], $0xF7A  }
0x23: {  	s9 =	sor.u32 $0xD0000000, s2;
	s6 =	simm.s32 $0x108;
	_ =	swait.ge @!p0 [sflag:s8], $0x0  }
0x24: {  	s3 =	sadd.s32 $0x88, s3;
	s6 =	simm.s32 @!p1 $0x1082;
	[sflag:s4] =	ssyncset.s32 $0xFFFFF086  }
0x25: {  	[simem:s6], [sflag:s4] =	dma.local [hbm:s3], $0xF7A  }
0x26: {  	[smem:$0x3F8D] =	sst s1;
	(tag) =	ssettag s2;
	_ =	strace s9  }
0x27: {  	s1 =	sld [smem:$0x3F9D]  }
0x28: {  	s2 =	sld [smem:$0x3F9E]  }
0x29: {  	s4 =	sld [smem:$0x3FA0]  }
0x2a: {  	p0 =	seq.s32 s5, $0x0;
	s5 =	sld [smem:$0x3FA1]  }
0x2b: {  	s6 =	sld [smem:$0x3FA2]  }
0x2c: {  	s7 =	sld [smem:$0x3FA3]  }
0x2d: {  	s3 =	simm.s32 $0x108;
	s8 =	sld [smem:$0x3FA4]  }
0x2e: {  	s3 =	simm.s32 @!p0 $0x1082;
	s9 =	sld [smem:$0x3FA5]  }
0x2f: {  	lr =	sadd.s32 s0, s3;
	s0 =	sld [smem:$0x3F9C]  }
0x30: {  	s3 =	sld [smem:$0x3F9F]  }
0x31: {  	[smem:$0x3FA8] =	sst s10  }
0x32: {  	s10 =	sld [smem:$0x3FA6];
	_ =	sdelay $0x3  }
0x33: {  	p0 =	seq.s32 s10, $0x1;
	s10 =	sld [smem:$0x3FA8];
	_ =	sdelay $0x3  }
0x34: {  	[smem:$0x3FA8] =	sst s10  }
0x35: {  	s10 =	sld [smem:$0x3FA7];
	_ =	sdelay $0x3  }
0x36: {  	p1 =	seq.s32 s10, $0x1;
	s10 =	sld [smem:$0x3FA8];
	_ =	sdelay $0x3  }
0x37: {  	[smem:$0x3FA8] =	sst s10  }
0x38: {  	s10 =	sld [smem:$0x3FA9]  }
0x39: {  	_ = 	snop;
	(pc) =	sbr.ind lr, $3  }
0x3a: {  	_ = 	snop  }
0x3b: {  	_ = 	snop  }
0x3c: {  	p2 =	seq.s32 s10, $0x1;
	s10 =	sld [smem:$0x3FA8]  }
0x3d: {  	_ =	shalt  }
0x3e: {  	_ =	shalt  }
0x3f: {  	_ =	shalt  }
0x40: {  	_ =	shalt  }
0x41: {  	_ =	shalt  }
0x42: {  	_ =	shalt  }
0x43: {  	_ =	shalt  }
0x44: {  	_ =	shalt  }
0x45: {  	_ =	shalt  }
0x46: {  	_ =	shalt  }
0x47: {  	_ =	shalt  }
0x48: {  	_ =	shalt  }
0x49: {  	_ =	shalt  }
0x4a: {  	_ =	shalt  }
0x4b: {  	_ =	shalt  }
0x4c: {  	_ =	shalt  }
0x4d: {  	_ =	shalt  }
0x4e: {  	_ =	shalt  }
0x4f: {  	_ =	shalt  }
0x50: {  	_ =	shalt  }
0x51: {  	_ =	shalt  }
0x52: {  	_ =	shalt  }
0x53: {  	_ =	shalt  }
0x54: {  	_ =	shalt  }
0x55: {  	_ =	shalt  }
0x56: {  	_ =	shalt  }
0x57: {  	_ =	shalt  }
0x58: {  	_ =	shalt  }
0x59: {  	_ =	shalt  }
0x5a: {  	_ =	shalt  }
0x5b: {  	_ =	shalt  }
0x5c: {  	_ =	shalt  }
0x5d: {  	_ =	shalt  }
0x5e: {  	_ =	shalt  }
0x5f: {  	_ =	shalt  }
0x60: {  	_ =	shalt  }
0x61: {  	_ =	shalt  }
0x62: {  	_ =	shalt  }
0x63: {  	_ =	shalt  }
0x64: {  	_ =	shalt  }
0x65: {  	_ =	shalt  }
0x66: {  	_ =	shalt  }
0x67: {  	_ =	shalt  }
0x68: {  	_ =	shalt  }
0x69: {  	_ =	shalt  }
0x6a: {  	_ =	shalt  }
0x6b: {  	_ =	shalt  }
0x6c: {  	_ =	shalt  }
0x6d: {  	_ =	shalt  }
0x6e: {  	_ =	shalt  }
0x6f: {  	_ =	shalt  }
0x70: {  	_ =	shalt  }
0x71: {  	_ =	shalt  }
0x72: {  	_ =	shalt  }
0x73: {  	_ =	shalt  }
0x74: {  	_ =	shalt  }
0x75: {  	_ =	shalt  }
0x76: {  	_ =	shalt  }
0x77: {  	_ =	shalt  }
0x78: {  	_ =	shalt  }
0x79: {  	_ =	shalt  }
0x7a: {  	_ =	shalt  }
0x7b: {  	_ =	shalt  }
0x7c: {  	_ =	shalt  }
0x7d: {  	_ =	shalt  }
0x7e: {  	_ =	shalt  }
0x7f: {  	_ =	shalt  }
0x80: {  	_ =	shalt  }
0x81: {  	_ =	shalt  }
0x82: {  	_ =	shalt  }
0x83: {  	_ =	shalt  }
0x84: {  	_ =	shalt  }
0x85: {  	_ =	shalt  }
0x86: {  	_ =	shalt  }
0x87: {  	_ =	shalt  }
.Lfunc_end0:
.L_simem_size_0:
called_computation.6_lowered:
.L_overlay_start_0:
0x88: {  	s2 =	sld [smem:$0x3FD9]  }
0x89: {  	s3 =	sld [smem:$0x3FFE];
	_ =	sdelay $0x1  }
0x8a: {  	s1 =	srdreg.scid  }
0x8b: {  	s0 =	sand.u32 $0x1, s1  }
0x8c: {  	s16 =	sshll.u32 s0, $0xA;
	s2 =	sadd.s32 s3, s2  }
0x8d: {  	s2 =	sadd.s32 s2, s16  }
0x8e: {  	[smem:$0x3FB4] =	sst s2  }
0x8f: {  	_ = 	snop  }
0x90: {  	(tm) =	ssettm $0x1  }
0x91: {  	s17 =	sld [smem:$0x3FFB];
	_ =	sdelay $0x3  }
0x92: {  	_ =	strace s17  }
0x93: {  	s2 =	sld [smem:$0x3FFC];
	_ =	sdelay $0x3  }
0x94: {  	_ =	strace s2  }
0x95: {  	s2 =	sld [smem:$0x3FFD];
	_ =	sdelay $0x3  }
0x96: {  	_ =	strace s2  }
0x97: {  	_ =	strace $0x8FFFFFFF  }
0x98: {  	s18 =	sld [smem:$0x3FDB];
	_ =	sdelay $0x1  }
0x99: {  	s19 =	simm.s32 $_scs_section_size  }
0x9a: {  	s4 =	simm.s32 $_size__tile_overlayer_lowered;
	s5 =	simm.s32 $_tile_overlayer_lowered  }
0x9b: {  	s22 =	simm.s32 $0x1BFF;
	s21 =	sshll.u32 s5, $0x1;
	s2 =	sadd.s32 s19, s18  }
0x9c: {  	s6 =	simm.s32 $0x0;
	s20 =	sshll.u32 s4, $0x1;
	s4 =	sadd.s32 s21, s2  }
0x9d: {  	[timem:s6], [sflag:s22] =	dma.local [hbm:s4], s20  }
0x9e: {  	_ =	swait.ge [sflag:s22], s20  }
0x9f: {  	s3 =	ssub.s32 $0x0, s20;
	[sflag:s22] =	ssyncset.done $0x0  }
0xa0: {  	[sflag:s22] =	ssyncadd.s32 s3;
	_ =	sdelay $0x1  }
0xa1: {  	s23 =	simm.s32 $0x1B8B  }
0xa2: {  	_ =	swait.ge [sflag:s23], $0x1  }
0xa3: {  	[sflag:s23] =	ssyncset.done $0x0  }
0xa4: {  	s25 =	simm.s32 $0x1B8E;
	s24 =	sld [smem:$0x3FFE];
	[sflag:s23] =	ssyncadd.s32 $0xFFFFFFFF  }
0xa5: {  	s26 =	simm.s32 $execute0_lowered;
	[smem:$0x3FD2] =	sst s25  }
0xa6: {  	s4 =	sshll.u32 s26, $0x1;
	_ =	strace $0x80000058;
	[dreg:$0x1] =	wrdreg $0xFFFFFFFF  }
0xa7: {  	s28 =	simm.s32 $_size_execute0_lowered;
	s2 =	sadd.s32 s2, s4;
	[dreg:$0x0] =	wrdreg $0x0  }
0xa8: {  	s4 =	sshll.u32 s28, $0x1;
	[dreg:$0x2] =	wrdreg s2  }
0xa9: {  	[dreg:$0x3] =	wrdreg s4  }
0xaa: {  	[dreg:$0x4] =	wrdreg $0xC0  }
0xab: {  	_ =	task [dreg:s6], $0x5FFFF  }
0xac: {  	[dreg:$0x1] =	wrdreg $0xFFFFFFFF  }
0xad: {  	[dreg:$0x0] =	wrdreg $0x60  }
0xae: {  	[dreg:$0x2] =	wrdreg s24  }
0xaf: {  	[dreg:$0x3] =	wrdreg $0x41000  }
0xb0: {  	[dreg:$0x4] =	wrdreg $0x9  }
0xb1: {  	_ =	task.clear_ibuf [dreg:s6], $0x5FFFF;
	_ =	strace $0x90000058  }
0xb2: {  	s29 =	simm.s32 $0x9;
	_ =	strace $0x8000005A  }
0xb3: {  	_ =	swait.ge [sflag:s29], $0x1  }
0xb4: {  	[sflag:s29] =	ssyncadd.s32 $0xFFFFFFFF  }
0xb5: {  	_ =	strace $0x9000005A  }
0xb6: {  	_ =	sfence  }
0xb7: {  	s30 =	sld [smem:$0x0];
	_ =	sdelay $0x2  }
0xb8: {  	s31 =	sshll.u32 s1, $0xD;
	s1 =	sshrl.u32 s1, $0x2  }
0xb9: {  	s3 =	sand.u32 $0x4000, s31;
	s1 =	sadd.s32 s1, s30  }
0xba: {  	s0 =	sor.u32 s3, s0;
	s1 =	sshll.u32 s1, $0x11  }
0xbb: {  	s0 =	sor.u32 s1, s0  }
0xbc: {  	s0 =	sadd.s32 $0x8F2B, s0  }
0xbd: {  	[sflag:s0] =	ssyncadd.remote.s32 $0x1  }
0xbe: {  	_ =	sfence.sel $0xFFFF  }
0xbf: {  	[dreg:$0x0] =	wrdreg $0xFFFFFFFF;
	(pc) =	sbr.abs _section_cstart, $3  }
0xc0: {  	[dreg:$0x1] =	wrdreg $0xFFFFFFFF  }
0xc1: {  	_ =	task.clear_ibuf [dreg:s6], $0x2FFFF;
	_ =	strace $0x9FFFFFFF  }
0xc2: {  	(tm) =	ssettm $0x7FFFFFFF  }
0xc3: {  	_ =	shalt  }
tec
execute0_lowered:
.L_overlay_start_1:
0x0: {  	(tag) =	ssettag $0x1  }
0x1: {  	s5 =	rddreg [dreg:$0x0]  }
0x2: {  	s2 =	rddreg [dreg:$0x1]  }
0x3: {  	s0 =	rddreg [dreg:$0x2];
	s3 =	simm.s32 $0x0;
	s1 =	stileid.u32  }
0x4: {  	s7 =	srdreg.scid;
	s11 =	simm.s32 $0x2;
	s12 =	simm.s32 $0x80  }
0x5: {  	s13 =	simm.s32 $0x1;
	s14 =	simm.s32 $0x0;
	[smem:$0x7FF] =	sst s3  }
0x6: {  	s6 =	smul.u32 $0x620, s1;
	s4 =	sadd.s32 $0x1F200, s5;
	s7 =	sand.u32 $0x1, s7  }
0x7: {  	s8 =	sshll.u32 s1, $0xB;
	s31 =	sshll.u32 s1, $0xE;
	_ =	strace $0x80000059  }
0x8: {  	s9 =	ssub.s32 $0x2, s7;
	s8 =	sadd.s32 s8, s5;
	s10 =	smul.u32 $0x310, s7  }
0x9: {  	s7 =	sshll.u32 s7, $0xF;
	s6 =	sadd.s32 s6, s5;
	s30 =	sshrl.u32 s9, $0x1  }
0xa: {  	s5 =	sadd.s32 s31, s2;
	s7 =	sadd.s32 s7, s8;
	s9 =	ssub.s32 s9, s30  }
0xb: {  	s10 =	sadd.s32 s10, s6;
	s6 =	sadd.s32 $0x46400, s7;
	s7 =	smax.u32 s9, $0x1  }
0xc: {  	v0 =	vimm.f32 $0.0e+00;
	s8 =	sadd.s32 $0x19000, s10;
	s9 =	sadd.s32 $0x6A00, s10;
	s10 =	simm.s32 $0x100  }
.LBB2_1:
0xd: {  	s15 =	simm.s32 $0x0;
	s16 =	simm.s32 $0x200  }
.LBB2_2:
0xe: {  	p0 =	sne.s32 s16, $0xFE00;
	[tilespmem:s15+$0x170] =	vst v0  }
0xf: {  	[tilespmem:s15+$0x100] =	vst v0  }
0x10: {  	[tilespmem:s15+$0x110] =	vst v0  }
.Ltmp0:
0x11: {  	[tilespmem:s15+$0x120] =	vst v0;
	(pc) =	sbr.rel @p0 .LBB2_2-.Ltmp0, $4  }
0x12: {  	[tilespmem:s15+$0x130] =	vst v0  }
0x13: {  	[tilespmem:s15+$0x140] =	vst v0  }
0x14: {  	[tilespmem:s15+$0x150] =	vst v0  }
0x15: {  	[tilespmem:s15+$0x160] =	vst v0;
	s15 =	sshra.s32 s16, $0x2;
	s16 =	sadd.s32 $0x200, s16  }
0x16: {  	[tilespmem:s15+$0x170] =	vst v0  }
0x17: {  	[tilespmem:s15+$0x100] =	vst v0  }
0x18: {  	[tilespmem:s15+$0x110] =	vst v0  }
0x19: {  	[tilespmem:s15+$0x120] =	vst v0  }
0x1a: {  	[tilespmem:s15+$0x130] =	vst v0  }
0x1b: {  	[tilespmem:s15+$0x140] =	vst v0  }
0x1c: {  	[tilespmem:s15+$0x150] =	vst v0  }
0x1d: {  	[tilespmem:s15+$0x160] =	vst v0  }
0x1e: {  	[spmem:s5] =	stream.linear.scatter [tilespmem:s10], [sflag:$0x2], $0x4000, $0x38;
	[tilespmem:$0x8100] =	vst v63  }
0x1f: {  	_ =	swait.ge [sflag:s11], $0x4000  }
0x20: {  	[sflag:s11] =	ssyncset.done $0x0  }
0x21: {  	[sflag:s11] =	ssyncadd.s32 $0xFFFFC000  }
0x22: {  	s30 =	sadd.s32 $0x0, s9;
	[bflag:$0x0] =	sbarrier.arrive $0xFFFF  }
0x23: {  	[tilespmem:s3], [sflag:$0x2] =	stream.linear.gather [hbm4b:s30+s3], $0x80, $0x38;
	[tilespmem:$0x8100] =	vst v63  }
0x24: {  	_ =	swait.ge [sflag:s11], $0x80  }
0x25: {  	[sflag:s11] =	ssyncset.done $0x0  }
0x26: {  	s31 =	sadd.s32 $0x0, s8;
	[sflag:s11] =	ssyncadd.s32 $0xFFFFFF80  }
0x27: {  	[tilespmem:s12], [sflag:$0x2] =	stream.linear.gather [hbm4b:s31+s3], $0x80, $0x38;
	[tilespmem:$0x8100] =	vst v63  }
0x28: {  	_ =	swait.ge [sflag:s11], $0x80  }
0x29: {  	[sflag:s11] =	ssyncset.done $0x0  }
0x2a: {  	[sflag:s11] =	ssyncadd.s32 $0xFFFFFF80  }
0x2b: {  	[tilespmem:s10], [sflag:$0x1] =	stream.indirect.gather [hbm4b:s4+s12], $0x80, s3, s12, $0xb8;
	[tilespmem:$0x8100] =	vst v63  }
0x2c: {  	_ =	swait.ge [sflag:s13], $0x4000  }
0x2d: {  	[sflag:s13] =	ssyncset.done $0x0  }
0x2e: {  	[sflag:s13] =	ssyncadd.s32 $0xFFFFC000  }
0x2f: {  	[spmem:s2] =	stream.indirect.scatter.add.f32 [tilespmem:s10], [sflag:$0x2], $0x80, s12, s12, $0xb8;
	[tilespmem:$0x8100] =	vst v63  }
0x30: {  	_ =	swait.ge [sflag:s11], $0x4000  }
0x31: {  	s15 =	simm.s32 $0x10;
	s16 =	simm.s32 $0x20;
	[sflag:s11] =	ssyncset.done $0x0  }
.LBB2_4:
0x32: {  	s17 =	sadd.s32 s15, s9  }
0x33: {  	[sflag:s11] =	ssyncadd.s32 $0xFFFFC000;
	s18 =	smov.u32 s16;
	s19 =	sadd.s32 $0x10, s16  }
0x34: {  	[tilespmem:s3], [sflag:$0x2] =	stream.linear.gather [hbm4b:s17+s3], $0x80, $0x38;
	[tilespmem:$0x8100] =	vst v63  }
0x35: {  	p0 =	sne.s32 s16, $0x300;
	_ =	swait.ge [sflag:s11], $0x80  }
0x36: {  	[sflag:s11] =	ssyncset.done $0x0  }
0x37: {  	s16 =	sadd.s32 s15, s8;
	s15 =	smov.u32 s18;
	[sflag:s11] =	ssyncadd.s32 $0xFFFFFF80  }
0x38: {  	[tilespmem:s12], [sflag:$0x2] =	stream.linear.gather [hbm4b:s16+s3], $0x80, $0x38;
	[tilespmem:$0x8100] =	vst v63  }
0x39: {  	_ =	swait.ge [sflag:s11], $0x80  }
0x3a: {  	[sflag:s11] =	ssyncset.done $0x0  }
0x3b: {  	[sflag:s11] =	ssyncadd.s32 $0xFFFFFF80  }
0x3c: {  	[tilespmem:s10], [sflag:$0x1] =	stream.indirect.gather [hbm4b:s4+s12], $0x80, s3, s12, $0xb8;
	[tilespmem:$0x8100] =	vst v63  }
0x3d: {  	_ =	swait.ge [sflag:s13], $0x4000  }
.Ltmp1:
0x3e: {  	[sflag:s13] =	ssyncset.done $0x0;
	(pc) =	sbr.rel @p0 .LBB2_4-.Ltmp1, $4  }
0x3f: {  	[sflag:s13] =	ssyncadd.s32 $0xFFFFC000  }
0x40: {  	[spmem:s2] =	stream.indirect.scatter.add.f32 [tilespmem:s10], [sflag:$0x2], $0x80, s12, s12, $0xb8;
	[tilespmem:$0x8100] =	vst v63  }
0x41: {  	_ =	swait.ge [sflag:s11], $0x4000  }
0x42: {  	s16 =	smov.u32 s19;
	[sflag:s11] =	ssyncset.done $0x0  }
0x43: {  	s16 =	sadd.s32 s15, s9;
	[sflag:s11] =	ssyncadd.s32 $0xFFFFC000  }
0x44: {  	[tilespmem:s3], [sflag:$0x2] =	stream.linear.gather [hbm4b:s16+s3], $0x80, $0x38;
	[tilespmem:$0x8100] =	vst v63  }
0x45: {  	_ =	swait.ge [sflag:s11], $0x80  }
0x46: {  	[sflag:s11] =	ssyncset.done $0x0  }
0x47: {  	s31 =	sadd.s32 s15, s8;
	[sflag:s11] =	ssyncadd.s32 $0xFFFFFF80  }
0x48: {  	[tilespmem:s12], [sflag:$0x2] =	stream.linear.gather [hbm4b:s31+s3], $0x80, $0x38;
	[tilespmem:$0x8100] =	vst v63  }
0x49: {  	_ =	swait.ge [sflag:s11], $0x80  }
0x4a: {  	[sflag:s11] =	ssyncset.done $0x0  }
0x4b: {  	[sflag:s11] =	ssyncadd.s32 $0xFFFFFF80  }
0x4c: {  	[tilespmem:s10], [sflag:$0x1] =	stream.indirect.gather [hbm4b:s4+s12], $0x80, s3, s12, $0xb8;
	[tilespmem:$0x8100] =	vst v63  }
0x4d: {  	_ =	swait.ge [sflag:s13], $0x4000  }
0x4e: {  	[sflag:s13] =	ssyncset.done $0x0  }
0x4f: {  	[sflag:s13] =	ssyncadd.s32 $0xFFFFC000  }
0x50: {  	[spmem:s2] =	stream.indirect.scatter.add.f32 [tilespmem:s10], [sflag:$0x2], $0x80, s12, s12, $0xb8;
	[tilespmem:$0x8100] =	vst v63  }
0x51: {  	_ =	swait.ge [sflag:s11], $0x4000  }
0x52: {  	[sflag:s11] =	ssyncset.done $0x0  }
0x53: {  	[sflag:s11] =	ssyncadd.s32 $0xFFFFC000  }
0x54: {  	[bflag:$0x0] =	sbarrier.arrive $0xFFFF  }
0x55: {  	[tilespmem:s10], [sflag:$0x2] =	stream.linear.gather [spmem:s5], $0x4000, $0x38;
	[tilespmem:$0x8100] =	vst v63  }
0x56: {  	s14 =	sadd.s32 $0x1, s14;
	_ =	swait.ge [sflag:s11], $0x4000  }
0x57: {  	p0 =	sne.s32 s14, s7;
	[sflag:s11] =	ssyncset.done $0x0  }
.Ltmp2:
0x58: {  	[sflag:s11] =	ssyncadd.s32 $0xFFFFC000;
	(pc) =	sbr.rel @p0 .LBB2_1-.Ltmp2, $4  }
0x59: {  	[hbm4b:s6+s3] =	stream.linear.scatter [tilespmem:s10], [sflag:$0x2], $0x4000, $0x38;
	[tilespmem:$0x8100] =	vst v63  }
0x5a: {  	_ =	swait.ge [sflag:s11], $0x4000  }
0x5b: {  	[sflag:s11] =	ssyncset.done $0x0  }
0x5c: {  	[sflag:s11] =	ssyncadd.s32 $0xFFFFC000  }
0x5d: {  	_ =	sfence.sel $0x180000  }
0x5e: {  	[bflag:$0x0] =	sbarrier.arrive $0xFFFF  }
0x5f: {  	p0 =	sne.s32 s1, $0x0;
	_ =	strace $0x90000059  }
0x60: {  	s0 =	sadd.s32 @!p0 $0x100000, s0;
	[bflag:$0x2] =	sbarrier.arrive $0xFFFF  }
0x61: {  	[sflag:s0] =	ssyncadd.tile.s32 @!p0 $0x1;
	_ =	shalt  }
.Lfunc_end2:
_tile_overlayer_lowered:
.L_overlay_start_2:
0x62: {  	(tag) =	ssettag $0x2  }
0x63: {  	s0 =	rddreg [dreg:$0x0];
	s2 =	stileid.u32  }
0x64: {  	s1 =	rddreg [dreg:$0x1];
	p0 =	sne.s32 s2, $0x0  }
0x65: {  	s3 =	rddreg [dreg:$0x2];
	[bflag:$0x3] =	sbarrier.arrive $0xFFFF;
	s2 =	simm.s32 @!p0 $0x1C02  }
0x66: {  	[timem:s3], [sflag:s2] =	dma.local @!p0 [hbm:s0], s1  }
0x67: {  	s0 =	simm.s32 @!p0 $0x2  }
0x68: {  	_ =	swait.ge @!p0 [sflag:s0], s1  }
0x69: {  	s1 =	ssub.s32 @!p0 $0x0, s1;
	[sflag:s0] =	ssyncset.done @!p0 $0x0  }
0x6a: {  	[sflag:s0] =	ssyncadd.s32 @!p0 s1  }
0x6b: {  	[bflag:$0x3] =	sbarrier.arrive $0xFFFF  }
0x6c: {  	_ =	shalt  }

// kernel: kernel.38.cloned.1.call-start
scs
__scs_entry_jumppad:
0x0: {  	(pc) =	sbr.rel $0x88, $3  }
0x1: {  	(tag) =	ssettag $0x0;
	lr =	simm.s32 $0x1  }
0x2: {  	[smem:$0x3F8D] =	sst lr;
	_ =	strace $0xD0000000  }
0x3: {  	_ = 	snop  }
0x4: {  	_ = 	snop  }
0x5: {  	_ = 	snop  }
0x6: {  	_ = 	snop  }
0x7: {  	_ = 	snop  }
__scs_overlays_trampoline_lowered:
0x8: {  	[smem:$0x3F9C] =	sst s0  }
0x9: {  	[smem:$0x3F9D] =	sst s1  }
0xa: {  	[smem:$0x3F9E] =	sst s2  }
0xb: {  	[smem:$0x3F9F] =	sst s3  }
0xc: {  	[smem:$0x3FA0] =	sst s4  }
0xd: {  	[smem:$0x3FA1] =	sst s5  }
0xe: {  	[smem:$0x3FA2] =	sst s6  }
0xf: {  	[smem:$0x3FA3] =	sst s7  }
0x10: {  	[smem:$0x3FA4] =	sst s8  }
0x11: {  	[smem:$0x3FA5] =	sst s9;
	s0 =	simm.s32 @!p0 $0x0  }
0x12: {  	s1 =	sld [smem:$0x3F8B];
	s0 =	simm.s32 @p0 $0x1  }
0x13: {  	[smem:$0x3FA6] =	sst s0;
	s0 =	simm.s32 @!p1 $0x0  }
0x14: {  	s2 =	sld [smem:$0x3F8A];
	s0 =	simm.s32 @p1 $0x1  }
0x15: {  	[smem:$0x3FA7] =	sst s0;
	s0 =	simm.s32 @!p2 $0x0  }
0x16: {  	s3 =	sld [smem:$0x3FDB];
	s0 =	simm.s32 @p2 $0x1  }
0x17: {  	s4 =	simm.s32 $0x1BF5;
	[smem:$0x3FA9] =	sst s0  }
0x18: {  	s0 =	sld [smem:$0x3F8C];
	_ =	swait.ge [sflag:s4], $0x0  }
0x19: {  	s7 =	sld [smem:$0x3F8D]  }
0x1a: {  	s8 =	sadd.s32 $0xFFFFE003, lr  }
0x1b: {  	s9 =	sadd.s32 $0xFFFFFEF7, lr;
	s5 =	simm.s32 $0xFFFFFFFF;
	p2 =	slt.u32 s8, $0xFFFFF086  }
0x1c: {  	p1 =	slt.u32 s9, $0xF7A;
	s5 =	simm.s32 @!p2 $0x0  }
0x1d: {  	s5 =	simm.s32 @p1 $0x1;
	p0 =	seq.s32 s7, s2  }
0x1e: {  	s7 =	smul.u32 @!p0 $0xF7A, s2;
	p2 =	seq.s32 @!p0 s5, $0x0  }
0x1f: {  	s9 =	smul.u32 $0xF7A, s1;
	s8 =	simm.s32 @!p0 $0x1BF5;
	p2 =	por !p2, p0  }
0x20: {  	[sflag:s8] =	ssyncset.s32 @!p0 $0xFFFFF086;
	s6 =	sadd.s32 @!p0 s3, s7;
	s7 =	simm.s32 @!p0 $0x108  }
0x21: {  	s3 =	sadd.s32 s3, s9;
	s6 =	sadd.s32 @!p0 $0x88, s6;
	s7 =	simm.s32 @p2 $0x1082  }
0x22: {  	[simem:s7], [sflag:s8] =	dma.local @!p0 [hbm:s6], $0xF7A  }
0x23: {  	s9 =	sor.u32 $0xD0000000, s2;
	s6 =	simm.s32 $0x108;
	_ =	swait.ge @!p0 [sflag:s8], $0x0  }
0x24: {  	s3 =	sadd.s32 $0x88, s3;
	s6 =	simm.s32 @!p1 $0x1082;
	[sflag:s4] =	ssyncset.s32 $0xFFFFF086  }
0x25: {  	[simem:s6], [sflag:s4] =	dma.local [hbm:s3], $0xF7A  }
0x26: {  	[smem:$0x3F8D] =	sst s1;
	(tag) =	ssettag s2;
	_ =	strace s9  }
0x27: {  	s1 =	sld [smem:$0x3F9D]  }
0x28: {  	s2 =	sld [smem:$0x3F9E]  }
0x29: {  	s4 =	sld [smem:$0x3FA0]  }
0x2a: {  	p0 =	seq.s32 s5, $0x0;
	s5 =	sld [smem:$0x3FA1]  }
0x2b: {  	s6 =	sld [smem:$0x3FA2]  }
0x2c: {  	s7 =	sld [smem:$0x3FA3]  }
0x2d: {  	s3 =	simm.s32 $0x108;
	s8 =	sld [smem:$0x3FA4]  }
0x2e: {  	s3 =	simm.s32 @!p0 $0x1082;
	s9 =	sld [smem:$0x3FA5]  }
0x2f: {  	lr =	sadd.s32 s0, s3;
	s0 =	sld [smem:$0x3F9C]  }
0x30: {  	s3 =	sld [smem:$0x3F9F]  }
0x31: {  	[smem:$0x3FA8] =	sst s10  }
0x32: {  	s10 =	sld [smem:$0x3FA6];
	_ =	sdelay $0x3  }
0x33: {  	p0 =	seq.s32 s10, $0x1;
	s10 =	sld [smem:$0x3FA8];
	_ =	sdelay $0x3  }
0x34: {  	[smem:$0x3FA8] =	sst s10  }
0x35: {  	s10 =	sld [smem:$0x3FA7];
	_ =	sdelay $0x3  }
0x36: {  	p1 =	seq.s32 s10, $0x1;
	s10 =	sld [smem:$0x3FA8];
	_ =	sdelay $0x3  }
0x37: {  	[smem:$0x3FA8] =	sst s10  }
0x38: {  	s10 =	sld [smem:$0x3FA9]  }
0x39: {  	_ = 	snop;
	(pc) =	sbr.ind lr, $3  }
0x3a: {  	_ = 	snop  }
0x3b: {  	_ = 	snop  }
0x3c: {  	p2 =	seq.s32 s10, $0x1;
	s10 =	sld [smem:$0x3FA8]  }
0x3d: {  	_ =	shalt  }
0x3e: {  	_ =	shalt  }
0x3f: {  	_ =	shalt  }
0x40: {  	_ =	shalt  }
0x41: {  	_ =	shalt  }
0x42: {  	_ =	shalt  }
0x43: {  	_ =	shalt  }
0x44: {  	_ =	shalt  }
0x45: {  	_ =	shalt  }
0x46: {  	_ =	shalt  }
0x47: {  	_ =	shalt  }
0x48: {  	_ =	shalt  }
0x49: {  	_ =	shalt  }
0x4a: {  	_ =	shalt  }
0x4b: {  	_ =	shalt  }
0x4c: {  	_ =	shalt  }
0x4d: {  	_ =	shalt  }
0x4e: {  	_ =	shalt  }
0x4f: {  	_ =	shalt  }
0x50: {  	_ =	shalt  }
0x51: {  	_ =	shalt  }
0x52: {  	_ =	shalt  }
0x53: {  	_ =	shalt  }
0x54: {  	_ =	shalt  }
0x55: {  	_ =	shalt  }
0x56: {  	_ =	shalt  }
0x57: {  	_ =	shalt  }
0x58: {  	_ =	shalt  }
0x59: {  	_ =	shalt  }
0x5a: {  	_ =	shalt  }
0x5b: {  	_ =	shalt  }
0x5c: {  	_ =	shalt  }
0x5d: {  	_ =	shalt  }
0x5e: {  	_ =	shalt  }
0x5f: {  	_ =	shalt  }
0x60: {  	_ =	shalt  }
0x61: {  	_ =	shalt  }
0x62: {  	_ =	shalt  }
0x63: {  	_ =	shalt  }
0x64: {  	_ =	shalt  }
0x65: {  	_ =	shalt  }
0x66: {  	_ =	shalt  }
0x67: {  	_ =	shalt  }
0x68: {  	_ =	shalt  }
0x69: {  	_ =	shalt  }
0x6a: {  	_ =	shalt  }
0x6b: {  	_ =	shalt  }
0x6c: {  	_ =	shalt  }
0x6d: {  	_ =	shalt  }
0x6e: {  	_ =	shalt  }
0x6f: {  	_ =	shalt  }
0x70: {  	_ =	shalt  }
0x71: {  	_ =	shalt  }
0x72: {  	_ =	shalt  }
0x73: {  	_ =	shalt  }
0x74: {  	_ =	shalt  }
0x75: {  	_ =	shalt  }
0x76: {  	_ =	shalt  }
0x77: {  	_ =	shalt  }
0x78: {  	_ =	shalt  }
0x79: {  	_ =	shalt  }
0x7a: {  	_ =	shalt  }
0x7b: {  	_ =	shalt  }
0x7c: {  	_ =	shalt  }
0x7d: {  	_ =	shalt  }
0x7e: {  	_ =	shalt  }
0x7f: {  	_ =	shalt  }
0x80: {  	_ =	shalt  }
0x81: {  	_ =	shalt  }
0x82: {  	_ =	shalt  }
0x83: {  	_ =	shalt  }
0x84: {  	_ =	shalt  }
0x85: {  	_ =	shalt  }
0x86: {  	_ =	shalt  }
0x87: {  	_ =	shalt  }
.Lfunc_end0:
.L_simem_size_0:
called_computation.7_lowered:
.L_overlay_start_0:
0x88: {  	s2 =	sld [smem:$0x3FD9]  }
0x89: {  	s3 =	sld [smem:$0x3FFE];
	_ =	sdelay $0x1  }
0x8a: {  	s1 =	srdreg.scid  }
0x8b: {  	s0 =	sand.u32 $0x1, s1  }
0x8c: {  	s16 =	sshll.u32 s0, $0xA;
	s2 =	sadd.s32 s3, s2  }
0x8d: {  	s2 =	sadd.s32 s2, s16  }
0x8e: {  	[smem:$0x3FB4] =	sst s2  }
0x8f: {  	_ = 	snop  }
0x90: {  	(tm) =	ssettm $0x1  }
0x91: {  	s17 =	sld [smem:$0x3FFB];
	_ =	sdelay $0x3  }
0x92: {  	_ =	strace s17  }
0x93: {  	s2 =	sld [smem:$0x3FFC];
	_ =	sdelay $0x3  }
0x94: {  	_ =	strace s2  }
0x95: {  	s2 =	sld [smem:$0x3FFD];
	_ =	sdelay $0x3  }
0x96: {  	_ =	strace s2  }
0x97: {  	_ =	strace $0x8FFFFFFF  }
0x98: {  	s18 =	sld [smem:$0x3FDB];
	_ =	sdelay $0x1  }
0x99: {  	s19 =	simm.s32 $_scs_section_size  }
0x9a: {  	s4 =	simm.s32 $_size__tile_overlayer_lowered;
	s5 =	simm.s32 $_tile_overlayer_lowered  }
0x9b: {  	s22 =	simm.s32 $0x1BFF;
	s21 =	sshll.u32 s5, $0x1;
	s2 =	sadd.s32 s19, s18  }
0x9c: {  	s6 =	simm.s32 $0x0;
	s20 =	sshll.u32 s4, $0x1;
	s4 =	sadd.s32 s21, s2  }
0x9d: {  	[timem:s6], [sflag:s22] =	dma.local [hbm:s4], s20  }
0x9e: {  	_ =	swait.ge [sflag:s22], s20  }
0x9f: {  	s3 =	ssub.s32 $0x0, s20;
	[sflag:s22] =	ssyncset.done $0x0  }
0xa0: {  	[sflag:s22] =	ssyncadd.s32 s3;
	_ =	sdelay $0x1  }
0xa1: {  	s23 =	simm.s32 $0x1B8B  }
0xa2: {  	_ =	swait.ge [sflag:s23], $0x1  }
0xa3: {  	[sflag:s23] =	ssyncset.done $0x0  }
0xa4: {  	s25 =	simm.s32 $0x1B8E;
	s24 =	sld [smem:$0x3FFE];
	[sflag:s23] =	ssyncadd.s32 $0xFFFFFFFF  }
0xa5: {  	s26 =	simm.s32 $execute0_lowered;
	[smem:$0x3FD2] =	sst s25  }
0xa6: {  	s4 =	sshll.u32 s26, $0x1;
	_ =	strace $0x8000005B;
	[dreg:$0x1] =	wrdreg $0xFFFFFFFF  }
0xa7: {  	s28 =	simm.s32 $_size_execute0_lowered;
	s2 =	sadd.s32 s2, s4;
	[dreg:$0x0] =	wrdreg $0x0  }
0xa8: {  	s4 =	sshll.u32 s28, $0x1;
	[dreg:$0x2] =	wrdreg s2  }
0xa9: {  	[dreg:$0x3] =	wrdreg s4  }
0xaa: {  	[dreg:$0x4] =	wrdreg $0xC0  }
0xab: {  	_ =	task [dreg:s6], $0x5FFFF  }
0xac: {  	[dreg:$0x1] =	wrdreg $0xFFFFFFFF  }
0xad: {  	[dreg:$0x0] =	wrdreg $0x60  }
0xae: {  	[dreg:$0x2] =	wrdreg s24  }
0xaf: {  	[dreg:$0x3] =	wrdreg $0x41000  }
0xb0: {  	[dreg:$0x4] =	wrdreg $0x9  }
0xb1: {  	_ =	task.clear_ibuf [dreg:s6], $0x5FFFF;
	_ =	strace $0x9000005B  }
0xb2: {  	s29 =	simm.s32 $0x9;
	_ =	strace $0x8000005D  }
0xb3: {  	_ =	swait.ge [sflag:s29], $0x1  }
0xb4: {  	[sflag:s29] =	ssyncadd.s32 $0xFFFFFFFF  }
0xb5: {  	_ =	strace $0x9000005D  }
0xb6: {  	_ =	sfence  }
0xb7: {  	s30 =	sld [smem:$0x0];
	_ =	sdelay $0x2  }
0xb8: {  	s31 =	sshll.u32 s1, $0xD;
	s1 =	sshrl.u32 s1, $0x2  }
0xb9: {  	s3 =	sand.u32 $0x4000, s31;
	s1 =	sadd.s32 s1, s30  }
0xba: {  	s0 =	sor.u32 s3, s0;
	s1 =	sshll.u32 s1, $0x11  }
0xbb: {  	s0 =	sor.u32 s1, s0  }
0xbc: {  	s0 =	sadd.s32 $0x8F2B, s0  }
0xbd: {  	[sflag:s0] =	ssyncadd.remote.s32 $0x1  }
0xbe: {  	_ =	sfence.sel $0xFFFF  }
0xbf: {  	[dreg:$0x0] =	wrdreg $0xFFFFFFFF;
	(pc) =	sbr.abs _section_cstart, $3  }
0xc0: {  	[dreg:$0x1] =	wrdreg $0xFFFFFFFF  }
0xc1: {  	_ =	task.clear_ibuf [dreg:s6], $0x2FFFF;
	_ =	strace $0x9FFFFFFF  }
0xc2: {  	(tm) =	ssettm $0x7FFFFFFF  }
0xc3: {  	_ =	shalt  }
tec
execute0_lowered:
.L_overlay_start_1:
0x0: {  	(tag) =	ssettag $0x1  }
0x1: {  	s5 =	rddreg [dreg:$0x0]  }
0x2: {  	s2 =	rddreg [dreg:$0x1]  }
0x3: {  	s0 =	rddreg [dreg:$0x2];
	s3 =	simm.s32 $0x0;
	s1 =	stileid.u32  }
0x4: {  	s7 =	srdreg.scid;
	s11 =	simm.s32 $0x2;
	s12 =	simm.s32 $0x80  }
0x5: {  	s13 =	simm.s32 $0x1;
	s14 =	simm.s32 $0x0;
	[smem:$0x7FF] =	sst s3  }
0x6: {  	s6 =	smul.u32 $0x620, s1;
	s4 =	sadd.s32 $0x19000, s5;
	s7 =	sand.u32 $0x1, s7  }
0x7: {  	s8 =	sshll.u32 s1, $0xB;
	s31 =	sshll.u32 s1, $0xE;
	_ =	strace $0x8000005C  }
0x8: {  	s9 =	ssub.s32 $0x2, s7;
	s8 =	sadd.s32 s8, s5;
	s10 =	smul.u32 $0x310, s7  }
0x9: {  	s7 =	sshll.u32 s7, $0xF;
	s6 =	sadd.s32 s6, s5;
	s30 =	sshrl.u32 s9, $0x1  }
0xa: {  	s5 =	sadd.s32 s31, s2;
	s7 =	sadd.s32 s7, s8;
	s9 =	ssub.s32 s9, s30  }
0xb: {  	s10 =	sadd.s32 s10, s6;
	s6 =	sadd.s32 $0x20E00, s7;
	s7 =	smax.u32 s9, $0x1  }
0xc: {  	v0 =	vimm.f32 $0.0e+00;
	s8 =	sadd.s32 $0x12E00, s10;
	s9 =	sadd.s32 $0xCC00, s10;
	s10 =	simm.s32 $0x100  }
.LBB2_1:
0xd: {  	s15 =	simm.s32 $0x0;
	s16 =	simm.s32 $0x200  }
.LBB2_2:
0xe: {  	p0 =	sne.s32 s16, $0xFE00;
	[tilespmem:s15+$0x170] =	vst v0  }
0xf: {  	[tilespmem:s15+$0x100] =	vst v0  }
0x10: {  	[tilespmem:s15+$0x110] =	vst v0  }
.Ltmp0:
0x11: {  	[tilespmem:s15+$0x120] =	vst v0;
	(pc) =	sbr.rel @p0 .LBB2_2-.Ltmp0, $4  }
0x12: {  	[tilespmem:s15+$0x130] =	vst v0  }
0x13: {  	[tilespmem:s15+$0x140] =	vst v0  }
0x14: {  	[tilespmem:s15+$0x150] =	vst v0  }
0x15: {  	[tilespmem:s15+$0x160] =	vst v0;
	s15 =	sshra.s32 s16, $0x2;
	s16 =	sadd.s32 $0x200, s16  }
0x16: {  	[tilespmem:s15+$0x170] =	vst v0  }
0x17: {  	[tilespmem:s15+$0x100] =	vst v0  }
0x18: {  	[tilespmem:s15+$0x110] =	vst v0  }
0x19: {  	[tilespmem:s15+$0x120] =	vst v0  }
0x1a: {  	[tilespmem:s15+$0x130] =	vst v0  }
0x1b: {  	[tilespmem:s15+$0x140] =	vst v0  }
0x1c: {  	[tilespmem:s15+$0x150] =	vst v0  }
0x1d: {  	[tilespmem:s15+$0x160] =	vst v0  }
0x1e: {  	[spmem:s5] =	stream.linear.scatter [tilespmem:s10], [sflag:$0x2], $0x4000, $0x38;
	[tilespmem:$0x8100] =	vst v63  }
0x1f: {  	_ =	swait.ge [sflag:s11], $0x4000  }
0x20: {  	[sflag:s11] =	ssyncset.done $0x0  }
0x21: {  	[sflag:s11] =	ssyncadd.s32 $0xFFFFC000  }
0x22: {  	s30 =	sadd.s32 $0x0, s9;
	[bflag:$0x0] =	sbarrier.arrive $0xFFFF  }
0x23: {  	[tilespmem:s3], [sflag:$0x2] =	stream.linear.gather [hbm4b:s30+s3], $0x80, $0x38;
	[tilespmem:$0x8100] =	vst v63  }
0x24: {  	_ =	swait.ge [sflag:s11], $0x80  }
0x25: {  	[sflag:s11] =	ssyncset.done $0x0  }
0x26: {  	s31 =	sadd.s32 $0x0, s8;
	[sflag:s11] =	ssyncadd.s32 $0xFFFFFF80  }
0x27: {  	[tilespmem:s12], [sflag:$0x2] =	stream.linear.gather [hbm4b:s31+s3], $0x80, $0x38;
	[tilespmem:$0x8100] =	vst v63  }
0x28: {  	_ =	swait.ge [sflag:s11], $0x80  }
0x29: {  	[sflag:s11] =	ssyncset.done $0x0  }
0x2a: {  	[sflag:s11] =	ssyncadd.s32 $0xFFFFFF80  }
0x2b: {  	[tilespmem:s10], [sflag:$0x1] =	stream.indirect.gather [hbm4b:s4+s12], $0x80, s3, s12, $0xb8;
	[tilespmem:$0x8100] =	vst v63  }
0x2c: {  	_ =	swait.ge [sflag:s13], $0x4000  }
0x2d: {  	[sflag:s13] =	ssyncset.done $0x0  }
0x2e: {  	[sflag:s13] =	ssyncadd.s32 $0xFFFFC000  }
0x2f: {  	[spmem:s2] =	stream.indirect.scatter.add.f32 [tilespmem:s10], [sflag:$0x2], $0x80, s12, s12, $0xb8;
	[tilespmem:$0x8100] =	vst v63  }
0x30: {  	_ =	swait.ge [sflag:s11], $0x4000  }
0x31: {  	s15 =	simm.s32 $0x10;
	s16 =	simm.s32 $0x20;
	[sflag:s11] =	ssyncset.done $0x0  }
.LBB2_4:
0x32: {  	s17 =	sadd.s32 s15, s9  }
0x33: {  	[sflag:s11] =	ssyncadd.s32 $0xFFFFC000;
	s18 =	smov.u32 s16;
	s19 =	sadd.s32 $0x10, s16  }
0x34: {  	[tilespmem:s3], [sflag:$0x2] =	stream.linear.gather [hbm4b:s17+s3], $0x80, $0x38;
	[tilespmem:$0x8100] =	vst v63  }
0x35: {  	p0 =	sne.s32 s16, $0x300;
	_ =	swait.ge [sflag:s11], $0x80  }
0x36: {  	[sflag:s11] =	ssyncset.done $0x0  }
0x37: {  	s16 =	sadd.s32 s15, s8;
	s15 =	smov.u32 s18;
	[sflag:s11] =	ssyncadd.s32 $0xFFFFFF80  }
0x38: {  	[tilespmem:s12], [sflag:$0x2] =	stream.linear.gather [hbm4b:s16+s3], $0x80, $0x38;
	[tilespmem:$0x8100] =	vst v63  }
0x39: {  	_ =	swait.ge [sflag:s11], $0x80  }
0x3a: {  	[sflag:s11] =	ssyncset.done $0x0  }
0x3b: {  	[sflag:s11] =	ssyncadd.s32 $0xFFFFFF80  }
0x3c: {  	[tilespmem:s10], [sflag:$0x1] =	stream.indirect.gather [hbm4b:s4+s12], $0x80, s3, s12, $0xb8;
	[tilespmem:$0x8100] =	vst v63  }
0x3d: {  	_ =	swait.ge [sflag:s13], $0x4000  }
.Ltmp1:
0x3e: {  	[sflag:s13] =	ssyncset.done $0x0;
	(pc) =	sbr.rel @p0 .LBB2_4-.Ltmp1, $4  }
0x3f: {  	[sflag:s13] =	ssyncadd.s32 $0xFFFFC000  }
0x40: {  	[spmem:s2] =	stream.indirect.scatter.add.f32 [tilespmem:s10], [sflag:$0x2], $0x80, s12, s12, $0xb8;
	[tilespmem:$0x8100] =	vst v63  }
0x41: {  	_ =	swait.ge [sflag:s11], $0x4000  }
0x42: {  	s16 =	smov.u32 s19;
	[sflag:s11] =	ssyncset.done $0x0  }
0x43: {  	s16 =	sadd.s32 s15, s9;
	[sflag:s11] =	ssyncadd.s32 $0xFFFFC000  }
0x44: {  	[tilespmem:s3], [sflag:$0x2] =	stream.linear.gather [hbm4b:s16+s3], $0x80, $0x38;
	[tilespmem:$0x8100] =	vst v63  }
0x45: {  	_ =	swait.ge [sflag:s11], $0x80  }
0x46: {  	[sflag:s11] =	ssyncset.done $0x0  }
0x47: {  	s31 =	sadd.s32 s15, s8;
	[sflag:s11] =	ssyncadd.s32 $0xFFFFFF80  }
0x48: {  	[tilespmem:s12], [sflag:$0x2] =	stream.linear.gather [hbm4b:s31+s3], $0x80, $0x38;
	[tilespmem:$0x8100] =	vst v63  }
0x49: {  	_ =	swait.ge [sflag:s11], $0x80  }
0x4a: {  	[sflag:s11] =	ssyncset.done $0x0  }
0x4b: {  	[sflag:s11] =	ssyncadd.s32 $0xFFFFFF80  }
0x4c: {  	[tilespmem:s10], [sflag:$0x1] =	stream.indirect.gather [hbm4b:s4+s12], $0x80, s3, s12, $0xb8;
	[tilespmem:$0x8100] =	vst v63  }
0x4d: {  	_ =	swait.ge [sflag:s13], $0x4000  }
0x4e: {  	[sflag:s13] =	ssyncset.done $0x0  }
0x4f: {  	[sflag:s13] =	ssyncadd.s32 $0xFFFFC000  }
0x50: {  	[spmem:s2] =	stream.indirect.scatter.add.f32 [tilespmem:s10], [sflag:$0x2], $0x80, s12, s12, $0xb8;
	[tilespmem:$0x8100] =	vst v63  }
0x51: {  	_ =	swait.ge [sflag:s11], $0x4000  }
0x52: {  	[sflag:s11] =	ssyncset.done $0x0  }
0x53: {  	[sflag:s11] =	ssyncadd.s32 $0xFFFFC000  }
0x54: {  	[bflag:$0x0] =	sbarrier.arrive $0xFFFF  }
0x55: {  	[tilespmem:s10], [sflag:$0x2] =	stream.linear.gather [spmem:s5], $0x4000, $0x38;
	[tilespmem:$0x8100] =	vst v63  }
0x56: {  	s14 =	sadd.s32 $0x1, s14;
	_ =	swait.ge [sflag:s11], $0x4000  }
0x57: {  	p0 =	sne.s32 s14, s7;
	[sflag:s11] =	ssyncset.done $0x0  }
.Ltmp2:
0x58: {  	[sflag:s11] =	ssyncadd.s32 $0xFFFFC000;
	(pc) =	sbr.rel @p0 .LBB2_1-.Ltmp2, $4  }
0x59: {  	[hbm4b:s6+s3] =	stream.linear.scatter [tilespmem:s10], [sflag:$0x2], $0x4000, $0x38;
	[tilespmem:$0x8100] =	vst v63  }
0x5a: {  	_ =	swait.ge [sflag:s11], $0x4000  }
0x5b: {  	[sflag:s11] =	ssyncset.done $0x0  }
0x5c: {  	[sflag:s11] =	ssyncadd.s32 $0xFFFFC000  }
0x5d: {  	_ =	sfence.sel $0x180000  }
0x5e: {  	[bflag:$0x0] =	sbarrier.arrive $0xFFFF  }
0x5f: {  	p0 =	sne.s32 s1, $0x0;
	_ =	strace $0x9000005C  }
0x60: {  	s0 =	sadd.s32 @!p0 $0x100000, s0;
	[bflag:$0x2] =	sbarrier.arrive $0xFFFF  }
0x61: {  	[sflag:s0] =	ssyncadd.tile.s32 @!p0 $0x1;
	_ =	shalt  }
.Lfunc_end2:
_tile_overlayer_lowered:
.L_overlay_start_2:
0x62: {  	(tag) =	ssettag $0x2  }
0x63: {  	s0 =	rddreg [dreg:$0x0];
	s2 =	stileid.u32  }
0x64: {  	s1 =	rddreg [dreg:$0x1];
	p0 =	sne.s32 s2, $0x0  }
0x65: {  	s3 =	rddreg [dreg:$0x2];
	[bflag:$0x3] =	sbarrier.arrive $0xFFFF;
	s2 =	simm.s32 @!p0 $0x1C02  }
0x66: {  	[timem:s3], [sflag:s2] =	dma.local @!p0 [hbm:s0], s1  }
0x67: {  	s0 =	simm.s32 @!p0 $0x2  }
0x68: {  	_ =	swait.ge @!p0 [sflag:s0], s1  }
0x69: {  	s1 =	ssub.s32 @!p0 $0x0, s1;
	[sflag:s0] =	ssyncset.done @!p0 $0x0  }
0x6a: {  	[sflag:s0] =	ssyncadd.s32 @!p0 s1  }
0x6b: {  	[bflag:$0x3] =	sbarrier.arrive $0xFFFF  }
0x6c: {  	_ =	shalt  }

</sc_bundles>
